<compile_context>
chip_gen: v7x
topology: tpu7x:2x2x1
jax: 0.10.2.dev20260603
libtpu: 0.0.44.dev20260713+nightly
codegen_flags: <defaults>
</compile_context>

<pallas_src>
import jax
import jax.numpy as jnp
from jax import lax
from jax.experimental import pallas as pl
from jax.experimental.pallas import tpu as pltpu
from jax.experimental.pallas import tpu_sc as plsc

_NUM_EMB_PER_CH = 256
_IN_CHANNELS = 192
_MIN_SCALE = 2.5
_MAX_SCALE = 3.5

_H = 224
_W = 224
_BH = 56
_WVECS = _W // 16

_NC = 2
_NS = 16
_NW = _NC * _NS
_PLANES_PER_W = 768 // _NW
_BLOCKS_PER_W = _PLANES_PER_W * 4


def _body(x_hbm, tab_hbm, scale_hbm, out_hbm,
          tab_v, scale_v, xin0, xin1, xout0, xout1,
          isem0, isem1, osem0, osem1):
    wid = lax.axis_index("s") * _NC + lax.axis_index("c")

    pltpu.sync_copy(tab_hbm, tab_v)
    pltpu.sync_copy(scale_hbm, scale_v)

    def block_loc(k):
        plane = wid * _PLANES_PER_W + k // 4
        return plane, (k % 4) * _BH

    def start_in(k, buf, sem):
        plane, h0 = block_loc(k)
        pltpu.async_copy(x_hbm.at[plane, pl.ds(h0, _BH)], buf, sem)

    start_in(0, xin0, isem0)
    start_in(1, xin1, isem1)

    bufs = ((xin0, isem0, xout0, osem0), (xin1, isem1, xout1, osem1))

    def step(j, _):
        for b, (xin, isem, xout, osem) in enumerate(bufs):
            k = 2 * j + b
            plane, h0 = block_loc(k)
            ch = plane % _IN_CHANNELS

            pltpu.make_async_copy(
                x_hbm.at[plane, pl.ds(h0, _BH)], xin, isem).wait()

            @pl.when(j > 0)
            def _wait_out():
                pltpu.make_async_copy(
                    xout, out_hbm.at[plane, pl.ds(h0, _BH)], osem).wait()

            ch_vec = jnp.full((16,), ch, dtype=jnp.int32)
            sv = plsc.load_gather(scale_v, [ch_vec])
            sv = jnp.minimum(jnp.maximum(sv, _MIN_SCALE), _MAX_SCALE)
            nsv = -sv
            offv = jnp.full(
                (16,), ch * _NUM_EMB_PER_CH, dtype=jnp.int32
            ).astype(jnp.float32)

            @plsc.parallel_loop(0, _BH, unroll=2)
            def _row(h):
                for w in range(_WVECS):
                    xv = xin[h, pl.ds(w * 16, 16)]
                    t = jnp.minimum(jnp.maximum(xv, nsv), sv)
                    o4 = (t / sv + 1.0) * 127.5 + offv
                    li = o4.astype(jnp.int32)
                    lof = li.astype(jnp.float32)
                    d = o4 - lof
                    ui = li + (d > 0.0).astype(jnp.int32)
                    lov = plsc.load_gather(tab_v, [li])
                    upv = plsc.load_gather(tab_v, [ui])
                    xout[h, pl.ds(w * 16, 16)] = d * lov + (1.0 - d) * upv

            pltpu.async_copy(xout, out_hbm.at[plane, pl.ds(h0, _BH)], osem)

            @pl.when(j < _BLOCKS_PER_W // 2 - 1)
            def _refill():
                start_in(k + 2, xin, isem)
        return 0

    lax.fori_loop(0, _BLOCKS_PER_W // 2, step, 0)

    p0, h0 = block_loc(_BLOCKS_PER_W - 2)
    p1, h1 = block_loc(_BLOCKS_PER_W - 1)
    pltpu.make_async_copy(
        xout0, out_hbm.at[p0, pl.ds(h0, _BH)], osem0).wait()
    pltpu.make_async_copy(
        xout1, out_hbm.at[p1, pl.ds(h1, _BH)], osem1).wait()


@jax.jit
def kernel(x, value_embeddings, scale):
    tab = value_embeddings.reshape(-1)
    sc = scale.reshape(-1)
    x3 = x.reshape(768, _H, _W)

    mesh = plsc.VectorSubcoreMesh(
        core_axis_name="c", subcore_axis_name="s", num_cores=_NC,
        num_subcores=_NS,
    )
    run = pl.kernel(
        _body,
        out_type=jax.ShapeDtypeStruct((768, _H, _W), jnp.float32),
        mesh=mesh,
        scratch_types=[
            pltpu.VMEM((tab.shape[0],), jnp.float32),
            pltpu.VMEM((_IN_CHANNELS,), jnp.float32),
            pltpu.VMEM((_BH, _W), jnp.float32),
            pltpu.VMEM((_BH, _W), jnp.float32),
            pltpu.VMEM((_BH, _W), jnp.float32),
            pltpu.VMEM((_BH, _W), jnp.float32),
            pltpu.SemaphoreType.DMA,
            pltpu.SemaphoreType.DMA,
            pltpu.SemaphoreType.DMA,
            pltpu.SemaphoreType.DMA,
        ],
        compiler_params=pltpu.CompilerParams(
            needs_layout_passes=False,
            use_tc_tiling_on_sc=True,
        ),
    )
    out = run(x3, tab, sc)
    return out.reshape(x.shape)

# --- scband reference (transcript-rebuilt; emitter-appended) ---
"""Pipeline reference for scband-remap-layer-34248069218362 (READ-ONLY COPY).

The authoritative reference and input builder live on the scoring server;
editing this copy changes nothing except your own understanding.
"""

import jax, jax.numpy as jnp
import numpy as np

NUM_EMB_PER_CH = 256
IN_CHANNELS = 192
MIN_SCALE = 2.5
MAX_SCALE = 3.5
INITIAL_SCALE = 5.0

@jax.custom_vjp
def scale_clip(scale):
    return jnp.clip(scale, MIN_SCALE, MAX_SCALE)

def _scale_clip_fwd(scale):
    return jnp.clip(scale, MIN_SCALE, MAX_SCALE), scale

def _scale_clip_bwd(scale, g):
    # Faithful to the torch custom autograd.Function: the incoming grad is
    # IGNORED and replaced by a penalty gradient.
    penalty_grad = jnp.clip(scale - MAX_SCALE, 0.0, None) + jnp.clip(scale - MIN_SCALE, None, 0.0)
    return (penalty_grad,)

scale_clip.defvjp(_scale_clip_fwd, _scale_clip_bwd)


def setup_inputs(seed: int = 0) -> dict:
    key = jax.random.key(seed)
    k_x, k_tab = jax.random.split(key)
    x = jax.random.normal(k_x, (4, IN_CHANNELS, 224, 224), dtype=jnp.float32)
    # nn.Embedding default init: N(0, 1); shape [num_embeddings * in_channels, 1]
    value_embeddings = jax.random.normal(k_tab, (NUM_EMB_PER_CH * IN_CHANNELS, 1), dtype=jnp.float32)
    scale = INITIAL_SCALE * jnp.ones((1, IN_CHANNELS, 1, 1), dtype=jnp.float32)
    return {"x": x, "value_embeddings": value_embeddings, "scale": scale}


def reference(x, value_embeddings, scale):
    scale_c = scale_clip(scale)
    # signed path (unsigned=False)
    out_01 = (jnp.clip(x, -scale_c, scale_c) / scale_c + 1.0) / 2.0
    out3 = out_01 * (NUM_EMB_PER_CH - 1)
    idx_offset = (jnp.arange(IN_CHANNELS, dtype=jnp.float32) * NUM_EMB_PER_CH).reshape(1, IN_CHANNELS, 1, 1)
    out4 = out3 + idx_offset
    lower_1 = jnp.floor(out4)
    upper_1 = jnp.ceil(out4)
    lower_idx = lower_1.astype(jnp.int32)
    upper_idx = upper_1.astype(jnp.int32)
    lower_1_value = jnp.take(value_embeddings, lower_idx, axis=0)[..., 0]
    upper_1_value = jnp.take(value_embeddings, upper_idx, axis=0)[..., 0]
    diff_lower1 = out4 - lower_1
    diff_upper1 = 1.0 - diff_lower1
    interp_value = diff_lower1 * lower_1_value + diff_upper1 * upper_1_value
    return interp_value

if __name__ == "__main__":
    import jax
    _d = setup_inputs()
    print(jax.jit(kernel)(*tuple(_d.values())))

</pallas_src>

<mosaic_0001>
#map = affine_map<(d0, d1) -> (0, 0, 0)>
#map1 = affine_map<(d0, d1) -> (0)>
module attributes {stable_mosaic.version = 14 : i64} {
  func.func @_body(%arg0: i32, %arg1: i32, %arg2: memref<768x224x224xf32, #tpu.memory_space<hbm>>, %arg3: memref<49152xf32, #tpu.memory_space<hbm>>, %arg4: memref<192xf32, #tpu.memory_space<hbm>>, %arg5: memref<768x224x224xf32, #tpu.memory_space<hbm>>, %arg6: memref<49152xf32, #tpu.memory_space<vmem>>, %arg7: memref<192xf32, #tpu.memory_space<vmem>>, %arg8: memref<56x224xf32, #tpu.memory_space<vmem>>, %arg9: memref<56x224xf32, #tpu.memory_space<vmem>>, %arg10: memref<56x224xf32, #tpu.memory_space<vmem>>, %arg11: memref<56x224xf32, #tpu.memory_space<vmem>>, %arg12: memref<!tpu.dma_semaphore, #tpu.memory_space<semaphore_mem>>, %arg13: memref<!tpu.dma_semaphore, #tpu.memory_space<semaphore_mem>>, %arg14: memref<!tpu.dma_semaphore, #tpu.memory_space<semaphore_mem>>, %arg15: memref<!tpu.dma_semaphore, #tpu.memory_space<semaphore_mem>>) attributes {dimension_semantics = [#tpu.dimension_semantics<core_parallel>, #tpu.dimension_semantics<subcore_parallel>], iteration_bounds = array<i64: 2, 16>, scalar_prefetch = 0 : i64, scratch_operands = 10 : i64, tpu.core_type = #tpu.core_type<sc_vector_subcore>, window_params = [{transform_indices = #map}, {transform_indices = #map1}, {transform_indices = #map1}, {transform_indices = #map}]} {
    %mul3A = arith.constant 2 : i32
    %mul3A_0 = arith.muli %arg1, %mul3A : i32
    %add3A = arith.addi %mul3A_0, %arg0 : i32
    "tpu.region"() ({
      %run_scoped3A = tpu.sem_alloc : memref<!tpu.dma_semaphore, #tpu.memory_space<semaphore_mem>>
      tpu.enqueue_dma source(%arg3 : memref<49152xf32, #tpu.memory_space<hbm>>) target(%arg6 : memref<49152xf32, #tpu.memory_space<vmem>>) target_semaphore(%run_scoped3A : memref<!tpu.dma_semaphore, #tpu.memory_space<semaphore_mem>>)
      tpu.wait_dma2 semaphore(%run_scoped3A : memref<!tpu.dma_semaphore, #tpu.memory_space<semaphore_mem>>) src(%arg3 : memref<49152xf32, #tpu.memory_space<hbm>>) dst(%arg6 : memref<49152xf32, #tpu.memory_space<vmem>>)
      tpu.yield
    }) : () -> ()
    "tpu.region"() ({
      %run_scoped3A = tpu.sem_alloc : memref<!tpu.dma_semaphore, #tpu.memory_space<semaphore_mem>>
      tpu.enqueue_dma source(%arg4 : memref<192xf32, #tpu.memory_space<hbm>>) target(%arg7 : memref<192xf32, #tpu.memory_space<vmem>>) target_semaphore(%run_scoped3A : memref<!tpu.dma_semaphore, #tpu.memory_space<semaphore_mem>>)
      tpu.wait_dma2 semaphore(%run_scoped3A : memref<!tpu.dma_semaphore, #tpu.memory_space<semaphore_mem>>) src(%arg4 : memref<192xf32, #tpu.memory_space<hbm>>) dst(%arg7 : memref<192xf32, #tpu.memory_space<vmem>>)
      tpu.yield
    }) : () -> ()
    %mul3A_1 = arith.constant 24 : i32
    %mul3A_2 = arith.muli %add3A, %mul3A_1 : i32
    %add3A_3 = arith.constant 0 : i32
    %add3A_4 = arith.addi %mul3A_2, %add3A_3 : i32
    %dma_start3A = arith.constant 0 : i32
    %dma_start3A_5 = arith.constant 0 : i32
    %dma_start3A_6 = tpu.memref_slice %arg2[%add3A_4, %dma_start3A, %dma_start3A_5] : memref<768x224x224xf32, #tpu.memory_space<hbm>> -> memref<1x56x224xf32, #tpu.memory_space<hbm>>
    %dma_start3A_7 = tpu.memref_squeeze %dma_start3A_6 : memref<1x56x224xf32, #tpu.memory_space<hbm>> -> memref<56x224xf32, #tpu.memory_space<hbm>>
    %dma_start3A_8 = arith.constant 0 : i32
    %dma_start3A_9 = arith.constant 0 : i32
    %dma_start3A_10 = tpu.memref_slice %arg2[%add3A_4, %dma_start3A_8, %dma_start3A_9] : memref<768x224x224xf32, #tpu.memory_space<hbm>> -> memref<1x56x224xf32, #tpu.memory_space<hbm>>
    %dma_start3A_11 = tpu.memref_squeeze %dma_start3A_10 : memref<1x56x224xf32, #tpu.memory_space<hbm>> -> memref<56x224xf32, #tpu.memory_space<hbm>>
    tpu.enqueue_dma source(%dma_start3A_11 : memref<56x224xf32, #tpu.memory_space<hbm>>) target(%arg8 : memref<56x224xf32, #tpu.memory_space<vmem>>) target_semaphore(%arg12 : memref<!tpu.dma_semaphore, #tpu.memory_space<semaphore_mem>>)
    %mul3A_12 = arith.constant 24 : i32
    %mul3A_13 = arith.muli %add3A, %mul3A_12 : i32
    %add3A_14 = arith.constant 0 : i32
    %add3A_15 = arith.addi %mul3A_13, %add3A_14 : i32
    %dma_start3A_16 = arith.constant 56 : i32
    %dma_start3A_17 = arith.constant 0 : i32
    %dma_start3A_18 = tpu.memref_slice %arg2[%add3A_15, %dma_start3A_16, %dma_start3A_17] : memref<768x224x224xf32, #tpu.memory_space<hbm>> -> memref<1x56x224xf32, #tpu.memory_space<hbm>>
    %dma_start3A_19 = tpu.memref_squeeze %dma_start3A_18 : memref<1x56x224xf32, #tpu.memory_space<hbm>> -> memref<56x224xf32, #tpu.memory_space<hbm>>
    %dma_start3A_20 = arith.constant 56 : i32
    %dma_start3A_21 = arith.constant 0 : i32
    %dma_start3A_22 = tpu.memref_slice %arg2[%add3A_15, %dma_start3A_20, %dma_start3A_21] : memref<768x224x224xf32, #tpu.memory_space<hbm>> -> memref<1x56x224xf32, #tpu.memory_space<hbm>>
    %dma_start3A_23 = tpu.memref_squeeze %dma_start3A_22 : memref<1x56x224xf32, #tpu.memory_space<hbm>> -> memref<56x224xf32, #tpu.memory_space<hbm>>
    tpu.enqueue_dma source(%dma_start3A_23 : memref<56x224xf32, #tpu.memory_space<hbm>>) target(%arg9 : memref<56x224xf32, #tpu.memory_space<vmem>>) target_semaphore(%arg13 : memref<!tpu.dma_semaphore, #tpu.memory_space<semaphore_mem>>)
    %scan3A = arith.constant 0 : i32
    %scan3A_24 = arith.constant 0 : i32
    %scan3A_25 = arith.constant 48 : i32
    %scan3A_26 = arith.addi %scan3A_24, %scan3A_25 : i32
    %scan3A_27 = arith.constant 1 : i32
    %scan3A_28 = scf.for %scan3A_53 = %scan3A_24 to %scan3A_26 step %scan3A_27 iter_args(%scan3A_54 = %scan3A) -> (i32)  : i32 {
      %mul3A_55 = arith.constant 2 : i32
      %mul3A_56 = arith.muli %mul3A_55, %scan3A_53 : i32
      %add3A_57 = arith.constant 0 : i32
      %add3A_58 = arith.addi %mul3A_56, %add3A_57 : i32
      %mul3A_59 = arith.constant 24 : i32
      %mul3A_60 = arith.muli %add3A, %mul3A_59 : i32
      %jit3A = arith.constant 4 : i32
      %div3A = arith.divsi %add3A_58, %jit3A : i32
      %sign3A = arith.constant 0 : i32
      %sign3A_61 = arith.cmpi sgt, %add3A_58, %sign3A : i32
      %sign3A_62 = arith.extui %sign3A_61 : i1 to i32
      %sign3A_63 = arith.constant 0 : i32
      %sign3A_64 = arith.cmpi slt, %add3A_58, %sign3A_63 : i32
      %sign3A_65 = arith.extui %sign3A_64 : i1 to i32
      %sign3A_66 = arith.subi %sign3A_62, %sign3A_65 : i32
      %sign3A_67 = arith.constant 0 : i32
      %sign3A_68 = arith.cmpi sgt, %jit3A, %sign3A_67 : i32
      %sign3A_69 = arith.extui %sign3A_68 : i1 to i32
      %sign3A_70 = arith.constant 0 : i32
      %sign3A_71 = arith.cmpi slt, %jit3A, %sign3A_70 : i32
      %sign3A_72 = arith.extui %sign3A_71 : i1 to i32
      %sign3A_73 = arith.subi %sign3A_69, %sign3A_72 : i32
      %ne3A = arith.cmpi ne, %sign3A_66, %sign3A_73 : i32
      %rem3A = arith.remsi %add3A_58, %jit3A : i32
      %ne3A_74 = arith.constant 0 : i32
      %ne3A_75 = arith.cmpi ne, %rem3A, %ne3A_74 : i32
      %and3A = arith.andi %ne3A, %ne3A_75 : i1
      %sub3A = arith.constant 1 : i32
      %sub3A_76 = arith.subi %div3A, %sub3A : i32
      %select_n3A = arith.select %and3A, %sub3A_76, %div3A : i32
      %add3A_77 = arith.addi %mul3A_60, %select_n3A : i32
      %jit3A_78 = arith.constant 4 : i32
      %eq3A = arith.constant 0 : i32
      %eq3A_79 = arith.cmpi eq, %jit3A_78, %eq3A : i32
      %jit3A_80 = arith.constant 1 : i32
      %select_n3A_81 = arith.select %eq3A_79, %jit3A_80, %jit3A_78 : i32
      %rem3A_82 = arith.remsi %add3A_58, %select_n3A_81 : i32
      %ne3A_83 = arith.constant 0 : i32
      %ne3A_84 = arith.cmpi ne, %rem3A_82, %ne3A_83 : i32
      %lt3A = arith.constant 0 : i32
      %lt3A_85 = arith.cmpi slt, %rem3A_82, %lt3A : i32
      %lt3A_86 = arith.constant 0 : i32
      %lt3A_87 = arith.cmpi slt, %select_n3A_81, %lt3A_86 : i32
      %ne3A_88 = arith.xori %lt3A_85, %lt3A_87 : i1
      %and3A_89 = arith.andi %ne3A_88, %ne3A_84 : i1
      %add3A_90 = arith.addi %rem3A_82, %select_n3A_81 : i32
      %select_n3A_91 = arith.select %and3A_89, %add3A_90, %rem3A_82 : i32
      %mul3A_92 = arith.constant 56 : i32
      %mul3A_93 = arith.muli %select_n3A_91, %mul3A_92 : i32
      %jit3A_94 = arith.constant 192 : i32
      %eq3A_95 = arith.constant 0 : i32
      %eq3A_96 = arith.cmpi eq, %jit3A_94, %eq3A_95 : i32
      %jit3A_97 = arith.constant 1 : i32
      %select_n3A_98 = arith.select %eq3A_96, %jit3A_97, %jit3A_94 : i32
      %rem3A_99 = arith.remsi %add3A_77, %select_n3A_98 : i32
      %ne3A_100 = arith.constant 0 : i32
      %ne3A_101 = arith.cmpi ne, %rem3A_99, %ne3A_100 : i32
      %lt3A_102 = arith.constant 0 : i32
      %lt3A_103 = arith.cmpi slt, %rem3A_99, %lt3A_102 : i32
      %lt3A_104 = arith.constant 0 : i32
      %lt3A_105 = arith.cmpi slt, %select_n3A_98, %lt3A_104 : i32
      %ne3A_106 = arith.xori %lt3A_103, %lt3A_105 : i1
      %and3A_107 = arith.andi %ne3A_106, %ne3A_101 : i1
      %add3A_108 = arith.addi %rem3A_99, %select_n3A_98 : i32
      %select_n3A_109 = arith.select %and3A_107, %add3A_108, %rem3A_99 : i32
      %dma_wait3A_110 = arith.constant 0 : i32
      %dma_wait3A_111 = tpu.memref_slice %arg2[%add3A_77, %mul3A_93, %dma_wait3A_110] : memref<768x224x224xf32, #tpu.memory_space<hbm>> -> memref<1x56x224xf32, #tpu.memory_space<hbm>>
      %dma_wait3A_112 = tpu.memref_squeeze %dma_wait3A_111 : memref<1x56x224xf32, #tpu.memory_space<hbm>> -> memref<56x224xf32, #tpu.memory_space<hbm>>
      %dma_wait3A_113 = arith.constant 0 : i32
      %dma_wait3A_114 = tpu.memref_slice %arg2[%add3A_77, %mul3A_93, %dma_wait3A_113] : memref<768x224x224xf32, #tpu.memory_space<hbm>> -> memref<1x56x224xf32, #tpu.memory_space<hbm>>
      %dma_wait3A_115 = tpu.memref_squeeze %dma_wait3A_114 : memref<1x56x224xf32, #tpu.memory_space<hbm>> -> memref<56x224xf32, #tpu.memory_space<hbm>>
      tpu.wait_dma2 semaphore(%arg12 : memref<!tpu.dma_semaphore, #tpu.memory_space<semaphore_mem>>) src(%dma_wait3A_115 : memref<56x224xf32, #tpu.memory_space<hbm>>) dst(%arg8 : memref<56x224xf32, #tpu.memory_space<vmem>>)
      %gt3A = arith.constant 0 : i32
      %gt3A_116 = arith.cmpi sgt, %scan3A_53, %gt3A : i32
      %convert_element_type3A = arith.extui %gt3A_116 : i1 to i32
      %cond3A = arith.constant 0 : i32
      %cond3A_117 = arith.cmpi ne, %convert_element_type3A, %cond3A : i32
      scf.if %cond3A_117 {
        %dma_wait3A_247 = arith.constant 0 : i32
        %dma_wait3A_248 = tpu.memref_slice %arg5[%add3A_77, %mul3A_93, %dma_wait3A_247] : memref<768x224x224xf32, #tpu.memory_space<hbm>> -> memref<1x56x224xf32, #tpu.memory_space<hbm>>
        %dma_wait3A_249 = tpu.memref_squeeze %dma_wait3A_248 : memref<1x56x224xf32, #tpu.memory_space<hbm>> -> memref<56x224xf32, #tpu.memory_space<hbm>>
        %dma_wait3A_250 = arith.constant 0 : i32
        %dma_wait3A_251 = tpu.memref_slice %arg5[%add3A_77, %mul3A_93, %dma_wait3A_250] : memref<768x224x224xf32, #tpu.memory_space<hbm>> -> memref<1x56x224xf32, #tpu.memory_space<hbm>>
        %dma_wait3A_252 = tpu.memref_squeeze %dma_wait3A_251 : memref<1x56x224xf32, #tpu.memory_space<hbm>> -> memref<56x224xf32, #tpu.memory_space<hbm>>
        tpu.wait_dma2 semaphore(%arg14 : memref<!tpu.dma_semaphore, #tpu.memory_space<semaphore_mem>>) src(%arg10 : memref<56x224xf32, #tpu.memory_space<vmem>>) dst(%dma_wait3A_252 : memref<56x224xf32, #tpu.memory_space<hbm>>)
      } else {
      }
      %broadcast_in_dim3A = vector.broadcast %select_n3A_109 : i32 to vector<16xi32>
      %gather3A = tpu.vector_load_idx %arg7[%broadcast_in_dim3A] : memref<192xf32, #tpu.memory_space<vmem>>[vector<16xi32>], vector<16xf32>,
      %max3A = arith.constant 2.500000e+00 : f32
      %max3A_118 = vector.broadcast %max3A : f32 to vector<16xf32>
      %max3A_119 = arith.maximumf %gather3A, %max3A_118 : vector<16xf32>
      %min3A = arith.constant 3.500000e+00 : f32
      %min3A_120 = vector.broadcast %min3A : f32 to vector<16xf32>
      %min3A_121 = arith.minimumf %max3A_119, %min3A_120 : vector<16xf32>
      %neg3A = arith.constant 0.000000e+00 : f32
      %neg3A_122 = vector.broadcast %neg3A : f32 to vector<16xf32>
      %neg3A_123 = arith.subf %neg3A_122, %min3A_121 : vector<16xf32>
      %mul3A_124 = arith.constant 256 : i32
      %mul3A_125 = arith.muli %select_n3A_109, %mul3A_124 : i32
      %broadcast_in_dim3A_126 = vector.broadcast %mul3A_125 : i32 to vector<16xi32>
      %convert_element_type3A_127 = arith.sitofp %broadcast_in_dim3A_126 : vector<16xi32> to vector<16xf32>
      %parallel_loop3A = arith.constant 0 : i32
      %parallel_loop3A_128 = arith.constant 56 : i32
      %parallel_loop3A_129 = arith.constant 1 : i32
      scf.for %parallel_loop3A_247 = %parallel_loop3A to %parallel_loop3A_128 step %parallel_loop3A_129  : i32 {
        %parallel_loop3A_248 = arith.index_cast %parallel_loop3A_247 : i32 to index
        %parallel_loop3A_249 = arith.constant 0 : index
        %parallel_loop3A_250 = tpu.vector_load %arg8[%parallel_loop3A_248, %parallel_loop3A_249] {strides = array<i32>} : memref<56x224xf32, #tpu.memory_space<vmem>>, vector<16xf32>,
        %parallel_loop3A_251 = arith.maximumf %parallel_loop3A_250, %neg3A_123 : vector<16xf32>
        %parallel_loop3A_252 = arith.minimumf %parallel_loop3A_251, %min3A_121 : vector<16xf32>
        %parallel_loop3A_253 = arith.divf %parallel_loop3A_252, %min3A_121 : vector<16xf32>
        %parallel_loop3A_254 = arith.constant 1.000000e+00 : f32
        %parallel_loop3A_255 = vector.broadcast %parallel_loop3A_254 : f32 to vector<16xf32>
        %parallel_loop3A_256 = arith.addf %parallel_loop3A_253, %parallel_loop3A_255 : vector<16xf32>
        %parallel_loop3A_257 = arith.constant 1.275000e+02 : f32
        %parallel_loop3A_258 = vector.broadcast %parallel_loop3A_257 : f32 to vector<16xf32>
        %parallel_loop3A_259 = arith.mulf %parallel_loop3A_256, %parallel_loop3A_258 : vector<16xf32>
        %parallel_loop3A_260 = arith.addf %parallel_loop3A_259, %convert_element_type3A_127 : vector<16xf32>
        %parallel_loop3A_261 = arith.fptosi %parallel_loop3A_260 : vector<16xf32> to vector<16xi32>
        %parallel_loop3A_262 = arith.sitofp %parallel_loop3A_261 : vector<16xi32> to vector<16xf32>
        %parallel_loop3A_263 = arith.subf %parallel_loop3A_260, %parallel_loop3A_262 : vector<16xf32>
        %parallel_loop3A_264 = arith.constant 0.000000e+00 : f32
        %parallel_loop3A_265 = vector.broadcast %parallel_loop3A_264 : f32 to vector<16xf32>
        %parallel_loop3A_266 = arith.cmpf ogt, %parallel_loop3A_263, %parallel_loop3A_265 : vector<16xf32>
        %parallel_loop3A_267 = arith.extui %parallel_loop3A_266 : vector<16xi1> to vector<16xi32>
        %parallel_loop3A_268 = arith.addi %parallel_loop3A_261, %parallel_loop3A_267 : vector<16xi32>
        %parallel_loop3A_269 = tpu.vector_load_idx %arg6[%parallel_loop3A_261] : memref<49152xf32, #tpu.memory_space<vmem>>[vector<16xi32>], vector<16xf32>,
        %parallel_loop3A_270 = tpu.vector_load_idx %arg6[%parallel_loop3A_268] : memref<49152xf32, #tpu.memory_space<vmem>>[vector<16xi32>], vector<16xf32>,
        %parallel_loop3A_271 = arith.mulf %parallel_loop3A_263, %parallel_loop3A_269 : vector<16xf32>
        %parallel_loop3A_272 = arith.constant 1.000000e+00 : f32
        %parallel_loop3A_273 = vector.broadcast %parallel_loop3A_272 : f32 to vector<16xf32>
        %parallel_loop3A_274 = arith.subf %parallel_loop3A_273, %parallel_loop3A_263 : vector<16xf32>
        %parallel_loop3A_275 = arith.mulf %parallel_loop3A_274, %parallel_loop3A_270 : vector<16xf32>
        %parallel_loop3A_276 = arith.addf %parallel_loop3A_271, %parallel_loop3A_275 : vector<16xf32>
        %parallel_loop3A_277 = arith.index_cast %parallel_loop3A_247 : i32 to index
        %parallel_loop3A_278 = arith.constant 0 : index
        %parallel_loop3A_279 = tpu.vector_load %arg10[%parallel_loop3A_277, %parallel_loop3A_278] {strides = array<i32>} : memref<56x224xf32, #tpu.memory_space<vmem>>, vector<16xf32>,
        tpu.vector_store %arg10[%parallel_loop3A_277, %parallel_loop3A_278], %parallel_loop3A_276 {strides = array<i32>} : memref<56x224xf32, #tpu.memory_space<vmem>>, vector<16xf32>,
        %parallel_loop3A_280 = arith.index_cast %parallel_loop3A_247 : i32 to index
        %parallel_loop3A_281 = arith.constant 16 : index
        %parallel_loop3A_282 = tpu.vector_load %arg8[%parallel_loop3A_280, %parallel_loop3A_281] {strides = array<i32>} : memref<56x224xf32, #tpu.memory_space<vmem>>, vector<16xf32>,
        %parallel_loop3A_283 = arith.maximumf %parallel_loop3A_282, %neg3A_123 : vector<16xf32>
        %parallel_loop3A_284 = arith.minimumf %parallel_loop3A_283, %min3A_121 : vector<16xf32>
        %parallel_loop3A_285 = arith.divf %parallel_loop3A_284, %min3A_121 : vector<16xf32>
        %parallel_loop3A_286 = arith.constant 1.000000e+00 : f32
        %parallel_loop3A_287 = vector.broadcast %parallel_loop3A_286 : f32 to vector<16xf32>
        %parallel_loop3A_288 = arith.addf %parallel_loop3A_285, %parallel_loop3A_287 : vector<16xf32>
        %parallel_loop3A_289 = arith.constant 1.275000e+02 : f32
        %parallel_loop3A_290 = vector.broadcast %parallel_loop3A_289 : f32 to vector<16xf32>
        %parallel_loop3A_291 = arith.mulf %parallel_loop3A_288, %parallel_loop3A_290 : vector<16xf32>
        %parallel_loop3A_292 = arith.addf %parallel_loop3A_291, %convert_element_type3A_127 : vector<16xf32>
        %parallel_loop3A_293 = arith.fptosi %parallel_loop3A_292 : vector<16xf32> to vector<16xi32>
        %parallel_loop3A_294 = arith.sitofp %parallel_loop3A_293 : vector<16xi32> to vector<16xf32>
        %parallel_loop3A_295 = arith.subf %parallel_loop3A_292, %parallel_loop3A_294 : vector<16xf32>
        %parallel_loop3A_296 = arith.constant 0.000000e+00 : f32
        %parallel_loop3A_297 = vector.broadcast %parallel_loop3A_296 : f32 to vector<16xf32>
        %parallel_loop3A_298 = arith.cmpf ogt, %parallel_loop3A_295, %parallel_loop3A_297 : vector<16xf32>
        %parallel_loop3A_299 = arith.extui %parallel_loop3A_298 : vector<16xi1> to vector<16xi32>
        %parallel_loop3A_300 = arith.addi %parallel_loop3A_293, %parallel_loop3A_299 : vector<16xi32>
        %parallel_loop3A_301 = tpu.vector_load_idx %arg6[%parallel_loop3A_293] : memref<49152xf32, #tpu.memory_space<vmem>>[vector<16xi32>], vector<16xf32>,
        %parallel_loop3A_302 = tpu.vector_load_idx %arg6[%parallel_loop3A_300] : memref<49152xf32, #tpu.memory_space<vmem>>[vector<16xi32>], vector<16xf32>,
        %parallel_loop3A_303 = arith.mulf %parallel_loop3A_295, %parallel_loop3A_301 : vector<16xf32>
        %parallel_loop3A_304 = arith.constant 1.000000e+00 : f32
        %parallel_loop3A_305 = vector.broadcast %parallel_loop3A_304 : f32 to vector<16xf32>
        %parallel_loop3A_306 = arith.subf %parallel_loop3A_305, %parallel_loop3A_295 : vector<16xf32>
        %parallel_loop3A_307 = arith.mulf %parallel_loop3A_306, %parallel_loop3A_302 : vector<16xf32>
        %parallel_loop3A_308 = arith.addf %parallel_loop3A_303, %parallel_loop3A_307 : vector<16xf32>
        %parallel_loop3A_309 = arith.index_cast %parallel_loop3A_247 : i32 to index
        %parallel_loop3A_310 = arith.constant 16 : index
        %parallel_loop3A_311 = tpu.vector_load %arg10[%parallel_loop3A_309, %parallel_loop3A_310] {strides = array<i32>} : memref<56x224xf32, #tpu.memory_space<vmem>>, vector<16xf32>,
        tpu.vector_store %arg10[%parallel_loop3A_309, %parallel_loop3A_310], %parallel_loop3A_308 {strides = array<i32>} : memref<56x224xf32, #tpu.memory_space<vmem>>, vector<16xf32>,
        %parallel_loop3A_312 = arith.index_cast %parallel_loop3A_247 : i32 to index
        %parallel_loop3A_313 = arith.constant 32 : index
        %parallel_loop3A_314 = tpu.vector_load %arg8[%parallel_loop3A_312, %parallel_loop3A_313] {strides = array<i32>} : memref<56x224xf32, #tpu.memory_space<vmem>>, vector<16xf32>,
        %parallel_loop3A_315 = arith.maximumf %parallel_loop3A_314, %neg3A_123 : vector<16xf32>
        %parallel_loop3A_316 = arith.minimumf %parallel_loop3A_315, %min3A_121 : vector<16xf32>
        %parallel_loop3A_317 = arith.divf %parallel_loop3A_316, %min3A_121 : vector<16xf32>
        %parallel_loop3A_318 = arith.constant 1.000000e+00 : f32
        %parallel_loop3A_319 = vector.broadcast %parallel_loop3A_318 : f32 to vector<16xf32>
        %parallel_loop3A_320 = arith.addf %parallel_loop3A_317, %parallel_loop3A_319 : vector<16xf32>
        %parallel_loop3A_321 = arith.constant 1.275000e+02 : f32
        %parallel_loop3A_322 = vector.broadcast %parallel_loop3A_321 : f32 to vector<16xf32>
        %parallel_loop3A_323 = arith.mulf %parallel_loop3A_320, %parallel_loop3A_322 : vector<16xf32>
        %parallel_loop3A_324 = arith.addf %parallel_loop3A_323, %convert_element_type3A_127 : vector<16xf32>
        %parallel_loop3A_325 = arith.fptosi %parallel_loop3A_324 : vector<16xf32> to vector<16xi32>
        %parallel_loop3A_326 = arith.sitofp %parallel_loop3A_325 : vector<16xi32> to vector<16xf32>
        %parallel_loop3A_327 = arith.subf %parallel_loop3A_324, %parallel_loop3A_326 : vector<16xf32>
        %parallel_loop3A_328 = arith.constant 0.000000e+00 : f32
        %parallel_loop3A_329 = vector.broadcast %parallel_loop3A_328 : f32 to vector<16xf32>
        %parallel_loop3A_330 = arith.cmpf ogt, %parallel_loop3A_327, %parallel_loop3A_329 : vector<16xf32>
        %parallel_loop3A_331 = arith.extui %parallel_loop3A_330 : vector<16xi1> to vector<16xi32>
        %parallel_loop3A_332 = arith.addi %parallel_loop3A_325, %parallel_loop3A_331 : vector<16xi32>
        %parallel_loop3A_333 = tpu.vector_load_idx %arg6[%parallel_loop3A_325] : memref<49152xf32, #tpu.memory_space<vmem>>[vector<16xi32>], vector<16xf32>,
        %parallel_loop3A_334 = tpu.vector_load_idx %arg6[%parallel_loop3A_332] : memref<49152xf32, #tpu.memory_space<vmem>>[vector<16xi32>], vector<16xf32>,
        %parallel_loop3A_335 = arith.mulf %parallel_loop3A_327, %parallel_loop3A_333 : vector<16xf32>
        %parallel_loop3A_336 = arith.constant 1.000000e+00 : f32
        %parallel_loop3A_337 = vector.broadcast %parallel_loop3A_336 : f32 to vector<16xf32>
        %parallel_loop3A_338 = arith.subf %parallel_loop3A_337, %parallel_loop3A_327 : vector<16xf32>
        %parallel_loop3A_339 = arith.mulf %parallel_loop3A_338, %parallel_loop3A_334 : vector<16xf32>
        %parallel_loop3A_340 = arith.addf %parallel_loop3A_335, %parallel_loop3A_339 : vector<16xf32>
        %parallel_loop3A_341 = arith.index_cast %parallel_loop3A_247 : i32 to index
        %parallel_loop3A_342 = arith.constant 32 : index
        %parallel_loop3A_343 = tpu.vector_load %arg10[%parallel_loop3A_341, %parallel_loop3A_342] {strides = array<i32>} : memref<56x224xf32, #tpu.memory_space<vmem>>, vector<16xf32>,
        tpu.vector_store %arg10[%parallel_loop3A_341, %parallel_loop3A_342], %parallel_loop3A_340 {strides = array<i32>} : memref<56x224xf32, #tpu.memory_space<vmem>>, vector<16xf32>,
        %parallel_loop3A_344 = arith.index_cast %parallel_loop3A_247 : i32 to index
        %parallel_loop3A_345 = arith.constant 48 : index
        %parallel_loop3A_346 = tpu.vector_load %arg8[%parallel_loop3A_344, %parallel_loop3A_345] {strides = array<i32>} : memref<56x224xf32, #tpu.memory_space<vmem>>, vector<16xf32>,
        %parallel_loop3A_347 = arith.maximumf %parallel_loop3A_346, %neg3A_123 : vector<16xf32>
        %parallel_loop3A_348 = arith.minimumf %parallel_loop3A_347, %min3A_121 : vector<16xf32>
        %parallel_loop3A_349 = arith.divf %parallel_loop3A_348, %min3A_121 : vector<16xf32>
        %parallel_loop3A_350 = arith.constant 1.000000e+00 : f32
        %parallel_loop3A_351 = vector.broadcast %parallel_loop3A_350 : f32 to vector<16xf32>
        %parallel_loop3A_352 = arith.addf %parallel_loop3A_349, %parallel_loop3A_351 : vector<16xf32>
        %parallel_loop3A_353 = arith.constant 1.275000e+02 : f32
        %parallel_loop3A_354 = vector.broadcast %parallel_loop3A_353 : f32 to vector<16xf32>
        %parallel_loop3A_355 = arith.mulf %parallel_loop3A_352, %parallel_loop3A_354 : vector<16xf32>
        %parallel_loop3A_356 = arith.addf %parallel_loop3A_355, %convert_element_type3A_127 : vector<16xf32>
        %parallel_loop3A_357 = arith.fptosi %parallel_loop3A_356 : vector<16xf32> to vector<16xi32>
        %parallel_loop3A_358 = arith.sitofp %parallel_loop3A_357 : vector<16xi32> to vector<16xf32>
        %parallel_loop3A_359 = arith.subf %parallel_loop3A_356, %parallel_loop3A_358 : vector<16xf32>
        %parallel_loop3A_360 = arith.constant 0.000000e+00 : f32
        %parallel_loop3A_361 = vector.broadcast %parallel_loop3A_360 : f32 to vector<16xf32>
        %parallel_loop3A_362 = arith.cmpf ogt, %parallel_loop3A_359, %parallel_loop3A_361 : vector<16xf32>
        %parallel_loop3A_363 = arith.extui %parallel_loop3A_362 : vector<16xi1> to vector<16xi32>
        %parallel_loop3A_364 = arith.addi %parallel_loop3A_357, %parallel_loop3A_363 : vector<16xi32>
        %parallel_loop3A_365 = tpu.vector_load_idx %arg6[%parallel_loop3A_357] : memref<49152xf32, #tpu.memory_space<vmem>>[vector<16xi32>], vector<16xf32>,
        %parallel_loop3A_366 = tpu.vector_load_idx %arg6[%parallel_loop3A_364] : memref<49152xf32, #tpu.memory_space<vmem>>[vector<16xi32>], vector<16xf32>,
        %parallel_loop3A_367 = arith.mulf %parallel_loop3A_359, %parallel_loop3A_365 : vector<16xf32>
        %parallel_loop3A_368 = arith.constant 1.000000e+00 : f32
        %parallel_loop3A_369 = vector.broadcast %parallel_loop3A_368 : f32 to vector<16xf32>
        %parallel_loop3A_370 = arith.subf %parallel_loop3A_369, %parallel_loop3A_359 : vector<16xf32>
        %parallel_loop3A_371 = arith.mulf %parallel_loop3A_370, %parallel_loop3A_366 : vector<16xf32>
        %parallel_loop3A_372 = arith.addf %parallel_loop3A_367, %parallel_loop3A_371 : vector<16xf32>
        %parallel_loop3A_373 = arith.index_cast %parallel_loop3A_247 : i32 to index
        %parallel_loop3A_374 = arith.constant 48 : index
        %parallel_loop3A_375 = tpu.vector_load %arg10[%parallel_loop3A_373, %parallel_loop3A_374] {strides = array<i32>} : memref<56x224xf32, #tpu.memory_space<vmem>>, vector<16xf32>,
        tpu.vector_store %arg10[%parallel_loop3A_373, %parallel_loop3A_374], %parallel_loop3A_372 {strides = array<i32>} : memref<56x224xf32, #tpu.memory_space<vmem>>, vector<16xf32>,
        %parallel_loop3A_376 = arith.index_cast %parallel_loop3A_247 : i32 to index
        %parallel_loop3A_377 = arith.constant 64 : index
        %parallel_loop3A_378 = tpu.vector_load %arg8[%parallel_loop3A_376, %parallel_loop3A_377] {strides = array<i32>} : memref<56x224xf32, #tpu.memory_space<vmem>>, vector<16xf32>,
        %parallel_loop3A_379 = arith.maximumf %parallel_loop3A_378, %neg3A_123 : vector<16xf32>
        %parallel_loop3A_380 = arith.minimumf %parallel_loop3A_379, %min3A_121 : vector<16xf32>
        %parallel_loop3A_381 = arith.divf %parallel_loop3A_380, %min3A_121 : vector<16xf32>
        %parallel_loop3A_382 = arith.constant 1.000000e+00 : f32
        %parallel_loop3A_383 = vector.broadcast %parallel_loop3A_382 : f32 to vector<16xf32>
        %parallel_loop3A_384 = arith.addf %parallel_loop3A_381, %parallel_loop3A_383 : vector<16xf32>
        %parallel_loop3A_385 = arith.constant 1.275000e+02 : f32
        %parallel_loop3A_386 = vector.broadcast %parallel_loop3A_385 : f32 to vector<16xf32>
        %parallel_loop3A_387 = arith.mulf %parallel_loop3A_384, %parallel_loop3A_386 : vector<16xf32>
        %parallel_loop3A_388 = arith.addf %parallel_loop3A_387, %convert_element_type3A_127 : vector<16xf32>
        %parallel_loop3A_389 = arith.fptosi %parallel_loop3A_388 : vector<16xf32> to vector<16xi32>
        %parallel_loop3A_390 = arith.sitofp %parallel_loop3A_389 : vector<16xi32> to vector<16xf32>
        %parallel_loop3A_391 = arith.subf %parallel_loop3A_388, %parallel_loop3A_390 : vector<16xf32>
        %parallel_loop3A_392 = arith.constant 0.000000e+00 : f32
        %parallel_loop3A_393 = vector.broadcast %parallel_loop3A_392 : f32 to vector<16xf32>
        %parallel_loop3A_394 = arith.cmpf ogt, %parallel_loop3A_391, %parallel_loop3A_393 : vector<16xf32>
        %parallel_loop3A_395 = arith.extui %parallel_loop3A_394 : vector<16xi1> to vector<16xi32>
        %parallel_loop3A_396 = arith.addi %parallel_loop3A_389, %parallel_loop3A_395 : vector<16xi32>
        %parallel_loop3A_397 = tpu.vector_load_idx %arg6[%parallel_loop3A_389] : memref<49152xf32, #tpu.memory_space<vmem>>[vector<16xi32>], vector<16xf32>,
        %parallel_loop3A_398 = tpu.vector_load_idx %arg6[%parallel_loop3A_396] : memref<49152xf32, #tpu.memory_space<vmem>>[vector<16xi32>], vector<16xf32>,
        %parallel_loop3A_399 = arith.mulf %parallel_loop3A_391, %parallel_loop3A_397 : vector<16xf32>
        %parallel_loop3A_400 = arith.constant 1.000000e+00 : f32
        %parallel_loop3A_401 = vector.broadcast %parallel_loop3A_400 : f32 to vector<16xf32>
        %parallel_loop3A_402 = arith.subf %parallel_loop3A_401, %parallel_loop3A_391 : vector<16xf32>
        %parallel_loop3A_403 = arith.mulf %parallel_loop3A_402, %parallel_loop3A_398 : vector<16xf32>
        %parallel_loop3A_404 = arith.addf %parallel_loop3A_399, %parallel_loop3A_403 : vector<16xf32>
        %parallel_loop3A_405 = arith.index_cast %parallel_loop3A_247 : i32 to index
        %parallel_loop3A_406 = arith.constant 64 : index
        %parallel_loop3A_407 = tpu.vector_load %arg10[%parallel_loop3A_405, %parallel_loop3A_406] {strides = array<i32>} : memref<56x224xf32, #tpu.memory_space<vmem>>, vector<16xf32>,
        tpu.vector_store %arg10[%parallel_loop3A_405, %parallel_loop3A_406], %parallel_loop3A_404 {strides = array<i32>} : memref<56x224xf32, #tpu.memory_space<vmem>>, vector<16xf32>,
        %parallel_loop3A_408 = arith.index_cast %parallel_loop3A_247 : i32 to index
        %parallel_loop3A_409 = arith.constant 80 : index
        %parallel_loop3A_410 = tpu.vector_load %arg8[%parallel_loop3A_408, %parallel_loop3A_409] {strides = array<i32>} : memref<56x224xf32, #tpu.memory_space<vmem>>, vector<16xf32>,
        %parallel_loop3A_411 = arith.maximumf %parallel_loop3A_410, %neg3A_123 : vector<16xf32>
        %parallel_loop3A_412 = arith.minimumf %parallel_loop3A_411, %min3A_121 : vector<16xf32>
        %parallel_loop3A_413 = arith.divf %parallel_loop3A_412, %min3A_121 : vector<16xf32>
        %parallel_loop3A_414 = arith.constant 1.000000e+00 : f32
        %parallel_loop3A_415 = vector.broadcast %parallel_loop3A_414 : f32 to vector<16xf32>
        %parallel_loop3A_416 = arith.addf %parallel_loop3A_413, %parallel_loop3A_415 : vector<16xf32>
        %parallel_loop3A_417 = arith.constant 1.275000e+02 : f32
        %parallel_loop3A_418 = vector.broadcast %parallel_loop3A_417 : f32 to vector<16xf32>
        %parallel_loop3A_419 = arith.mulf %parallel_loop3A_416, %parallel_loop3A_418 : vector<16xf32>
        %parallel_loop3A_420 = arith.addf %parallel_loop3A_419, %convert_element_type3A_127 : vector<16xf32>
        %parallel_loop3A_421 = arith.fptosi %parallel_loop3A_420 : vector<16xf32> to vector<16xi32>
        %parallel_loop3A_422 = arith.sitofp %parallel_loop3A_421 : vector<16xi32> to vector<16xf32>
        %parallel_loop3A_423 = arith.subf %parallel_loop3A_420, %parallel_loop3A_422 : vector<16xf32>
        %parallel_loop3A_424 = arith.constant 0.000000e+00 : f32
        %parallel_loop3A_425 = vector.broadcast %parallel_loop3A_424 : f32 to vector<16xf32>
        %parallel_loop3A_426 = arith.cmpf ogt, %parallel_loop3A_423, %parallel_loop3A_425 : vector<16xf32>
        %parallel_loop3A_427 = arith.extui %parallel_loop3A_426 : vector<16xi1> to vector<16xi32>
        %parallel_loop3A_428 = arith.addi %parallel_loop3A_421, %parallel_loop3A_427 : vector<16xi32>
        %parallel_loop3A_429 = tpu.vector_load_idx %arg6[%parallel_loop3A_421] : memref<49152xf32, #tpu.memory_space<vmem>>[vector<16xi32>], vector<16xf32>,
        %parallel_loop3A_430 = tpu.vector_load_idx %arg6[%parallel_loop3A_428] : memref<49152xf32, #tpu.memory_space<vmem>>[vector<16xi32>], vector<16xf32>,
        %parallel_loop3A_431 = arith.mulf %parallel_loop3A_423, %parallel_loop3A_429 : vector<16xf32>
        %parallel_loop3A_432 = arith.constant 1.000000e+00 : f32
        %parallel_loop3A_433 = vector.broadcast %parallel_loop3A_432 : f32 to vector<16xf32>
        %parallel_loop3A_434 = arith.subf %parallel_loop3A_433, %parallel_loop3A_423 : vector<16xf32>
        %parallel_loop3A_435 = arith.mulf %parallel_loop3A_434, %parallel_loop3A_430 : vector<16xf32>
        %parallel_loop3A_436 = arith.addf %parallel_loop3A_431, %parallel_loop3A_435 : vector<16xf32>
        %parallel_loop3A_437 = arith.index_cast %parallel_loop3A_247 : i32 to index
        %parallel_loop3A_438 = arith.constant 80 : index
        %parallel_loop3A_439 = tpu.vector_load %arg10[%parallel_loop3A_437, %parallel_loop3A_438] {strides = array<i32>} : memref<56x224xf32, #tpu.memory_space<vmem>>, vector<16xf32>,
        tpu.vector_store %arg10[%parallel_loop3A_437, %parallel_loop3A_438], %parallel_loop3A_436 {strides = array<i32>} : memref<56x224xf32, #tpu.memory_space<vmem>>, vector<16xf32>,
        %parallel_loop3A_440 = arith.index_cast %parallel_loop3A_247 : i32 to index
        %parallel_loop3A_441 = arith.constant 96 : index
        %parallel_loop3A_442 = tpu.vector_load %arg8[%parallel_loop3A_440, %parallel_loop3A_441] {strides = array<i32>} : memref<56x224xf32, #tpu.memory_space<vmem>>, vector<16xf32>,
        %parallel_loop3A_443 = arith.maximumf %parallel_loop3A_442, %neg3A_123 : vector<16xf32>
        %parallel_loop3A_444 = arith.minimumf %parallel_loop3A_443, %min3A_121 : vector<16xf32>
        %parallel_loop3A_445 = arith.divf %parallel_loop3A_444, %min3A_121 : vector<16xf32>
        %parallel_loop3A_446 = arith.constant 1.000000e+00 : f32
        %parallel_loop3A_447 = vector.broadcast %parallel_loop3A_446 : f32 to vector<16xf32>
        %parallel_loop3A_448 = arith.addf %parallel_loop3A_445, %parallel_loop3A_447 : vector<16xf32>
        %parallel_loop3A_449 = arith.constant 1.275000e+02 : f32
        %parallel_loop3A_450 = vector.broadcast %parallel_loop3A_449 : f32 to vector<16xf32>
        %parallel_loop3A_451 = arith.mulf %parallel_loop3A_448, %parallel_loop3A_450 : vector<16xf32>
        %parallel_loop3A_452 = arith.addf %parallel_loop3A_451, %convert_element_type3A_127 : vector<16xf32>
        %parallel_loop3A_453 = arith.fptosi %parallel_loop3A_452 : vector<16xf32> to vector<16xi32>
        %parallel_loop3A_454 = arith.sitofp %parallel_loop3A_453 : vector<16xi32> to vector<16xf32>
        %parallel_loop3A_455 = arith.subf %parallel_loop3A_452, %parallel_loop3A_454 : vector<16xf32>
        %parallel_loop3A_456 = arith.constant 0.000000e+00 : f32
        %parallel_loop3A_457 = vector.broadcast %parallel_loop3A_456 : f32 to vector<16xf32>
        %parallel_loop3A_458 = arith.cmpf ogt, %parallel_loop3A_455, %parallel_loop3A_457 : vector<16xf32>
        %parallel_loop3A_459 = arith.extui %parallel_loop3A_458 : vector<16xi1> to vector<16xi32>
        %parallel_loop3A_460 = arith.addi %parallel_loop3A_453, %parallel_loop3A_459 : vector<16xi32>
        %parallel_loop3A_461 = tpu.vector_load_idx %arg6[%parallel_loop3A_453] : memref<49152xf32, #tpu.memory_space<vmem>>[vector<16xi32>], vector<16xf32>,
        %parallel_loop3A_462 = tpu.vector_load_idx %arg6[%parallel_loop3A_460] : memref<49152xf32, #tpu.memory_space<vmem>>[vector<16xi32>], vector<16xf32>,
        %parallel_loop3A_463 = arith.mulf %parallel_loop3A_455, %parallel_loop3A_461 : vector<16xf32>
        %parallel_loop3A_464 = arith.constant 1.000000e+00 : f32
        %parallel_loop3A_465 = vector.broadcast %parallel_loop3A_464 : f32 to vector<16xf32>
        %parallel_loop3A_466 = arith.subf %parallel_loop3A_465, %parallel_loop3A_455 : vector<16xf32>
        %parallel_loop3A_467 = arith.mulf %parallel_loop3A_466, %parallel_loop3A_462 : vector<16xf32>
        %parallel_loop3A_468 = arith.addf %parallel_loop3A_463, %parallel_loop3A_467 : vector<16xf32>
        %parallel_loop3A_469 = arith.index_cast %parallel_loop3A_247 : i32 to index
        %parallel_loop3A_470 = arith.constant 96 : index
        %parallel_loop3A_471 = tpu.vector_load %arg10[%parallel_loop3A_469, %parallel_loop3A_470] {strides = array<i32>} : memref<56x224xf32, #tpu.memory_space<vmem>>, vector<16xf32>,
        tpu.vector_store %arg10[%parallel_loop3A_469, %parallel_loop3A_470], %parallel_loop3A_468 {strides = array<i32>} : memref<56x224xf32, #tpu.memory_space<vmem>>, vector<16xf32>,
        %parallel_loop3A_472 = arith.index_cast %parallel_loop3A_247 : i32 to index
        %parallel_loop3A_473 = arith.constant 112 : index
        %parallel_loop3A_474 = tpu.vector_load %arg8[%parallel_loop3A_472, %parallel_loop3A_473] {strides = array<i32>} : memref<56x224xf32, #tpu.memory_space<vmem>>, vector<16xf32>,
        %parallel_loop3A_475 = arith.maximumf %parallel_loop3A_474, %neg3A_123 : vector<16xf32>
        %parallel_loop3A_476 = arith.minimumf %parallel_loop3A_475, %min3A_121 : vector<16xf32>
        %parallel_loop3A_477 = arith.divf %parallel_loop3A_476, %min3A_121 : vector<16xf32>
        %parallel_loop3A_478 = arith.constant 1.000000e+00 : f32
        %parallel_loop3A_479 = vector.broadcast %parallel_loop3A_478 : f32 to vector<16xf32>
        %parallel_loop3A_480 = arith.addf %parallel_loop3A_477, %parallel_loop3A_479 : vector<16xf32>
        %parallel_loop3A_481 = arith.constant 1.275000e+02 : f32
        %parallel_loop3A_482 = vector.broadcast %parallel_loop3A_481 : f32 to vector<16xf32>
        %parallel_loop3A_483 = arith.mulf %parallel_loop3A_480, %parallel_loop3A_482 : vector<16xf32>
        %parallel_loop3A_484 = arith.addf %parallel_loop3A_483, %convert_element_type3A_127 : vector<16xf32>
        %parallel_loop3A_485 = arith.fptosi %parallel_loop3A_484 : vector<16xf32> to vector<16xi32>
        %parallel_loop3A_486 = arith.sitofp %parallel_loop3A_485 : vector<16xi32> to vector<16xf32>
        %parallel_loop3A_487 = arith.subf %parallel_loop3A_484, %parallel_loop3A_486 : vector<16xf32>
        %parallel_loop3A_488 = arith.constant 0.000000e+00 : f32
        %parallel_loop3A_489 = vector.broadcast %parallel_loop3A_488 : f32 to vector<16xf32>
        %parallel_loop3A_490 = arith.cmpf ogt, %parallel_loop3A_487, %parallel_loop3A_489 : vector<16xf32>
        %parallel_loop3A_491 = arith.extui %parallel_loop3A_490 : vector<16xi1> to vector<16xi32>
        %parallel_loop3A_492 = arith.addi %parallel_loop3A_485, %parallel_loop3A_491 : vector<16xi32>
        %parallel_loop3A_493 = tpu.vector_load_idx %arg6[%parallel_loop3A_485] : memref<49152xf32, #tpu.memory_space<vmem>>[vector<16xi32>], vector<16xf32>,
        %parallel_loop3A_494 = tpu.vector_load_idx %arg6[%parallel_loop3A_492] : memref<49152xf32, #tpu.memory_space<vmem>>[vector<16xi32>], vector<16xf32>,
        %parallel_loop3A_495 = arith.mulf %parallel_loop3A_487, %parallel_loop3A_493 : vector<16xf32>
        %parallel_loop3A_496 = arith.constant 1.000000e+00 : f32
        %parallel_loop3A_497 = vector.broadcast %parallel_loop3A_496 : f32 to vector<16xf32>
        %parallel_loop3A_498 = arith.subf %parallel_loop3A_497, %parallel_loop3A_487 : vector<16xf32>
        %parallel_loop3A_499 = arith.mulf %parallel_loop3A_498, %parallel_loop3A_494 : vector<16xf32>
        %parallel_loop3A_500 = arith.addf %parallel_loop3A_495, %parallel_loop3A_499 : vector<16xf32>
        %parallel_loop3A_501 = arith.index_cast %parallel_loop3A_247 : i32 to index
        %parallel_loop3A_502 = arith.constant 112 : index
        %parallel_loop3A_503 = tpu.vector_load %arg10[%parallel_loop3A_501, %parallel_loop3A_502] {strides = array<i32>} : memref<56x224xf32, #tpu.memory_space<vmem>>, vector<16xf32>,
        tpu.vector_store %arg10[%parallel_loop3A_501, %parallel_loop3A_502], %parallel_loop3A_500 {strides = array<i32>} : memref<56x224xf32, #tpu.memory_space<vmem>>, vector<16xf32>,
        %parallel_loop3A_504 = arith.index_cast %parallel_loop3A_247 : i32 to index
        %parallel_loop3A_505 = arith.constant 128 : index
        %parallel_loop3A_506 = tpu.vector_load %arg8[%parallel_loop3A_504, %parallel_loop3A_505] {strides = array<i32>} : memref<56x224xf32, #tpu.memory_space<vmem>>, vector<16xf32>,
        %parallel_loop3A_507 = arith.maximumf %parallel_loop3A_506, %neg3A_123 : vector<16xf32>
        %parallel_loop3A_508 = arith.minimumf %parallel_loop3A_507, %min3A_121 : vector<16xf32>
        %parallel_loop3A_509 = arith.divf %parallel_loop3A_508, %min3A_121 : vector<16xf32>
        %parallel_loop3A_510 = arith.constant 1.000000e+00 : f32
        %parallel_loop3A_511 = vector.broadcast %parallel_loop3A_510 : f32 to vector<16xf32>
        %parallel_loop3A_512 = arith.addf %parallel_loop3A_509, %parallel_loop3A_511 : vector<16xf32>
        %parallel_loop3A_513 = arith.constant 1.275000e+02 : f32
        %parallel_loop3A_514 = vector.broadcast %parallel_loop3A_513 : f32 to vector<16xf32>
        %parallel_loop3A_515 = arith.mulf %parallel_loop3A_512, %parallel_loop3A_514 : vector<16xf32>
        %parallel_loop3A_516 = arith.addf %parallel_loop3A_515, %convert_element_type3A_127 : vector<16xf32>
        %parallel_loop3A_517 = arith.fptosi %parallel_loop3A_516 : vector<16xf32> to vector<16xi32>
        %parallel_loop3A_518 = arith.sitofp %parallel_loop3A_517 : vector<16xi32> to vector<16xf32>
        %parallel_loop3A_519 = arith.subf %parallel_loop3A_516, %parallel_loop3A_518 : vector<16xf32>
        %parallel_loop3A_520 = arith.constant 0.000000e+00 : f32
        %parallel_loop3A_521 = vector.broadcast %parallel_loop3A_520 : f32 to vector<16xf32>
        %parallel_loop3A_522 = arith.cmpf ogt, %parallel_loop3A_519, %parallel_loop3A_521 : vector<16xf32>
        %parallel_loop3A_523 = arith.extui %parallel_loop3A_522 : vector<16xi1> to vector<16xi32>
        %parallel_loop3A_524 = arith.addi %parallel_loop3A_517, %parallel_loop3A_523 : vector<16xi32>
        %parallel_loop3A_525 = tpu.vector_load_idx %arg6[%parallel_loop3A_517] : memref<49152xf32, #tpu.memory_space<vmem>>[vector<16xi32>], vector<16xf32>,
        %parallel_loop3A_526 = tpu.vector_load_idx %arg6[%parallel_loop3A_524] : memref<49152xf32, #tpu.memory_space<vmem>>[vector<16xi32>], vector<16xf32>,
        %parallel_loop3A_527 = arith.mulf %parallel_loop3A_519, %parallel_loop3A_525 : vector<16xf32>
        %parallel_loop3A_528 = arith.constant 1.000000e+00 : f32
        %parallel_loop3A_529 = vector.broadcast %parallel_loop3A_528 : f32 to vector<16xf32>
        %parallel_loop3A_530 = arith.subf %parallel_loop3A_529, %parallel_loop3A_519 : vector<16xf32>
        %parallel_loop3A_531 = arith.mulf %parallel_loop3A_530, %parallel_loop3A_526 : vector<16xf32>
        %parallel_loop3A_532 = arith.addf %parallel_loop3A_527, %parallel_loop3A_531 : vector<16xf32>
        %parallel_loop3A_533 = arith.index_cast %parallel_loop3A_247 : i32 to index
        %parallel_loop3A_534 = arith.constant 128 : index
        %parallel_loop3A_535 = tpu.vector_load %arg10[%parallel_loop3A_533, %parallel_loop3A_534] {strides = array<i32>} : memref<56x224xf32, #tpu.memory_space<vmem>>, vector<16xf32>,
        tpu.vector_store %arg10[%parallel_loop3A_533, %parallel_loop3A_534], %parallel_loop3A_532 {strides = array<i32>} : memref<56x224xf32, #tpu.memory_space<vmem>>, vector<16xf32>,
        %parallel_loop3A_536 = arith.index_cast %parallel_loop3A_247 : i32 to index
        %parallel_loop3A_537 = arith.constant 144 : index
        %parallel_loop3A_538 = tpu.vector_load %arg8[%parallel_loop3A_536, %parallel_loop3A_537] {strides = array<i32>} : memref<56x224xf32, #tpu.memory_space<vmem>>, vector<16xf32>,
        %parallel_loop3A_539 = arith.maximumf %parallel_loop3A_538, %neg3A_123 : vector<16xf32>
        %parallel_loop3A_540 = arith.minimumf %parallel_loop3A_539, %min3A_121 : vector<16xf32>
        %parallel_loop3A_541 = arith.divf %parallel_loop3A_540, %min3A_121 : vector<16xf32>
        %parallel_loop3A_542 = arith.constant 1.000000e+00 : f32
        %parallel_loop3A_543 = vector.broadcast %parallel_loop3A_542 : f32 to vector<16xf32>
        %parallel_loop3A_544 = arith.addf %parallel_loop3A_541, %parallel_loop3A_543 : vector<16xf32>
        %parallel_loop3A_545 = arith.constant 1.275000e+02 : f32
        %parallel_loop3A_546 = vector.broadcast %parallel_loop3A_545 : f32 to vector<16xf32>
        %parallel_loop3A_547 = arith.mulf %parallel_loop3A_544, %parallel_loop3A_546 : vector<16xf32>
        %parallel_loop3A_548 = arith.addf %parallel_loop3A_547, %convert_element_type3A_127 : vector<16xf32>
        %parallel_loop3A_549 = arith.fptosi %parallel_loop3A_548 : vector<16xf32> to vector<16xi32>
        %parallel_loop3A_550 = arith.sitofp %parallel_loop3A_549 : vector<16xi32> to vector<16xf32>
        %parallel_loop3A_551 = arith.subf %parallel_loop3A_548, %parallel_loop3A_550 : vector<16xf32>
        %parallel_loop3A_552 = arith.constant 0.000000e+00 : f32
        %parallel_loop3A_553 = vector.broadcast %parallel_loop3A_552 : f32 to vector<16xf32>
        %parallel_loop3A_554 = arith.cmpf ogt, %parallel_loop3A_551, %parallel_loop3A_553 : vector<16xf32>
        %parallel_loop3A_555 = arith.extui %parallel_loop3A_554 : vector<16xi1> to vector<16xi32>
        %parallel_loop3A_556 = arith.addi %parallel_loop3A_549, %parallel_loop3A_555 : vector<16xi32>
        %parallel_loop3A_557 = tpu.vector_load_idx %arg6[%parallel_loop3A_549] : memref<49152xf32, #tpu.memory_space<vmem>>[vector<16xi32>], vector<16xf32>,
        %parallel_loop3A_558 = tpu.vector_load_idx %arg6[%parallel_loop3A_556] : memref<49152xf32, #tpu.memory_space<vmem>>[vector<16xi32>], vector<16xf32>,
        %parallel_loop3A_559 = arith.mulf %parallel_loop3A_551, %parallel_loop3A_557 : vector<16xf32>
        %parallel_loop3A_560 = arith.constant 1.000000e+00 : f32
        %parallel_loop3A_561 = vector.broadcast %parallel_loop3A_560 : f32 to vector<16xf32>
        %parallel_loop3A_562 = arith.subf %parallel_loop3A_561, %parallel_loop3A_551 : vector<16xf32>
        %parallel_loop3A_563 = arith.mulf %parallel_loop3A_562, %parallel_loop3A_558 : vector<16xf32>
        %parallel_loop3A_564 = arith.addf %parallel_loop3A_559, %parallel_loop3A_563 : vector<16xf32>
        %parallel_loop3A_565 = arith.index_cast %parallel_loop3A_247 : i32 to index
        %parallel_loop3A_566 = arith.constant 144 : index
        %parallel_loop3A_567 = tpu.vector_load %arg10[%parallel_loop3A_565, %parallel_loop3A_566] {strides = array<i32>} : memref<56x224xf32, #tpu.memory_space<vmem>>, vector<16xf32>,
        tpu.vector_store %arg10[%parallel_loop3A_565, %parallel_loop3A_566], %parallel_loop3A_564 {strides = array<i32>} : memref<56x224xf32, #tpu.memory_space<vmem>>, vector<16xf32>,
        %parallel_loop3A_568 = arith.index_cast %parallel_loop3A_247 : i32 to index
        %parallel_loop3A_569 = arith.constant 160 : index
        %parallel_loop3A_570 = tpu.vector_load %arg8[%parallel_loop3A_568, %parallel_loop3A_569] {strides = array<i32>} : memref<56x224xf32, #tpu.memory_space<vmem>>, vector<16xf32>,
        %parallel_loop3A_571 = arith.maximumf %parallel_loop3A_570, %neg3A_123 : vector<16xf32>
        %parallel_loop3A_572 = arith.minimumf %parallel_loop3A_571, %min3A_121 : vector<16xf32>
        %parallel_loop3A_573 = arith.divf %parallel_loop3A_572, %min3A_121 : vector<16xf32>
        %parallel_loop3A_574 = arith.constant 1.000000e+00 : f32
        %parallel_loop3A_575 = vector.broadcast %parallel_loop3A_574 : f32 to vector<16xf32>
        %parallel_loop3A_576 = arith.addf %parallel_loop3A_573, %parallel_loop3A_575 : vector<16xf32>
        %parallel_loop3A_577 = arith.constant 1.275000e+02 : f32
        %parallel_loop3A_578 = vector.broadcast %parallel_loop3A_577 : f32 to vector<16xf32>
        %parallel_loop3A_579 = arith.mulf %parallel_loop3A_576, %parallel_loop3A_578 : vector<16xf32>
        %parallel_loop3A_580 = arith.addf %parallel_loop3A_579, %convert_element_type3A_127 : vector<16xf32>
        %parallel_loop3A_581 = arith.fptosi %parallel_loop3A_580 : vector<16xf32> to vector<16xi32>
        %parallel_loop3A_582 = arith.sitofp %parallel_loop3A_581 : vector<16xi32> to vector<16xf32>
        %parallel_loop3A_583 = arith.subf %parallel_loop3A_580, %parallel_loop3A_582 : vector<16xf32>
        %parallel_loop3A_584 = arith.constant 0.000000e+00 : f32
        %parallel_loop3A_585 = vector.broadcast %parallel_loop3A_584 : f32 to vector<16xf32>
        %parallel_loop3A_586 = arith.cmpf ogt, %parallel_loop3A_583, %parallel_loop3A_585 : vector<16xf32>
        %parallel_loop3A_587 = arith.extui %parallel_loop3A_586 : vector<16xi1> to vector<16xi32>
        %parallel_loop3A_588 = arith.addi %parallel_loop3A_581, %parallel_loop3A_587 : vector<16xi32>
        %parallel_loop3A_589 = tpu.vector_load_idx %arg6[%parallel_loop3A_581] : memref<49152xf32, #tpu.memory_space<vmem>>[vector<16xi32>], vector<16xf32>,
        %parallel_loop3A_590 = tpu.vector_load_idx %arg6[%parallel_loop3A_588] : memref<49152xf32, #tpu.memory_space<vmem>>[vector<16xi32>], vector<16xf32>,
        %parallel_loop3A_591 = arith.mulf %parallel_loop3A_583, %parallel_loop3A_589 : vector<16xf32>
        %parallel_loop3A_592 = arith.constant 1.000000e+00 : f32
        %parallel_loop3A_593 = vector.broadcast %parallel_loop3A_592 : f32 to vector<16xf32>
        %parallel_loop3A_594 = arith.subf %parallel_loop3A_593, %parallel_loop3A_583 : vector<16xf32>
        %parallel_loop3A_595 = arith.mulf %parallel_loop3A_594, %parallel_loop3A_590 : vector<16xf32>
        %parallel_loop3A_596 = arith.addf %parallel_loop3A_591, %parallel_loop3A_595 : vector<16xf32>
        %parallel_loop3A_597 = arith.index_cast %parallel_loop3A_247 : i32 to index
        %parallel_loop3A_598 = arith.constant 160 : index
        %parallel_loop3A_599 = tpu.vector_load %arg10[%parallel_loop3A_597, %parallel_loop3A_598] {strides = array<i32>} : memref<56x224xf32, #tpu.memory_space<vmem>>, vector<16xf32>,
        tpu.vector_store %arg10[%parallel_loop3A_597, %parallel_loop3A_598], %parallel_loop3A_596 {strides = array<i32>} : memref<56x224xf32, #tpu.memory_space<vmem>>, vector<16xf32>,
        %parallel_loop3A_600 = arith.index_cast %parallel_loop3A_247 : i32 to index
        %parallel_loop3A_601 = arith.constant 176 : index
        %parallel_loop3A_602 = tpu.vector_load %arg8[%parallel_loop3A_600, %parallel_loop3A_601] {strides = array<i32>} : memref<56x224xf32, #tpu.memory_space<vmem>>, vector<16xf32>,
        %parallel_loop3A_603 = arith.maximumf %parallel_loop3A_602, %neg3A_123 : vector<16xf32>
        %parallel_loop3A_604 = arith.minimumf %parallel_loop3A_603, %min3A_121 : vector<16xf32>
        %parallel_loop3A_605 = arith.divf %parallel_loop3A_604, %min3A_121 : vector<16xf32>
        %parallel_loop3A_606 = arith.constant 1.000000e+00 : f32
        %parallel_loop3A_607 = vector.broadcast %parallel_loop3A_606 : f32 to vector<16xf32>
        %parallel_loop3A_608 = arith.addf %parallel_loop3A_605, %parallel_loop3A_607 : vector<16xf32>
        %parallel_loop3A_609 = arith.constant 1.275000e+02 : f32
        %parallel_loop3A_610 = vector.broadcast %parallel_loop3A_609 : f32 to vector<16xf32>
        %parallel_loop3A_611 = arith.mulf %parallel_loop3A_608, %parallel_loop3A_610 : vector<16xf32>
        %parallel_loop3A_612 = arith.addf %parallel_loop3A_611, %convert_element_type3A_127 : vector<16xf32>
        %parallel_loop3A_613 = arith.fptosi %parallel_loop3A_612 : vector<16xf32> to vector<16xi32>
        %parallel_loop3A_614 = arith.sitofp %parallel_loop3A_613 : vector<16xi32> to vector<16xf32>
        %parallel_loop3A_615 = arith.subf %parallel_loop3A_612, %parallel_loop3A_614 : vector<16xf32>
        %parallel_loop3A_616 = arith.constant 0.000000e+00 : f32
        %parallel_loop3A_617 = vector.broadcast %parallel_loop3A_616 : f32 to vector<16xf32>
        %parallel_loop3A_618 = arith.cmpf ogt, %parallel_loop3A_615, %parallel_loop3A_617 : vector<16xf32>
        %parallel_loop3A_619 = arith.extui %parallel_loop3A_618 : vector<16xi1> to vector<16xi32>
        %parallel_loop3A_620 = arith.addi %parallel_loop3A_613, %parallel_loop3A_619 : vector<16xi32>
        %parallel_loop3A_621 = tpu.vector_load_idx %arg6[%parallel_loop3A_613] : memref<49152xf32, #tpu.memory_space<vmem>>[vector<16xi32>], vector<16xf32>,
        %parallel_loop3A_622 = tpu.vector_load_idx %arg6[%parallel_loop3A_620] : memref<49152xf32, #tpu.memory_space<vmem>>[vector<16xi32>], vector<16xf32>,
        %parallel_loop3A_623 = arith.mulf %parallel_loop3A_615, %parallel_loop3A_621 : vector<16xf32>
        %parallel_loop3A_624 = arith.constant 1.000000e+00 : f32
        %parallel_loop3A_625 = vector.broadcast %parallel_loop3A_624 : f32 to vector<16xf32>
        %parallel_loop3A_626 = arith.subf %parallel_loop3A_625, %parallel_loop3A_615 : vector<16xf32>
        %parallel_loop3A_627 = arith.mulf %parallel_loop3A_626, %parallel_loop3A_622 : vector<16xf32>
        %parallel_loop3A_628 = arith.addf %parallel_loop3A_623, %parallel_loop3A_627 : vector<16xf32>
        %parallel_loop3A_629 = arith.index_cast %parallel_loop3A_247 : i32 to index
        %parallel_loop3A_630 = arith.constant 176 : index
        %parallel_loop3A_631 = tpu.vector_load %arg10[%parallel_loop3A_629, %parallel_loop3A_630] {strides = array<i32>} : memref<56x224xf32, #tpu.memory_space<vmem>>, vector<16xf32>,
        tpu.vector_store %arg10[%parallel_loop3A_629, %parallel_loop3A_630], %parallel_loop3A_628 {strides = array<i32>} : memref<56x224xf32, #tpu.memory_space<vmem>>, vector<16xf32>,
        %parallel_loop3A_632 = arith.index_cast %parallel_loop3A_247 : i32 to index
        %parallel_loop3A_633 = arith.constant 192 : index
        %parallel_loop3A_634 = tpu.vector_load %arg8[%parallel_loop3A_632, %parallel_loop3A_633] {strides = array<i32>} : memref<56x224xf32, #tpu.memory_space<vmem>>, vector<16xf32>,
        %parallel_loop3A_635 = arith.maximumf %parallel_loop3A_634, %neg3A_123 : vector<16xf32>
        %parallel_loop3A_636 = arith.minimumf %parallel_loop3A_635, %min3A_121 : vector<16xf32>
        %parallel_loop3A_637 = arith.divf %parallel_loop3A_636, %min3A_121 : vector<16xf32>
        %parallel_loop3A_638 = arith.constant 1.000000e+00 : f32
        %parallel_loop3A_639 = vector.broadcast %parallel_loop3A_638 : f32 to vector<16xf32>
        %parallel_loop3A_640 = arith.addf %parallel_loop3A_637, %parallel_loop3A_639 : vector<16xf32>
        %parallel_loop3A_641 = arith.constant 1.275000e+02 : f32
        %parallel_loop3A_642 = vector.broadcast %parallel_loop3A_641 : f32 to vector<16xf32>
        %parallel_loop3A_643 = arith.mulf %parallel_loop3A_640, %parallel_loop3A_642 : vector<16xf32>
        %parallel_loop3A_644 = arith.addf %parallel_loop3A_643, %convert_element_type3A_127 : vector<16xf32>
        %parallel_loop3A_645 = arith.fptosi %parallel_loop3A_644 : vector<16xf32> to vector<16xi32>
        %parallel_loop3A_646 = arith.sitofp %parallel_loop3A_645 : vector<16xi32> to vector<16xf32>
        %parallel_loop3A_647 = arith.subf %parallel_loop3A_644, %parallel_loop3A_646 : vector<16xf32>
        %parallel_loop3A_648 = arith.constant 0.000000e+00 : f32
        %parallel_loop3A_649 = vector.broadcast %parallel_loop3A_648 : f32 to vector<16xf32>
        %parallel_loop3A_650 = arith.cmpf ogt, %parallel_loop3A_647, %parallel_loop3A_649 : vector<16xf32>
        %parallel_loop3A_651 = arith.extui %parallel_loop3A_650 : vector<16xi1> to vector<16xi32>
        %parallel_loop3A_652 = arith.addi %parallel_loop3A_645, %parallel_loop3A_651 : vector<16xi32>
        %parallel_loop3A_653 = tpu.vector_load_idx %arg6[%parallel_loop3A_645] : memref<49152xf32, #tpu.memory_space<vmem>>[vector<16xi32>], vector<16xf32>,
        %parallel_loop3A_654 = tpu.vector_load_idx %arg6[%parallel_loop3A_652] : memref<49152xf32, #tpu.memory_space<vmem>>[vector<16xi32>], vector<16xf32>,
        %parallel_loop3A_655 = arith.mulf %parallel_loop3A_647, %parallel_loop3A_653 : vector<16xf32>
        %parallel_loop3A_656 = arith.constant 1.000000e+00 : f32
        %parallel_loop3A_657 = vector.broadcast %parallel_loop3A_656 : f32 to vector<16xf32>
        %parallel_loop3A_658 = arith.subf %parallel_loop3A_657, %parallel_loop3A_647 : vector<16xf32>
        %parallel_loop3A_659 = arith.mulf %parallel_loop3A_658, %parallel_loop3A_654 : vector<16xf32>
        %parallel_loop3A_660 = arith.addf %parallel_loop3A_655, %parallel_loop3A_659 : vector<16xf32>
        %parallel_loop3A_661 = arith.index_cast %parallel_loop3A_247 : i32 to index
        %parallel_loop3A_662 = arith.constant 192 : index
        %parallel_loop3A_663 = tpu.vector_load %arg10[%parallel_loop3A_661, %parallel_loop3A_662] {strides = array<i32>} : memref<56x224xf32, #tpu.memory_space<vmem>>, vector<16xf32>,
        tpu.vector_store %arg10[%parallel_loop3A_661, %parallel_loop3A_662], %parallel_loop3A_660 {strides = array<i32>} : memref<56x224xf32, #tpu.memory_space<vmem>>, vector<16xf32>,
        %parallel_loop3A_664 = arith.index_cast %parallel_loop3A_247 : i32 to index
        %parallel_loop3A_665 = arith.constant 208 : index
        %parallel_loop3A_666 = tpu.vector_load %arg8[%parallel_loop3A_664, %parallel_loop3A_665] {strides = array<i32>} : memref<56x224xf32, #tpu.memory_space<vmem>>, vector<16xf32>,
        %parallel_loop3A_667 = arith.maximumf %parallel_loop3A_666, %neg3A_123 : vector<16xf32>
        %parallel_loop3A_668 = arith.minimumf %parallel_loop3A_667, %min3A_121 : vector<16xf32>
        %parallel_loop3A_669 = arith.divf %parallel_loop3A_668, %min3A_121 : vector<16xf32>
        %parallel_loop3A_670 = arith.constant 1.000000e+00 : f32
        %parallel_loop3A_671 = vector.broadcast %parallel_loop3A_670 : f32 to vector<16xf32>
        %parallel_loop3A_672 = arith.addf %parallel_loop3A_669, %parallel_loop3A_671 : vector<16xf32>
        %parallel_loop3A_673 = arith.constant 1.275000e+02 : f32
        %parallel_loop3A_674 = vector.broadcast %parallel_loop3A_673 : f32 to vector<16xf32>
        %parallel_loop3A_675 = arith.mulf %parallel_loop3A_672, %parallel_loop3A_674 : vector<16xf32>
        %parallel_loop3A_676 = arith.addf %parallel_loop3A_675, %convert_element_type3A_127 : vector<16xf32>
        %parallel_loop3A_677 = arith.fptosi %parallel_loop3A_676 : vector<16xf32> to vector<16xi32>
        %parallel_loop3A_678 = arith.sitofp %parallel_loop3A_677 : vector<16xi32> to vector<16xf32>
        %parallel_loop3A_679 = arith.subf %parallel_loop3A_676, %parallel_loop3A_678 : vector<16xf32>
        %parallel_loop3A_680 = arith.constant 0.000000e+00 : f32
        %parallel_loop3A_681 = vector.broadcast %parallel_loop3A_680 : f32 to vector<16xf32>
        %parallel_loop3A_682 = arith.cmpf ogt, %parallel_loop3A_679, %parallel_loop3A_681 : vector<16xf32>
        %parallel_loop3A_683 = arith.extui %parallel_loop3A_682 : vector<16xi1> to vector<16xi32>
        %parallel_loop3A_684 = arith.addi %parallel_loop3A_677, %parallel_loop3A_683 : vector<16xi32>
        %parallel_loop3A_685 = tpu.vector_load_idx %arg6[%parallel_loop3A_677] : memref<49152xf32, #tpu.memory_space<vmem>>[vector<16xi32>], vector<16xf32>,
        %parallel_loop3A_686 = tpu.vector_load_idx %arg6[%parallel_loop3A_684] : memref<49152xf32, #tpu.memory_space<vmem>>[vector<16xi32>], vector<16xf32>,
        %parallel_loop3A_687 = arith.mulf %parallel_loop3A_679, %parallel_loop3A_685 : vector<16xf32>
        %parallel_loop3A_688 = arith.constant 1.000000e+00 : f32
        %parallel_loop3A_689 = vector.broadcast %parallel_loop3A_688 : f32 to vector<16xf32>
        %parallel_loop3A_690 = arith.subf %parallel_loop3A_689, %parallel_loop3A_679 : vector<16xf32>
        %parallel_loop3A_691 = arith.mulf %parallel_loop3A_690, %parallel_loop3A_686 : vector<16xf32>
        %parallel_loop3A_692 = arith.addf %parallel_loop3A_687, %parallel_loop3A_691 : vector<16xf32>
        %parallel_loop3A_693 = arith.index_cast %parallel_loop3A_247 : i32 to index
        %parallel_loop3A_694 = arith.constant 208 : index
        %parallel_loop3A_695 = tpu.vector_load %arg10[%parallel_loop3A_693, %parallel_loop3A_694] {strides = array<i32>} : memref<56x224xf32, #tpu.memory_space<vmem>>, vector<16xf32>,
        tpu.vector_store %arg10[%parallel_loop3A_693, %parallel_loop3A_694], %parallel_loop3A_692 {strides = array<i32>} : memref<56x224xf32, #tpu.memory_space<vmem>>, vector<16xf32>,
      } {sc.loop_unroll_factor = 2 : i64, sc.parallel_access}
      %dma_start3A_130 = arith.constant 0 : i32
      %dma_start3A_131 = tpu.memref_slice %arg5[%add3A_77, %mul3A_93, %dma_start3A_130] : memref<768x224x224xf32, #tpu.memory_space<hbm>> -> memref<1x56x224xf32, #tpu.memory_space<hbm>>
      %dma_start3A_132 = tpu.memref_squeeze %dma_start3A_131 : memref<1x56x224xf32, #tpu.memory_space<hbm>> -> memref<56x224xf32, #tpu.memory_space<hbm>>
      %dma_start3A_133 = arith.constant 0 : i32
      %dma_start3A_134 = tpu.memref_slice %arg5[%add3A_77, %mul3A_93, %dma_start3A_133] : memref<768x224x224xf32, #tpu.memory_space<hbm>> -> memref<1x56x224xf32, #tpu.memory_space<hbm>>
      %dma_start3A_135 = tpu.memref_squeeze %dma_start3A_134 : memref<1x56x224xf32, #tpu.memory_space<hbm>> -> memref<56x224xf32, #tpu.memory_space<hbm>>
      tpu.enqueue_dma source(%arg10 : memref<56x224xf32, #tpu.memory_space<vmem>>) target(%dma_start3A_135 : memref<56x224xf32, #tpu.memory_space<hbm>>) target_semaphore(%arg14 : memref<!tpu.dma_semaphore, #tpu.memory_space<semaphore_mem>>)
      %lt3A_136 = arith.constant 47 : i32
      %lt3A_137 = arith.cmpi slt, %scan3A_53, %lt3A_136 : i32
      %convert_element_type3A_138 = arith.extui %lt3A_137 : i1 to i32
      %cond3A_139 = arith.constant 0 : i32
      %cond3A_140 = arith.cmpi ne, %convert_element_type3A_138, %cond3A_139 : i32
      scf.if %cond3A_140 {
        %add3A_247 = arith.constant 2 : i32
        %add3A_248 = arith.addi %add3A_58, %add3A_247 : i32
        %mul3A_249 = arith.constant 24 : i32
        %mul3A_250 = arith.muli %add3A, %mul3A_249 : i32
        %jit3A_251 = arith.constant 4 : i32
        %div3A_252 = arith.divsi %add3A_248, %jit3A_251 : i32
        %sign3A_253 = arith.constant 0 : i32
        %sign3A_254 = arith.cmpi sgt, %add3A_248, %sign3A_253 : i32
        %sign3A_255 = arith.extui %sign3A_254 : i1 to i32
        %sign3A_256 = arith.constant 0 : i32
        %sign3A_257 = arith.cmpi slt, %add3A_248, %sign3A_256 : i32
        %sign3A_258 = arith.extui %sign3A_257 : i1 to i32
        %sign3A_259 = arith.subi %sign3A_255, %sign3A_258 : i32
        %sign3A_260 = arith.constant 0 : i32
        %sign3A_261 = arith.cmpi sgt, %jit3A_251, %sign3A_260 : i32
        %sign3A_262 = arith.extui %sign3A_261 : i1 to i32
        %sign3A_263 = arith.constant 0 : i32
        %sign3A_264 = arith.cmpi slt, %jit3A_251, %sign3A_263 : i32
        %sign3A_265 = arith.extui %sign3A_264 : i1 to i32
        %sign3A_266 = arith.subi %sign3A_262, %sign3A_265 : i32
        %ne3A_267 = arith.cmpi ne, %sign3A_259, %sign3A_266 : i32
        %rem3A_268 = arith.remsi %add3A_248, %jit3A_251 : i32
        %ne3A_269 = arith.constant 0 : i32
        %ne3A_270 = arith.cmpi ne, %rem3A_268, %ne3A_269 : i32
        %and3A_271 = arith.andi %ne3A_267, %ne3A_270 : i1
        %sub3A_272 = arith.constant 1 : i32
        %sub3A_273 = arith.subi %div3A_252, %sub3A_272 : i32
        %select_n3A_274 = arith.select %and3A_271, %sub3A_273, %div3A_252 : i32
        %add3A_275 = arith.addi %mul3A_250, %select_n3A_274 : i32
        %jit3A_276 = arith.constant 4 : i32
        %eq3A_277 = arith.constant 0 : i32
        %eq3A_278 = arith.cmpi eq, %jit3A_276, %eq3A_277 : i32
        %jit3A_279 = arith.constant 1 : i32
        %select_n3A_280 = arith.select %eq3A_278, %jit3A_279, %jit3A_276 : i32
        %rem3A_281 = arith.remsi %add3A_248, %select_n3A_280 : i32
        %ne3A_282 = arith.constant 0 : i32
        %ne3A_283 = arith.cmpi ne, %rem3A_281, %ne3A_282 : i32
        %lt3A_284 = arith.constant 0 : i32
        %lt3A_285 = arith.cmpi slt, %rem3A_281, %lt3A_284 : i32
        %lt3A_286 = arith.constant 0 : i32
        %lt3A_287 = arith.cmpi slt, %select_n3A_280, %lt3A_286 : i32
        %ne3A_288 = arith.xori %lt3A_285, %lt3A_287 : i1
        %and3A_289 = arith.andi %ne3A_288, %ne3A_283 : i1
        %add3A_290 = arith.addi %rem3A_281, %select_n3A_280 : i32
        %select_n3A_291 = arith.select %and3A_289, %add3A_290, %rem3A_281 : i32
        %mul3A_292 = arith.constant 56 : i32
        %mul3A_293 = arith.muli %select_n3A_291, %mul3A_292 : i32
        %dma_start3A_294 = arith.constant 0 : i32
        %dma_start3A_295 = tpu.memref_slice %arg2[%add3A_275, %mul3A_293, %dma_start3A_294] : memref<768x224x224xf32, #tpu.memory_space<hbm>> -> memref<1x56x224xf32, #tpu.memory_space<hbm>>
        %dma_start3A_296 = tpu.memref_squeeze %dma_start3A_295 : memref<1x56x224xf32, #tpu.memory_space<hbm>> -> memref<56x224xf32, #tpu.memory_space<hbm>>
        %dma_start3A_297 = arith.constant 0 : i32
        %dma_start3A_298 = tpu.memref_slice %arg2[%add3A_275, %mul3A_293, %dma_start3A_297] : memref<768x224x224xf32, #tpu.memory_space<hbm>> -> memref<1x56x224xf32, #tpu.memory_space<hbm>>
        %dma_start3A_299 = tpu.memref_squeeze %dma_start3A_298 : memref<1x56x224xf32, #tpu.memory_space<hbm>> -> memref<56x224xf32, #tpu.memory_space<hbm>>
        tpu.enqueue_dma source(%dma_start3A_299 : memref<56x224xf32, #tpu.memory_space<hbm>>) target(%arg8 : memref<56x224xf32, #tpu.memory_space<vmem>>) target_semaphore(%arg12 : memref<!tpu.dma_semaphore, #tpu.memory_space<semaphore_mem>>)
      } else {
      }
      %mul3A_141 = arith.constant 2 : i32
      %mul3A_142 = arith.muli %mul3A_141, %scan3A_53 : i32
      %add3A_143 = arith.constant 1 : i32
      %add3A_144 = arith.addi %mul3A_142, %add3A_143 : i32
      %mul3A_145 = arith.constant 24 : i32
      %mul3A_146 = arith.muli %add3A, %mul3A_145 : i32
      %jit3A_147 = arith.constant 4 : i32
      %div3A_148 = arith.divsi %add3A_144, %jit3A_147 : i32
      %sign3A_149 = arith.constant 0 : i32
      %sign3A_150 = arith.cmpi sgt, %add3A_144, %sign3A_149 : i32
      %sign3A_151 = arith.extui %sign3A_150 : i1 to i32
      %sign3A_152 = arith.constant 0 : i32
      %sign3A_153 = arith.cmpi slt, %add3A_144, %sign3A_152 : i32
      %sign3A_154 = arith.extui %sign3A_153 : i1 to i32
      %sign3A_155 = arith.subi %sign3A_151, %sign3A_154 : i32
      %sign3A_156 = arith.constant 0 : i32
      %sign3A_157 = arith.cmpi sgt, %jit3A_147, %sign3A_156 : i32
      %sign3A_158 = arith.extui %sign3A_157 : i1 to i32
      %sign3A_159 = arith.constant 0 : i32
      %sign3A_160 = arith.cmpi slt, %jit3A_147, %sign3A_159 : i32
      %sign3A_161 = arith.extui %sign3A_160 : i1 to i32
      %sign3A_162 = arith.subi %sign3A_158, %sign3A_161 : i32
      %ne3A_163 = arith.cmpi ne, %sign3A_155, %sign3A_162 : i32
      %rem3A_164 = arith.remsi %add3A_144, %jit3A_147 : i32
      %ne3A_165 = arith.constant 0 : i32
      %ne3A_166 = arith.cmpi ne, %rem3A_164, %ne3A_165 : i32
      %and3A_167 = arith.andi %ne3A_163, %ne3A_166 : i1
      %sub3A_168 = arith.constant 1 : i32
      %sub3A_169 = arith.subi %div3A_148, %sub3A_168 : i32
      %select_n3A_170 = arith.select %and3A_167, %sub3A_169, %div3A_148 : i32
      %add3A_171 = arith.addi %mul3A_146, %select_n3A_170 : i32
      %jit3A_172 = arith.constant 4 : i32
      %eq3A_173 = arith.constant 0 : i32
      %eq3A_174 = arith.cmpi eq, %jit3A_172, %eq3A_173 : i32
      %jit3A_175 = arith.constant 1 : i32
      %select_n3A_176 = arith.select %eq3A_174, %jit3A_175, %jit3A_172 : i32
      %rem3A_177 = arith.remsi %add3A_144, %select_n3A_176 : i32
      %ne3A_178 = arith.constant 0 : i32
      %ne3A_179 = arith.cmpi ne, %rem3A_177, %ne3A_178 : i32
      %lt3A_180 = arith.constant 0 : i32
      %lt3A_181 = arith.cmpi slt, %rem3A_177, %lt3A_180 : i32
      %lt3A_182 = arith.constant 0 : i32
      %lt3A_183 = arith.cmpi slt, %select_n3A_176, %lt3A_182 : i32
      %ne3A_184 = arith.xori %lt3A_181, %lt3A_183 : i1
      %and3A_185 = arith.andi %ne3A_184, %ne3A_179 : i1
      %add3A_186 = arith.addi %rem3A_177, %select_n3A_176 : i32
      %select_n3A_187 = arith.select %and3A_185, %add3A_186, %rem3A_177 : i32
      %mul3A_188 = arith.constant 56 : i32
      %mul3A_189 = arith.muli %select_n3A_187, %mul3A_188 : i32
      %jit3A_190 = arith.constant 192 : i32
      %eq3A_191 = arith.constant 0 : i32
      %eq3A_192 = arith.cmpi eq, %jit3A_190, %eq3A_191 : i32
      %jit3A_193 = arith.constant 1 : i32
      %select_n3A_194 = arith.select %eq3A_192, %jit3A_193, %jit3A_190 : i32
      %rem3A_195 = arith.remsi %add3A_171, %select_n3A_194 : i32
      %ne3A_196 = arith.constant 0 : i32
      %ne3A_197 = arith.cmpi ne, %rem3A_195, %ne3A_196 : i32
      %lt3A_198 = arith.constant 0 : i32
      %lt3A_199 = arith.cmpi slt, %rem3A_195, %lt3A_198 : i32
      %lt3A_200 = arith.constant 0 : i32
      %lt3A_201 = arith.cmpi slt, %select_n3A_194, %lt3A_200 : i32
      %ne3A_202 = arith.xori %lt3A_199, %lt3A_201 : i1
      %and3A_203 = arith.andi %ne3A_202, %ne3A_197 : i1
      %add3A_204 = arith.addi %rem3A_195, %select_n3A_194 : i32
      %select_n3A_205 = arith.select %and3A_203, %add3A_204, %rem3A_195 : i32
      %dma_wait3A_206 = arith.constant 0 : i32
      %dma_wait3A_207 = tpu.memref_slice %arg2[%add3A_171, %mul3A_189, %dma_wait3A_206] : memref<768x224x224xf32, #tpu.memory_space<hbm>> -> memref<1x56x224xf32, #tpu.memory_space<hbm>>
      %dma_wait3A_208 = tpu.memref_squeeze %dma_wait3A_207 : memref<1x56x224xf32, #tpu.memory_space<hbm>> -> memref<56x224xf32, #tpu.memory_space<hbm>>
      %dma_wait3A_209 = arith.constant 0 : i32
      %dma_wait3A_210 = tpu.memref_slice %arg2[%add3A_171, %mul3A_189, %dma_wait3A_209] : memref<768x224x224xf32, #tpu.memory_space<hbm>> -> memref<1x56x224xf32, #tpu.memory_space<hbm>>
      %dma_wait3A_211 = tpu.memref_squeeze %dma_wait3A_210 : memref<1x56x224xf32, #tpu.memory_space<hbm>> -> memref<56x224xf32, #tpu.memory_space<hbm>>
      tpu.wait_dma2 semaphore(%arg13 : memref<!tpu.dma_semaphore, #tpu.memory_space<semaphore_mem>>) src(%dma_wait3A_211 : memref<56x224xf32, #tpu.memory_space<hbm>>) dst(%arg9 : memref<56x224xf32, #tpu.memory_space<vmem>>)
      %gt3A_212 = arith.constant 0 : i32
      %gt3A_213 = arith.cmpi sgt, %scan3A_53, %gt3A_212 : i32
      %convert_element_type3A_214 = arith.extui %gt3A_213 : i1 to i32
      %cond3A_215 = arith.constant 0 : i32
      %cond3A_216 = arith.cmpi ne, %convert_element_type3A_214, %cond3A_215 : i32
      scf.if %cond3A_216 {
        %dma_wait3A_247 = arith.constant 0 : i32
        %dma_wait3A_248 = tpu.memref_slice %arg5[%add3A_171, %mul3A_189, %dma_wait3A_247] : memref<768x224x224xf32, #tpu.memory_space<hbm>> -> memref<1x56x224xf32, #tpu.memory_space<hbm>>
        %dma_wait3A_249 = tpu.memref_squeeze %dma_wait3A_248 : memref<1x56x224xf32, #tpu.memory_space<hbm>> -> memref<56x224xf32, #tpu.memory_space<hbm>>
        %dma_wait3A_250 = arith.constant 0 : i32
        %dma_wait3A_251 = tpu.memref_slice %arg5[%add3A_171, %mul3A_189, %dma_wait3A_250] : memref<768x224x224xf32, #tpu.memory_space<hbm>> -> memref<1x56x224xf32, #tpu.memory_space<hbm>>
        %dma_wait3A_252 = tpu.memref_squeeze %dma_wait3A_251 : memref<1x56x224xf32, #tpu.memory_space<hbm>> -> memref<56x224xf32, #tpu.memory_space<hbm>>
        tpu.wait_dma2 semaphore(%arg15 : memref<!tpu.dma_semaphore, #tpu.memory_space<semaphore_mem>>) src(%arg11 : memref<56x224xf32, #tpu.memory_space<vmem>>) dst(%dma_wait3A_252 : memref<56x224xf32, #tpu.memory_space<hbm>>)
      } else {
      }
      %broadcast_in_dim3A_217 = vector.broadcast %select_n3A_205 : i32 to vector<16xi32>
      %gather3A_218 = tpu.vector_load_idx %arg7[%broadcast_in_dim3A_217] : memref<192xf32, #tpu.memory_space<vmem>>[vector<16xi32>], vector<16xf32>,
      %max3A_219 = arith.constant 2.500000e+00 : f32
      %max3A_220 = vector.broadcast %max3A_219 : f32 to vector<16xf32>
      %max3A_221 = arith.maximumf %gather3A_218, %max3A_220 : vector<16xf32>
      %min3A_222 = arith.constant 3.500000e+00 : f32
      %min3A_223 = vector.broadcast %min3A_222 : f32 to vector<16xf32>
      %min3A_224 = arith.minimumf %max3A_221, %min3A_223 : vector<16xf32>
      %neg3A_225 = arith.constant 0.000000e+00 : f32
      %neg3A_226 = vector.broadcast %neg3A_225 : f32 to vector<16xf32>
      %neg3A_227 = arith.subf %neg3A_226, %min3A_224 : vector<16xf32>
      %mul3A_228 = arith.constant 256 : i32
      %mul3A_229 = arith.muli %select_n3A_205, %mul3A_228 : i32
      %broadcast_in_dim3A_230 = vector.broadcast %mul3A_229 : i32 to vector<16xi32>
      %convert_element_type3A_231 = arith.sitofp %broadcast_in_dim3A_230 : vector<16xi32> to vector<16xf32>
      %parallel_loop3A_232 = arith.constant 0 : i32
      %parallel_loop3A_233 = arith.constant 56 : i32
      %parallel_loop3A_234 = arith.constant 1 : i32
      scf.for %parallel_loop3A_247 = %parallel_loop3A_232 to %parallel_loop3A_233 step %parallel_loop3A_234  : i32 {
        %parallel_loop3A_248 = arith.index_cast %parallel_loop3A_247 : i32 to index
        %parallel_loop3A_249 = arith.constant 0 : index
        %parallel_loop3A_250 = tpu.vector_load %arg9[%parallel_loop3A_248, %parallel_loop3A_249] {strides = array<i32>} : memref<56x224xf32, #tpu.memory_space<vmem>>, vector<16xf32>,
        %parallel_loop3A_251 = arith.maximumf %parallel_loop3A_250, %neg3A_227 : vector<16xf32>
        %parallel_loop3A_252 = arith.minimumf %parallel_loop3A_251, %min3A_224 : vector<16xf32>
        %parallel_loop3A_253 = arith.divf %parallel_loop3A_252, %min3A_224 : vector<16xf32>
        %parallel_loop3A_254 = arith.constant 1.000000e+00 : f32
        %parallel_loop3A_255 = vector.broadcast %parallel_loop3A_254 : f32 to vector<16xf32>
        %parallel_loop3A_256 = arith.addf %parallel_loop3A_253, %parallel_loop3A_255 : vector<16xf32>
        %parallel_loop3A_257 = arith.constant 1.275000e+02 : f32
        %parallel_loop3A_258 = vector.broadcast %parallel_loop3A_257 : f32 to vector<16xf32>
        %parallel_loop3A_259 = arith.mulf %parallel_loop3A_256, %parallel_loop3A_258 : vector<16xf32>
        %parallel_loop3A_260 = arith.addf %parallel_loop3A_259, %convert_element_type3A_231 : vector<16xf32>
        %parallel_loop3A_261 = arith.fptosi %parallel_loop3A_260 : vector<16xf32> to vector<16xi32>
        %parallel_loop3A_262 = arith.sitofp %parallel_loop3A_261 : vector<16xi32> to vector<16xf32>
        %parallel_loop3A_263 = arith.subf %parallel_loop3A_260, %parallel_loop3A_262 : vector<16xf32>
        %parallel_loop3A_264 = arith.constant 0.000000e+00 : f32
        %parallel_loop3A_265 = vector.broadcast %parallel_loop3A_264 : f32 to vector<16xf32>
        %parallel_loop3A_266 = arith.cmpf ogt, %parallel_loop3A_263, %parallel_loop3A_265 : vector<16xf32>
        %parallel_loop3A_267 = arith.extui %parallel_loop3A_266 : vector<16xi1> to vector<16xi32>
        %parallel_loop3A_268 = arith.addi %parallel_loop3A_261, %parallel_loop3A_267 : vector<16xi32>
        %parallel_loop3A_269 = tpu.vector_load_idx %arg6[%parallel_loop3A_261] : memref<49152xf32, #tpu.memory_space<vmem>>[vector<16xi32>], vector<16xf32>,
        %parallel_loop3A_270 = tpu.vector_load_idx %arg6[%parallel_loop3A_268] : memref<49152xf32, #tpu.memory_space<vmem>>[vector<16xi32>], vector<16xf32>,
        %parallel_loop3A_271 = arith.mulf %parallel_loop3A_263, %parallel_loop3A_269 : vector<16xf32>
        %parallel_loop3A_272 = arith.constant 1.000000e+00 : f32
        %parallel_loop3A_273 = vector.broadcast %parallel_loop3A_272 : f32 to vector<16xf32>
        %parallel_loop3A_274 = arith.subf %parallel_loop3A_273, %parallel_loop3A_263 : vector<16xf32>
        %parallel_loop3A_275 = arith.mulf %parallel_loop3A_274, %parallel_loop3A_270 : vector<16xf32>
        %parallel_loop3A_276 = arith.addf %parallel_loop3A_271, %parallel_loop3A_275 : vector<16xf32>
        %parallel_loop3A_277 = arith.index_cast %parallel_loop3A_247 : i32 to index
        %parallel_loop3A_278 = arith.constant 0 : index
        %parallel_loop3A_279 = tpu.vector_load %arg11[%parallel_loop3A_277, %parallel_loop3A_278] {strides = array<i32>} : memref<56x224xf32, #tpu.memory_space<vmem>>, vector<16xf32>,
        tpu.vector_store %arg11[%parallel_loop3A_277, %parallel_loop3A_278], %parallel_loop3A_276 {strides = array<i32>} : memref<56x224xf32, #tpu.memory_space<vmem>>, vector<16xf32>,
        %parallel_loop3A_280 = arith.index_cast %parallel_loop3A_247 : i32 to index
        %parallel_loop3A_281 = arith.constant 16 : index
        %parallel_loop3A_282 = tpu.vector_load %arg9[%parallel_loop3A_280, %parallel_loop3A_281] {strides = array<i32>} : memref<56x224xf32, #tpu.memory_space<vmem>>, vector<16xf32>,
        %parallel_loop3A_283 = arith.maximumf %parallel_loop3A_282, %neg3A_227 : vector<16xf32>
        %parallel_loop3A_284 = arith.minimumf %parallel_loop3A_283, %min3A_224 : vector<16xf32>
        %parallel_loop3A_285 = arith.divf %parallel_loop3A_284, %min3A_224 : vector<16xf32>
        %parallel_loop3A_286 = arith.constant 1.000000e+00 : f32
        %parallel_loop3A_287 = vector.broadcast %parallel_loop3A_286 : f32 to vector<16xf32>
        %parallel_loop3A_288 = arith.addf %parallel_loop3A_285, %parallel_loop3A_287 : vector<16xf32>
        %parallel_loop3A_289 = arith.constant 1.275000e+02 : f32
        %parallel_loop3A_290 = vector.broadcast %parallel_loop3A_289 : f32 to vector<16xf32>
        %parallel_loop3A_291 = arith.mulf %parallel_loop3A_288, %parallel_loop3A_290 : vector<16xf32>
        %parallel_loop3A_292 = arith.addf %parallel_loop3A_291, %convert_element_type3A_231 : vector<16xf32>
        %parallel_loop3A_293 = arith.fptosi %parallel_loop3A_292 : vector<16xf32> to vector<16xi32>
        %parallel_loop3A_294 = arith.sitofp %parallel_loop3A_293 : vector<16xi32> to vector<16xf32>
        %parallel_loop3A_295 = arith.subf %parallel_loop3A_292, %parallel_loop3A_294 : vector<16xf32>
        %parallel_loop3A_296 = arith.constant 0.000000e+00 : f32
        %parallel_loop3A_297 = vector.broadcast %parallel_loop3A_296 : f32 to vector<16xf32>
        %parallel_loop3A_298 = arith.cmpf ogt, %parallel_loop3A_295, %parallel_loop3A_297 : vector<16xf32>
        %parallel_loop3A_299 = arith.extui %parallel_loop3A_298 : vector<16xi1> to vector<16xi32>
        %parallel_loop3A_300 = arith.addi %parallel_loop3A_293, %parallel_loop3A_299 : vector<16xi32>
        %parallel_loop3A_301 = tpu.vector_load_idx %arg6[%parallel_loop3A_293] : memref<49152xf32, #tpu.memory_space<vmem>>[vector<16xi32>], vector<16xf32>,
        %parallel_loop3A_302 = tpu.vector_load_idx %arg6[%parallel_loop3A_300] : memref<49152xf32, #tpu.memory_space<vmem>>[vector<16xi32>], vector<16xf32>,
        %parallel_loop3A_303 = arith.mulf %parallel_loop3A_295, %parallel_loop3A_301 : vector<16xf32>
        %parallel_loop3A_304 = arith.constant 1.000000e+00 : f32
        %parallel_loop3A_305 = vector.broadcast %parallel_loop3A_304 : f32 to vector<16xf32>
        %parallel_loop3A_306 = arith.subf %parallel_loop3A_305, %parallel_loop3A_295 : vector<16xf32>
        %parallel_loop3A_307 = arith.mulf %parallel_loop3A_306, %parallel_loop3A_302 : vector<16xf32>
        %parallel_loop3A_308 = arith.addf %parallel_loop3A_303, %parallel_loop3A_307 : vector<16xf32>
        %parallel_loop3A_309 = arith.index_cast %parallel_loop3A_247 : i32 to index
        %parallel_loop3A_310 = arith.constant 16 : index
        %parallel_loop3A_311 = tpu.vector_load %arg11[%parallel_loop3A_309, %parallel_loop3A_310] {strides = array<i32>} : memref<56x224xf32, #tpu.memory_space<vmem>>, vector<16xf32>,
        tpu.vector_store %arg11[%parallel_loop3A_309, %parallel_loop3A_310], %parallel_loop3A_308 {strides = array<i32>} : memref<56x224xf32, #tpu.memory_space<vmem>>, vector<16xf32>,
        %parallel_loop3A_312 = arith.index_cast %parallel_loop3A_247 : i32 to index
        %parallel_loop3A_313 = arith.constant 32 : index
        %parallel_loop3A_314 = tpu.vector_load %arg9[%parallel_loop3A_312, %parallel_loop3A_313] {strides = array<i32>} : memref<56x224xf32, #tpu.memory_space<vmem>>, vector<16xf32>,
        %parallel_loop3A_315 = arith.maximumf %parallel_loop3A_314, %neg3A_227 : vector<16xf32>
        %parallel_loop3A_316 = arith.minimumf %parallel_loop3A_315, %min3A_224 : vector<16xf32>
        %parallel_loop3A_317 = arith.divf %parallel_loop3A_316, %min3A_224 : vector<16xf32>
        %parallel_loop3A_318 = arith.constant 1.000000e+00 : f32
        %parallel_loop3A_319 = vector.broadcast %parallel_loop3A_318 : f32 to vector<16xf32>
        %parallel_loop3A_320 = arith.addf %parallel_loop3A_317, %parallel_loop3A_319 : vector<16xf32>
        %parallel_loop3A_321 = arith.constant 1.275000e+02 : f32
        %parallel_loop3A_322 = vector.broadcast %parallel_loop3A_321 : f32 to vector<16xf32>
        %parallel_loop3A_323 = arith.mulf %parallel_loop3A_320, %parallel_loop3A_322 : vector<16xf32>
        %parallel_loop3A_324 = arith.addf %parallel_loop3A_323, %convert_element_type3A_231 : vector<16xf32>
        %parallel_loop3A_325 = arith.fptosi %parallel_loop3A_324 : vector<16xf32> to vector<16xi32>
        %parallel_loop3A_326 = arith.sitofp %parallel_loop3A_325 : vector<16xi32> to vector<16xf32>
        %parallel_loop3A_327 = arith.subf %parallel_loop3A_324, %parallel_loop3A_326 : vector<16xf32>
        %parallel_loop3A_328 = arith.constant 0.000000e+00 : f32
        %parallel_loop3A_329 = vector.broadcast %parallel_loop3A_328 : f32 to vector<16xf32>
        %parallel_loop3A_330 = arith.cmpf ogt, %parallel_loop3A_327, %parallel_loop3A_329 : vector<16xf32>
        %parallel_loop3A_331 = arith.extui %parallel_loop3A_330 : vector<16xi1> to vector<16xi32>
        %parallel_loop3A_332 = arith.addi %parallel_loop3A_325, %parallel_loop3A_331 : vector<16xi32>
        %parallel_loop3A_333 = tpu.vector_load_idx %arg6[%parallel_loop3A_325] : memref<49152xf32, #tpu.memory_space<vmem>>[vector<16xi32>], vector<16xf32>,
        %parallel_loop3A_334 = tpu.vector_load_idx %arg6[%parallel_loop3A_332] : memref<49152xf32, #tpu.memory_space<vmem>>[vector<16xi32>], vector<16xf32>,
        %parallel_loop3A_335 = arith.mulf %parallel_loop3A_327, %parallel_loop3A_333 : vector<16xf32>
        %parallel_loop3A_336 = arith.constant 1.000000e+00 : f32
        %parallel_loop3A_337 = vector.broadcast %parallel_loop3A_336 : f32 to vector<16xf32>
        %parallel_loop3A_338 = arith.subf %parallel_loop3A_337, %parallel_loop3A_327 : vector<16xf32>
        %parallel_loop3A_339 = arith.mulf %parallel_loop3A_338, %parallel_loop3A_334 : vector<16xf32>
        %parallel_loop3A_340 = arith.addf %parallel_loop3A_335, %parallel_loop3A_339 : vector<16xf32>
        %parallel_loop3A_341 = arith.index_cast %parallel_loop3A_247 : i32 to index
        %parallel_loop3A_342 = arith.constant 32 : index
        %parallel_loop3A_343 = tpu.vector_load %arg11[%parallel_loop3A_341, %parallel_loop3A_342] {strides = array<i32>} : memref<56x224xf32, #tpu.memory_space<vmem>>, vector<16xf32>,
        tpu.vector_store %arg11[%parallel_loop3A_341, %parallel_loop3A_342], %parallel_loop3A_340 {strides = array<i32>} : memref<56x224xf32, #tpu.memory_space<vmem>>, vector<16xf32>,
        %parallel_loop3A_344 = arith.index_cast %parallel_loop3A_247 : i32 to index
        %parallel_loop3A_345 = arith.constant 48 : index
        %parallel_loop3A_346 = tpu.vector_load %arg9[%parallel_loop3A_344, %parallel_loop3A_345] {strides = array<i32>} : memref<56x224xf32, #tpu.memory_space<vmem>>, vector<16xf32>,
        %parallel_loop3A_347 = arith.maximumf %parallel_loop3A_346, %neg3A_227 : vector<16xf32>
        %parallel_loop3A_348 = arith.minimumf %parallel_loop3A_347, %min3A_224 : vector<16xf32>
        %parallel_loop3A_349 = arith.divf %parallel_loop3A_348, %min3A_224 : vector<16xf32>
        %parallel_loop3A_350 = arith.constant 1.000000e+00 : f32
        %parallel_loop3A_351 = vector.broadcast %parallel_loop3A_350 : f32 to vector<16xf32>
        %parallel_loop3A_352 = arith.addf %parallel_loop3A_349, %parallel_loop3A_351 : vector<16xf32>
        %parallel_loop3A_353 = arith.constant 1.275000e+02 : f32
        %parallel_loop3A_354 = vector.broadcast %parallel_loop3A_353 : f32 to vector<16xf32>
        %parallel_loop3A_355 = arith.mulf %parallel_loop3A_352, %parallel_loop3A_354 : vector<16xf32>
        %parallel_loop3A_356 = arith.addf %parallel_loop3A_355, %convert_element_type3A_231 : vector<16xf32>
        %parallel_loop3A_357 = arith.fptosi %parallel_loop3A_356 : vector<16xf32> to vector<16xi32>
        %parallel_loop3A_358 = arith.sitofp %parallel_loop3A_357 : vector<16xi32> to vector<16xf32>
        %parallel_loop3A_359 = arith.subf %parallel_loop3A_356, %parallel_loop3A_358 : vector<16xf32>
        %parallel_loop3A_360 = arith.constant 0.000000e+00 : f32
        %parallel_loop3A_361 = vector.broadcast %parallel_loop3A_360 : f32 to vector<16xf32>
        %parallel_loop3A_362 = arith.cmpf ogt, %parallel_loop3A_359, %parallel_loop3A_361 : vector<16xf32>
        %parallel_loop3A_363 = arith.extui %parallel_loop3A_362 : vector<16xi1> to vector<16xi32>
        %parallel_loop3A_364 = arith.addi %parallel_loop3A_357, %parallel_loop3A_363 : vector<16xi32>
        %parallel_loop3A_365 = tpu.vector_load_idx %arg6[%parallel_loop3A_357] : memref<49152xf32, #tpu.memory_space<vmem>>[vector<16xi32>], vector<16xf32>,
        %parallel_loop3A_366 = tpu.vector_load_idx %arg6[%parallel_loop3A_364] : memref<49152xf32, #tpu.memory_space<vmem>>[vector<16xi32>], vector<16xf32>,
        %parallel_loop3A_367 = arith.mulf %parallel_loop3A_359, %parallel_loop3A_365 : vector<16xf32>
        %parallel_loop3A_368 = arith.constant 1.000000e+00 : f32
        %parallel_loop3A_369 = vector.broadcast %parallel_loop3A_368 : f32 to vector<16xf32>
        %parallel_loop3A_370 = arith.subf %parallel_loop3A_369, %parallel_loop3A_359 : vector<16xf32>
        %parallel_loop3A_371 = arith.mulf %parallel_loop3A_370, %parallel_loop3A_366 : vector<16xf32>
        %parallel_loop3A_372 = arith.addf %parallel_loop3A_367, %parallel_loop3A_371 : vector<16xf32>
        %parallel_loop3A_373 = arith.index_cast %parallel_loop3A_247 : i32 to index
        %parallel_loop3A_374 = arith.constant 48 : index
        %parallel_loop3A_375 = tpu.vector_load %arg11[%parallel_loop3A_373, %parallel_loop3A_374] {strides = array<i32>} : memref<56x224xf32, #tpu.memory_space<vmem>>, vector<16xf32>,
        tpu.vector_store %arg11[%parallel_loop3A_373, %parallel_loop3A_374], %parallel_loop3A_372 {strides = array<i32>} : memref<56x224xf32, #tpu.memory_space<vmem>>, vector<16xf32>,
        %parallel_loop3A_376 = arith.index_cast %parallel_loop3A_247 : i32 to index
        %parallel_loop3A_377 = arith.constant 64 : index
        %parallel_loop3A_378 = tpu.vector_load %arg9[%parallel_loop3A_376, %parallel_loop3A_377] {strides = array<i32>} : memref<56x224xf32, #tpu.memory_space<vmem>>, vector<16xf32>,
        %parallel_loop3A_379 = arith.maximumf %parallel_loop3A_378, %neg3A_227 : vector<16xf32>
        %parallel_loop3A_380 = arith.minimumf %parallel_loop3A_379, %min3A_224 : vector<16xf32>
        %parallel_loop3A_381 = arith.divf %parallel_loop3A_380, %min3A_224 : vector<16xf32>
        %parallel_loop3A_382 = arith.constant 1.000000e+00 : f32
        %parallel_loop3A_383 = vector.broadcast %parallel_loop3A_382 : f32 to vector<16xf32>
        %parallel_loop3A_384 = arith.addf %parallel_loop3A_381, %parallel_loop3A_383 : vector<16xf32>
        %parallel_loop3A_385 = arith.constant 1.275000e+02 : f32
        %parallel_loop3A_386 = vector.broadcast %parallel_loop3A_385 : f32 to vector<16xf32>
        %parallel_loop3A_387 = arith.mulf %parallel_loop3A_384, %parallel_loop3A_386 : vector<16xf32>
        %parallel_loop3A_388 = arith.addf %parallel_loop3A_387, %convert_element_type3A_231 : vector<16xf32>
        %parallel_loop3A_389 = arith.fptosi %parallel_loop3A_388 : vector<16xf32> to vector<16xi32>
        %parallel_loop3A_390 = arith.sitofp %parallel_loop3A_389 : vector<16xi32> to vector<16xf32>
        %parallel_loop3A_391 = arith.subf %parallel_loop3A_388, %parallel_loop3A_390 : vector<16xf32>
        %parallel_loop3A_392 = arith.constant 0.000000e+00 : f32
        %parallel_loop3A_393 = vector.broadcast %parallel_loop3A_392 : f32 to vector<16xf32>
        %parallel_loop3A_394 = arith.cmpf ogt, %parallel_loop3A_391, %parallel_loop3A_393 : vector<16xf32>
        %parallel_loop3A_395 = arith.extui %parallel_loop3A_394 : vector<16xi1> to vector<16xi32>
        %parallel_loop3A_396 = arith.addi %parallel_loop3A_389, %parallel_loop3A_395 : vector<16xi32>
        %parallel_loop3A_397 = tpu.vector_load_idx %arg6[%parallel_loop3A_389] : memref<49152xf32, #tpu.memory_space<vmem>>[vector<16xi32>], vector<16xf32>,
        %parallel_loop3A_398 = tpu.vector_load_idx %arg6[%parallel_loop3A_396] : memref<49152xf32, #tpu.memory_space<vmem>>[vector<16xi32>], vector<16xf32>,
        %parallel_loop3A_399 = arith.mulf %parallel_loop3A_391, %parallel_loop3A_397 : vector<16xf32>
        %parallel_loop3A_400 = arith.constant 1.000000e+00 : f32
        %parallel_loop3A_401 = vector.broadcast %parallel_loop3A_400 : f32 to vector<16xf32>
        %parallel_loop3A_402 = arith.subf %parallel_loop3A_401, %parallel_loop3A_391 : vector<16xf32>
        %parallel_loop3A_403 = arith.mulf %parallel_loop3A_402, %parallel_loop3A_398 : vector<16xf32>
        %parallel_loop3A_404 = arith.addf %parallel_loop3A_399, %parallel_loop3A_403 : vector<16xf32>
        %parallel_loop3A_405 = arith.index_cast %parallel_loop3A_247 : i32 to index
        %parallel_loop3A_406 = arith.constant 64 : index
        %parallel_loop3A_407 = tpu.vector_load %arg11[%parallel_loop3A_405, %parallel_loop3A_406] {strides = array<i32>} : memref<56x224xf32, #tpu.memory_space<vmem>>, vector<16xf32>,
        tpu.vector_store %arg11[%parallel_loop3A_405, %parallel_loop3A_406], %parallel_loop3A_404 {strides = array<i32>} : memref<56x224xf32, #tpu.memory_space<vmem>>, vector<16xf32>,
        %parallel_loop3A_408 = arith.index_cast %parallel_loop3A_247 : i32 to index
        %parallel_loop3A_409 = arith.constant 80 : index
        %parallel_loop3A_410 = tpu.vector_load %arg9[%parallel_loop3A_408, %parallel_loop3A_409] {strides = array<i32>} : memref<56x224xf32, #tpu.memory_space<vmem>>, vector<16xf32>,
        %parallel_loop3A_411 = arith.maximumf %parallel_loop3A_410, %neg3A_227 : vector<16xf32>
        %parallel_loop3A_412 = arith.minimumf %parallel_loop3A_411, %min3A_224 : vector<16xf32>
        %parallel_loop3A_413 = arith.divf %parallel_loop3A_412, %min3A_224 : vector<16xf32>
        %parallel_loop3A_414 = arith.constant 1.000000e+00 : f32
        %parallel_loop3A_415 = vector.broadcast %parallel_loop3A_414 : f32 to vector<16xf32>
        %parallel_loop3A_416 = arith.addf %parallel_loop3A_413, %parallel_loop3A_415 : vector<16xf32>
        %parallel_loop3A_417 = arith.constant 1.275000e+02 : f32
        %parallel_loop3A_418 = vector.broadcast %parallel_loop3A_417 : f32 to vector<16xf32>
        %parallel_loop3A_419 = arith.mulf %parallel_loop3A_416, %parallel_loop3A_418 : vector<16xf32>
        %parallel_loop3A_420 = arith.addf %parallel_loop3A_419, %convert_element_type3A_231 : vector<16xf32>
        %parallel_loop3A_421 = arith.fptosi %parallel_loop3A_420 : vector<16xf32> to vector<16xi32>
        %parallel_loop3A_422 = arith.sitofp %parallel_loop3A_421 : vector<16xi32> to vector<16xf32>
        %parallel_loop3A_423 = arith.subf %parallel_loop3A_420, %parallel_loop3A_422 : vector<16xf32>
        %parallel_loop3A_424 = arith.constant 0.000000e+00 : f32
        %parallel_loop3A_425 = vector.broadcast %parallel_loop3A_424 : f32 to vector<16xf32>
        %parallel_loop3A_426 = arith.cmpf ogt, %parallel_loop3A_423, %parallel_loop3A_425 : vector<16xf32>
        %parallel_loop3A_427 = arith.extui %parallel_loop3A_426 : vector<16xi1> to vector<16xi32>
        %parallel_loop3A_428 = arith.addi %parallel_loop3A_421, %parallel_loop3A_427 : vector<16xi32>
        %parallel_loop3A_429 = tpu.vector_load_idx %arg6[%parallel_loop3A_421] : memref<49152xf32, #tpu.memory_space<vmem>>[vector<16xi32>], vector<16xf32>,
        %parallel_loop3A_430 = tpu.vector_load_idx %arg6[%parallel_loop3A_428] : memref<49152xf32, #tpu.memory_space<vmem>>[vector<16xi32>], vector<16xf32>,
        %parallel_loop3A_431 = arith.mulf %parallel_loop3A_423, %parallel_loop3A_429 : vector<16xf32>
        %parallel_loop3A_432 = arith.constant 1.000000e+00 : f32
        %parallel_loop3A_433 = vector.broadcast %parallel_loop3A_432 : f32 to vector<16xf32>
        %parallel_loop3A_434 = arith.subf %parallel_loop3A_433, %parallel_loop3A_423 : vector<16xf32>
        %parallel_loop3A_435 = arith.mulf %parallel_loop3A_434, %parallel_loop3A_430 : vector<16xf32>
        %parallel_loop3A_436 = arith.addf %parallel_loop3A_431, %parallel_loop3A_435 : vector<16xf32>
        %parallel_loop3A_437 = arith.index_cast %parallel_loop3A_247 : i32 to index
        %parallel_loop3A_438 = arith.constant 80 : index
        %parallel_loop3A_439 = tpu.vector_load %arg11[%parallel_loop3A_437, %parallel_loop3A_438] {strides = array<i32>} : memref<56x224xf32, #tpu.memory_space<vmem>>, vector<16xf32>,
        tpu.vector_store %arg11[%parallel_loop3A_437, %parallel_loop3A_438], %parallel_loop3A_436 {strides = array<i32>} : memref<56x224xf32, #tpu.memory_space<vmem>>, vector<16xf32>,
        %parallel_loop3A_440 = arith.index_cast %parallel_loop3A_247 : i32 to index
        %parallel_loop3A_441 = arith.constant 96 : index
        %parallel_loop3A_442 = tpu.vector_load %arg9[%parallel_loop3A_440, %parallel_loop3A_441] {strides = array<i32>} : memref<56x224xf32, #tpu.memory_space<vmem>>, vector<16xf32>,
        %parallel_loop3A_443 = arith.maximumf %parallel_loop3A_442, %neg3A_227 : vector<16xf32>
        %parallel_loop3A_444 = arith.minimumf %parallel_loop3A_443, %min3A_224 : vector<16xf32>
        %parallel_loop3A_445 = arith.divf %parallel_loop3A_444, %min3A_224 : vector<16xf32>
        %parallel_loop3A_446 = arith.constant 1.000000e+00 : f32
        %parallel_loop3A_447 = vector.broadcast %parallel_loop3A_446 : f32 to vector<16xf32>
        %parallel_loop3A_448 = arith.addf %parallel_loop3A_445, %parallel_loop3A_447 : vector<16xf32>
        %parallel_loop3A_449 = arith.constant 1.275000e+02 : f32
        %parallel_loop3A_450 = vector.broadcast %parallel_loop3A_449 : f32 to vector<16xf32>
        %parallel_loop3A_451 = arith.mulf %parallel_loop3A_448, %parallel_loop3A_450 : vector<16xf32>
        %parallel_loop3A_452 = arith.addf %parallel_loop3A_451, %convert_element_type3A_231 : vector<16xf32>
        %parallel_loop3A_453 = arith.fptosi %parallel_loop3A_452 : vector<16xf32> to vector<16xi32>
        %parallel_loop3A_454 = arith.sitofp %parallel_loop3A_453 : vector<16xi32> to vector<16xf32>
        %parallel_loop3A_455 = arith.subf %parallel_loop3A_452, %parallel_loop3A_454 : vector<16xf32>
        %parallel_loop3A_456 = arith.constant 0.000000e+00 : f32
        %parallel_loop3A_457 = vector.broadcast %parallel_loop3A_456 : f32 to vector<16xf32>
        %parallel_loop3A_458 = arith.cmpf ogt, %parallel_loop3A_455, %parallel_loop3A_457 : vector<16xf32>
        %parallel_loop3A_459 = arith.extui %parallel_loop3A_458 : vector<16xi1> to vector<16xi32>
        %parallel_loop3A_460 = arith.addi %parallel_loop3A_453, %parallel_loop3A_459 : vector<16xi32>
        %parallel_loop3A_461 = tpu.vector_load_idx %arg6[%parallel_loop3A_453] : memref<49152xf32, #tpu.memory_space<vmem>>[vector<16xi32>], vector<16xf32>,
        %parallel_loop3A_462 = tpu.vector_load_idx %arg6[%parallel_loop3A_460] : memref<49152xf32, #tpu.memory_space<vmem>>[vector<16xi32>], vector<16xf32>,
        %parallel_loop3A_463 = arith.mulf %parallel_loop3A_455, %parallel_loop3A_461 : vector<16xf32>
        %parallel_loop3A_464 = arith.constant 1.000000e+00 : f32
        %parallel_loop3A_465 = vector.broadcast %parallel_loop3A_464 : f32 to vector<16xf32>
        %parallel_loop3A_466 = arith.subf %parallel_loop3A_465, %parallel_loop3A_455 : vector<16xf32>
        %parallel_loop3A_467 = arith.mulf %parallel_loop3A_466, %parallel_loop3A_462 : vector<16xf32>
        %parallel_loop3A_468 = arith.addf %parallel_loop3A_463, %parallel_loop3A_467 : vector<16xf32>
        %parallel_loop3A_469 = arith.index_cast %parallel_loop3A_247 : i32 to index
        %parallel_loop3A_470 = arith.constant 96 : index
        %parallel_loop3A_471 = tpu.vector_load %arg11[%parallel_loop3A_469, %parallel_loop3A_470] {strides = array<i32>} : memref<56x224xf32, #tpu.memory_space<vmem>>, vector<16xf32>,
        tpu.vector_store %arg11[%parallel_loop3A_469, %parallel_loop3A_470], %parallel_loop3A_468 {strides = array<i32>} : memref<56x224xf32, #tpu.memory_space<vmem>>, vector<16xf32>,
        %parallel_loop3A_472 = arith.index_cast %parallel_loop3A_247 : i32 to index
        %parallel_loop3A_473 = arith.constant 112 : index
        %parallel_loop3A_474 = tpu.vector_load %arg9[%parallel_loop3A_472, %parallel_loop3A_473] {strides = array<i32>} : memref<56x224xf32, #tpu.memory_space<vmem>>, vector<16xf32>,
        %parallel_loop3A_475 = arith.maximumf %parallel_loop3A_474, %neg3A_227 : vector<16xf32>
        %parallel_loop3A_476 = arith.minimumf %parallel_loop3A_475, %min3A_224 : vector<16xf32>
        %parallel_loop3A_477 = arith.divf %parallel_loop3A_476, %min3A_224 : vector<16xf32>
        %parallel_loop3A_478 = arith.constant 1.000000e+00 : f32
        %parallel_loop3A_479 = vector.broadcast %parallel_loop3A_478 : f32 to vector<16xf32>
        %parallel_loop3A_480 = arith.addf %parallel_loop3A_477, %parallel_loop3A_479 : vector<16xf32>
        %parallel_loop3A_481 = arith.constant 1.275000e+02 : f32
        %parallel_loop3A_482 = vector.broadcast %parallel_loop3A_481 : f32 to vector<16xf32>
        %parallel_loop3A_483 = arith.mulf %parallel_loop3A_480, %parallel_loop3A_482 : vector<16xf32>
        %parallel_loop3A_484 = arith.addf %parallel_loop3A_483, %convert_element_type3A_231 : vector<16xf32>
        %parallel_loop3A_485 = arith.fptosi %parallel_loop3A_484 : vector<16xf32> to vector<16xi32>
        %parallel_loop3A_486 = arith.sitofp %parallel_loop3A_485 : vector<16xi32> to vector<16xf32>
        %parallel_loop3A_487 = arith.subf %parallel_loop3A_484, %parallel_loop3A_486 : vector<16xf32>
        %parallel_loop3A_488 = arith.constant 0.000000e+00 : f32
        %parallel_loop3A_489 = vector.broadcast %parallel_loop3A_488 : f32 to vector<16xf32>
        %parallel_loop3A_490 = arith.cmpf ogt, %parallel_loop3A_487, %parallel_loop3A_489 : vector<16xf32>
        %parallel_loop3A_491 = arith.extui %parallel_loop3A_490 : vector<16xi1> to vector<16xi32>
        %parallel_loop3A_492 = arith.addi %parallel_loop3A_485, %parallel_loop3A_491 : vector<16xi32>
        %parallel_loop3A_493 = tpu.vector_load_idx %arg6[%parallel_loop3A_485] : memref<49152xf32, #tpu.memory_space<vmem>>[vector<16xi32>], vector<16xf32>,
        %parallel_loop3A_494 = tpu.vector_load_idx %arg6[%parallel_loop3A_492] : memref<49152xf32, #tpu.memory_space<vmem>>[vector<16xi32>], vector<16xf32>,
        %parallel_loop3A_495 = arith.mulf %parallel_loop3A_487, %parallel_loop3A_493 : vector<16xf32>
        %parallel_loop3A_496 = arith.constant 1.000000e+00 : f32
        %parallel_loop3A_497 = vector.broadcast %parallel_loop3A_496 : f32 to vector<16xf32>
        %parallel_loop3A_498 = arith.subf %parallel_loop3A_497, %parallel_loop3A_487 : vector<16xf32>
        %parallel_loop3A_499 = arith.mulf %parallel_loop3A_498, %parallel_loop3A_494 : vector<16xf32>
        %parallel_loop3A_500 = arith.addf %parallel_loop3A_495, %parallel_loop3A_499 : vector<16xf32>
        %parallel_loop3A_501 = arith.index_cast %parallel_loop3A_247 : i32 to index
        %parallel_loop3A_502 = arith.constant 112 : index
        %parallel_loop3A_503 = tpu.vector_load %arg11[%parallel_loop3A_501, %parallel_loop3A_502] {strides = array<i32>} : memref<56x224xf32, #tpu.memory_space<vmem>>, vector<16xf32>,
        tpu.vector_store %arg11[%parallel_loop3A_501, %parallel_loop3A_502], %parallel_loop3A_500 {strides = array<i32>} : memref<56x224xf32, #tpu.memory_space<vmem>>, vector<16xf32>,
        %parallel_loop3A_504 = arith.index_cast %parallel_loop3A_247 : i32 to index
        %parallel_loop3A_505 = arith.constant 128 : index
        %parallel_loop3A_506 = tpu.vector_load %arg9[%parallel_loop3A_504, %parallel_loop3A_505] {strides = array<i32>} : memref<56x224xf32, #tpu.memory_space<vmem>>, vector<16xf32>,
        %parallel_loop3A_507 = arith.maximumf %parallel_loop3A_506, %neg3A_227 : vector<16xf32>
        %parallel_loop3A_508 = arith.minimumf %parallel_loop3A_507, %min3A_224 : vector<16xf32>
        %parallel_loop3A_509 = arith.divf %parallel_loop3A_508, %min3A_224 : vector<16xf32>
        %parallel_loop3A_510 = arith.constant 1.000000e+00 : f32
        %parallel_loop3A_511 = vector.broadcast %parallel_loop3A_510 : f32 to vector<16xf32>
        %parallel_loop3A_512 = arith.addf %parallel_loop3A_509, %parallel_loop3A_511 : vector<16xf32>
        %parallel_loop3A_513 = arith.constant 1.275000e+02 : f32
        %parallel_loop3A_514 = vector.broadcast %parallel_loop3A_513 : f32 to vector<16xf32>
        %parallel_loop3A_515 = arith.mulf %parallel_loop3A_512, %parallel_loop3A_514 : vector<16xf32>
        %parallel_loop3A_516 = arith.addf %parallel_loop3A_515, %convert_element_type3A_231 : vector<16xf32>
        %parallel_loop3A_517 = arith.fptosi %parallel_loop3A_516 : vector<16xf32> to vector<16xi32>
        %parallel_loop3A_518 = arith.sitofp %parallel_loop3A_517 : vector<16xi32> to vector<16xf32>
        %parallel_loop3A_519 = arith.subf %parallel_loop3A_516, %parallel_loop3A_518 : vector<16xf32>
        %parallel_loop3A_520 = arith.constant 0.000000e+00 : f32
        %parallel_loop3A_521 = vector.broadcast %parallel_loop3A_520 : f32 to vector<16xf32>
        %parallel_loop3A_522 = arith.cmpf ogt, %parallel_loop3A_519, %parallel_loop3A_521 : vector<16xf32>
        %parallel_loop3A_523 = arith.extui %parallel_loop3A_522 : vector<16xi1> to vector<16xi32>
        %parallel_loop3A_524 = arith.addi %parallel_loop3A_517, %parallel_loop3A_523 : vector<16xi32>
        %parallel_loop3A_525 = tpu.vector_load_idx %arg6[%parallel_loop3A_517] : memref<49152xf32, #tpu.memory_space<vmem>>[vector<16xi32>], vector<16xf32>,
        %parallel_loop3A_526 = tpu.vector_load_idx %arg6[%parallel_loop3A_524] : memref<49152xf32, #tpu.memory_space<vmem>>[vector<16xi32>], vector<16xf32>,
        %parallel_loop3A_527 = arith.mulf %parallel_loop3A_519, %parallel_loop3A_525 : vector<16xf32>
        %parallel_loop3A_528 = arith.constant 1.000000e+00 : f32
        %parallel_loop3A_529 = vector.broadcast %parallel_loop3A_528 : f32 to vector<16xf32>
        %parallel_loop3A_530 = arith.subf %parallel_loop3A_529, %parallel_loop3A_519 : vector<16xf32>
        %parallel_loop3A_531 = arith.mulf %parallel_loop3A_530, %parallel_loop3A_526 : vector<16xf32>
        %parallel_loop3A_532 = arith.addf %parallel_loop3A_527, %parallel_loop3A_531 : vector<16xf32>
        %parallel_loop3A_533 = arith.index_cast %parallel_loop3A_247 : i32 to index
        %parallel_loop3A_534 = arith.constant 128 : index
        %parallel_loop3A_535 = tpu.vector_load %arg11[%parallel_loop3A_533, %parallel_loop3A_534] {strides = array<i32>} : memref<56x224xf32, #tpu.memory_space<vmem>>, vector<16xf32>,
        tpu.vector_store %arg11[%parallel_loop3A_533, %parallel_loop3A_534], %parallel_loop3A_532 {strides = array<i32>} : memref<56x224xf32, #tpu.memory_space<vmem>>, vector<16xf32>,
        %parallel_loop3A_536 = arith.index_cast %parallel_loop3A_247 : i32 to index
        %parallel_loop3A_537 = arith.constant 144 : index
        %parallel_loop3A_538 = tpu.vector_load %arg9[%parallel_loop3A_536, %parallel_loop3A_537] {strides = array<i32>} : memref<56x224xf32, #tpu.memory_space<vmem>>, vector<16xf32>,
        %parallel_loop3A_539 = arith.maximumf %parallel_loop3A_538, %neg3A_227 : vector<16xf32>
        %parallel_loop3A_540 = arith.minimumf %parallel_loop3A_539, %min3A_224 : vector<16xf32>
        %parallel_loop3A_541 = arith.divf %parallel_loop3A_540, %min3A_224 : vector<16xf32>
        %parallel_loop3A_542 = arith.constant 1.000000e+00 : f32
        %parallel_loop3A_543 = vector.broadcast %parallel_loop3A_542 : f32 to vector<16xf32>
        %parallel_loop3A_544 = arith.addf %parallel_loop3A_541, %parallel_loop3A_543 : vector<16xf32>
        %parallel_loop3A_545 = arith.constant 1.275000e+02 : f32
        %parallel_loop3A_546 = vector.broadcast %parallel_loop3A_545 : f32 to vector<16xf32>
        %parallel_loop3A_547 = arith.mulf %parallel_loop3A_544, %parallel_loop3A_546 : vector<16xf32>
        %parallel_loop3A_548 = arith.addf %parallel_loop3A_547, %convert_element_type3A_231 : vector<16xf32>
        %parallel_loop3A_549 = arith.fptosi %parallel_loop3A_548 : vector<16xf32> to vector<16xi32>
        %parallel_loop3A_550 = arith.sitofp %parallel_loop3A_549 : vector<16xi32> to vector<16xf32>
        %parallel_loop3A_551 = arith.subf %parallel_loop3A_548, %parallel_loop3A_550 : vector<16xf32>
        %parallel_loop3A_552 = arith.constant 0.000000e+00 : f32
        %parallel_loop3A_553 = vector.broadcast %parallel_loop3A_552 : f32 to vector<16xf32>
        %parallel_loop3A_554 = arith.cmpf ogt, %parallel_loop3A_551, %parallel_loop3A_553 : vector<16xf32>
        %parallel_loop3A_555 = arith.extui %parallel_loop3A_554 : vector<16xi1> to vector<16xi32>
        %parallel_loop3A_556 = arith.addi %parallel_loop3A_549, %parallel_loop3A_555 : vector<16xi32>
        %parallel_loop3A_557 = tpu.vector_load_idx %arg6[%parallel_loop3A_549] : memref<49152xf32, #tpu.memory_space<vmem>>[vector<16xi32>], vector<16xf32>,
        %parallel_loop3A_558 = tpu.vector_load_idx %arg6[%parallel_loop3A_556] : memref<49152xf32, #tpu.memory_space<vmem>>[vector<16xi32>], vector<16xf32>,
        %parallel_loop3A_559 = arith.mulf %parallel_loop3A_551, %parallel_loop3A_557 : vector<16xf32>
        %parallel_loop3A_560 = arith.constant 1.000000e+00 : f32
        %parallel_loop3A_561 = vector.broadcast %parallel_loop3A_560 : f32 to vector<16xf32>
        %parallel_loop3A_562 = arith.subf %parallel_loop3A_561, %parallel_loop3A_551 : vector<16xf32>
        %parallel_loop3A_563 = arith.mulf %parallel_loop3A_562, %parallel_loop3A_558 : vector<16xf32>
        %parallel_loop3A_564 = arith.addf %parallel_loop3A_559, %parallel_loop3A_563 : vector<16xf32>
        %parallel_loop3A_565 = arith.index_cast %parallel_loop3A_247 : i32 to index
        %parallel_loop3A_566 = arith.constant 144 : index
        %parallel_loop3A_567 = tpu.vector_load %arg11[%parallel_loop3A_565, %parallel_loop3A_566] {strides = array<i32>} : memref<56x224xf32, #tpu.memory_space<vmem>>, vector<16xf32>,
        tpu.vector_store %arg11[%parallel_loop3A_565, %parallel_loop3A_566], %parallel_loop3A_564 {strides = array<i32>} : memref<56x224xf32, #tpu.memory_space<vmem>>, vector<16xf32>,
        %parallel_loop3A_568 = arith.index_cast %parallel_loop3A_247 : i32 to index
        %parallel_loop3A_569 = arith.constant 160 : index
        %parallel_loop3A_570 = tpu.vector_load %arg9[%parallel_loop3A_568, %parallel_loop3A_569] {strides = array<i32>} : memref<56x224xf32, #tpu.memory_space<vmem>>, vector<16xf32>,
        %parallel_loop3A_571 = arith.maximumf %parallel_loop3A_570, %neg3A_227 : vector<16xf32>
        %parallel_loop3A_572 = arith.minimumf %parallel_loop3A_571, %min3A_224 : vector<16xf32>
        %parallel_loop3A_573 = arith.divf %parallel_loop3A_572, %min3A_224 : vector<16xf32>
        %parallel_loop3A_574 = arith.constant 1.000000e+00 : f32
        %parallel_loop3A_575 = vector.broadcast %parallel_loop3A_574 : f32 to vector<16xf32>
        %parallel_loop3A_576 = arith.addf %parallel_loop3A_573, %parallel_loop3A_575 : vector<16xf32>
        %parallel_loop3A_577 = arith.constant 1.275000e+02 : f32
        %parallel_loop3A_578 = vector.broadcast %parallel_loop3A_577 : f32 to vector<16xf32>
        %parallel_loop3A_579 = arith.mulf %parallel_loop3A_576, %parallel_loop3A_578 : vector<16xf32>
        %parallel_loop3A_580 = arith.addf %parallel_loop3A_579, %convert_element_type3A_231 : vector<16xf32>
        %parallel_loop3A_581 = arith.fptosi %parallel_loop3A_580 : vector<16xf32> to vector<16xi32>
        %parallel_loop3A_582 = arith.sitofp %parallel_loop3A_581 : vector<16xi32> to vector<16xf32>
        %parallel_loop3A_583 = arith.subf %parallel_loop3A_580, %parallel_loop3A_582 : vector<16xf32>
        %parallel_loop3A_584 = arith.constant 0.000000e+00 : f32
        %parallel_loop3A_585 = vector.broadcast %parallel_loop3A_584 : f32 to vector<16xf32>
        %parallel_loop3A_586 = arith.cmpf ogt, %parallel_loop3A_583, %parallel_loop3A_585 : vector<16xf32>
        %parallel_loop3A_587 = arith.extui %parallel_loop3A_586 : vector<16xi1> to vector<16xi32>
        %parallel_loop3A_588 = arith.addi %parallel_loop3A_581, %parallel_loop3A_587 : vector<16xi32>
        %parallel_loop3A_589 = tpu.vector_load_idx %arg6[%parallel_loop3A_581] : memref<49152xf32, #tpu.memory_space<vmem>>[vector<16xi32>], vector<16xf32>,
        %parallel_loop3A_590 = tpu.vector_load_idx %arg6[%parallel_loop3A_588] : memref<49152xf32, #tpu.memory_space<vmem>>[vector<16xi32>], vector<16xf32>,
        %parallel_loop3A_591 = arith.mulf %parallel_loop3A_583, %parallel_loop3A_589 : vector<16xf32>
        %parallel_loop3A_592 = arith.constant 1.000000e+00 : f32
        %parallel_loop3A_593 = vector.broadcast %parallel_loop3A_592 : f32 to vector<16xf32>
        %parallel_loop3A_594 = arith.subf %parallel_loop3A_593, %parallel_loop3A_583 : vector<16xf32>
        %parallel_loop3A_595 = arith.mulf %parallel_loop3A_594, %parallel_loop3A_590 : vector<16xf32>
        %parallel_loop3A_596 = arith.addf %parallel_loop3A_591, %parallel_loop3A_595 : vector<16xf32>
        %parallel_loop3A_597 = arith.index_cast %parallel_loop3A_247 : i32 to index
        %parallel_loop3A_598 = arith.constant 160 : index
        %parallel_loop3A_599 = tpu.vector_load %arg11[%parallel_loop3A_597, %parallel_loop3A_598] {strides = array<i32>} : memref<56x224xf32, #tpu.memory_space<vmem>>, vector<16xf32>,
        tpu.vector_store %arg11[%parallel_loop3A_597, %parallel_loop3A_598], %parallel_loop3A_596 {strides = array<i32>} : memref<56x224xf32, #tpu.memory_space<vmem>>, vector<16xf32>,
        %parallel_loop3A_600 = arith.index_cast %parallel_loop3A_247 : i32 to index
        %parallel_loop3A_601 = arith.constant 176 : index
        %parallel_loop3A_602 = tpu.vector_load %arg9[%parallel_loop3A_600, %parallel_loop3A_601] {strides = array<i32>} : memref<56x224xf32, #tpu.memory_space<vmem>>, vector<16xf32>,
        %parallel_loop3A_603 = arith.maximumf %parallel_loop3A_602, %neg3A_227 : vector<16xf32>
        %parallel_loop3A_604 = arith.minimumf %parallel_loop3A_603, %min3A_224 : vector<16xf32>
        %parallel_loop3A_605 = arith.divf %parallel_loop3A_604, %min3A_224 : vector<16xf32>
        %parallel_loop3A_606 = arith.constant 1.000000e+00 : f32
        %parallel_loop3A_607 = vector.broadcast %parallel_loop3A_606 : f32 to vector<16xf32>
        %parallel_loop3A_608 = arith.addf %parallel_loop3A_605, %parallel_loop3A_607 : vector<16xf32>
        %parallel_loop3A_609 = arith.constant 1.275000e+02 : f32
        %parallel_loop3A_610 = vector.broadcast %parallel_loop3A_609 : f32 to vector<16xf32>
        %parallel_loop3A_611 = arith.mulf %parallel_loop3A_608, %parallel_loop3A_610 : vector<16xf32>
        %parallel_loop3A_612 = arith.addf %parallel_loop3A_611, %convert_element_type3A_231 : vector<16xf32>
        %parallel_loop3A_613 = arith.fptosi %parallel_loop3A_612 : vector<16xf32> to vector<16xi32>
        %parallel_loop3A_614 = arith.sitofp %parallel_loop3A_613 : vector<16xi32> to vector<16xf32>
        %parallel_loop3A_615 = arith.subf %parallel_loop3A_612, %parallel_loop3A_614 : vector<16xf32>
        %parallel_loop3A_616 = arith.constant 0.000000e+00 : f32
        %parallel_loop3A_617 = vector.broadcast %parallel_loop3A_616 : f32 to vector<16xf32>
        %parallel_loop3A_618 = arith.cmpf ogt, %parallel_loop3A_615, %parallel_loop3A_617 : vector<16xf32>
        %parallel_loop3A_619 = arith.extui %parallel_loop3A_618 : vector<16xi1> to vector<16xi32>
        %parallel_loop3A_620 = arith.addi %parallel_loop3A_613, %parallel_loop3A_619 : vector<16xi32>
        %parallel_loop3A_621 = tpu.vector_load_idx %arg6[%parallel_loop3A_613] : memref<49152xf32, #tpu.memory_space<vmem>>[vector<16xi32>], vector<16xf32>,
        %parallel_loop3A_622 = tpu.vector_load_idx %arg6[%parallel_loop3A_620] : memref<49152xf32, #tpu.memory_space<vmem>>[vector<16xi32>], vector<16xf32>,
        %parallel_loop3A_623 = arith.mulf %parallel_loop3A_615, %parallel_loop3A_621 : vector<16xf32>
        %parallel_loop3A_624 = arith.constant 1.000000e+00 : f32
        %parallel_loop3A_625 = vector.broadcast %parallel_loop3A_624 : f32 to vector<16xf32>
        %parallel_loop3A_626 = arith.subf %parallel_loop3A_625, %parallel_loop3A_615 : vector<16xf32>
        %parallel_loop3A_627 = arith.mulf %parallel_loop3A_626, %parallel_loop3A_622 : vector<16xf32>
        %parallel_loop3A_628 = arith.addf %parallel_loop3A_623, %parallel_loop3A_627 : vector<16xf32>
        %parallel_loop3A_629 = arith.index_cast %parallel_loop3A_247 : i32 to index
        %parallel_loop3A_630 = arith.constant 176 : index
        %parallel_loop3A_631 = tpu.vector_load %arg11[%parallel_loop3A_629, %parallel_loop3A_630] {strides = array<i32>} : memref<56x224xf32, #tpu.memory_space<vmem>>, vector<16xf32>,
        tpu.vector_store %arg11[%parallel_loop3A_629, %parallel_loop3A_630], %parallel_loop3A_628 {strides = array<i32>} : memref<56x224xf32, #tpu.memory_space<vmem>>, vector<16xf32>,
        %parallel_loop3A_632 = arith.index_cast %parallel_loop3A_247 : i32 to index
        %parallel_loop3A_633 = arith.constant 192 : index
        %parallel_loop3A_634 = tpu.vector_load %arg9[%parallel_loop3A_632, %parallel_loop3A_633] {strides = array<i32>} : memref<56x224xf32, #tpu.memory_space<vmem>>, vector<16xf32>,
        %parallel_loop3A_635 = arith.maximumf %parallel_loop3A_634, %neg3A_227 : vector<16xf32>
        %parallel_loop3A_636 = arith.minimumf %parallel_loop3A_635, %min3A_224 : vector<16xf32>
        %parallel_loop3A_637 = arith.divf %parallel_loop3A_636, %min3A_224 : vector<16xf32>
        %parallel_loop3A_638 = arith.constant 1.000000e+00 : f32
        %parallel_loop3A_639 = vector.broadcast %parallel_loop3A_638 : f32 to vector<16xf32>
        %parallel_loop3A_640 = arith.addf %parallel_loop3A_637, %parallel_loop3A_639 : vector<16xf32>
        %parallel_loop3A_641 = arith.constant 1.275000e+02 : f32
        %parallel_loop3A_642 = vector.broadcast %parallel_loop3A_641 : f32 to vector<16xf32>
        %parallel_loop3A_643 = arith.mulf %parallel_loop3A_640, %parallel_loop3A_642 : vector<16xf32>
        %parallel_loop3A_644 = arith.addf %parallel_loop3A_643, %convert_element_type3A_231 : vector<16xf32>
        %parallel_loop3A_645 = arith.fptosi %parallel_loop3A_644 : vector<16xf32> to vector<16xi32>
        %parallel_loop3A_646 = arith.sitofp %parallel_loop3A_645 : vector<16xi32> to vector<16xf32>
        %parallel_loop3A_647 = arith.subf %parallel_loop3A_644, %parallel_loop3A_646 : vector<16xf32>
        %parallel_loop3A_648 = arith.constant 0.000000e+00 : f32
        %parallel_loop3A_649 = vector.broadcast %parallel_loop3A_648 : f32 to vector<16xf32>
        %parallel_loop3A_650 = arith.cmpf ogt, %parallel_loop3A_647, %parallel_loop3A_649 : vector<16xf32>
        %parallel_loop3A_651 = arith.extui %parallel_loop3A_650 : vector<16xi1> to vector<16xi32>
        %parallel_loop3A_652 = arith.addi %parallel_loop3A_645, %parallel_loop3A_651 : vector<16xi32>
        %parallel_loop3A_653 = tpu.vector_load_idx %arg6[%parallel_loop3A_645] : memref<49152xf32, #tpu.memory_space<vmem>>[vector<16xi32>], vector<16xf32>,
        %parallel_loop3A_654 = tpu.vector_load_idx %arg6[%parallel_loop3A_652] : memref<49152xf32, #tpu.memory_space<vmem>>[vector<16xi32>], vector<16xf32>,
        %parallel_loop3A_655 = arith.mulf %parallel_loop3A_647, %parallel_loop3A_653 : vector<16xf32>
        %parallel_loop3A_656 = arith.constant 1.000000e+00 : f32
        %parallel_loop3A_657 = vector.broadcast %parallel_loop3A_656 : f32 to vector<16xf32>
        %parallel_loop3A_658 = arith.subf %parallel_loop3A_657, %parallel_loop3A_647 : vector<16xf32>
        %parallel_loop3A_659 = arith.mulf %parallel_loop3A_658, %parallel_loop3A_654 : vector<16xf32>
        %parallel_loop3A_660 = arith.addf %parallel_loop3A_655, %parallel_loop3A_659 : vector<16xf32>
        %parallel_loop3A_661 = arith.index_cast %parallel_loop3A_247 : i32 to index
        %parallel_loop3A_662 = arith.constant 192 : index
        %parallel_loop3A_663 = tpu.vector_load %arg11[%parallel_loop3A_661, %parallel_loop3A_662] {strides = array<i32>} : memref<56x224xf32, #tpu.memory_space<vmem>>, vector<16xf32>,
        tpu.vector_store %arg11[%parallel_loop3A_661, %parallel_loop3A_662], %parallel_loop3A_660 {strides = array<i32>} : memref<56x224xf32, #tpu.memory_space<vmem>>, vector<16xf32>,
        %parallel_loop3A_664 = arith.index_cast %parallel_loop3A_247 : i32 to index
        %parallel_loop3A_665 = arith.constant 208 : index
        %parallel_loop3A_666 = tpu.vector_load %arg9[%parallel_loop3A_664, %parallel_loop3A_665] {strides = array<i32>} : memref<56x224xf32, #tpu.memory_space<vmem>>, vector<16xf32>,
        %parallel_loop3A_667 = arith.maximumf %parallel_loop3A_666, %neg3A_227 : vector<16xf32>
        %parallel_loop3A_668 = arith.minimumf %parallel_loop3A_667, %min3A_224 : vector<16xf32>
        %parallel_loop3A_669 = arith.divf %parallel_loop3A_668, %min3A_224 : vector<16xf32>
        %parallel_loop3A_670 = arith.constant 1.000000e+00 : f32
        %parallel_loop3A_671 = vector.broadcast %parallel_loop3A_670 : f32 to vector<16xf32>
        %parallel_loop3A_672 = arith.addf %parallel_loop3A_669, %parallel_loop3A_671 : vector<16xf32>
        %parallel_loop3A_673 = arith.constant 1.275000e+02 : f32
        %parallel_loop3A_674 = vector.broadcast %parallel_loop3A_673 : f32 to vector<16xf32>
        %parallel_loop3A_675 = arith.mulf %parallel_loop3A_672, %parallel_loop3A_674 : vector<16xf32>
        %parallel_loop3A_676 = arith.addf %parallel_loop3A_675, %convert_element_type3A_231 : vector<16xf32>
        %parallel_loop3A_677 = arith.fptosi %parallel_loop3A_676 : vector<16xf32> to vector<16xi32>
        %parallel_loop3A_678 = arith.sitofp %parallel_loop3A_677 : vector<16xi32> to vector<16xf32>
        %parallel_loop3A_679 = arith.subf %parallel_loop3A_676, %parallel_loop3A_678 : vector<16xf32>
        %parallel_loop3A_680 = arith.constant 0.000000e+00 : f32
        %parallel_loop3A_681 = vector.broadcast %parallel_loop3A_680 : f32 to vector<16xf32>
        %parallel_loop3A_682 = arith.cmpf ogt, %parallel_loop3A_679, %parallel_loop3A_681 : vector<16xf32>
        %parallel_loop3A_683 = arith.extui %parallel_loop3A_682 : vector<16xi1> to vector<16xi32>
        %parallel_loop3A_684 = arith.addi %parallel_loop3A_677, %parallel_loop3A_683 : vector<16xi32>
        %parallel_loop3A_685 = tpu.vector_load_idx %arg6[%parallel_loop3A_677] : memref<49152xf32, #tpu.memory_space<vmem>>[vector<16xi32>], vector<16xf32>,
        %parallel_loop3A_686 = tpu.vector_load_idx %arg6[%parallel_loop3A_684] : memref<49152xf32, #tpu.memory_space<vmem>>[vector<16xi32>], vector<16xf32>,
        %parallel_loop3A_687 = arith.mulf %parallel_loop3A_679, %parallel_loop3A_685 : vector<16xf32>
        %parallel_loop3A_688 = arith.constant 1.000000e+00 : f32
        %parallel_loop3A_689 = vector.broadcast %parallel_loop3A_688 : f32 to vector<16xf32>
        %parallel_loop3A_690 = arith.subf %parallel_loop3A_689, %parallel_loop3A_679 : vector<16xf32>
        %parallel_loop3A_691 = arith.mulf %parallel_loop3A_690, %parallel_loop3A_686 : vector<16xf32>
        %parallel_loop3A_692 = arith.addf %parallel_loop3A_687, %parallel_loop3A_691 : vector<16xf32>
        %parallel_loop3A_693 = arith.index_cast %parallel_loop3A_247 : i32 to index
        %parallel_loop3A_694 = arith.constant 208 : index
        %parallel_loop3A_695 = tpu.vector_load %arg11[%parallel_loop3A_693, %parallel_loop3A_694] {strides = array<i32>} : memref<56x224xf32, #tpu.memory_space<vmem>>, vector<16xf32>,
        tpu.vector_store %arg11[%parallel_loop3A_693, %parallel_loop3A_694], %parallel_loop3A_692 {strides = array<i32>} : memref<56x224xf32, #tpu.memory_space<vmem>>, vector<16xf32>,
      } {sc.loop_unroll_factor = 2 : i64, sc.parallel_access}
      %dma_start3A_235 = arith.constant 0 : i32
      %dma_start3A_236 = tpu.memref_slice %arg5[%add3A_171, %mul3A_189, %dma_start3A_235] : memref<768x224x224xf32, #tpu.memory_space<hbm>> -> memref<1x56x224xf32, #tpu.memory_space<hbm>>
      %dma_start3A_237 = tpu.memref_squeeze %dma_start3A_236 : memref<1x56x224xf32, #tpu.memory_space<hbm>> -> memref<56x224xf32, #tpu.memory_space<hbm>>
      %dma_start3A_238 = arith.constant 0 : i32
      %dma_start3A_239 = tpu.memref_slice %arg5[%add3A_171, %mul3A_189, %dma_start3A_238] : memref<768x224x224xf32, #tpu.memory_space<hbm>> -> memref<1x56x224xf32, #tpu.memory_space<hbm>>
      %dma_start3A_240 = tpu.memref_squeeze %dma_start3A_239 : memref<1x56x224xf32, #tpu.memory_space<hbm>> -> memref<56x224xf32, #tpu.memory_space<hbm>>
      tpu.enqueue_dma source(%arg11 : memref<56x224xf32, #tpu.memory_space<vmem>>) target(%dma_start3A_240 : memref<56x224xf32, #tpu.memory_space<hbm>>) target_semaphore(%arg15 : memref<!tpu.dma_semaphore, #tpu.memory_space<semaphore_mem>>)
      %lt3A_241 = arith.constant 47 : i32
      %lt3A_242 = arith.cmpi slt, %scan3A_53, %lt3A_241 : i32
      %convert_element_type3A_243 = arith.extui %lt3A_242 : i1 to i32
      %cond3A_244 = arith.constant 0 : i32
      %cond3A_245 = arith.cmpi ne, %convert_element_type3A_243, %cond3A_244 : i32
      scf.if %cond3A_245 {
        %add3A_247 = arith.constant 2 : i32
        %add3A_248 = arith.addi %add3A_144, %add3A_247 : i32
        %mul3A_249 = arith.constant 24 : i32
        %mul3A_250 = arith.muli %add3A, %mul3A_249 : i32
        %jit3A_251 = arith.constant 4 : i32
        %div3A_252 = arith.divsi %add3A_248, %jit3A_251 : i32
        %sign3A_253 = arith.constant 0 : i32
        %sign3A_254 = arith.cmpi sgt, %add3A_248, %sign3A_253 : i32
        %sign3A_255 = arith.extui %sign3A_254 : i1 to i32
        %sign3A_256 = arith.constant 0 : i32
        %sign3A_257 = arith.cmpi slt, %add3A_248, %sign3A_256 : i32
        %sign3A_258 = arith.extui %sign3A_257 : i1 to i32
        %sign3A_259 = arith.subi %sign3A_255, %sign3A_258 : i32
        %sign3A_260 = arith.constant 0 : i32
        %sign3A_261 = arith.cmpi sgt, %jit3A_251, %sign3A_260 : i32
        %sign3A_262 = arith.extui %sign3A_261 : i1 to i32
        %sign3A_263 = arith.constant 0 : i32
        %sign3A_264 = arith.cmpi slt, %jit3A_251, %sign3A_263 : i32
        %sign3A_265 = arith.extui %sign3A_264 : i1 to i32
        %sign3A_266 = arith.subi %sign3A_262, %sign3A_265 : i32
        %ne3A_267 = arith.cmpi ne, %sign3A_259, %sign3A_266 : i32
        %rem3A_268 = arith.remsi %add3A_248, %jit3A_251 : i32
        %ne3A_269 = arith.constant 0 : i32
        %ne3A_270 = arith.cmpi ne, %rem3A_268, %ne3A_269 : i32
        %and3A_271 = arith.andi %ne3A_267, %ne3A_270 : i1
        %sub3A_272 = arith.constant 1 : i32
        %sub3A_273 = arith.subi %div3A_252, %sub3A_272 : i32
        %select_n3A_274 = arith.select %and3A_271, %sub3A_273, %div3A_252 : i32
        %add3A_275 = arith.addi %mul3A_250, %select_n3A_274 : i32
        %jit3A_276 = arith.constant 4 : i32
        %eq3A_277 = arith.constant 0 : i32
        %eq3A_278 = arith.cmpi eq, %jit3A_276, %eq3A_277 : i32
        %jit3A_279 = arith.constant 1 : i32
        %select_n3A_280 = arith.select %eq3A_278, %jit3A_279, %jit3A_276 : i32
        %rem3A_281 = arith.remsi %add3A_248, %select_n3A_280 : i32
        %ne3A_282 = arith.constant 0 : i32
        %ne3A_283 = arith.cmpi ne, %rem3A_281, %ne3A_282 : i32
        %lt3A_284 = arith.constant 0 : i32
        %lt3A_285 = arith.cmpi slt, %rem3A_281, %lt3A_284 : i32
        %lt3A_286 = arith.constant 0 : i32
        %lt3A_287 = arith.cmpi slt, %select_n3A_280, %lt3A_286 : i32
        %ne3A_288 = arith.xori %lt3A_285, %lt3A_287 : i1
        %and3A_289 = arith.andi %ne3A_288, %ne3A_283 : i1
        %add3A_290 = arith.addi %rem3A_281, %select_n3A_280 : i32
        %select_n3A_291 = arith.select %and3A_289, %add3A_290, %rem3A_281 : i32
        %mul3A_292 = arith.constant 56 : i32
        %mul3A_293 = arith.muli %select_n3A_291, %mul3A_292 : i32
        %dma_start3A_294 = arith.constant 0 : i32
        %dma_start3A_295 = tpu.memref_slice %arg2[%add3A_275, %mul3A_293, %dma_start3A_294] : memref<768x224x224xf32, #tpu.memory_space<hbm>> -> memref<1x56x224xf32, #tpu.memory_space<hbm>>
        %dma_start3A_296 = tpu.memref_squeeze %dma_start3A_295 : memref<1x56x224xf32, #tpu.memory_space<hbm>> -> memref<56x224xf32, #tpu.memory_space<hbm>>
        %dma_start3A_297 = arith.constant 0 : i32
        %dma_start3A_298 = tpu.memref_slice %arg2[%add3A_275, %mul3A_293, %dma_start3A_297] : memref<768x224x224xf32, #tpu.memory_space<hbm>> -> memref<1x56x224xf32, #tpu.memory_space<hbm>>
        %dma_start3A_299 = tpu.memref_squeeze %dma_start3A_298 : memref<1x56x224xf32, #tpu.memory_space<hbm>> -> memref<56x224xf32, #tpu.memory_space<hbm>>
        tpu.enqueue_dma source(%dma_start3A_299 : memref<56x224xf32, #tpu.memory_space<hbm>>) target(%arg9 : memref<56x224xf32, #tpu.memory_space<vmem>>) target_semaphore(%arg13 : memref<!tpu.dma_semaphore, #tpu.memory_space<semaphore_mem>>)
      } else {
      }
      %scan3A_246 = arith.constant 0 : i32
      scf.yield %scan3A_246 : i32
    }
    %scan3A_29 = arith.constant 48 : i32
    %mul3A_30 = arith.constant 24 : i32
    %mul3A_31 = arith.muli %add3A, %mul3A_30 : i32
    %add3A_32 = arith.constant 23 : i32
    %add3A_33 = arith.addi %mul3A_31, %add3A_32 : i32
    %mul3A_34 = arith.constant 24 : i32
    %mul3A_35 = arith.muli %add3A, %mul3A_34 : i32
    %add3A_36 = arith.constant 23 : i32
    %add3A_37 = arith.addi %mul3A_35, %add3A_36 : i32
    %dma_wait3A = arith.constant 112 : i32
    %dma_wait3A_38 = arith.constant 0 : i32
    %dma_wait3A_39 = tpu.memref_slice %arg5[%add3A_33, %dma_wait3A, %dma_wait3A_38] : memref<768x224x224xf32, #tpu.memory_space<hbm>> -> memref<1x56x224xf32, #tpu.memory_space<hbm>>
    %dma_wait3A_40 = tpu.memref_squeeze %dma_wait3A_39 : memref<1x56x224xf32, #tpu.memory_space<hbm>> -> memref<56x224xf32, #tpu.memory_space<hbm>>
    %dma_wait3A_41 = arith.constant 112 : i32
    %dma_wait3A_42 = arith.constant 0 : i32
    %dma_wait3A_43 = tpu.memref_slice %arg5[%add3A_33, %dma_wait3A_41, %dma_wait3A_42] : memref<768x224x224xf32, #tpu.memory_space<hbm>> -> memref<1x56x224xf32, #tpu.memory_space<hbm>>
    %dma_wait3A_44 = tpu.memref_squeeze %dma_wait3A_43 : memref<1x56x224xf32, #tpu.memory_space<hbm>> -> memref<56x224xf32, #tpu.memory_space<hbm>>
    tpu.wait_dma2 semaphore(%arg14 : memref<!tpu.dma_semaphore, #tpu.memory_space<semaphore_mem>>) src(%arg10 : memref<56x224xf32, #tpu.memory_space<vmem>>) dst(%dma_wait3A_44 : memref<56x224xf32, #tpu.memory_space<hbm>>)
    %dma_wait3A_45 = arith.constant 168 : i32
    %dma_wait3A_46 = arith.constant 0 : i32
    %dma_wait3A_47 = tpu.memref_slice %arg5[%add3A_37, %dma_wait3A_45, %dma_wait3A_46] : memref<768x224x224xf32, #tpu.memory_space<hbm>> -> memref<1x56x224xf32, #tpu.memory_space<hbm>>
    %dma_wait3A_48 = tpu.memref_squeeze %dma_wait3A_47 : memref<1x56x224xf32, #tpu.memory_space<hbm>> -> memref<56x224xf32, #tpu.memory_space<hbm>>
    %dma_wait3A_49 = arith.constant 168 : i32
    %dma_wait3A_50 = arith.constant 0 : i32
    %dma_wait3A_51 = tpu.memref_slice %arg5[%add3A_37, %dma_wait3A_49, %dma_wait3A_50] : memref<768x224x224xf32, #tpu.memory_space<hbm>> -> memref<1x56x224xf32, #tpu.memory_space<hbm>>
    %dma_wait3A_52 = tpu.memref_squeeze %dma_wait3A_51 : memref<1x56x224xf32, #tpu.memory_space<hbm>> -> memref<56x224xf32, #tpu.memory_space<hbm>>
    tpu.wait_dma2 semaphore(%arg15 : memref<!tpu.dma_semaphore, #tpu.memory_space<semaphore_mem>>) src(%arg11 : memref<56x224xf32, #tpu.memory_space<vmem>>) dst(%dma_wait3A_52 : memref<56x224xf32, #tpu.memory_space<hbm>>)
    return
  }
}

</mosaic_0001>

<sc_bundles>
// kernel: kernel.3.cloned.1.call-start
scs
__scs_entry_jumppad:
0x0: {  	(pc) =	sbr.rel $0x88, $3  }
0x1: {  	(tag) =	ssettag $0x0;
	lr =	simm.s32 $0x1  }
0x2: {  	[smem:$0x3F9E] =	sst lr;
	_ =	strace $0xD0000000  }
0x3: {  	_ = 	snop  }
0x4: {  	_ = 	snop  }
0x5: {  	_ = 	snop  }
0x6: {  	_ = 	snop  }
0x7: {  	_ = 	snop  }
__scs_overlays_trampoline_lowered:
0x8: {  	[smem:$0x3FAD] =	sst s0  }
0x9: {  	[smem:$0x3FAE] =	sst s1  }
0xa: {  	[smem:$0x3FAF] =	sst s2  }
0xb: {  	[smem:$0x3FB0] =	sst s3  }
0xc: {  	[smem:$0x3FB1] =	sst s4  }
0xd: {  	[smem:$0x3FB2] =	sst s5  }
0xe: {  	[smem:$0x3FB3] =	sst s6  }
0xf: {  	[smem:$0x3FB4] =	sst s7  }
0x10: {  	[smem:$0x3FB5] =	sst s8  }
0x11: {  	[smem:$0x3FB6] =	sst s9;
	s0 =	simm.s32 @!p0 $0x0  }
0x12: {  	s1 =	sld [smem:$0x3F9C];
	s0 =	simm.s32 @p0 $0x1  }
0x13: {  	[smem:$0x3FB7] =	sst s0;
	s0 =	simm.s32 @!p1 $0x0  }
0x14: {  	s2 =	sld [smem:$0x3F9B];
	s0 =	simm.s32 @p1 $0x1  }
0x15: {  	[smem:$0x3FB8] =	sst s0;
	s0 =	simm.s32 @!p2 $0x0  }
0x16: {  	s3 =	sld [smem:$0x3FDB];
	s0 =	simm.s32 @p2 $0x1  }
0x17: {  	s4 =	simm.s32 $0x1BF5;
	[smem:$0x3FBA] =	sst s0  }
0x18: {  	s0 =	sld [smem:$0x3F9D];
	_ =	swait.ge [sflag:s4], $0x0  }
0x19: {  	s7 =	sld [smem:$0x3F9E]  }
0x1a: {  	s8 =	sadd.s32 $0xFFFFE003, lr  }
0x1b: {  	s9 =	sadd.s32 $0xFFFFFEF7, lr;
	s5 =	simm.s32 $0xFFFFFFFF;
	p2 =	slt.u32 s8, $0xFFFFF086  }
0x1c: {  	p1 =	slt.u32 s9, $0xF7A;
	s5 =	simm.s32 @!p2 $0x0  }
0x1d: {  	s5 =	simm.s32 @p1 $0x1;
	p0 =	seq.s32 s7, s2  }
0x1e: {  	s7 =	smul.u32 @!p0 $0xF7A, s2;
	p2 =	seq.s32 @!p0 s5, $0x0  }
0x1f: {  	s9 =	smul.u32 $0xF7A, s1;
	s8 =	simm.s32 @!p0 $0x1BF5;
	p2 =	por !p2, p0  }
0x20: {  	[sflag:s8] =	ssyncset.s32 @!p0 $0xFFFFF086;
	s6 =	sadd.s32 @!p0 s3, s7;
	s7 =	simm.s32 @!p0 $0x108  }
0x21: {  	s3 =	sadd.s32 s3, s9;
	s6 =	sadd.s32 @!p0 $0x88, s6;
	s7 =	simm.s32 @p2 $0x1082  }
0x22: {  	[simem:s7], [sflag:s8] =	dma.local @!p0 [hbm:s6], $0xF7A  }
0x23: {  	s9 =	sor.u32 $0xD0000000, s2;
	s6 =	simm.s32 $0x108;
	_ =	swait.ge @!p0 [sflag:s8], $0x0  }
0x24: {  	s3 =	sadd.s32 $0x88, s3;
	s6 =	simm.s32 @!p1 $0x1082;
	[sflag:s4] =	ssyncset.s32 $0xFFFFF086  }
0x25: {  	[simem:s6], [sflag:s4] =	dma.local [hbm:s3], $0xF7A  }
0x26: {  	[smem:$0x3F9E] =	sst s1;
	(tag) =	ssettag s2;
	_ =	strace s9  }
0x27: {  	s1 =	sld [smem:$0x3FAE]  }
0x28: {  	s2 =	sld [smem:$0x3FAF]  }
0x29: {  	s4 =	sld [smem:$0x3FB1]  }
0x2a: {  	p0 =	seq.s32 s5, $0x0;
	s5 =	sld [smem:$0x3FB2]  }
0x2b: {  	s6 =	sld [smem:$0x3FB3]  }
0x2c: {  	s7 =	sld [smem:$0x3FB4]  }
0x2d: {  	s3 =	simm.s32 $0x108;
	s8 =	sld [smem:$0x3FB5]  }
0x2e: {  	s3 =	simm.s32 @!p0 $0x1082;
	s9 =	sld [smem:$0x3FB6]  }
0x2f: {  	lr =	sadd.s32 s0, s3;
	s0 =	sld [smem:$0x3FAD]  }
0x30: {  	s3 =	sld [smem:$0x3FB0]  }
0x31: {  	[smem:$0x3FB9] =	sst s10  }
0x32: {  	s10 =	sld [smem:$0x3FB7];
	_ =	sdelay $0x3  }
0x33: {  	p0 =	seq.s32 s10, $0x1;
	s10 =	sld [smem:$0x3FB9];
	_ =	sdelay $0x3  }
0x34: {  	[smem:$0x3FB9] =	sst s10  }
0x35: {  	s10 =	sld [smem:$0x3FB8];
	_ =	sdelay $0x3  }
0x36: {  	p1 =	seq.s32 s10, $0x1;
	s10 =	sld [smem:$0x3FB9];
	_ =	sdelay $0x3  }
0x37: {  	[smem:$0x3FB9] =	sst s10  }
0x38: {  	s10 =	sld [smem:$0x3FBA]  }
0x39: {  	_ = 	snop;
	(pc) =	sbr.ind lr, $3  }
0x3a: {  	_ = 	snop  }
0x3b: {  	_ = 	snop  }
0x3c: {  	p2 =	seq.s32 s10, $0x1;
	s10 =	sld [smem:$0x3FB9]  }
0x3d: {  	_ =	shalt  }
0x3e: {  	_ =	shalt  }
0x3f: {  	_ =	shalt  }
0x40: {  	_ =	shalt  }
0x41: {  	_ =	shalt  }
0x42: {  	_ =	shalt  }
0x43: {  	_ =	shalt  }
0x44: {  	_ =	shalt  }
0x45: {  	_ =	shalt  }
0x46: {  	_ =	shalt  }
0x47: {  	_ =	shalt  }
0x48: {  	_ =	shalt  }
0x49: {  	_ =	shalt  }
0x4a: {  	_ =	shalt  }
0x4b: {  	_ =	shalt  }
0x4c: {  	_ =	shalt  }
0x4d: {  	_ =	shalt  }
0x4e: {  	_ =	shalt  }
0x4f: {  	_ =	shalt  }
0x50: {  	_ =	shalt  }
0x51: {  	_ =	shalt  }
0x52: {  	_ =	shalt  }
0x53: {  	_ =	shalt  }
0x54: {  	_ =	shalt  }
0x55: {  	_ =	shalt  }
0x56: {  	_ =	shalt  }
0x57: {  	_ =	shalt  }
0x58: {  	_ =	shalt  }
0x59: {  	_ =	shalt  }
0x5a: {  	_ =	shalt  }
0x5b: {  	_ =	shalt  }
0x5c: {  	_ =	shalt  }
0x5d: {  	_ =	shalt  }
0x5e: {  	_ =	shalt  }
0x5f: {  	_ =	shalt  }
0x60: {  	_ =	shalt  }
0x61: {  	_ =	shalt  }
0x62: {  	_ =	shalt  }
0x63: {  	_ =	shalt  }
0x64: {  	_ =	shalt  }
0x65: {  	_ =	shalt  }
0x66: {  	_ =	shalt  }
0x67: {  	_ =	shalt  }
0x68: {  	_ =	shalt  }
0x69: {  	_ =	shalt  }
0x6a: {  	_ =	shalt  }
0x6b: {  	_ =	shalt  }
0x6c: {  	_ =	shalt  }
0x6d: {  	_ =	shalt  }
0x6e: {  	_ =	shalt  }
0x6f: {  	_ =	shalt  }
0x70: {  	_ =	shalt  }
0x71: {  	_ =	shalt  }
0x72: {  	_ =	shalt  }
0x73: {  	_ =	shalt  }
0x74: {  	_ =	shalt  }
0x75: {  	_ =	shalt  }
0x76: {  	_ =	shalt  }
0x77: {  	_ =	shalt  }
0x78: {  	_ =	shalt  }
0x79: {  	_ =	shalt  }
0x7a: {  	_ =	shalt  }
0x7b: {  	_ =	shalt  }
0x7c: {  	_ =	shalt  }
0x7d: {  	_ =	shalt  }
0x7e: {  	_ =	shalt  }
0x7f: {  	_ =	shalt  }
0x80: {  	_ =	shalt  }
0x81: {  	_ =	shalt  }
0x82: {  	_ =	shalt  }
0x83: {  	_ =	shalt  }
0x84: {  	_ =	shalt  }
0x85: {  	_ =	shalt  }
0x86: {  	_ =	shalt  }
0x87: {  	_ =	shalt  }
.Lfunc_end0:
.L_simem_size_0:
called_computation_lowered:
.L_overlay_start_0:
0x88: {  	s2 =	sld [smem:$0x3FD9]  }
0x89: {  	s3 =	sld [smem:$0x3FFE];
	_ =	sdelay $0x1  }
0x8a: {  	s1 =	srdreg.scid  }
0x8b: {  	s0 =	sand.u32 $0x1, s1  }
0x8c: {  	s18 =	sshll.u32 s0, $0xA;
	s2 =	sadd.s32 s3, s2  }
0x8d: {  	s2 =	sadd.s32 s2, s18  }
0x8e: {  	[smem:$0x3FC5] =	sst s2  }
0x8f: {  	_ = 	snop  }
0x90: {  	s2 =	sld [smem:$0x3FC9]  }
0x91: {  	s19 =	sld [smem:$0x3FC8]  }
0x92: {  	s4 =	sld [smem:$0x3FC7]  }
0x93: {  	s5 =	sld [smem:$0x3FD0];
	(tm) =	ssettm $0x1  }
0x94: {  	s6 =	sld [smem:$0x3FFB];
	_ =	sdelay $0x3  }
0x95: {  	_ =	strace s6  }
0x96: {  	s6 =	sld [smem:$0x3FFC];
	_ =	sdelay $0x3  }
0x97: {  	_ =	strace s6  }
0x98: {  	s6 =	sld [smem:$0x3FFD];
	_ =	sdelay $0x3  }
0x99: {  	_ =	strace s6  }
0x9a: {  	_ =	strace $0x8FFFFFFF  }
0x9b: {  	s20 =	sld [smem:$0x3FDB];
	_ =	sdelay $0x1  }
0x9c: {  	s7 =	simm.s32 $_scs_section_size  }
0x9d: {  	s8 =	simm.s32 $_size__tile_overlayer_lowered;
	s9 =	simm.s32 $_tile_overlayer_lowered  }
0x9e: {  	s23 =	simm.s32 $0x1BFF;
	s22 =	sshll.u32 s9, $0x1;
	s6 =	sadd.s32 s7, s20  }
0x9f: {  	s10 =	simm.s32 $0x0;
	s21 =	sshll.u32 s8, $0x1;
	s8 =	sadd.s32 s22, s6  }
0xa0: {  	[timem:s10], [sflag:s23] =	dma.local [hbm:s8], s21  }
0xa1: {  	_ =	swait.ge [sflag:s23], s21  }
0xa2: {  	s7 =	ssub.s32 $0x0, s21;
	[sflag:s23] =	ssyncset.done $0x0  }
0xa3: {  	[sflag:s23] =	ssyncadd.s32 s7;
	_ =	sdelay $0x1  }
0xa4: {  	s24 =	simm.s32 $0x1B8B  }
0xa5: {  	_ =	swait.ge [sflag:s24], $0x1  }
0xa6: {  	[sflag:s24] =	ssyncset.done $0x0  }
0xa7: {  	s25 =	simm.s32 $0x1B8E;
	[sflag:s24] =	ssyncadd.s32 $0xFFFFFFFF  }
0xa8: {  	s26 =	simm.s32 $execute0_lowered;
	[smem:$0x3FD2] =	sst s25  }
0xa9: {  	s7 =	sshll.u32 s26, $0x1;
	_ =	strace $0x80000046;
	[dreg:$0x1] =	wrdreg $0xFFFFFFFF  }
0xaa: {  	s28 =	simm.s32 $_size_execute0_lowered;
	s6 =	sadd.s32 s6, s7;
	[dreg:$0x0] =	wrdreg $0x0  }
0xab: {  	s7 =	sshll.u32 s28, $0x1;
	[dreg:$0x2] =	wrdreg s6  }
0xac: {  	[dreg:$0x3] =	wrdreg s7  }
0xad: {  	[dreg:$0x4] =	wrdreg $0xC0  }
0xae: {  	_ =	task [dreg:s10], $0x5FFFF  }
0xaf: {  	[dreg:$0x1] =	wrdreg $0xFFFFFFFF  }
0xb0: {  	[dreg:$0x0] =	wrdreg $0x60  }
0xb1: {  	[dreg:$0x2] =	wrdreg s2  }
0xb2: {  	[dreg:$0x3] =	wrdreg s19  }
0xb3: {  	[dreg:$0x4] =	wrdreg s4  }
0xb4: {  	[dreg:$0x5] =	wrdreg s5  }
0xb5: {  	[dreg:$0x6] =	wrdreg $0x9  }
0xb6: {  	_ =	task.clear_ibuf [dreg:s10], $0x7FFFF;
	_ =	strace $0x90000046  }
0xb7: {  	s29 =	simm.s32 $0x9;
	_ =	strace $0x80000048  }
0xb8: {  	_ =	swait.ge [sflag:s29], $0x1  }
0xb9: {  	[sflag:s29] =	ssyncadd.s32 $0xFFFFFFFF  }
0xba: {  	_ =	strace $0x90000048  }
0xbb: {  	_ =	sfence  }
0xbc: {  	s30 =	sld [smem:$0x0];
	_ =	sdelay $0x2  }
0xbd: {  	s31 =	sshll.u32 s1, $0xD;
	s1 =	sshrl.u32 s1, $0x2  }
0xbe: {  	s3 =	sand.u32 $0x4000, s31;
	s1 =	sadd.s32 s1, s30  }
0xbf: {  	s0 =	sor.u32 s3, s0;
	s1 =	sshll.u32 s1, $0x11  }
0xc0: {  	s0 =	sor.u32 s1, s0  }
0xc1: {  	s0 =	sadd.s32 $0x8F2B, s0  }
0xc2: {  	[sflag:s0] =	ssyncadd.remote.s32 $0x1  }
0xc3: {  	_ =	sfence.sel $0xFFFF  }
0xc4: {  	[dreg:$0x0] =	wrdreg $0xFFFFFFFF;
	(pc) =	sbr.abs _section_cstart, $3  }
0xc5: {  	[dreg:$0x1] =	wrdreg $0xFFFFFFFF  }
0xc6: {  	_ =	task.clear_ibuf [dreg:s10], $0x2FFFF;
	_ =	strace $0x9FFFFFFF  }
0xc7: {  	(tm) =	ssettm $0x7FFFFFFF  }
tec
execute0_lowered:
.L_overlay_start_1:
0x0: {  	(tag) =	ssettag $0x1  }
0x1: {  	s1 =	rddreg [dreg:$0x0];
	s3 =	srdreg.scid  }
0x2: {  	s0 =	stileid.u32;
	s4 =	rddreg [dreg:$0x2]  }
0x3: {  	s5 =	rddreg [dreg:$0x3];
	s11 =	simm.s32 $0x5;
	s12 =	simm.s32 $0xC000  }
0x4: {  	s13 =	simm.s32 $0xC100;
	s14 =	simm.s32 $0xF900;
	s15 =	simm.s32 $0x1  }
0x5: {  	s16 =	simm.s32 $0x13100;
	s17 =	simm.s32 $0x2;
	s18 =	simm.s32 $0x4  }
0x6: {  	s19 =	simm.s32 $0x16900;
	s3 =	sand.u32 $0x1, s3;
	s6 =	sshll.u32 s0, $0x1  }
.Ltmp0:
0x7: {  	s20 =	simm.s32 $0x3;
	s8 =	sor.u32 s3, s6;
	(pc) =	sbr.rel .LBB2_1-.Ltmp0, $4  }
0x8: {  	s6 =	simm.s32 $0x0;
	s3 =	ssub.s32 $0x2, s3;
	s7 =	smul.u32 $0x2A000, s8  }
0x9: {  	s21 =	simm.s32 $0x0;
	[smem:$0x7FF] =	sst s6;
	s9 =	sshrl.u32 s3, $0x1  }
0xa: {  	s8 =	smul.u32 $0x18, s8;
	s3 =	ssub.s32 s3, s9;
	s7 =	sadd.s32 s1, s7  }
0xb: {  	v0 =	vimm.s32 $0x0;
	_ =	strace $0x80000047;
	s10 =	smax.u32 s3, $0x1;
	s9 =	sadd.s32 $0x700, s7  }
.LBB2_12:
0xc: {  	s21 =	sadd.s32 $0x1, s21  }
0xd: {  	_ =	swait.ge [sflag:s20], $0x3800;
	p0 =	sne.s32 s21, s10  }
.Ltmp1:
0xe: {  	[sflag:s20] =	ssyncset.done $0x0;
	(pc) =	sbr.rel @!p0 .LBB2_13-.Ltmp1, $4  }
0xf: {  	[sflag:s20] =	ssyncadd.s32 $0xFFFFC800  }
0x10: {  	_ =	swait.ge [sflag:s18], $0x3800  }
0x11: {  	[sflag:s18] =	ssyncset.done $0x0  }
0x12: {  	[sflag:s18] =	ssyncadd.s32 $0xFFFFC800  }
.LBB2_1:
0x13: {  	s0 =	rddreg [dreg:$0x1]  }
0x14: {  	[tilespmem:s6], [sflag:$0x5] =	stream.linear.gather [hbm4b:s0+s6], $0xC000, $0x38;
	[tilespmem:$0x1A100] =	vst v63  }
0x15: {  	_ =	swait.ge [sflag:s11], $0xC000  }
0x16: {  	[sflag:s11] =	ssyncset.done $0x0  }
0x17: {  	[sflag:s11] =	ssyncadd.s32 $0xFFFF4000  }
0x18: {  	[tilespmem:s12], [sflag:$0x5] =	stream.linear.gather [hbm4b:s4+s6], $0x100, $0x38;
	[tilespmem:$0x1A100] =	vst v63  }
0x19: {  	_ =	swait.ge [sflag:s11], $0x100  }
0x1a: {  	[sflag:s11] =	ssyncset.done $0x0  }
0x1b: {  	[sflag:s11] =	ssyncadd.s32 $0xFFFFFF00  }
0x1c: {  	[tilespmem:s13], [sflag:$0x1] =	stream.linear.gather [hbm4b:s7+s6], $0x3800, $0x38;
	[tilespmem:$0x1A100] =	vst v63  }
0x1d: {  	s22 =	simm.s32 $0x0  }
0x1e: {  	[tilespmem:s14], [sflag:$0x2] =	stream.linear.gather [hbm4b:s9+s6], $0x3800, $0x38;
	[tilespmem:$0x1A100] =	vst v63  }
.LBB2_2:
0x1f: {  	s3 =	sshrl.u32 s22, $0x1  }
0x20: {  	s24 =	sadd.s32 s8, s3  }
0x21: {  	s3 =	smulhi.u32 $0x2AAAAAAB, s24;
	_ =	sdelay $0x1  }
0x22: {  	s3 =	sshrl.u32 s3, $0x5  }
0x23: {  	s3 =	smul.u32 $0xC0, s3;
	_ =	sdelay $0x1  }
0x24: {  	_ =	swait.ge [sflag:s15], $0x3800;
	s3 =	ssub.s32 s24, s3  }
0x25: {  	p0 =	seq.s32 s22, $0x0;
	[sflag:s15] =	ssyncset.done $0x0;
	v2 =	vmov s3  }
0x26: {  	s23 =	simm.s32 @!p0 $0x3;
	[sflag:s15] =	ssyncadd.s32 $0xFFFFC800  }
0x27: {  	_ =	swait.ge @!p0 [sflag:s23], $0x3800  }
0x28: {  	[sflag:s23] =	ssyncset.done @!p0 $0x0  }
0x29: {  	[sflag:s23] =	ssyncadd.s32 @!p0 $0xFFFFC800  }
0x2a: {  	v1 =	vld.idx.msk [tilespmem:v2+s12+$0x0], $0xffff;
	_ =	sdelay $0x4  }
0x2b: {  	v1 =	vmax.f32 v1, $2.500000000e+00  }
0x2c: {  	v3 =	vmin.f32 v1, $3.500000000e+00  }
0x2d: {  	s0 =	simm.s32 $0x0;
	(erf) = vrcp.f32 v3  }
0x2e: {  	s25 =	sand.u32 $0x3800, s0;
	s23 =	sand.u32 $0x300, s0  }
0x2f: {  	s25 =	sor.u32 s23, s25  }
0x30: {  	v1 =	vld [tilespmem:s25+$0xC180];
	_ =	sdelay $0x1  }
0x31: {  	v6 =	vld [tilespmem:s25+$0xC100]  }
0x32: {  	v9 =	vld [tilespmem:s25+$0xC190];
	v5 =	vsub.f32 $0.0e+00, v3  }
0x33: {  	v10 =	vld [tilespmem:s25+$0xC120]  }
0x34: {  	v12 =	vld [tilespmem:s25+$0xC130];
	v1 =	vmax.f32 v1, v5  }
0x35: {  	s3 =	sshll.u32 s3, $0x8;
	v1 =	vmin.f32 v1, v3;
	v4 =	vpop (erf)  }
0x36: {  	v23 =	vld [tilespmem:s25+$0xC160];
	v7 =	vmov s3;
	v1 =	vmul.f32 v1, v4  }
0x37: {  	v7 =	vcvt.s32.f32 v7;
	v6 =	vmax.f32 v6, v5  }
0x38: {  	v9 =	vmax.f32 v9, v5;
	v10 =	vmax.f32 v10, v5;
	v8 =	vadd.f32 $1.000000000e+00, v1  }
0x39: {  	v12 =	vmax.f32 v12, v5;
	v6 =	vmin.f32 v6, v3;
	v1 =	vbroadcast v7, $0x0;
	v7 =	vld [tilespmem:s25+$0xC110]  }
0x3a: {  	v9 =	vmin.f32 v9, v3;
	v6 =	vmul.f32 v6, v4;
	v8 =	vmul.f32 $1.275000000e+02, v8  }
0x3b: {  	v23 =	vmax.f32 v23, v5;
	v10 =	vmin.f32 v10, v3;
	v9 =	vmul.f32 v9, v4  }
0x3c: {  	s2 =	simm.s32 $0x100;
	s26 =	simm.s32 $0x200;
	v23 =	vmin.f32 v23, v3;
	v6 =	vadd.f32 $1.000000000e+00, v6;
	v8 =	vadd.f32 v8, v1  }
0x3d: {  	s23 =	sand.u32 $0x3800, s26;
	s3 =	sand.u32 $0x300, s2;
	v10 =	vmul.f32 v10, v4;
	v23 =	vmul.f32 v23, v4;
	v9 =	vadd.f32 $1.000000000e+00, v9  }
0x3e: {  	s26 =	sor.u32 s3, s23;
	v6 =	vmul.f32 $1.275000000e+02, v6;
	v7 =	vmax.f32 v7, v5;
	v11 =	vtrunc.f32 v8  }
0x3f: {  	v38 =	vld [tilespmem:s26+$0xC150];
	v9 =	vmul.f32 $1.275000000e+02, v9;
	v7 =	vmin.f32 v7, v3;
	v11 =	vcvt.f32.s32 v11  }
0x40: {  	v10 =	vadd.f32 $1.000000000e+00, v10;
	v6 =	vadd.f32 v6, v1;
	v7 =	vmul.f32 v7, v4  }
0x41: {  	v23 =	vadd.f32 $1.000000000e+00, v23;
	v9 =	vadd.f32 v9, v1;
	v13 =	vcvt.s32.f32 v11  }
0x42: {  	v10 =	vmul.f32 $1.275000000e+02, v10;
	v14 =	vtrunc.f32 v6;
	v7 =	vadd.f32 $1.000000000e+00, v7  }
0x43: {  	v19 =	vtrunc.f32 v9;
	v8 =	vsub.f32 v8, v13;
	v13 =	vcvt.f32.s32 v14  }
0x44: {  	v38 =	vmax.f32 v38, v5;
	v19 =	vcvt.f32.s32 v19;
	v7 =	vmul.f32 $1.275000000e+02, v7;
	v14 =	vld [tilespmem:s25+$0xC1A0]  }
0x45: {  	v12 =	vmin.f32 v12, v3;
	v23 =	vmul.f32 $1.275000000e+02, v23;
	v15 =	vcvt.s32.f32 v13  }
0x46: {  	v22 =	vcvt.s32.f32 v19;
	vm0 =	vgt.f32 v8, $0.0e+00;
	v7 =	vadd.f32 v7, v1  }
0x47: {  	v23 =	vadd.f32 v23, v1;
	v16 =	vsel vm0, $0x1, v0;
	v6 =	vsub.f32 v6, v15;
	v15 =	vld [tilespmem:s25+$0xC140]  }
0x48: {  	v22 =	vsub.f32 v9, v22;
	v16 =	vadd.s32 v11, v16;
	v17 =	vtrunc.f32 v7;
	v11 =	vld.idx.msk [tilespmem:v11+s6+$0x0], $0xffff  }
0x49: {  	v17 =	vcvt.f32.s32 v17;
	v14 =	vmax.f32 v14, v5;
	vm0 =	vgt.f32 v6, $0.0e+00  }
0x4a: {  	v9 =	vsub.f32 $1.000000000e+00, v8;
	v18 =	vld.idx.msk [tilespmem:v13+s6+$0x0], $0xffff;
	v14 =	vmin.f32 v14, v3;
	v20 =	vsel vm0, $0x1, v0  }
0x4b: {  	v21 =	vsub.f32 $1.000000000e+00, v6;
	v24 =	vcvt.s32.f32 v17;
	v13 =	vadd.s32 v13, v20  }
0x4c: {  	v14 =	vmul.f32 v14, v4;
	v20 =	vadd.f32 v10, v1;
	v10 =	vmul.f32 v12, v4  }
0x4d: {  	v12 =	vld.idx.msk [tilespmem:v16+s6+$0x0], $0xffff;
	v15 =	vmax.f32 v15, v5;
	v24 =	vsub.f32 v7, v24;
	v8 =	vmul.f32 v8, v11  }
0x4e: {  	v16 =	vld [tilespmem:s25+$0xC150];
	v25 =	vadd.f32 $1.000000000e+00, v10;
	v10 =	vadd.f32 $1.000000000e+00, v14;
	v26 =	vtrunc.f32 v20  }
0x4f: {  	v11 =	vld [tilespmem:s25+$0xC500];
	v15 =	vmin.f32 v15, v3;
	v18 =	vmul.f32 v6, v18;
	v26 =	vcvt.f32.s32 v26  }
0x50: {  	vm0 =	vgt.f32 v22, $0.0e+00;
	v15 =	vmul.f32 v15, v4;
	v6 =	vmul.f32 $1.275000000e+02, v10;
	v7 =	vld.idx.msk [tilespmem:v13+s6+$0x0], $0xffff  }
0x51: {  	v31 =	vsub.f32 $1.000000000e+00, v24;
	v25 =	vmul.f32 $1.275000000e+02, v25;
	v13 =	vld [tilespmem:s25+$0xC1B0];
	v30 =	vcvt.s32.f32 v26  }
0x52: {  	v15 =	vadd.f32 $1.000000000e+00, v15;
	v12 =	vmul.f32 v9, v12;
	v9 =	vsel vm0, $0x1, v0  }
0x53: {  	vm0 =	vgt.f32 v24, $0.0e+00;
	v29 =	vadd.f32 v6, v1;
	v27 =	vadd.s32 v19, v9  }
0x54: {  	v14 =	vld [tilespmem:s25+$0xC170];
	v16 =	vmax.f32 v16, v5;
	v11 =	vmax.f32 v11, v5;
	v12 =	vadd.f32 v12, v8  }
0x55: {  	v28 =	vsel vm0, $0x1, v0;
	v20 =	vsub.f32 v20, v30;
	v15 =	vmul.f32 $1.275000000e+02, v15  }
0x56: {  	v32 =	vtrunc.f32 v29;
	[tilespmem:s25+$0x13180] =	vst v12;
	v7 =	vmul.f32 v21, v7;
	v13 =	vmax.f32 v13, v5  }
0x57: {  	v28 =	vadd.s32 v17, v28;
	v12 =	vcvt.f32.s32 v32;
	v19 =	vld.idx.msk [tilespmem:v19+s6+$0x0], $0xffff;
	v13 =	vmin.f32 v13, v3  }
0x58: {  	v21 =	vadd.f32 v25, v1;
	v25 =	vld.idx.msk [tilespmem:v27+s6+$0x0], $0xffff;
	v18 =	vadd.f32 v7, v18;
	v13 =	vmul.f32 v13, v4  }
0x59: {  	v16 =	vmin.f32 v16, v3;
	v14 =	vmax.f32 v14, v5;
	v27 =	vcvt.s32.f32 v12  }
0x5a: {  	v11 =	vmin.f32 v11, v3;
	v16 =	vmul.f32 v16, v4;
	[tilespmem:s25+$0x13100] =	vst v18;
	v13 =	vadd.f32 $1.000000000e+00, v13  }
0x5b: {  	vm0 =	vgt.f32 v20, $0.0e+00;
	v27 =	vsub.f32 v29, v27;
	v29 =	vsub.f32 $1.000000000e+00, v22;
	v17 =	vld.idx.msk [tilespmem:v17+s6+$0x0], $0xffff  }
0x5c: {  	v30 =	vtrunc.f32 v21;
	v18 =	vsel vm0, $0x1, v0;
	v28 =	vld.idx.msk [tilespmem:v28+s6+$0x0], $0xffff;
	v13 =	vmul.f32 $1.275000000e+02, v13  }
0x5d: {  	vm0 =	vgt.f32 v27, $0.0e+00;
	v19 =	vmul.f32 v22, v19;
	v22 =	vmul.f32 v29, v25;
	v25 =	vld [tilespmem:s25+$0xC1C0]  }
0x5e: {  	v11 =	vmul.f32 v11, v4;
	v30 =	vcvt.f32.s32 v30;
	v29 =	vsel vm0, $0x1, v0  }
0x5f: {  	v29 =	vadd.s32 v12, v29;
	v13 =	vadd.f32 v13, v1;
	v19 =	vadd.f32 v22, v19  }
0x60: {  	v10 =	vld [tilespmem:s25+$0xC510];
	v14 =	vmin.f32 v14, v3;
	v33 =	vcvt.s32.f32 v30;
	v17 =	vmul.f32 v24, v17  }
0x61: {  	v49 =	vsub.f32 $1.000000000e+00, v20;
	v22 =	vtrunc.f32 v13;
	[tilespmem:s25+$0x13190] =	vst v19;
	v19 =	vmul.f32 v31, v28  }
0x62: {  	v18 =	vadd.s32 v26, v18;
	v22 =	vcvt.f32.s32 v22;
	v24 =	vmax.f32 v25, v5  }
0x63: {  	v21 =	vsub.f32 v21, v33;
	v12 =	vld.idx.msk [tilespmem:v12+s6+$0x0], $0xffff;
	v24 =	vmin.f32 v24, v3;
	v17 =	vadd.f32 v19, v17  }
0x64: {  	v15 =	vadd.f32 v15, v1;
	v25 =	vld.idx.msk [tilespmem:v29+s6+$0x0], $0xffff;
	v19 =	vcvt.s32.f32 v22;
	v24 =	vmul.f32 v24, v4  }
0x65: {  	v14 =	vmul.f32 v14, v4;
	v10 =	vmax.f32 v10, v5;
	vm0 =	vgt.f32 v21, $0.0e+00;
	[tilespmem:s25+$0x13110] =	vst v17  }
0x66: {  	v28 =	vsel vm0, $0x1, v0;
	v13 =	vsub.f32 v13, v19;
	v17 =	vadd.f32 $1.000000000e+00, v24;
	v24 =	vld.idx.msk [tilespmem:v26+s6+$0x0], $0xffff  }
0x67: {  	v16 =	vadd.f32 $1.000000000e+00, v16;
	v19 =	vadd.s32 v30, v28;
	v28 =	vsub.f32 $1.000000000e+00, v27;
	v18 =	vld.idx.msk [tilespmem:v18+s6+$0x0], $0xffff  }
0x68: {  	v29 =	vtrunc.f32 v15;
	vm0 =	vgt.f32 v13, $0.0e+00;
	v12 =	vmul.f32 v27, v12;
	v27 =	vld [tilespmem:s25+$0xC1D0]  }
0x69: {  	v17 =	vmul.f32 $1.275000000e+02, v17;
	v25 =	vmul.f32 v28, v25;
	v28 =	vsel vm0, $0x1, v0  }
0x6a: {  	v11 =	vadd.f32 $1.000000000e+00, v11;
	v29 =	vcvt.f32.s32 v29;
	v28 =	vadd.s32 v22, v28  }
0x6b: {  	v51 =	vld [tilespmem:s26+$0xC140];
	v16 =	vmul.f32 $1.275000000e+02, v16;
	v12 =	vadd.f32 v25, v12;
	v17 =	vadd.f32 v17, v1  }
0x6c: {  	v10 =	vmin.f32 v10, v3;
	v31 =	vcvt.s32.f32 v29;
	v20 =	vmul.f32 v20, v24  }
0x6d: {  	v18 =	vmul.f32 v49, v18;
	[tilespmem:s25+$0x131A0] =	vst v12;
	v12 =	vtrunc.f32 v17;
	v24 =	vmax.f32 v27, v5  }
0x6e: {  	v16 =	vadd.f32 v16, v1;
	v22 =	vld.idx.msk [tilespmem:v22+s6+$0x0], $0xffff;
	v12 =	vcvt.f32.s32 v12;
	v24 =	vmin.f32 v24, v3  }
0x6f: {  	v15 =	vsub.f32 v15, v31;
	v18 =	vadd.f32 v18, v20;
	v27 =	vld.idx.msk [tilespmem:v28+s6+$0x0], $0xffff;
	v20 =	vmul.f32 v24, v4  }
0x70: {  	v32 =	vmax.f32 v51, v5;
	v25 =	vtrunc.f32 v16;
	v24 =	vcvt.s32.f32 v12  }
0x71: {  	v6 =	vld [tilespmem:s25+$0xC540];
	vm0 =	vgt.f32 v15, $0.0e+00;
	v25 =	vcvt.f32.s32 v25;
	[tilespmem:s25+$0x13120] =	vst v18;
	v20 =	vadd.f32 $1.000000000e+00, v20  }
0x72: {  	v28 =	vsel vm0, $0x1, v0;
	v17 =	vsub.f32 v17, v24;
	v24 =	vld.idx.msk [tilespmem:v30+s6+$0x0], $0xffff;
	v30 =	vsub.f32 $1.000000000e+00, v13  }
0x73: {  	v18 =	vadd.s32 v29, v28;
	v28 =	vcvt.s32.f32 v25;
	v19 =	vld.idx.msk [tilespmem:v19+s6+$0x0], $0xffff;
	v20 =	vmul.f32 $1.275000000e+02, v20  }
0x74: {  	v13 =	vmul.f32 v13, v22;
	vm0 =	vgt.f32 v17, $0.0e+00;
	v22 =	vmul.f32 v30, v27;
	v27 =	vld [tilespmem:s25+$0xC1E0]  }
0x75: {  	v9 =	vld [tilespmem:s25+$0xC520];
	v14 =	vadd.f32 $1.000000000e+00, v14;
	v10 =	vmul.f32 v10, v4;
	v30 =	vsel vm0, $0x1, v0  }
0x76: {  	v16 =	vsub.f32 v16, v28;
	v20 =	vadd.f32 v20, v1;
	v28 =	vadd.s32 v12, v30  }
0x77: {  	v6 =	vmax.f32 v6, v5;
	v26 =	vsub.f32 $1.000000000e+00, v21;
	v13 =	vadd.f32 v22, v13  }
0x78: {  	v32 =	vmin.f32 v32, v3;
	v21 =	vmul.f32 v21, v24;
	v24 =	vtrunc.f32 v20  }
0x79: {  	[tilespmem:s25+$0x131B0] =	vst v13;
	v13 =	vmul.f32 v26, v19;
	v19 =	vcvt.f32.s32 v24;
	v24 =	vmax.f32 v27, v5  }
0x7a: {  	v11 =	vmul.f32 $1.275000000e+02, v11;
	v9 =	vmax.f32 v9, v5;
	v12 =	vld.idx.msk [tilespmem:v12+s6+$0x0], $0xffff;
	v24 =	vmin.f32 v24, v3  }
0x7b: {  	v13 =	vadd.f32 v13, v21;
	v21 =	vcvt.s32.f32 v19;
	v28 =	vld.idx.msk [tilespmem:v28+s6+$0x0], $0xffff;
	v24 =	vmul.f32 v24, v4  }
0x7c: {  	v6 =	vmin.f32 v6, v3;
	vm0 =	vgt.f32 v16, $0.0e+00;
	v27 =	vtrunc.f32 v23  }
0x7d: {  	v8 =	vld [tilespmem:s25+$0xC530];
	v27 =	vcvt.f32.s32 v27;
	[tilespmem:s25+$0x13130] =	vst v13;
	v13 =	vsub.f32 v20, v21;
	v20 =	vadd.f32 $1.000000000e+00, v24  }
0x7e: {  	v32 =	vmul.f32 v32, v4;
	v26 =	vsel vm0, $0x1, v0;
	v21 =	vld.idx.msk [tilespmem:v29+s6+$0x0], $0xffff;
	v29 =	vsub.f32 $1.000000000e+00, v17  }
0x7f: {  	v24 =	vcvt.s32.f32 v27;
	v18 =	vld.idx.msk [tilespmem:v18+s6+$0x0], $0xffff;
	vm0 =	vgt.f32 v13, $0.0e+00;
	v20 =	vmul.f32 $1.275000000e+02, v20  }
0x80: {  	v12 =	vmul.f32 v17, v12;
	v17 =	vmul.f32 v29, v28;
	v28 =	vld [tilespmem:s25+$0xC1F0];
	v29 =	vsel vm0, $0x1, v0  }
0x81: {  	v23 =	vsub.f32 v23, v24;
	v24 =	vadd.s32 v19, v29;
	v20 =	vadd.f32 v20, v1  }
0x82: {  	v14 =	vmul.f32 $1.275000000e+02, v14;
	v31 =	vsub.f32 $1.000000000e+00, v15;
	v12 =	vadd.f32 v17, v12  }
0x83: {  	v10 =	vadd.f32 $1.000000000e+00, v10;
	v15 =	vmul.f32 v15, v21;
	v21 =	vtrunc.f32 v20  }
0x84: {  	v9 =	vmin.f32 v9, v3;
	[tilespmem:s25+$0x131C0] =	vst v12;
	v12 =	vmul.f32 v31, v18;
	v18 =	vcvt.f32.s32 v21  }
0x85: {  	v8 =	vmax.f32 v8, v5;
	v26 =	vadd.s32 v25, v26;
	v21 =	vmax.f32 v28, v5;
	v19 =	vld.idx.msk [tilespmem:v19+s6+$0x0], $0xffff  }
0x86: {  	v21 =	vmin.f32 v21, v3;
	v24 =	vld.idx.msk [tilespmem:v24+s6+$0x0], $0xffff;
	v12 =	vadd.f32 v12, v15;
	v15 =	vcvt.s32.f32 v18  }
0x87: {  	v11 =	vadd.f32 v11, v1;
	v9 =	vmul.f32 v9, v4;
	v21 =	vmul.f32 v21, v4  }
0x88: {  	v8 =	vmin.f32 v8, v3;
	v14 =	vadd.f32 v14, v1;
	[tilespmem:s25+$0x13140] =	vst v12;
	v12 =	vsub.f32 v20, v15  }
0x89: {  	vm0 =	vgt.f32 v23, $0.0e+00;
	v15 =	vadd.f32 $1.000000000e+00, v21;
	v21 =	vld.idx.msk [tilespmem:v25+s6+$0x0], $0xffff;
	v25 =	vsub.f32 $1.000000000e+00, v13  }
0x8a: {  	v10 =	vmul.f32 $1.275000000e+02, v10;
	v8 =	vmul.f32 v8, v4;
	v28 =	vsel vm0, $0x1, v0;
	v26 =	vld.idx.msk [tilespmem:v26+s6+$0x0], $0xffff  }
0x8b: {  	vm0 =	vgt.f32 v12, $0.0e+00;
	v13 =	vmul.f32 v13, v19;
	v19 =	vmul.f32 v25, v24;
	v24 =	vld [tilespmem:s25+$0xC580]  }
0x8c: {  	v9 =	vadd.f32 $1.000000000e+00, v9;
	v15 =	vmul.f32 $1.275000000e+02, v15;
	v25 =	vsel vm0, $0x1, v0  }
0x8d: {  	v22 =	vsub.f32 $1.000000000e+00, v16;
	v17 =	vtrunc.f32 v14;
	v25 =	vadd.s32 v18, v25  }
0x8e: {  	v17 =	vcvt.f32.s32 v17;
	v13 =	vadd.f32 v19, v13;
	v15 =	vadd.f32 v15, v1  }
0x8f: {  	v20 =	vadd.s32 v27, v28;
	v16 =	vmul.f32 v16, v21;
	v21 =	vmul.f32 v22, v26  }
0x90: {  	v30 =	vcvt.s32.f32 v17;
	[tilespmem:s25+$0x131D0] =	vst v13;
	v13 =	vtrunc.f32 v15;
	v22 =	vmax.f32 v24, v5  }
0x91: {  	v18 =	vld.idx.msk [tilespmem:v18+s6+$0x0], $0xffff;
	v13 =	vcvt.f32.s32 v13;
	v16 =	vadd.f32 v21, v16;
	v22 =	vmin.f32 v22, v3  }
0x92: {  	v14 =	vsub.f32 v14, v30;
	v30 =	vtrunc.f32 v11;
	v25 =	vld.idx.msk [tilespmem:v25+s6+$0x0], $0xffff;
	v21 =	vmul.f32 v22, v4  }
0x93: {  	v10 =	vadd.f32 v10, v1;
	v24 =	vcvt.f32.s32 v30;
	v22 =	vcvt.s32.f32 v13;
	[tilespmem:s25+$0x13150] =	vst v16  }
0x94: {  	v29 =	vsub.f32 $1.000000000e+00, v23;
	vm0 =	vgt.f32 v14, $0.0e+00;
	v20 =	vld.idx.msk [tilespmem:v20+s6+$0x0], $0xffff;
	v16 =	vadd.f32 $1.000000000e+00, v21  }
0x95: {  	v26 =	vcvt.s32.f32 v24;
	v15 =	vsub.f32 v15, v22;
	v21 =	vld.idx.msk [tilespmem:v27+s6+$0x0], $0xffff;
	v27 =	vsub.f32 $1.000000000e+00, v12  }
0x96: {  	v28 =	vsel vm0, $0x1, v0;
	v22 =	vtrunc.f32 v10;
	v12 =	vmul.f32 v12, v18  }
0x97: {  	v16 =	vmul.f32 $1.275000000e+02, v16;
	vm0 =	vgt.f32 v15, $0.0e+00;
	v18 =	vmul.f32 v27, v25;
	v25 =	vld [tilespmem:s25+$0xC590]  }
0x98: {  	v11 =	vsub.f32 v11, v26;
	v22 =	vcvt.f32.s32 v22;
	v26 =	vsel vm0, $0x1, v0  }
0x99: {  	v9 =	vmul.f32 $1.275000000e+02, v9;
	v26 =	vadd.s32 v13, v26;
	v16 =	vadd.f32 v16, v1  }
0x9a: {  	v12 =	vadd.f32 v18, v12;
	v18 =	vcvt.s32.f32 v22;
	v20 =	vmul.f32 v29, v20  }
0x9b: {  	v32 =	vadd.f32 $1.000000000e+00, v32;
	v21 =	vmul.f32 v23, v21;
	v23 =	vtrunc.f32 v16  }
0x9c: {  	v19 =	vadd.s32 v17, v28;
	[tilespmem:s25+$0x131E0] =	vst v12;
	v12 =	vcvt.f32.s32 v23;
	v23 =	vmax.f32 v25, v5  }
0x9d: {  	v10 =	vsub.f32 v10, v18;
	v13 =	vld.idx.msk [tilespmem:v13+s6+$0x0], $0xffff;
	v20 =	vadd.f32 v20, v21;
	v18 =	vmin.f32 v23, v3  }
0x9e: {  	v8 =	vadd.f32 $1.000000000e+00, v8;
	v23 =	vld.idx.msk [tilespmem:v26+s6+$0x0], $0xffff;
	v25 =	vcvt.s32.f32 v12;
	v18 =	vmul.f32 v18, v4  }
0x9f: {  	v7 =	vld [tilespmem:s25+$0xC550];
	v32 =	vmul.f32 $1.275000000e+02, v32;
	v9 =	vadd.f32 v9, v1;
	v28 =	vsub.f32 $1.000000000e+00, v14;
	[tilespmem:s25+$0x13160] =	vst v20  }
0xa0: {  	vm0 =	vgt.f32 v11, $0.0e+00;
	v17 =	vld.idx.msk [tilespmem:v17+s6+$0x0], $0xffff;
	v16 =	vsub.f32 v16, v25;
	v18 =	vadd.f32 $1.000000000e+00, v18  }
0xa1: {  	v30 =	vsel vm0, $0x1, v0;
	vm0 =	vgt.f32 v10, $0.0e+00;
	v19 =	vld.idx.msk [tilespmem:v19+s6+$0x0], $0xffff;
	v25 =	vsub.f32 $1.000000000e+00, v15  }
0xa2: {  	v29 =	vld [tilespmem:s25+$0xC5A0];
	v20 =	vsel vm0, $0x1, v0;
	vm0 =	vgt.f32 v16, $0.0e+00;
	v18 =	vmul.f32 $1.275000000e+02, v18  }
0xa3: {  	v13 =	vmul.f32 v15, v13;
	v15 =	vmul.f32 v25, v23;
	v23 =	vsel vm0, $0x1, v0  }
0xa4: {  	v26 =	vtrunc.f32 v9;
	v23 =	vadd.s32 v12, v23;
	v18 =	vadd.f32 v18, v1  }
0xa5: {  	v25 =	vcvt.f32.s32 v26;
	v14 =	vmul.f32 v14, v17;
	v13 =	vadd.f32 v15, v13  }
0xa6: {  	v21 =	vadd.s32 v24, v30;
	v19 =	vmul.f32 v28, v19;
	v17 =	vtrunc.f32 v18  }
0xa7: {  	v26 =	vcvt.s32.f32 v25;
	[tilespmem:s25+$0x131F0] =	vst v13;
	v13 =	vcvt.f32.s32 v17;
	v17 =	vmax.f32 v29, v5  }
0xa8: {  	v8 =	vmul.f32 $1.275000000e+02, v8;
	v14 =	vadd.f32 v19, v14;
	v12 =	vld.idx.msk [tilespmem:v12+s6+$0x0], $0xffff;
	v17 =	vmin.f32 v17, v3  }
0xa9: {  	v19 =	vsub.f32 v9, v26;
	v9 =	vld.idx.msk [tilespmem:v23+s6+$0x0], $0xffff;
	v23 =	vcvt.s32.f32 v13;
	v17 =	vmul.f32 v17, v4  }
0xaa: {  	v6 =	vmul.f32 v6, v4;
	v32 =	vadd.f32 v32, v1;
	v8 =	vadd.f32 v8, v1;
	[tilespmem:s25+$0x13170] =	vst v14  }
0xab: {  	v7 =	vmax.f32 v7, v5;
	v21 =	vld.idx.msk [tilespmem:v21+s6+$0x0], $0xffff;
	v14 =	vsub.f32 v18, v23;
	v17 =	vadd.f32 $1.000000000e+00, v17  }
0xac: {  	v27 =	vsub.f32 $1.000000000e+00, v11;
	vm0 =	vgt.f32 v19, $0.0e+00;
	v18 =	vld.idx.msk [tilespmem:v24+s6+$0x0], $0xffff;
	v24 =	vsub.f32 $1.000000000e+00, v16  }
0xad: {  	v26 =	vld [tilespmem:s25+$0xC5B0];
	v23 =	vsel vm0, $0x1, v0;
	vm0 =	vgt.f32 v14, $0.0e+00;
	v17 =	vmul.f32 $1.275000000e+02, v17  }
0xae: {  	v12 =	vmul.f32 v16, v12;
	v16 =	vmul.f32 v24, v9;
	v9 =	vsel vm0, $0x1, v0  }
0xaf: {  	v24 =	vtrunc.f32 v8;
	v28 =	vadd.s32 v13, v9;
	v17 =	vadd.f32 v17, v1  }
0xb0: {  	v21 =	vmul.f32 v27, v21;
	v9 =	vcvt.f32.s32 v24;
	v12 =	vadd.f32 v16, v12  }
0xb1: {  	v20 =	vadd.s32 v22, v20;
	v11 =	vmul.f32 v11, v18;
	v18 =	vtrunc.f32 v17  }
0xb2: {  	v29 =	vld [tilespmem:s26+$0xC100];
	v16 =	vadd.s32 v25, v23;
	[tilespmem:s25+$0x13580] =	vst v12;
	v12 =	vcvt.f32.s32 v18;
	v18 =	vmax.f32 v26, v5  }
0xb3: {  	v23 =	vcvt.s32.f32 v9;
	v11 =	vadd.f32 v21, v11;
	v13 =	vld.idx.msk [tilespmem:v13+s6+$0x0], $0xffff;
	v18 =	vmin.f32 v18, v3  }
0xb4: {  	v21 =	vadd.f32 $1.000000000e+00, v6;
	v24 =	vld.idx.msk [tilespmem:v28+s6+$0x0], $0xffff;
	v26 =	vcvt.s32.f32 v12;
	v18 =	vmul.f32 v18, v4  }
0xb5: {  	v7 =	vmin.f32 v7, v3;
	v15 =	vsub.f32 $1.000000000e+00, v10;
	v6 =	vsub.f32 v8, v23;
	[tilespmem:s25+$0x13500] =	vst v11  }
0xb6: {  	v8 =	vmul.f32 $1.275000000e+02, v21;
	v20 =	vld.idx.msk [tilespmem:v20+s6+$0x0], $0xffff;
	v11 =	vsub.f32 v17, v26;
	v17 =	vadd.f32 $1.000000000e+00, v18  }
0xb7: {  	v29 =	vmax.f32 v29, v5;
	v21 =	vmul.f32 v7, v4;
	v7 =	vsub.f32 $1.000000000e+00, v14;
	v18 =	vld.idx.msk [tilespmem:v22+s6+$0x0], $0xffff  }
0xb8: {  	v8 =	vadd.f32 v8, v1;
	vm1 =	vgt.f32 v11, $0.0e+00;
	v17 =	vmul.f32 $1.275000000e+02, v17  }
0xb9: {  	v22 =	vld [tilespmem:s25+$0xC5C0];
	v13 =	vmul.f32 v14, v13;
	v14 =	vmul.f32 v7, v24;
	v7 =	vsel vm1, $0x1, v0  }
0xba: {  	v27 =	vsub.f32 $1.000000000e+00, v19;
	v23 =	vtrunc.f32 v8;
	v24 =	vadd.s32 v12, v7  }
0xbb: {  	v26 =	vadd.f32 v17, v1;
	v7 =	vcvt.f32.s32 v23;
	v15 =	vmul.f32 v15, v20  }
0xbc: {  	v13 =	vadd.f32 v14, v13;
	v10 =	vmul.f32 v10, v18;
	v14 =	vadd.f32 $1.000000000e+00, v21  }
0xbd: {  	vm0 =	vgt.f32 v6, $0.0e+00;
	v17 =	vtrunc.f32 v26;
	v18 =	vcvt.s32.f32 v7  }
0xbe: {  	[tilespmem:s25+$0x13590] =	vst v13;
	v20 =	vcvt.f32.s32 v17;
	v13 =	vmax.f32 v22, v5;
	v14 =	vmul.f32 $1.275000000e+02, v14  }
0xbf: {  	v10 =	vadd.f32 v15, v10;
	v17 =	vsel vm0, $0x1, v0;
	v12 =	vld.idx.msk [tilespmem:v12+s6+$0x0], $0xffff;
	v13 =	vmin.f32 v13, v3  }
0xc0: {  	v21 =	vld.idx.msk [tilespmem:v24+s6+$0x0], $0xffff;
	v22 =	vcvt.s32.f32 v20;
	v13 =	vmul.f32 v13, v4;
	v14 =	vadd.f32 v14, v1  }
0xc1: {  	v28 =	vld [tilespmem:s26+$0xC180];
	v15 =	vsub.f32 $1.000000000e+00, v6;
	v8 =	vsub.f32 v8, v18;
	v17 =	vadd.s32 v9, v17;
	[tilespmem:s25+$0x13510] =	vst v10  }
0xc2: {  	v23 =	vld.idx.msk [tilespmem:v25+s6+$0x0], $0xffff;
	v18 =	vsub.f32 v26, v22;
	v10 =	vadd.f32 $1.000000000e+00, v13;
	v13 =	vtrunc.f32 v14  }
0xc3: {  	vm0 =	vgt.f32 v8, $0.0e+00;
	v25 =	vld [tilespmem:s25+$0xC5D0];
	v22 =	vsub.f32 $1.000000000e+00, v11;
	v13 =	vcvt.f32.s32 v13  }
0xc4: {  	v16 =	vld.idx.msk [tilespmem:v16+s6+$0x0], $0xffff;
	vm1 =	vgt.f32 v18, $0.0e+00;
	v24 =	vmul.f32 $1.275000000e+02, v10;
	v11 =	vmul.f32 v11, v12  }
0xc5: {  	v10 =	vsub.f32 $1.000000000e+00, v8;
	v12 =	vmul.f32 v22, v21;
	v21 =	vsel vm1, $0x1, v0  }
0xc6: {  	v26 =	vcvt.s32.f32 v13;
	v22 =	vsel vm0, $0x1, v0;
	v21 =	vadd.s32 v20, v21  }
0xc7: {  	v24 =	vadd.f32 v24, v1;
	v22 =	vadd.s32 v7, v22;
	v12 =	vadd.f32 v12, v11  }
0xc8: {  	v11 =	vsub.f32 v14, v26;
	v14 =	vmul.f32 v19, v23;
	v19 =	vmax.f32 v25, v5  }
0xc9: {  	v16 =	vmul.f32 v27, v16;
	v23 =	vld [tilespmem:s26+$0xC110];
	v26 =	vmax.f32 v28, v5;
	v19 =	vmin.f32 v19, v3  }
0xca: {  	v26 =	vmin.f32 v26, v3;
	[tilespmem:s25+$0x135A0] =	vst v12;
	v12 =	vtrunc.f32 v24;
	v27 =	vmul.f32 v19, v4  }
0xcb: {  	v19 =	vadd.f32 v16, v14;
	v14 =	vmul.f32 v26, v4;
	v20 =	vld.idx.msk [tilespmem:v20+s6+$0x0], $0xffff;
	v25 =	vcvt.f32.s32 v12  }
0xcc: {  	vm0 =	vgt.f32 v11, $0.0e+00;
	v26 =	vmin.f32 v29, v3;
	v21 =	vld.idx.msk [tilespmem:v21+s6+$0x0], $0xffff;
	v16 =	vadd.f32 $1.000000000e+00, v27  }
0xcd: {  	v26 =	vmul.f32 v26, v4;
	v14 =	vadd.f32 $1.000000000e+00, v14;
	[tilespmem:s25+$0x13520] =	vst v19;
	v28 =	vcvt.s32.f32 v25  }
0xce: {  	v27 =	vsub.f32 $1.000000000e+00, v18;
	v23 =	vmax.f32 v23, v5;
	v9 =	vld.idx.msk [tilespmem:v9+s6+$0x0], $0xffff;
	v16 =	vmul.f32 $1.275000000e+02, v16  }
0xcf: {  	v23 =	vmin.f32 v23, v3;
	v14 =	vmul.f32 $1.275000000e+02, v14;
	v24 =	vsub.f32 v24, v28;
	v28 =	vld [tilespmem:s26+$0xC120]  }
0xd0: {  	v12 =	vsub.f32 $1.000000000e+00, v11;
	v23 =	vmul.f32 v23, v4;
	v18 =	vmul.f32 v18, v20  }
0xd1: {  	v16 =	vadd.f32 v16, v1;
	vm1 =	vgt.f32 v24, $0.0e+00;
	v20 =	vmul.f32 v27, v21  }
0xd2: {  	v14 =	vadd.f32 v14, v1;
	v27 =	vld [tilespmem:s26+$0xC130];
	v23 =	vadd.f32 $1.000000000e+00, v23;
	v21 =	vsel vm1, $0x1, v0  }
0xd3: {  	v29 =	vtrunc.f32 v16;
	v18 =	vadd.f32 v20, v18;
	v20 =	vadd.f32 $1.000000000e+00, v26  }
0xd4: {  	v6 =	vmul.f32 v6, v9;
	v23 =	vmul.f32 $1.275000000e+02, v23;
	v26 =	vmax.f32 v28, v5  }
0xd5: {  	v21 =	vadd.s32 v25, v21;
	v28 =	vld [tilespmem:s26+$0xC190];
	v26 =	vmin.f32 v26, v3;
	[tilespmem:s25+$0x135B0] =	vst v18;
	v18 =	vmul.f32 $1.275000000e+02, v20  }
0xd6: {  	v20 =	vcvt.f32.s32 v29;
	v29 =	vtrunc.f32 v14;
	v23 =	vadd.f32 v23, v1  }
0xd7: {  	v26 =	vmul.f32 v26, v4;
	v27 =	vmax.f32 v27, v5;
	v29 =	vcvt.f32.s32 v29  }
0xd8: {  	v25 =	vld.idx.msk [tilespmem:v25+s6+$0x0], $0xffff;
	v18 =	vadd.f32 v18, v1;
	v30 =	vcvt.s32.f32 v20;
	v27 =	vmin.f32 v27, v3  }
0xd9: {  	v34 =	vtrunc.f32 v23;
	v26 =	vadd.f32 $1.000000000e+00, v26;
	v31 =	vcvt.s32.f32 v29  }
0xda: {  	v34 =	vcvt.f32.s32 v34;
	v28 =	vmax.f32 v28, v5;
	v16 =	vsub.f32 v16, v30  }
0xdb: {  	v21 =	vld.idx.msk [tilespmem:v21+s6+$0x0], $0xffff;
	v30 =	vsub.f32 $1.000000000e+00, v24;
	v50 =	vtrunc.f32 v18;
	v28 =	vmin.f32 v28, v3  }
0xdc: {  	v31 =	vsub.f32 v14, v31;
	v26 =	vmul.f32 $1.275000000e+02, v26;
	v36 =	vcvt.s32.f32 v34  }
0xdd: {  	v14 =	vmul.f32 v28, v4;
	vm1 =	vgt.f32 v16, $0.0e+00;
	v24 =	vmul.f32 v24, v25  }
0xde: {  	v42 =	vld [tilespmem:s26+$0xC160];
	v28 =	vcvt.f32.s32 v50;
	v39 =	vsub.f32 $1.000000000e+00, v16;
	v25 =	vsel vm1, $0x1, v0  }
0xdf: {  	vm1 =	vgt.f32 v31, $0.0e+00;
	v26 =	vadd.f32 v26, v1;
	v36 =	vsub.f32 v23, v36;
	v23 =	vld [tilespmem:s26+$0xC510]  }
0xe0: {  	v21 =	vmul.f32 v30, v21;
	v14 =	vadd.f32 $1.000000000e+00, v14;
	v30 =	vld [tilespmem:s26+$0xC1A0];
	v52 =	vsel vm1, $0x1, v0  }
0xe1: {  	v25 =	vadd.s32 v20, v25;
	v33 =	vadd.s32 v29, v52;
	v52 =	vtrunc.f32 v32  }
0xe2: {  	v21 =	vadd.f32 v21, v24;
	v24 =	vcvt.s32.f32 v28;
	v14 =	vmul.f32 $1.275000000e+02, v14  }
0xe3: {  	v50 =	vmax.f32 v42, v5;
	v40 =	vtrunc.f32 v26;
	v42 =	vcvt.f32.s32 v52  }
0xe4: {  	[tilespmem:s25+$0x135C0] =	vst v21;
	v18 =	vsub.f32 v18, v24;
	v14 =	vadd.f32 v14, v1;
	v23 =	vmax.f32 v23, v5  }
0xe5: {  	v21 =	vmul.f32 v27, v4;
	v27 =	vmax.f32 v30, v5;
	v30 =	vld.idx.msk [tilespmem:v28+s6+$0x0], $0xffff;
	v23 =	vmin.f32 v23, v3  }
0xe6: {  	v24 =	vld.idx.msk [tilespmem:v25+s6+$0x0], $0xffff;
	vm1 =	vgt.f32 v18, $0.0e+00;
	v25 =	vtrunc.f32 v14;
	v27 =	vmin.f32 v27, v3  }
0xe7: {  	v20 =	vld.idx.msk [tilespmem:v20+s6+$0x0], $0xffff;
	v53 =	vsub.f32 $1.000000000e+00, v18;
	v41 =	vadd.f32 $1.000000000e+00, v21;
	v23 =	vmul.f32 v23, v4  }
0xe8: {  	v33 =	vld.idx.msk [tilespmem:v33+s6+$0x0], $0xffff;
	v35 =	vsel vm1, $0x1, v0;
	v25 =	vcvt.f32.s32 v25;
	v27 =	vmul.f32 v27, v4  }
0xe9: {  	v28 =	vadd.s32 v28, v35;
	v41 =	vmul.f32 $1.275000000e+02, v41;
	v23 =	vadd.f32 $1.000000000e+00, v23  }
0xea: {  	v29 =	vld.idx.msk [tilespmem:v29+s6+$0x0], $0xffff;
	v37 =	vcvt.s32.f32 v25;
	v21 =	vadd.f32 $1.000000000e+00, v27;
	v30 =	vmul.f32 v18, v30  }
0xeb: {  	v18 =	vsub.f32 $1.000000000e+00, v31;
	v57 =	vadd.f32 v41, v1;
	v23 =	vmul.f32 $1.275000000e+02, v23  }
0xec: {  	v27 =	vsub.f32 v14, v37;
	v14 =	vmul.f32 v16, v20;
	v16 =	vmul.f32 v39, v24  }
0xed: {  	v44 =	vsub.f32 $1.000000000e+00, v36;
	v20 =	vmul.f32 $1.275000000e+02, v21;
	v24 =	vld [tilespmem:s26+$0xC500];
	v18 =	vmul.f32 v18, v33  }
0xee: {  	v59 =	vtrunc.f32 v57;
	v23 =	vadd.f32 v23, v1;
	v28 =	vld.idx.msk [tilespmem:v28+s6+$0x0], $0xffff;
	vm1 =	vgt.f32 v27, $0.0e+00  }
0xef: {  	v14 =	vadd.f32 v16, v14;
	v16 =	vmul.f32 v31, v29;
	v29 =	vld [tilespmem:s26+$0xC1B0];
	v31 =	vcvt.f32.s32 v40  }
0xf0: {  	v56 =	vadd.f32 v20, v1;
	v60 =	vsub.f32 $1.000000000e+00, v27;
	v21 =	vsel vm1, $0x1, v0  }
0xf1: {  	vm1 =	vgt.f32 v36, $0.0e+00;
	v54 =	vadd.s32 v25, v21;
	v43 =	vcvt.s32.f32 v31  }
0xf2: {  	v20 =	vld [tilespmem:s26+$0xC530];
	v55 =	vsel vm1, $0x1, v0;
	v16 =	vadd.f32 v18, v16;
	v45 =	vtrunc.f32 v56  }
0xf3: {  	v62 =	vld [tilespmem:s26+$0xC1C0];
	v39 =	vadd.s32 v34, v55;
	v24 =	vmax.f32 v24, v5;
	v26 =	vsub.f32 v26, v43  }
0xf4: {  	v21 =	vld [tilespmem:s26+$0xC520];
	[tilespmem:s26+$0x13180] =	vst v16;
	v16 =	vmul.f32 v53, v28;
	v28 =	vcvt.f32.s32 v45;
	v29 =	vmax.f32 v29, v5  }
0xf5: {  	v43 =	vcvt.f32.s32 v59;
	v24 =	vmin.f32 v24, v3;
	v25 =	vld.idx.msk [tilespmem:v25+s6+$0x0], $0xffff;
	v29 =	vmin.f32 v29, v3  }
0xf6: {  	v33 =	vld.idx.msk [tilespmem:v54+s6+$0x0], $0xffff;
	v30 =	vadd.f32 v16, v30;
	v29 =	vmul.f32 v29, v4;
	v58 =	vcvt.s32.f32 v28  }
0xf7: {  	v18 =	vld [tilespmem:s26+$0xC540];
	v24 =	vmul.f32 v24, v4;
	v20 =	vmax.f32 v20, v5;
	v61 =	vsub.f32 $1.000000000e+00, v26  }
0xf8: {  	v55 =	vld [tilespmem:s26+$0xC1D0];
	vm1 =	vgt.f32 v26, $0.0e+00;
	[tilespmem:s26+$0x13100] =	vst v30;
	v29 =	vadd.f32 $1.000000000e+00, v29;
	v40 =	vsub.f32 v56, v58  }
0xf9: {  	v46 =	vcvt.s32.f32 v43;
	v20 =	vmin.f32 v20, v3;
	v24 =	vadd.f32 $1.000000000e+00, v24;
	v34 =	vld.idx.msk [tilespmem:v34+s6+$0x0], $0xffff  }
0xfa: {  	v30 =	vsel vm1, $0x1, v0;
	v39 =	vld.idx.msk [tilespmem:v39+s6+$0x0], $0xffff;
	v29 =	vmul.f32 $1.275000000e+02, v29;
	vm1 =	vgt.f32 v40, $0.0e+00  }
0xfb: {  	v25 =	vmul.f32 v27, v25;
	v27 =	vmul.f32 v60, v33;
	v63 =	vsel vm1, $0x1, v0  }
0xfc: {  	v21 =	vmax.f32 v21, v5;
	v41 =	vadd.s32 v28, v63;
	v29 =	vadd.f32 v29, v1  }
0xfd: {  	v20 =	vmul.f32 v20, v4;
	v18 =	vmax.f32 v18, v5;
	v25 =	vadd.f32 v27, v25  }
0xfe: {  	v59 =	vmax.f32 v55, v5;
	v34 =	vmul.f32 v36, v34;
	v47 =	vtrunc.f32 v29  }
0xff: {  	v33 =	vmax.f32 v62, v5;
	[tilespmem:s26+$0x13190] =	vst v25;
	v25 =	vmul.f32 v44, v39;
	v36 =	vcvt.f32.s32 v47  }
0x100: {  	v21 =	vmin.f32 v21, v3;
	v30 =	vadd.s32 v31, v30;
	v33 =	vmin.f32 v33, v3;
	v28 =	vld.idx.msk [tilespmem:v28+s6+$0x0], $0xffff  }
0x101: {  	v33 =	vmul.f32 v33, v4;
	v48 =	vld.idx.msk [tilespmem:v41+s6+$0x0], $0xffff;
	v25 =	vadd.f32 v25, v34;
	v49 =	vcvt.s32.f32 v36  }
0x102: {  	v18 =	vmin.f32 v18, v3;
	v58 =	vmin.f32 v50, v3;
	v27 =	vsub.f32 v57, v46  }
0x103: {  	v24 =	vmul.f32 $1.275000000e+02, v24;
	[tilespmem:s26+$0x13110] =	vst v25;
	v25 =	vsub.f32 v29, v49;
	v29 =	vadd.f32 $1.000000000e+00, v33  }
0x104: {  	v54 =	vsub.f32 $1.000000000e+00, v40;
	v46 =	vmin.f32 v38, v3;
	vm1 =	vgt.f32 v27, $0.0e+00;
	v31 =	vld.idx.msk [tilespmem:v31+s6+$0x0], $0xffff  }
0x105: {  	v51 =	vsel vm1, $0x1, v0;
	v30 =	vld.idx.msk [tilespmem:v30+s6+$0x0], $0xffff;
	v29 =	vmul.f32 $1.275000000e+02, v29;
	vm1 =	vgt.f32 v25, $0.0e+00  }
0x106: {  	v37 =	vld [tilespmem:s26+$0xC170];
	v28 =	vmul.f32 v40, v28;
	v38 =	vmul.f32 v54, v48;
	v56 =	vsel vm1, $0x1, v0  }
0x107: {  	v21 =	vmul.f32 v21, v4;
	v20 =	vadd.f32 $1.000000000e+00, v20;
	v41 =	vadd.s32 v36, v56  }
0x108: {  	v57 =	vcvt.s32.f32 v42;
	v29 =	vadd.f32 v29, v1;
	v28 =	vadd.f32 v38, v28  }
0x109: {  	v24 =	vadd.f32 v24, v1;
	v35 =	vmul.f32 v46, v4;
	v26 =	vmul.f32 v26, v31  }
0x10a: {  	v53 =	vadd.s32 v43, v51;
	v30 =	vmul.f32 v61, v30;
	[tilespmem:s26+$0x131A0] =	vst v28;
	v28 =	vtrunc.f32 v29  }
0x10b: {  	v31 =	vmax.f32 v37, v5;
	v37 =	vmin.f32 v59, v3;
	v36 =	vld.idx.msk [tilespmem:v36+s6+$0x0], $0xffff;
	v28 =	vcvt.f32.s32 v28  }
0x10c: {  	v35 =	vadd.f32 $1.000000000e+00, v35;
	v26 =	vadd.f32 v30, v26;
	v30 =	vmul.f32 v37, v4;
	v61 =	vld.idx.msk [tilespmem:v41+s6+$0x0], $0xffff  }
0x10d: {  	v21 =	vadd.f32 $1.000000000e+00, v21;
	v32 =	vsub.f32 v32, v57;
	v62 =	vcvt.s32.f32 v28  }
0x10e: {  	v34 =	vsub.f32 $1.000000000e+00, v27;
	v51 =	vld [tilespmem:s26+$0xC1E0];
	v35 =	vmul.f32 $1.275000000e+02, v35;
	[tilespmem:s26+$0x13120] =	vst v26;
	v30 =	vadd.f32 $1.000000000e+00, v30  }
0x10f: {  	v49 =	vsub.f32 $1.000000000e+00, v25;
	vm1 =	vgt.f32 v32, $0.0e+00;
	v47 =	vld.idx.msk [tilespmem:v43+s6+$0x0], $0xffff;
	v29 =	vsub.f32 v29, v62  }
0x110: {  	v35 =	vadd.f32 v35, v1;
	v63 =	vsel vm1, $0x1, v0;
	v33 =	vld.idx.msk [tilespmem:v53+s6+$0x0], $0xffff;
	v30 =	vmul.f32 $1.275000000e+02, v30  }
0x111: {  	v25 =	vmul.f32 v25, v36;
	vm1 =	vgt.f32 v29, $0.0e+00;
	v50 =	vmul.f32 v49, v61  }
0x112: {  	v60 =	vtrunc.f32 v35;
	v38 =	vmul.f32 v58, v4;
	v52 =	vsel vm1, $0x1, v0  }
0x113: {  	v30 =	vadd.f32 v30, v1;
	v53 =	vadd.s32 v28, v52;
	v25 =	vadd.f32 v50, v25  }
0x114: {  	v39 =	vcvt.f32.s32 v60;
	v38 =	vadd.f32 $1.000000000e+00, v38;
	v27 =	vmul.f32 v27, v47  }
0x115: {  	v56 =	vmax.f32 v51, v5;
	v54 =	vtrunc.f32 v30;
	[tilespmem:s26+$0x131B0] =	vst v25;
	v25 =	vmul.f32 v34, v33  }
0x116: {  	v38 =	vmul.f32 $1.275000000e+02, v38;
	v26 =	vadd.s32 v42, v63;
	v55 =	vcvt.f32.s32 v54  }
0x117: {  	v48 =	vcvt.s32.f32 v39;
	v34 =	vmin.f32 v56, v3;
	v28 =	vld.idx.msk [tilespmem:v28+s6+$0x0], $0xffff;
	v25 =	vadd.f32 v25, v27  }
0x118: {  	v38 =	vadd.f32 v38, v1;
	v34 =	vmul.f32 v34, v4;
	v27 =	vcvt.s32.f32 v55;
	v41 =	vld.idx.msk [tilespmem:v53+s6+$0x0], $0xffff  }
0x119: {  	v44 =	vsub.f32 $1.000000000e+00, v32;
	v31 =	vmin.f32 v31, v3;
	v35 =	vsub.f32 v35, v48;
	[tilespmem:s26+$0x13130] =	vst v25  }
0x11a: {  	v58 =	vtrunc.f32 v38;
	v25 =	vsub.f32 v30, v27;
	v27 =	vadd.f32 $1.000000000e+00, v34;
	v30 =	vld.idx.msk [tilespmem:v42+s6+$0x0], $0xffff  }
0x11b: {  	v40 =	vcvt.f32.s32 v58;
	v60 =	vsub.f32 $1.000000000e+00, v29;
	vm1 =	vgt.f32 v35, $0.0e+00;
	v26 =	vld.idx.msk [tilespmem:v26+s6+$0x0], $0xffff  }
0x11c: {  	v61 =	vld [tilespmem:s26+$0xC1F0];
	v57 =	vsel vm1, $0x1, v0;
	v27 =	vmul.f32 $1.275000000e+02, v27;
	vm1 =	vgt.f32 v25, $0.0e+00  }
0x11d: {  	v28 =	vmul.f32 v29, v28;
	v62 =	vsel vm1, $0x1, v0;
	v29 =	vmul.f32 v60, v41  }
0x11e: {  	v31 =	vmul.f32 v31, v4;
	v63 =	vadd.s32 v55, v62;
	v27 =	vadd.f32 v27, v1  }
0x11f: {  	v59 =	vcvt.s32.f32 v40;
	v28 =	vadd.f32 v29, v28;
	v30 =	vmul.f32 v32, v30  }
0x120: {  	v31 =	vadd.f32 $1.000000000e+00, v31;
	v52 =	vld [tilespmem:s26+$0xC580];
	v45 =	vtrunc.f32 v27;
	v26 =	vmul.f32 v44, v26  }
0x121: {  	v37 =	vadd.s32 v39, v57;
	v46 =	vmax.f32 v61, v5;
	[tilespmem:s26+$0x131C0] =	vst v28;
	v28 =	vcvt.f32.s32 v45  }
0x122: {  	v31 =	vmul.f32 $1.275000000e+02, v31;
	v32 =	vmin.f32 v46, v3;
	v26 =	vadd.f32 v26, v30;
	v33 =	vld.idx.msk [tilespmem:v55+s6+$0x0], $0xffff  }
0x123: {  	v34 =	vsub.f32 v38, v59;
	v32 =	vmul.f32 v32, v4;
	v38 =	vld.idx.msk [tilespmem:v63+s6+$0x0], $0xffff;
	v30 =	vcvt.s32.f32 v28  }
0x124: {  	v20 =	vmul.f32 $1.275000000e+02, v20;
	v36 =	vsub.f32 $1.000000000e+00, v35;
	v31 =	vadd.f32 v31, v1;
	[tilespmem:s26+$0x13140] =	vst v26  }
0x125: {  	v57 =	vmax.f32 v52, v5;
	v49 =	vld.idx.msk [tilespmem:v39+s6+$0x0], $0xffff;
	v26 =	vsub.f32 v27, v30;
	v27 =	vadd.f32 $1.000000000e+00, v32  }
0x126: {  	v50 =	vsub.f32 $1.000000000e+00, v25;
	vm1 =	vgt.f32 v34, $0.0e+00;
	v29 =	vtrunc.f32 v31;
	v37 =	vld.idx.msk [tilespmem:v37+s6+$0x0], $0xffff  }
0x127: {  	v47 =	vsel vm1, $0x1, v0;
	v29 =	vcvt.f32.s32 v29;
	v27 =	vmul.f32 $1.275000000e+02, v27  }
0x128: {  	vm1 =	vgt.f32 v26, $0.0e+00;
	v25 =	vmul.f32 v25, v33;
	v51 =	vmul.f32 v50, v38  }
0x129: {  	v48 =	vcvt.s32.f32 v29;
	v55 =	vtrunc.f32 v24;
	v53 =	vsel vm1, $0x1, v0  }
0x12a: {  	v39 =	vadd.s32 v28, v53;
	v25 =	vadd.f32 v51, v25;
	v27 =	vadd.f32 v27, v1  }
0x12b: {  	v30 =	vadd.s32 v40, v47;
	v32 =	vmul.f32 v35, v49;
	v56 =	vmul.f32 v36, v37  }
0x12c: {  	v36 =	vmin.f32 v57, v3;
	v37 =	vcvt.f32.s32 v55;
	[tilespmem:s26+$0x131D0] =	vst v25;
	v25 =	vtrunc.f32 v27  }
0x12d: {  	v47 =	vld [tilespmem:s26+$0xC590];
	v59 =	vmul.f32 v36, v4;
	v32 =	vadd.f32 v56, v32;
	v25 =	vcvt.f32.s32 v25  }
0x12e: {  	v21 =	vmul.f32 $1.275000000e+02, v21;
	v31 =	vsub.f32 v31, v48;
	v61 =	vcvt.s32.f32 v37;
	v28 =	vld.idx.msk [tilespmem:v28+s6+$0x0], $0xffff  }
0x12f: {  	v42 =	vsub.f32 $1.000000000e+00, v34;
	v62 =	vadd.f32 $1.000000000e+00, v59;
	[tilespmem:s26+$0x13150] =	vst v32;
	v58 =	vld.idx.msk [tilespmem:v39+s6+$0x0], $0xffff;
	v60 =	vcvt.s32.f32 v25  }
0x130: {  	v45 =	vtrunc.f32 v23;
	vm1 =	vgt.f32 v31, $0.0e+00;
	v63 =	vld.idx.msk [tilespmem:v40+s6+$0x0], $0xffff;
	v39 =	vsub.f32 v24, v61  }
0x131: {  	v24 =	vld.idx.msk [tilespmem:v30+s6+$0x0], $0xffff;
	v30 =	vcvt.f32.s32 v45;
	v32 =	vmul.f32 $1.275000000e+02, v62;
	v27 =	vsub.f32 v27, v60  }
0x132: {  	v46 =	vsub.f32 $1.000000000e+00, v26;
	v54 =	vsel vm1, $0x1, v0;
	v52 =	vmax.f32 v47, v5  }
0x133: {  	v32 =	vadd.f32 v32, v1;
	v50 =	vcvt.s32.f32 v30;
	vm1 =	vgt.f32 v27, $0.0e+00  }
0x134: {  	v26 =	vmul.f32 v26, v28;
	v28 =	vmul.f32 v46, v58;
	v48 =	vsel vm1, $0x1, v0  }
0x135: {  	v51 =	vtrunc.f32 v32;
	v36 =	vsub.f32 v23, v50;
	v38 =	vadd.s32 v25, v48  }
0x136: {  	v23 =	vmin.f32 v52, v3;
	v34 =	vmul.f32 v34, v63;
	v26 =	vadd.f32 v28, v26  }
0x137: {  	v20 =	vadd.f32 v20, v1;
	v24 =	vmul.f32 v42, v24;
	v23 =	vmul.f32 v23, v4  }
0x138: {  	v21 =	vadd.f32 v21, v1;
	v33 =	vadd.s32 v29, v54;
	[tilespmem:s26+$0x131E0] =	vst v26;
	v26 =	vcvt.f32.s32 v51  }
0x139: {  	vm1 =	vgt.f32 v39, $0.0e+00;
	v24 =	vadd.f32 v24, v34;
	v23 =	vadd.f32 $1.000000000e+00, v23;
	v25 =	vld.idx.msk [tilespmem:v25+s6+$0x0], $0xffff  }
0x13a: {  	v49 =	vsel vm1, $0x1, v0;
	vm1 =	vgt.f32 v36, $0.0e+00;
	v53 =	vld.idx.msk [tilespmem:v38+s6+$0x0], $0xffff;
	v54 =	vcvt.s32.f32 v26  }
0x13b: {  	v16 =	vld [tilespmem:s26+$0xC550];
	v55 =	vtrunc.f32 v21;
	[tilespmem:s26+$0x13160] =	vst v24;
	v24 =	vsel vm1, $0x1, v0;
	v23 =	vmul.f32 $1.275000000e+02, v23  }
0x13c: {  	v58 =	vld [tilespmem:s26+$0xC5A0];
	v57 =	vadd.s32 v30, v24;
	v24 =	vcvt.f32.s32 v55;
	v32 =	vsub.f32 v32, v54  }
0x13d: {  	v44 =	vtrunc.f32 v20;
	v41 =	vsub.f32 $1.000000000e+00, v31;
	v56 =	vsub.f32 $1.000000000e+00, v27;
	v29 =	vld.idx.msk [tilespmem:v29+s6+$0x0], $0xffff  }
0x13e: {  	v33 =	vld.idx.msk [tilespmem:v33+s6+$0x0], $0xffff;
	v62 =	vadd.f32 v23, v1;
	v61 =	vcvt.s32.f32 v24;
	vm1 =	vgt.f32 v32, $0.0e+00  }
0x13f: {  	v25 =	vmul.f32 v27, v25;
	v27 =	vmul.f32 v56, v53;
	v59 =	vsel vm1, $0x1, v0  }
0x140: {  	v45 =	vmul.f32 v18, v4;
	v23 =	vsub.f32 v21, v61;
	v35 =	vadd.s32 v26, v59  }
0x141: {  	v40 =	vsub.f32 $1.000000000e+00, v39;
	v21 =	vtrunc.f32 v62;
	v25 =	vadd.f32 v27, v25  }
0x142: {  	v63 =	vmax.f32 v16, v5;
	v54 =	vld.idx.msk [tilespmem:v17+s6+$0x0], $0xffff;
	v21 =	vcvt.f32.s32 v21;
	vm1 =	vgt.f32 v23, $0.0e+00  }
0x143: {  	v27 =	vmul.f32 v31, v29;
	v29 =	vmax.f32 v58, v5;
	[tilespmem:s26+$0x131F0] =	vst v25;
	v25 =	vmul.f32 v41, v33  }
0x144: {  	s0 =	simm.s32 $0x200;
	s2 =	simm.s32 $0x400;
	v28 =	vadd.s32 v37, v49;
	v16 =	vsel vm1, $0x1, v0;
	v29 =	vmin.f32 v29, v3;
	v26 =	vld.idx.msk [tilespmem:v26+s6+$0x0], $0xffff  }
0x145: {  	s23 =	sand.u32 $0x3800, s2;
	s3 =	sand.u32 $0x300, s0;
	v29 =	vmul.f32 v29, v4;
	v31 =	vld.idx.msk [tilespmem:v35+s6+$0x0], $0xffff;
	v25 =	vadd.f32 v25, v27;
	v27 =	vcvt.s32.f32 v21  }
0x146: {  	s28 =	sor.u32 s3, s23;
	v60 =	vsub.f32 $1.000000000e+00, v36;
	v51 =	vsel vm0, $0x1, v0;
	v46 =	vadd.s32 v24, v16  }
0x147: {  	v61 =	vld [tilespmem:s28+$0xC180];
	v16 =	vcvt.f32.s32 v44;
	[tilespmem:s26+$0x13170] =	vst v25;
	v25 =	vsub.f32 v62, v27;
	v27 =	vadd.f32 $1.000000000e+00, v29  }
0x148: {  	v18 =	vsub.f32 $1.000000000e+00, v32;
	v48 =	vsub.f32 $1.000000000e+00, v23;
	v15 =	vmul.f32 v15, v54;
	v29 =	vld.idx.msk [tilespmem:v37+s6+$0x0], $0xffff  }
0x149: {  	v49 =	vcvt.s32.f32 v16;
	v33 =	vmin.f32 v63, v3;
	v28 =	vld.idx.msk [tilespmem:v28+s6+$0x0], $0xffff;
	v27 =	vmul.f32 $1.275000000e+02, v27  }
0x14a: {  	vm1 =	vgt.f32 v25, $0.0e+00;
	v26 =	vmul.f32 v32, v26;
	v18 =	vmul.f32 v18, v31;
	v31 =	vld [tilespmem:s26+$0xC5B0]  }
0x14b: {  	v33 =	vmul.f32 v33, v4;
	v37 =	vld [tilespmem:s28+$0xC120];
	v47 =	vsel vm1, $0x1, v0;
	v27 =	vadd.f32 v27, v1  }
0x14c: {  	v32 =	vadd.s32 v21, v47;
	v26 =	vadd.f32 v18, v26;
	v18 =	vsub.f32 v20, v49  }
0x14d: {  	v20 =	vadd.f32 $1.000000000e+00, v45;
	v29 =	vmul.f32 v39, v29;
	v50 =	vtrunc.f32 v27  }
0x14e: {  	v63 =	vmax.f32 v61, v5;
	v49 =	vld [tilespmem:s28+$0xC1A0];
	[tilespmem:s26+$0x13580] =	vst v26;
	v26 =	vmul.f32 v40, v28;
	v28 =	vcvt.f32.s32 v50  }
0x14f: {  	v39 =	vld [tilespmem:s28+$0xC130];
	v52 =	vmul.f32 $1.275000000e+02, v20;
	vm0 =	vgt.f32 v18, $0.0e+00;
	v31 =	vmax.f32 v31, v5  }
0x150: {  	v40 =	vmax.f32 v37, v5;
	v17 =	vsel vm0, $0x1, v0;
	v20 =	vmin.f32 v31, v3  }
0x151: {  	v21 =	vld.idx.msk [tilespmem:v21+s6+$0x0], $0xffff;
	v19 =	vadd.f32 v26, v29;
	v26 =	vcvt.s32.f32 v28;
	v53 =	vadd.f32 v52, v1  }
0x152: {  	v31 =	vld.idx.msk [tilespmem:v32+s6+$0x0], $0xffff;
	v17 =	vadd.s32 v16, v17;
	v29 =	vmul.f32 v20, v4;
	v20 =	vsub.f32 $1.000000000e+00, v18  }
0x153: {  	v54 =	vmax.f32 v49, v5;
	[tilespmem:s26+$0x13500] =	vst v19;
	v26 =	vsub.f32 v27, v26;
	v19 =	vtrunc.f32 v53  }
0x154: {  	v34 =	vmax.f32 v39, v5;
	v37 =	vmin.f32 v54, v3;
	v27 =	vadd.f32 $1.000000000e+00, v29  }
0x155: {  	v29 =	vld.idx.msk [tilespmem:v30+s6+$0x0], $0xffff;
	v30 =	vsub.f32 $1.000000000e+00, v25;
	v19 =	vcvt.f32.s32 v19;
	v37 =	vmul.f32 v37, v4  }
0x156: {  	v55 =	vld.idx.msk [tilespmem:v57+s6+$0x0], $0xffff;
	v34 =	vmin.f32 v34, v3;
	v21 =	vmul.f32 v25, v21;
	v27 =	vmul.f32 $1.275000000e+02, v27  }
0x157: {  	vm0 =	vgt.f32 v26, $0.0e+00;
	v52 =	vmul.f32 v34, v4;
	v25 =	vmul.f32 v30, v31;
	v31 =	vld [tilespmem:s26+$0xC5C0]  }
0x158: {  	v30 =	vsel vm0, $0x1, v0;
	v56 =	vcvt.s32.f32 v19;
	v27 =	vadd.f32 v27, v1  }
0x159: {  	v37 =	vadd.f32 $1.000000000e+00, v37;
	v30 =	vadd.s32 v28, v30;
	v9 =	vadd.f32 v25, v21  }
0x15a: {  	v21 =	vadd.f32 $1.000000000e+00, v33;
	v25 =	vmul.f32 v36, v29;
	v29 =	vtrunc.f32 v27  }
0x15b: {  	[tilespmem:s26+$0x13590] =	vst v9;
	v9 =	vadd.f32 v15, v6;
	v15 =	vmul.f32 v60, v55;
	v6 =	vsub.f32 v53, v56  }
0x15c: {  	v21 =	vmul.f32 $1.275000000e+02, v21;
	v60 =	vld [tilespmem:s26+$0xC5D0];
	v29 =	vcvt.f32.s32 v29;
	v31 =	vmax.f32 v31, v5  }
0x15d: {  	v28 =	vld.idx.msk [tilespmem:v28+s6+$0x0], $0xffff;
	v31 =	vmin.f32 v31, v3;
	[tilespmem:s25+$0x13530] =	vst v9;
	v9 =	vadd.f32 v15, v25;
	vm0 =	vgt.f32 v6, $0.0e+00  }
0x15e: {  	v30 =	vld.idx.msk [tilespmem:v30+s6+$0x0], $0xffff;
	v25 =	vadd.f32 v21, v1;
	v15 =	vcvt.s32.f32 v29;
	v31 =	vmul.f32 v31, v4  }
0x15f: {  	v33 =	vmin.f32 v63, v3;
	v21 =	vadd.s32 v13, v51;
	v57 =	vld.idx.msk [tilespmem:v7+s6+$0x0], $0xffff;
	v58 =	vsel vm0, $0x1, v0  }
0x160: {  	v22 =	vld.idx.msk [tilespmem:v22+s6+$0x0], $0xffff;
	[tilespmem:s26+$0x13510] =	vst v9;
	v7 =	vtrunc.f32 v25;
	v15 =	vsub.f32 v27, v15;
	v27 =	vadd.f32 $1.000000000e+00, v31  }
0x161: {  	v9 =	vsub.f32 $1.000000000e+00, v6;
	v24 =	vld.idx.msk [tilespmem:v24+s6+$0x0], $0xffff;
	v7 =	vcvt.f32.s32 v7;
	v31 =	vsub.f32 $1.000000000e+00, v26  }
0x162: {  	v59 =	vld.idx.msk [tilespmem:v46+s6+$0x0], $0xffff;
	v62 =	vmax.f32 v60, v5;
	v26 =	vmul.f32 v26, v28;
	v27 =	vmul.f32 $1.275000000e+02, v27  }
0x163: {  	vm0 =	vgt.f32 v15, $0.0e+00;
	v30 =	vmul.f32 v31, v30;
	v31 =	vcvt.s32.f32 v7  }
0x164: {  	v41 =	vld [tilespmem:s28+$0xC190];
	v38 =	vsub.f32 $1.000000000e+00, v15;
	v28 =	vsel vm0, $0x1, v0;
	v32 =	vmul.f32 v8, v57  }
0x165: {  	v10 =	vmul.f32 v10, v22;
	v28 =	vadd.s32 v29, v28;
	v26 =	vadd.f32 v30, v26;
	v30 =	vld [tilespmem:s28+$0xC100]  }
0x166: {  	v27 =	vadd.f32 v27, v1;
	v8 =	vsub.f32 v25, v31;
	v31 =	vld [tilespmem:s28+$0xC110];
	v24 =	vmul.f32 v23, v24  }
0x167: {  	v23 =	vadd.f32 v10, v32;
	v32 =	vmin.f32 v62, v3;
	[tilespmem:s26+$0x135A0] =	vst v26;
	v26 =	vmul.f32 v48, v59  }
0x168: {  	v22 =	vadd.s32 v19, v58;
	v25 =	vtrunc.f32 v27;
	v32 =	vmul.f32 v32, v4  }
0x169: {  	v10 =	vsub.f32 $1.000000000e+00, v8;
	v25 =	vcvt.f32.s32 v25;
	v29 =	vld.idx.msk [tilespmem:v29+s6+$0x0], $0xffff;
	v24 =	vadd.f32 v26, v24  }
0x16a: {  	v26 =	vmul.f32 v33, v4;
	v32 =	vadd.f32 $1.000000000e+00, v32;
	v33 =	vmax.f32 v41, v5;
	v28 =	vld.idx.msk [tilespmem:v28+s6+$0x0], $0xffff  }
0x16b: {  	v36 =	vcvt.s32.f32 v25;
	v30 =	vmax.f32 v30, v5;
	v31 =	vmax.f32 v31, v5  }
0x16c: {  	v33 =	vmin.f32 v33, v3;
	v30 =	vmin.f32 v30, v3;
	v26 =	vadd.f32 $1.000000000e+00, v26  }
0x16d: {  	v32 =	vmul.f32 $1.275000000e+02, v32;
	v33 =	vmul.f32 v33, v4;
	v27 =	vsub.f32 v27, v36  }
0x16e: {  	v31 =	vmin.f32 v31, v3;
	v30 =	vmul.f32 v30, v4;
	v26 =	vmul.f32 $1.275000000e+02, v26  }
0x16f: {  	v15 =	vmul.f32 v15, v29;
	vm1 =	vgt.f32 v27, $0.0e+00;
	v28 =	vmul.f32 v38, v28  }
0x170: {  	v31 =	vmul.f32 v31, v4;
	v29 =	vsel vm1, $0x1, v0;
	v26 =	vadd.f32 v26, v1  }
0x171: {  	v30 =	vadd.f32 $1.000000000e+00, v30;
	v29 =	vadd.s32 v25, v29;
	v15 =	vadd.f32 v28, v15  }
0x172: {  	v28 =	vadd.f32 v32, v1;
	v32 =	vmin.f32 v40, v3;
	v43 =	vtrunc.f32 v26  }
0x173: {  	v33 =	vadd.f32 $1.000000000e+00, v33;
	v32 =	vmul.f32 v32, v4;
	v35 =	vcvt.f32.s32 v43  }
0x174: {  	v61 =	vld [tilespmem:s28+$0xC150];
	v42 =	vtrunc.f32 v28;
	[tilespmem:s26+$0x135B0] =	vst v15;
	v15 =	vmul.f32 $1.275000000e+02, v30;
	v30 =	vadd.f32 $1.000000000e+00, v31  }
0x175: {  	v47 =	vsub.f32 $1.000000000e+00, v27;
	v31 =	vcvt.f32.s32 v42;
	v25 =	vld.idx.msk [tilespmem:v25+s6+$0x0], $0xffff;
	v45 =	vcvt.s32.f32 v35  }
0x176: {  	v32 =	vadd.f32 $1.000000000e+00, v32;
	v29 =	vld.idx.msk [tilespmem:v29+s6+$0x0], $0xffff;
	v15 =	vadd.f32 v15, v1;
	v30 =	vmul.f32 $1.275000000e+02, v30  }
0x177: {  	v33 =	vmul.f32 $1.275000000e+02, v33;
	v44 =	vcvt.s32.f32 v31;
	v26 =	vsub.f32 v26, v45  }
0x178: {  	v32 =	vmul.f32 $1.275000000e+02, v32;
	v46 =	vtrunc.f32 v15;
	v30 =	vadd.f32 v30, v1  }
0x179: {  	v45 =	vmax.f32 v61, v5;
	v28 =	vsub.f32 v28, v44;
	v36 =	vcvt.f32.s32 v46  }
0x17a: {  	v61 =	vmin.f32 v45, v3;
	v25 =	vmul.f32 v27, v25;
	v51 =	vtrunc.f32 v30  }
0x17b: {  	v48 =	vld [tilespmem:s28+$0xC140];
	vm1 =	vgt.f32 v28, $0.0e+00;
	v27 =	vmul.f32 v47, v29;
	v40 =	vcvt.f32.s32 v51  }
0x17c: {  	v60 =	vsub.f32 $1.000000000e+00, v28;
	v51 =	vld [tilespmem:s28+$0xC1C0];
	v29 =	vsel vm1, $0x1, v0;
	vm1 =	vgt.f32 v26, $0.0e+00  }
0x17d: {  	v25 =	vadd.f32 v27, v25;
	v27 =	vcvt.s32.f32 v36;
	v50 =	vsel vm1, $0x1, v0  }
0x17e: {  	v29 =	vadd.s32 v31, v29;
	v58 =	vcvt.s32.f32 v40;
	v39 =	vadd.s32 v35, v50  }
0x17f: {  	vm0 =	vgt.f32 v8, $0.0e+00;
	v35 =	vld.idx.msk [tilespmem:v35+s6+$0x0], $0xffff;
	[tilespmem:s26+$0x135C0] =	vst v25;
	v15 =	vsub.f32 v15, v27;
	v25 =	vadd.f32 v33, v1  }
0x180: {  	v33 =	vmax.f32 v48, v5;
	v42 =	vsub.f32 v30, v58;
	v27 =	vld.idx.msk [tilespmem:v31+s6+$0x0], $0xffff;
	v31 =	vadd.f32 v32, v1  }
0x181: {  	v55 =	vld.idx.msk [tilespmem:v36+s6+$0x0], $0xffff;
	v32 =	vadd.f32 $1.000000000e+00, v52;
	v33 =	vmin.f32 v33, v3;
	v51 =	vmax.f32 v51, v5  }
0x182: {  	v30 =	vld [tilespmem:s28+$0xC500];
	vm1 =	vgt.f32 v15, $0.0e+00;
	v53 =	vtrunc.f32 v25;
	v57 =	vsub.f32 $1.000000000e+00, v15  }
0x183: {  	v49 =	vsub.f32 $1.000000000e+00, v42;
	v33 =	vmul.f32 v33, v4;
	v34 =	vcvt.f32.s32 v53  }
0x184: {  	v56 =	vsel vm1, $0x1, v0;
	v62 =	vtrunc.f32 v31;
	v32 =	vmul.f32 $1.275000000e+02, v32  }
0x185: {  	v47 =	vld [tilespmem:s28+$0xC160];
	v36 =	vadd.s32 v36, v56;
	v33 =	vadd.f32 $1.000000000e+00, v33;
	v59 =	vcvt.s32.f32 v34  }
0x186: {  	v29 =	vld.idx.msk [tilespmem:v29+s6+$0x0], $0xffff;
	v38 =	vmul.f32 v15, v55;
	v15 =	vsub.f32 $1.000000000e+00, v26;
	v26 =	vmul.f32 v26, v35  }
0x187: {  	v32 =	vadd.f32 v32, v1;
	v30 =	vmax.f32 v30, v5;
	v33 =	vmul.f32 $1.275000000e+02, v33  }
0x188: {  	v39 =	vld.idx.msk [tilespmem:v39+s6+$0x0], $0xffff;
	v43 =	vsub.f32 v25, v59;
	v25 =	vmul.f32 v28, v27;
	v28 =	vmul.f32 $1.275000000e+02, v37  }
0x189: {  	v30 =	vmin.f32 v30, v3;
	v37 =	vcvt.f32.s32 v62;
	v50 =	vtrunc.f32 v32  }
0x18a: {  	v62 =	vmax.f32 v47, v5;
	v47 =	vmin.f32 v51, v3;
	v30 =	vmul.f32 v30, v4  }
0x18b: {  	v27 =	vmul.f32 v60, v29;
	v50 =	vcvt.f32.s32 v50;
	v33 =	vadd.f32 v33, v1  }
0x18c: {  	v29 =	vld [tilespmem:s28+$0xC510];
	v47 =	vmul.f32 v47, v4;
	vm1 =	vgt.f32 v43, $0.0e+00;
	v53 =	vadd.f32 v28, v1  }
0x18d: {  	v36 =	vld.idx.msk [tilespmem:v36+s6+$0x0], $0xffff;
	v15 =	vmul.f32 v15, v39;
	v58 =	vsub.f32 $1.000000000e+00, v43;
	v30 =	vadd.f32 $1.000000000e+00, v30  }
0x18e: {  	v63 =	vld [tilespmem:s28+$0xC1B0];
	v25 =	vadd.f32 v27, v25;
	v27 =	vsel vm1, $0x1, v0;
	vm1 =	vgt.f32 v42, $0.0e+00  }
0x18f: {  	v60 =	vcvt.s32.f32 v50;
	v52 =	vadd.s32 v34, v27;
	v15 =	vadd.f32 v15, v26  }
0x190: {  	v28 =	vld [tilespmem:s28+$0xC520];
	v27 =	vsel vm1, $0x1, v0;
	v26 =	vcvt.s32.f32 v37;
	v30 =	vmul.f32 $1.275000000e+02, v30  }
0x191: {  	v48 =	vadd.s32 v40, v27;
	v32 =	vsub.f32 v32, v60;
	[tilespmem:s28+$0x13180] =	vst v15;
	v15 =	vtrunc.f32 v53  }
0x192: {  	v31 =	vsub.f32 v31, v26;
	v29 =	vmax.f32 v29, v5;
	v36 =	vmul.f32 v57, v36  }
0x193: {  	v27 =	vld [tilespmem:s28+$0xC530];
	v30 =	vadd.f32 v30, v1;
	v41 =	vcvt.f32.s32 v15;
	v15 =	vmax.f32 v63, v5  }
0x194: {  	v34 =	vld.idx.msk [tilespmem:v34+s6+$0x0], $0xffff;
	v29 =	vmin.f32 v29, v3;
	v26 =	vmin.f32 v15, v3;
	v36 =	vadd.f32 v36, v38  }
0x195: {  	v28 =	vmax.f32 v28, v5;
	v54 =	vld.idx.msk [tilespmem:v52+s6+$0x0], $0xffff;
	v55 =	vcvt.s32.f32 v41;
	v56 =	vmul.f32 v26, v4  }
0x196: {  	vm1 =	vgt.f32 v31, $0.0e+00;
	v29 =	vmul.f32 v29, v4;
	v28 =	vmin.f32 v28, v3;
	[tilespmem:s28+$0x13100] =	vst v36  }
0x197: {  	v57 =	vsel vm1, $0x1, v0;
	v38 =	vsub.f32 v53, v55;
	v39 =	vadd.f32 $1.000000000e+00, v56;
	v40 =	vld.idx.msk [tilespmem:v40+s6+$0x0], $0xffff  }
0x198: {  	v28 =	vmul.f32 v28, v4;
	v29 =	vadd.f32 $1.000000000e+00, v29;
	v27 =	vmax.f32 v27, v5;
	v48 =	vld.idx.msk [tilespmem:v48+s6+$0x0], $0xffff  }
0x199: {  	v36 =	vadd.s32 v37, v57;
	vm1 =	vgt.f32 v38, $0.0e+00;
	v39 =	vmul.f32 $1.275000000e+02, v39  }
0x19a: {  	v34 =	vmul.f32 v43, v34;
	v35 =	vmul.f32 v58, v54;
	v59 =	vsel vm1, $0x1, v0  }
0x19b: {  	v55 =	vadd.f32 $1.000000000e+00, v47;
	v46 =	vadd.s32 v41, v59;
	v39 =	vadd.f32 v39, v1  }
0x19c: {  	v47 =	vsub.f32 $1.000000000e+00, v32;
	v34 =	vadd.f32 v35, v34;
	v40 =	vmul.f32 v42, v40  }
0x19d: {  	v28 =	vadd.f32 $1.000000000e+00, v28;
	v63 =	vtrunc.f32 v39;
	v49 =	vmul.f32 v49, v48  }
0x19e: {  	v27 =	vmin.f32 v27, v3;
	v43 =	vsub.f32 $1.000000000e+00, v31;
	[tilespmem:s28+$0x13190] =	vst v34;
	v45 =	vcvt.f32.s32 v63  }
0x19f: {  	v29 =	vmul.f32 $1.275000000e+02, v29;
	v27 =	vmul.f32 v27, v4;
	v41 =	vld.idx.msk [tilespmem:v41+s6+$0x0], $0xffff;
	v34 =	vadd.f32 v49, v40  }
0x1a0: {  	v56 =	vsub.f32 $1.000000000e+00, v38;
	v28 =	vmul.f32 $1.275000000e+02, v28;
	v46 =	vld.idx.msk [tilespmem:v46+s6+$0x0], $0xffff;
	v52 =	vcvt.s32.f32 v45  }
0x1a1: {  	vm1 =	vgt.f32 v32, $0.0e+00;
	v54 =	vtrunc.f32 v33;
	v29 =	vadd.f32 v29, v1;
	v59 =	vld [tilespmem:s28+$0xC1D0];
	[tilespmem:s28+$0x13110] =	vst v34  }
0x1a2: {  	v35 =	vmul.f32 v61, v4;
	v40 =	vmul.f32 $1.275000000e+02, v55;
	v39 =	vsub.f32 v39, v52;
	v37 =	vld.idx.msk [tilespmem:v37+s6+$0x0], $0xffff  }
0x1a3: {  	v53 =	vsel vm1, $0x1, v0;
	v48 =	vcvt.f32.s32 v54;
	v42 =	vmin.f32 v62, v3;
	v36 =	vld.idx.msk [tilespmem:v36+s6+$0x0], $0xffff  }
0x1a4: {  	v35 =	vadd.f32 $1.000000000e+00, v35;
	v40 =	vadd.f32 v40, v1;
	vm1 =	vgt.f32 v39, $0.0e+00  }
0x1a5: {  	v38 =	vmul.f32 v38, v41;
	v57 =	vmul.f32 v56, v46;
	v58 =	vsel vm1, $0x1, v0  }
0x1a6: {  	v44 =	vld [tilespmem:s28+$0xC170];
	v61 =	vmul.f32 v42, v4;
	v60 =	vcvt.s32.f32 v48;
	v46 =	vadd.s32 v45, v58  }
0x1a7: {  	v35 =	vmul.f32 $1.275000000e+02, v35;
	v63 =	vtrunc.f32 v40;
	v38 =	vadd.f32 v57, v38  }
0x1a8: {  	v51 =	vmax.f32 v59, v5;
	v31 =	vmul.f32 v31, v37;
	v36 =	vmul.f32 v43, v36  }
0x1a9: {  	v34 =	vadd.s32 v50, v53;
	v33 =	vsub.f32 v33, v60;
	[tilespmem:s28+$0x131A0] =	vst v38;
	v38 =	vcvt.f32.s32 v63  }
0x1aa: {  	v42 =	vmin.f32 v51, v3;
	v35 =	vadd.f32 v35, v1;
	v31 =	vadd.f32 v36, v31;
	v52 =	vld.idx.msk [tilespmem:v45+s6+$0x0], $0xffff  }
0x1ab: {  	v62 =	vmax.f32 v44, v5;
	v42 =	vmul.f32 v42, v4;
	v54 =	vld.idx.msk [tilespmem:v46+s6+$0x0], $0xffff;
	v55 =	vcvt.s32.f32 v38  }
0x1ac: {  	v49 =	vsub.f32 $1.000000000e+00, v33;
	v53 =	vtrunc.f32 v35;
	v41 =	vadd.f32 $1.000000000e+00, v61;
	v63 =	vld [tilespmem:s28+$0xC1E0];
	[tilespmem:s28+$0x13120] =	vst v31  }
0x1ad: {  	vm1 =	vgt.f32 v33, $0.0e+00;
	v57 =	vadd.f32 $1.000000000e+00, v42;
	v58 =	vld.idx.msk [tilespmem:v50+s6+$0x0], $0xffff;
	v36 =	vsub.f32 v40, v55  }
0x1ae: {  	v60 =	vsub.f32 $1.000000000e+00, v39;
	v44 =	vcvt.f32.s32 v53;
	v56 =	vsel vm1, $0x1, v0;
	v34 =	vld.idx.msk [tilespmem:v34+s6+$0x0], $0xffff  }
0x1af: {  	v37 =	vmin.f32 v62, v3;
	v40 =	vmul.f32 $1.275000000e+02, v57;
	vm1 =	vgt.f32 v36, $0.0e+00  }
0x1b0: {  	v39 =	vmul.f32 v39, v52;
	v61 =	vmul.f32 v60, v54;
	v62 =	vsel vm1, $0x1, v0  }
0x1b1: {  	v37 =	vmul.f32 v37, v4;
	v40 =	vadd.f32 v40, v1;
	v45 =	vadd.s32 v38, v62  }
0x1b2: {  	v15 =	vld [tilespmem:s28+$0xC540];
	v54 =	vmax.f32 v63, v5;
	v32 =	vmul.f32 v32, v58;
	v39 =	vadd.f32 v61, v39  }
0x1b3: {  	v53 =	vtrunc.f32 v40;
	v34 =	vmul.f32 v47, v34;
	v46 =	vmin.f32 v54, v3  }
0x1b4: {  	v31 =	vadd.s32 v48, v56;
	v46 =	vmul.f32 v46, v4;
	[tilespmem:s28+$0x131B0] =	vst v39;
	v39 =	vcvt.f32.s32 v53  }
0x1b5: {  	v41 =	vmul.f32 $1.275000000e+02, v41;
	v59 =	vcvt.s32.f32 v44;
	v32 =	vadd.f32 v34, v32;
	v38 =	vld.idx.msk [tilespmem:v38+s6+$0x0], $0xffff  }
0x1b6: {  	v37 =	vadd.f32 $1.000000000e+00, v37;
	v57 =	vadd.f32 $1.000000000e+00, v46;
	v45 =	vld.idx.msk [tilespmem:v45+s6+$0x0], $0xffff;
	v56 =	vcvt.s32.f32 v39  }
0x1b7: {  	v15 =	vmax.f32 v15, v5;
	v41 =	vadd.f32 v41, v1;
	v35 =	vsub.f32 v35, v59;
	v63 =	vld [tilespmem:s28+$0xC1F0];
	[tilespmem:s28+$0x13130] =	vst v32  }
0x1b8: {  	v37 =	vmul.f32 $1.275000000e+02, v37;
	v58 =	vld.idx.msk [tilespmem:v48+s6+$0x0], $0xffff;
	v34 =	vmul.f32 $1.275000000e+02, v57;
	v32 =	vsub.f32 v40, v56  }
0x1b9: {  	v55 =	vtrunc.f32 v41;
	vm1 =	vgt.f32 v35, $0.0e+00;
	v60 =	vsub.f32 $1.000000000e+00, v36;
	v31 =	vld.idx.msk [tilespmem:v31+s6+$0x0], $0xffff  }
0x1ba: {  	v52 =	vsel vm1, $0x1, v0;
	v34 =	vadd.f32 v34, v1;
	vm1 =	vgt.f32 v32, $0.0e+00  }
0x1bb: {  	v36 =	vmul.f32 v36, v38;
	v61 =	vmul.f32 v60, v45;
	v62 =	vsel vm1, $0x1, v0  }
0x1bc: {  	v37 =	vadd.f32 v37, v1;
	v47 =	vcvt.f32.s32 v55;
	v45 =	vadd.s32 v39, v62  }
0x1bd: {  	v48 =	vmax.f32 v63, v5;
	v54 =	vtrunc.f32 v34;
	v36 =	vadd.f32 v61, v36  }
0x1be: {  	v48 =	vmin.f32 v48, v3;
	v33 =	vmul.f32 v33, v58;
	v31 =	vmul.f32 v49, v31  }
0x1bf: {  	v42 =	vadd.s32 v44, v52;
	v48 =	vmul.f32 v48, v4;
	[tilespmem:s28+$0x131C0] =	vst v36;
	v36 =	vcvt.f32.s32 v54  }
0x1c0: {  	v15 =	vmin.f32 v15, v3;
	v59 =	vcvt.s32.f32 v47;
	v31 =	vadd.f32 v31, v33;
	v39 =	vld.idx.msk [tilespmem:v39+s6+$0x0], $0xffff  }
0x1c1: {  	v52 =	vtrunc.f32 v37;
	v57 =	vadd.f32 $1.000000000e+00, v48;
	v45 =	vld.idx.msk [tilespmem:v45+s6+$0x0], $0xffff;
	v55 =	vcvt.s32.f32 v36  }
0x1c2: {  	v43 =	vsub.f32 $1.000000000e+00, v35;
	v46 =	vcvt.f32.s32 v52;
	v41 =	vsub.f32 v41, v59;
	v62 =	vld [tilespmem:s28+$0xC580];
	[tilespmem:s28+$0x13140] =	vst v31  }
0x1c3: {  	v52 =	vtrunc.f32 v30;
	v33 =	vmul.f32 $1.275000000e+02, v57;
	v58 =	vld.idx.msk [tilespmem:v44+s6+$0x0], $0xffff;
	v31 =	vsub.f32 v34, v55  }
0x1c4: {  	v56 =	vcvt.s32.f32 v46;
	v59 =	vsub.f32 $1.000000000e+00, v32;
	vm1 =	vgt.f32 v41, $0.0e+00;
	v42 =	vld.idx.msk [tilespmem:v42+s6+$0x0], $0xffff  }
0x1c5: {  	v53 =	vsel vm1, $0x1, v0;
	v33 =	vadd.f32 v33, v1;
	vm1 =	vgt.f32 v31, $0.0e+00  }
0x1c6: {  	v32 =	vmul.f32 v32, v39;
	v60 =	vmul.f32 v59, v45;
	v61 =	vsel vm1, $0x1, v0  }
0x1c7: {  	v37 =	vsub.f32 v37, v56;
	v40 =	vadd.s32 v47, v53;
	v44 =	vadd.s32 v36, v61  }
0x1c8: {  	v53 =	vtrunc.f32 v33;
	v34 =	vmul.f32 v35, v58;
	v32 =	vadd.f32 v60, v32  }
0x1c9: {  	v55 =	vmax.f32 v62, v5;
	v54 =	vmul.f32 v43, v42;
	v35 =	vcvt.f32.s32 v53  }
0x1ca: {  	v43 =	vcvt.f32.s32 v52;
	v42 =	vmin.f32 v55, v3;
	vm1 =	vgt.f32 v37, $0.0e+00;
	[tilespmem:s28+$0x131D0] =	vst v32  }
0x1cb: {  	v28 =	vadd.f32 v28, v1;
	v42 =	vmul.f32 v42, v4;
	v63 =	vsel vm1, $0x1, v0;
	v36 =	vld.idx.msk [tilespmem:v36+s6+$0x0], $0xffff  }
0x1cc: {  	v56 =	vcvt.s32.f32 v35;
	v57 =	vcvt.s32.f32 v43;
	v32 =	vadd.f32 v54, v34;
	v44 =	vld.idx.msk [tilespmem:v44+s6+$0x0], $0xffff  }
0x1cd: {  	v38 =	vsub.f32 $1.000000000e+00, v41;
	v39 =	vadd.s32 v46, v63;
	v58 =	vadd.f32 $1.000000000e+00, v42;
	v63 =	vld [tilespmem:s28+$0xC590]  }
0x1ce: {  	v42 =	vsub.f32 v30, v57;
	v30 =	vtrunc.f32 v29;
	[tilespmem:s28+$0x13150] =	vst v32;
	v32 =	vsub.f32 v33, v56  }
0x1cf: {  	v60 =	vsub.f32 $1.000000000e+00, v31;
	v59 =	vld.idx.msk [tilespmem:v47+s6+$0x0], $0xffff;
	v47 =	vcvt.f32.s32 v30;
	v30 =	vmul.f32 $1.275000000e+02, v58  }
0x1d0: {  	v48 =	vsub.f32 $1.000000000e+00, v37;
	v45 =	vsub.f32 $1.000000000e+00, v42;
	v40 =	vld.idx.msk [tilespmem:v40+s6+$0x0], $0xffff;
	vm1 =	vgt.f32 v32, $0.0e+00  }
0x1d1: {  	v30 =	vadd.f32 v30, v1;
	v31 =	vmul.f32 v31, v36;
	v61 =	vmul.f32 v60, v44  }
0x1d2: {  	v55 =	vmax.f32 v63, v5;
	v62 =	vsel vm1, $0x1, v0;
	v53 =	vcvt.s32.f32 v47  }
0x1d3: {  	v26 =	vld [tilespmem:s28+$0xC550];
	v36 =	vadd.s32 v35, v62;
	v54 =	vtrunc.f32 v30;
	v31 =	vadd.f32 v61, v31  }
0x1d4: {  	v34 =	vmul.f32 v41, v59;
	v41 =	vsub.f32 v29, v53;
	v29 =	vmin.f32 v55, v3  }
0x1d5: {  	v63 =	vadd.f32 $1.000000000e+00, v27;
	v29 =	vmul.f32 v29, v4;
	v61 =	vld [tilespmem:s28+$0xC5A0];
	[tilespmem:s28+$0x131E0] =	vst v31;
	v31 =	vmul.f32 v38, v40  }
0x1d6: {  	v58 =	vsub.f32 $1.000000000e+00, v32;
	vm1 =	vgt.f32 v42, $0.0e+00;
	v38 =	vcvt.f32.s32 v54  }
0x1d7: {  	v52 =	vsel vm1, $0x1, v0;
	v29 =	vadd.f32 $1.000000000e+00, v29;
	v35 =	vld.idx.msk [tilespmem:v35+s6+$0x0], $0xffff;
	v31 =	vadd.f32 v31, v34  }
0x1d8: {  	v33 =	vadd.s32 v43, v52;
	v52 =	vmax.f32 v26, v5;
	v36 =	vld.idx.msk [tilespmem:v36+s6+$0x0], $0xffff;
	v56 =	vcvt.s32.f32 v38  }
0x1d9: {  	v52 =	vmin.f32 v52, v3;
	vm1 =	vgt.f32 v41, $0.0e+00;
	v29 =	vmul.f32 $1.275000000e+02, v29;
	[tilespmem:s28+$0x13160] =	vst v31  }
0x1da: {  	v54 =	vmax.f32 v61, v5;
	v31 =	vsel vm1, $0x1, v0;
	v30 =	vsub.f32 v30, v56;
	v57 =	vld.idx.msk [tilespmem:v46+s6+$0x0], $0xffff  }
0x1db: {  	v29 =	vadd.f32 v29, v1;
	v40 =	vadd.s32 v47, v31;
	v31 =	vtrunc.f32 v28;
	v39 =	vld.idx.msk [tilespmem:v39+s6+$0x0], $0xffff  }
0x1dc: {  	v34 =	vmin.f32 v54, v3;
	v31 =	vcvt.f32.s32 v31;
	vm1 =	vgt.f32 v30, $0.0e+00  }
0x1dd: {  	v32 =	vmul.f32 v32, v35;
	v59 =	vmul.f32 v58, v36;
	v60 =	vsel vm1, $0x1, v0  }
0x1de: {  	v54 =	vmul.f32 v52, v4;
	v36 =	vadd.s32 v38, v60;
	v62 =	vcvt.s32.f32 v31  }
0x1df: {  	v34 =	vmul.f32 v34, v4;
	v32 =	vadd.f32 v59, v32;
	v26 =	vmul.f32 v37, v57  }
0x1e0: {  	v27 =	vsub.f32 v28, v62;
	v28 =	vtrunc.f32 v29;
	v53 =	vmul.f32 v48, v39  }
0x1e1: {  	v46 =	vsub.f32 $1.000000000e+00, v41;
	v35 =	vmul.f32 $1.275000000e+02, v63;
	[tilespmem:s28+$0x131F0] =	vst v32;
	v28 =	vcvt.f32.s32 v28  }
0x1e2: {  	v44 =	vsel vm0, $0x1, v0;
	v58 =	vadd.f32 $1.000000000e+00, v34;
	v55 =	vld.idx.msk [tilespmem:v38+s6+$0x0], $0xffff;
	v26 =	vadd.f32 v53, v26  }
0x1e3: {  	v51 =	vadd.f32 $1.000000000e+00, v54;
	v35 =	vadd.f32 v35, v1;
	v36 =	vld.idx.msk [tilespmem:v36+s6+$0x0], $0xffff;
	v56 =	vcvt.s32.f32 v28  }
0x1e4: {  	v60 =	vmul.f32 v15, v4;
	v15 =	vsub.f32 $1.000000000e+00, v30;
	v32 =	vmul.f32 $1.275000000e+02, v58;
	v62 =	vld [tilespmem:s28+$0xC5B0];
	[tilespmem:s28+$0x13170] =	vst v26  }
0x1e5: {  	[tilespmem:s25+$0x13540] =	vst v23;
	v23 =	vmul.f32 $1.275000000e+02, v51;
	vm1 =	vgt.f32 v27, $0.0e+00;
	v29 =	vsub.f32 v29, v56;
	v59 =	vld.idx.msk [tilespmem:v43+s6+$0x0], $0xffff  }
0x1e6: {  	v32 =	vadd.f32 v32, v1;
	v53 =	vadd.f32 $1.000000000e+00, v60;
	v26 =	vtrunc.f32 v35;
	v33 =	vld.idx.msk [tilespmem:v33+s6+$0x0], $0xffff  }
0x1e7: {  	v57 =	vsel vm1, $0x1, v0;
	v26 =	vcvt.f32.s32 v26;
	vm1 =	vgt.f32 v29, $0.0e+00  }
0x1e8: {  	v37 =	vmul.f32 v30, v55;
	v15 =	vmul.f32 v15, v36;
	v61 =	vsel vm1, $0x1, v0  }
0x1e9: {  	[tilespmem:s26+$0x13520] =	vst v24;
	v38 =	vadd.s32 v31, v57;
	v56 =	vmax.f32 v62, v5;
	v36 =	vadd.s32 v28, v61  }
0x1ea: {  	v60 =	vld.idx.msk [tilespmem:v16+s6+$0x0], $0xffff;
	v55 =	vtrunc.f32 v32;
	v63 =	vcvt.s32.f32 v26;
	v37 =	vadd.f32 v15, v37  }
0x1eb: {  	v58 =	vmin.f32 v56, v3;
	v34 =	vmul.f32 v42, v59;
	v33 =	vmul.f32 v45, v33  }
0x1ec: {  	v54 =	vld [tilespmem:s28+$0xC5C0];
	v15 =	vsub.f32 v35, v63;
	v35 =	vmul.f32 v58, v4;
	[tilespmem:s28+$0x13580] =	vst v37;
	v37 =	vcvt.f32.s32 v55  }
0x1ed: {  	v30 =	vsub.f32 $1.000000000e+00, v27;
	v52 =	vsub.f32 $1.000000000e+00, v29;
	v57 =	vld.idx.msk [tilespmem:v28+s6+$0x0], $0xffff;
	v28 =	vmul.f32 $1.275000000e+02, v53  }
0x1ee: {  	v33 =	vadd.f32 v33, v34;
	v49 =	vadd.f32 $1.000000000e+00, v35;
	v24 =	vld.idx.msk [tilespmem:v36+s6+$0x0], $0xffff;
	v59 =	vcvt.s32.f32 v37  }
0x1ef: {  	v18 =	vmul.f32 v18, v60;
	v63 =	vld.idx.msk [tilespmem:v17+s6+$0x0], $0xffff;
	vm0 =	vgt.f32 v15, $0.0e+00;
	v62 =	vadd.f32 v28, v1  }
0x1f0: {  	v60 =	vld.idx.msk [tilespmem:v21+s6+$0x0], $0xffff;
	v61 =	vsel vm0, $0x1, v0;
	[tilespmem:s28+$0x13500] =	vst v33;
	v33 =	vmul.f32 $1.275000000e+02, v49;
	v32 =	vsub.f32 v32, v59  }
0x1f1: {  	v21 =	vadd.f32 v23, v1;
	v28 =	vadd.s32 v26, v61;
	v50 =	vld.idx.msk [tilespmem:v47+s6+$0x0], $0xffff;
	v17 =	vtrunc.f32 v62  }
0x1f2: {  	v40 =	vld.idx.msk [tilespmem:v40+s6+$0x0], $0xffff;
	v56 =	vadd.f32 v33, v1;
	v17 =	vcvt.f32.s32 v17;
	vm0 =	vgt.f32 v32, $0.0e+00  }
0x1f3: {  	v29 =	vmul.f32 v29, v57;
	v24 =	vmul.f32 v52, v24;
	v53 =	vsel vm0, $0x1, v0  }
0x1f4: {  	v61 =	vmax.f32 v54, v5;
	v57 =	vmul.f32 v20, v63;
	v39 =	vadd.s32 v37, v53  }
0x1f5: {  	v59 =	vtrunc.f32 v56;
	v55 =	vcvt.s32.f32 v17;
	v24 =	vadd.f32 v24, v29  }
0x1f6: {  	v58 =	vld.idx.msk [tilespmem:v13+s6+$0x0], $0xffff;
	v23 =	vmin.f32 v61, v3;
	v33 =	vcvt.f32.s32 v59;
	v13 =	vmul.f32 v41, v50  }
0x1f7: {  	v18 =	vadd.f32 v57, v18;
	v20 =	vsub.f32 v62, v55;
	[tilespmem:s28+$0x13590] =	vst v24;
	v24 =	vmul.f32 v46, v40  }
0x1f8: {  	[tilespmem:s25+$0x135D0] =	vst v14;
	v16 =	vsub.f32 $1.000000000e+00, v15;
	v14 =	vmul.f32 v12, v60;
	v23 =	vmul.f32 v23, v4;
	v35 =	vld.idx.msk [tilespmem:v37+s6+$0x0], $0xffff  }
0x1f9: {  	[tilespmem:s26+$0x13530] =	vst v18;
	v18 =	vcvt.s32.f32 v33;
	vm0 =	vgt.f32 v20, $0.0e+00;
	v36 =	vld.idx.msk [tilespmem:v39+s6+$0x0], $0xffff;
	v13 =	vadd.f32 v24, v13  }
0x1fa: {  	v63 =	vadd.f32 $1.000000000e+00, v23;
	v29 =	vadd.s32 v7, v44;
	v34 =	vld.idx.msk [tilespmem:v19+s6+$0x0], $0xffff;
	v19 =	vsel vm0, $0x1, v0  }
0x1fb: {  	v62 =	vtrunc.f32 v21;
	v22 =	vld.idx.msk [tilespmem:v22+s6+$0x0], $0xffff;
	[tilespmem:s28+$0x13510] =	vst v13;
	v13 =	vadd.s32 v17, v19;
	v19 =	vsub.f32 v56, v18  }
0x1fc: {  	s30 =	simm.s32 $0x4;
	s23 =	sshll.u32 s22, $0x1;
	v37 =	vsub.f32 $1.000000000e+00, v32;
	v24 =	vsub.f32 $1.000000000e+00, v20;
	v18 =	vmul.f32 v11, v58;
	v23 =	vld.idx.msk [tilespmem:v31+s6+$0x0], $0xffff  }
0x1fd: {  	s31 =	simm.s32 $0x300;
	s3 =	simm.s32 $0x600;
	s29 =	sand.u32 $0x2, s23;
	[tilespmem:s26+$0x135D0] =	vst v25;
	v11 =	vmul.f32 $1.275000000e+02, v63;
	v31 =	vcvt.f32.s32 v62;
	v25 =	vld.idx.msk [tilespmem:v38+s6+$0x0], $0xffff;
	vm0 =	vgt.f32 v19, $0.0e+00  }
.LBB2_3:
0x1fe: {  	s0 =	sand.u32 $0x3800, s3;
	s2 =	sand.u32 $0x300, s31;
	v12 =	vmul.f32 v32, v35;
	v32 =	vmul.f32 v37, v36;
	v35 =	vsel vm0, $0x1, v0;
	v36 =	vld [tilespmem:s28+$0xC5D0]  }
0x1ff: {  	v37 =	vcvt.s32.f32 v31;
	v34 =	vmul.f32 v6, v34;
	v6 =	vmovc v20;
	s0 =	sor.u32 s2, s0;
	v35 =	vadd.s32 v33, v35  }
0x200: {  	v22 =	vmul.f32 v9, v22;
	v9 =	vmovc v24;
	v20 =	vld [tilespmem:s0+$0xC180];
	v12 =	vadd.f32 v32, v12;
	v32 =	vadd.f32 v11, v1  }
0x201: {  	v14 =	vadd.f32 v14, v18;
	v11 =	vsub.f32 v21, v37;
	v24 =	vld [tilespmem:s0+$0xC100]  }
0x202: {  	v21 =	vmul.f32 v27, v23;
	v22 =	vadd.f32 v22, v34;
	v18 =	vld [tilespmem:s0+$0xC110];
	[tilespmem:s28+$0x135A0] =	vst v12;
	v12 =	vtrunc.f32 v32  }
0x203: {  	v23 =	vmul.f32 v30, v25;
	v25 =	vld.idx.msk [tilespmem:v33+s6+$0x0], $0xffff;
	v34 =	vcvt.f32.s32 v12;
	v27 =	vmax.f32 v36, v5;
	[tilespmem:s25+$0x13550] =	vst v14;
	s25 =	smov.u32 s26;
	s26 =	smov.u32 s28;
	s28 =	smov.u32 s0  }
0x204: {  	vm0 =	vgt.f32 v11, $0.0e+00;
	v12 =	vsub.f32 $1.000000000e+00, v11;
	v14 =	vld.idx.msk [tilespmem:v35+s6+$0x0], $0xffff;
	v27 =	vmin.f32 v27, v3;
	[tilespmem:s25+$0x13540] =	vst v22  }
0x205: {  	v22 =	vld [tilespmem:s28+$0xC120];
	v20 =	vmax.f32 v20, v5;
	v30 =	vcvt.s32.f32 v34;
	v27 =	vmul.f32 v27, v4  }
0x206: {  	v21 =	vadd.f32 v23, v21;
	v24 =	vmax.f32 v24, v5;
	v35 =	vld [tilespmem:s28+$0xC130];
	v20 =	vmin.f32 v20, v3  }
0x207: {  	v36 =	vld [tilespmem:s28+$0xC140];
	v20 =	vmul.f32 v20, v4;
	v37 =	vsub.f32 v32, v30;
	v23 =	vadd.f32 $1.000000000e+00, v27  }
0x208: {  	v24 =	vmin.f32 v24, v3;
	v18 =	vmax.f32 v18, v5;
	v33 =	vld [tilespmem:s28+$0xC150];
	[tilespmem:s26+$0x13520] =	vst v21;
	v21 =	vsub.f32 $1.000000000e+00, v19  }
0x209: {  	v32 =	vld [tilespmem:s28+$0xC160];
	v20 =	vadd.f32 $1.000000000e+00, v20;
	vm1 =	vgt.f32 v37, $0.0e+00;
	v23 =	vmul.f32 $1.275000000e+02, v23  }
0x20a: {  	v19 =	vmul.f32 v19, v25;
	v30 =	vld [tilespmem:s28+$0xC170];
	v14 =	vmul.f32 v21, v14;
	v21 =	vsel vm1, $0x1, v0  }
0x20b: {  	v24 =	vmul.f32 v24, v4;
	v18 =	vmin.f32 v18, v3;
	v27 =	vld [tilespmem:s28+$0xC500];
	v21 =	vadd.s32 v34, v21  }
0x20c: {  	v20 =	vmul.f32 $1.275000000e+02, v20;
	v25 =	vld [tilespmem:s28+$0xC510];
	v14 =	vadd.f32 v14, v19;
	v19 =	vadd.f32 v23, v1  }
0x20d: {  	s30 =	sadd.s32 $0x2, s30;
	v18 =	vmul.f32 v18, v4;
	v22 =	vmax.f32 v22, v5;
	v23 =	vadd.f32 $1.000000000e+00, v24;
	v24 =	vld [tilespmem:s28+$0xC520]  }
0x20e: {  	p1 =	slt.u32 s30, $0x36;
	v22 =	vmin.f32 v22, v3;
	v20 =	vadd.f32 v20, v1;
	v38 =	vld [tilespmem:s28+$0xC190];
	[tilespmem:s26+$0x135B0] =	vst v14;
	v14 =	vtrunc.f32 v19  }
0x20f: {  	v18 =	vadd.f32 $1.000000000e+00, v18;
	v23 =	vmul.f32 $1.275000000e+02, v23;
	v34 =	vld.idx.msk [tilespmem:v34+s6+$0x0], $0xffff;
	v39 =	vcvt.f32.s32 v14  }
0x210: {  	v14 =	vmul.f32 v22, v4;
	v22 =	vmax.f32 v35, v5;
	v35 =	vtrunc.f32 v20;
	v40 =	vld.idx.msk [tilespmem:v21+s6+$0x0], $0xffff  }
0x211: {  	v41 =	vadd.f32 v23, v1;
	v35 =	vcvt.f32.s32 v35;
	v23 =	vld [tilespmem:s28+$0xC530];
	v42 =	vcvt.s32.f32 v39  }
0x212: {  	v43 =	vmul.f32 $1.275000000e+02, v18;
	v45 =	vmin.f32 v22, v3;
	v44 =	vadd.f32 $1.000000000e+00, v14;
	v21 =	vld [tilespmem:s28+$0xC540]  }
0x213: {  	v14 =	vcvt.s32.f32 v35;
	v22 =	vld [tilespmem:s28+$0xC550];
	v18 =	vmax.f32 v38, v5;
	v38 =	vsub.f32 v19, v42  }
0x214: {  	v42 =	vtrunc.f32 v41;
	v18 =	vmin.f32 v18, v3;
	v19 =	vld.idx.msk [tilespmem:v26+s6+$0x0], $0xffff;
	v26 =	vsub.f32 $1.000000000e+00, v37  }
0x215: {  	v46 =	vsub.f32 v20, v14;
	v14 =	vmul.f32 v18, v4;
	v20 =	vld.idx.msk [tilespmem:v28+s6+$0x0], $0xffff;
	vm1 =	vgt.f32 v38, $0.0e+00  }
0x216: {  	v28 =	vmul.f32 v37, v34;
	v26 =	vmul.f32 v26, v40;
	v34 =	vsel vm1, $0x1, v0;
	v18 =	vld.idx.msk [tilespmem:v7+s6+$0x0], $0xffff;
	v7 =	vmovc v31  }
0x217: {  	v31 =	vcvt.f32.s32 v42;
	v37 =	vadd.f32 $1.000000000e+00, v14;
	v34 =	vadd.s32 v39, v34;
	v14 =	vld.idx.msk [tilespmem:v29+s6+$0x0], $0xffff  }
0x218: {  	vm1 =	vgt.f32 v46, $0.0e+00;
	v29 =	vadd.f32 v43, v1;
	v40 =	vld [tilespmem:s28+$0xC1A0];
	v26 =	vadd.f32 v26, v28  }
0x219: {  	v42 =	vsel vm1, $0x1, v0;
	v28 =	vcvt.s32.f32 v31;
	v37 =	vmul.f32 $1.275000000e+02, v37  }
0x21a: {  	v44 =	vmul.f32 $1.275000000e+02, v44;
	v42 =	vadd.s32 v35, v42;
	v43 =	vtrunc.f32 v29;
	[tilespmem:s26+$0x135C0] =	vst v26  }
0x21b: {  	v26 =	vsub.f32 v41, v28;
	v28 =	vcvt.f32.s32 v43;
	v37 =	vadd.f32 v37, v1;
	v39 =	vld.idx.msk [tilespmem:v39+s6+$0x0], $0xffff  }
0x21c: {  	v36 =	vmax.f32 v36, v5;
	v41 =	vadd.f32 v44, v1;
	v43 =	vmul.f32 v45, v4;
	v34 =	vld.idx.msk [tilespmem:v34+s6+$0x0], $0xffff  }
0x21d: {  	vm1 =	vgt.f32 v26, $0.0e+00;
	v44 =	vld.idx.msk [tilespmem:v31+s6+$0x0], $0xffff;
	v45 =	vtrunc.f32 v37;
	v40 =	vmax.f32 v40, v5  }
0x21e: {  	v47 =	vsel vm1, $0x1, v0;
	v35 =	vld.idx.msk [tilespmem:v35+s6+$0x0], $0xffff;
	v45 =	vcvt.f32.s32 v45;
	v40 =	vmin.f32 v40, v3  }
0x21f: {  	v31 =	vadd.s32 v31, v47;
	v47 =	vsub.f32 $1.000000000e+00, v26;
	v42 =	vld.idx.msk [tilespmem:v42+s6+$0x0], $0xffff;
	v40 =	vmul.f32 v40, v4  }
0x220: {  	v50 =	vsub.f32 $1.000000000e+00, v38;
	v48 =	vcvt.s32.f32 v28;
	v49 =	vcvt.s32.f32 v45  }
0x221: {  	v51 =	vtrunc.f32 v41;
	v43 =	vadd.f32 $1.000000000e+00, v43;
	v40 =	vadd.f32 $1.000000000e+00, v40  }
0x222: {  	v38 =	vmul.f32 v38, v39;
	v34 =	vmul.f32 v50, v34;
	v37 =	vsub.f32 v37, v49  }
0x223: {  	v29 =	vsub.f32 v29, v48;
	v39 =	vsub.f32 $1.000000000e+00, v46;
	v26 =	vmul.f32 v26, v44  }
0x224: {  	v40 =	vmul.f32 $1.275000000e+02, v40;
	v34 =	vadd.f32 v34, v38;
	v31 =	vld.idx.msk [tilespmem:v31+s6+$0x0], $0xffff;
	vm1 =	vgt.f32 v37, $0.0e+00  }
0x225: {  	v35 =	vmul.f32 v46, v35;
	v38 =	vmul.f32 v39, v42;
	v39 =	vsel vm1, $0x1, v0;
	v42 =	vld [tilespmem:s28+$0xC1B0]  }
0x226: {  	v44 =	vcvt.f32.s32 v51;
	vm1 =	vgt.f32 v29, $0.0e+00;
	v39 =	vadd.s32 v45, v39;
	[tilespmem:s26+$0x135D0] =	vst v34  }
0x227: {  	v34 =	vsel vm1, $0x1, v0;
	v35 =	vadd.f32 v38, v35;
	v38 =	vadd.f32 v40, v1  }
0x228: {  	v46 =	vcvt.s32.f32 v44;
	v40 =	vsub.f32 $1.000000000e+00, v29;
	v34 =	vadd.s32 v28, v34  }
0x229: {  	v36 =	vmin.f32 v36, v3;
	v43 =	vmul.f32 $1.275000000e+02, v43;
	[tilespmem:s28+$0x13180] =	vst v35;
	v35 =	vtrunc.f32 v38  }
0x22a: {  	v31 =	vmul.f32 v47, v31;
	v45 =	vld.idx.msk [tilespmem:v45+s6+$0x0], $0xffff;
	v35 =	vcvt.f32.s32 v35;
	v42 =	vmax.f32 v42, v5  }
0x22b: {  	v43 =	vadd.f32 v43, v1;
	v41 =	vsub.f32 v41, v46;
	v39 =	vld.idx.msk [tilespmem:v39+s6+$0x0], $0xffff;
	v42 =	vmin.f32 v42, v3  }
0x22c: {  	v26 =	vadd.f32 v31, v26;
	v31 =	vcvt.s32.f32 v35;
	v42 =	vmul.f32 v42, v4  }
0x22d: {  	v36 =	vmul.f32 v36, v4;
	v46 =	vtrunc.f32 v43;
	vm1 =	vgt.f32 v41, $0.0e+00  }
0x22e: {  	[tilespmem:s28+$0x13100] =	vst v26;
	v26 =	vsel vm1, $0x1, v0;
	v31 =	vsub.f32 v38, v31;
	v38 =	vadd.f32 $1.000000000e+00, v42  }
0x22f: {  	v42 =	vcvt.f32.s32 v46;
	v46 =	vsub.f32 $1.000000000e+00, v37;
	v28 =	vld.idx.msk [tilespmem:v28+s6+$0x0], $0xffff;
	v26 =	vadd.s32 v44, v26  }
0x230: {  	v47 =	vsub.f32 $1.000000000e+00, v41;
	v34 =	vld.idx.msk [tilespmem:v34+s6+$0x0], $0xffff;
	vm1 =	vgt.f32 v31, $0.0e+00;
	v38 =	vmul.f32 $1.275000000e+02, v38  }
0x231: {  	v37 =	vmul.f32 v37, v45;
	v39 =	vmul.f32 v46, v39;
	v45 =	vsel vm1, $0x1, v0;
	v46 =	vld [tilespmem:s28+$0xC1C0]  }
0x232: {  	v36 =	vadd.f32 $1.000000000e+00, v36;
	v48 =	vcvt.s32.f32 v42;
	v45 =	vadd.s32 v35, v45  }
0x233: {  	v33 =	vmax.f32 v33, v5;
	v37 =	vadd.f32 v39, v37;
	v38 =	vadd.f32 v38, v1  }
0x234: {  	v33 =	vmin.f32 v33, v3;
	v36 =	vmul.f32 $1.275000000e+02, v36;
	v39 =	vsub.f32 v43, v48  }
0x235: {  	v28 =	vmul.f32 v29, v28;
	v29 =	vmax.f32 v32, v5;
	v32 =	vtrunc.f32 v38;
	[tilespmem:s28+$0x13190] =	vst v37  }
0x236: {  	v34 =	vmul.f32 v40, v34;
	v32 =	vcvt.f32.s32 v32;
	v35 =	vld.idx.msk [tilespmem:v35+s6+$0x0], $0xffff;
	v37 =	vmax.f32 v46, v5  }
0x237: {  	v36 =	vadd.f32 v36, v1;
	vm1 =	vgt.f32 v39, $0.0e+00;
	v40 =	vld.idx.msk [tilespmem:v45+s6+$0x0], $0xffff;
	v37 =	vmin.f32 v37, v3  }
0x238: {  	v28 =	vadd.f32 v34, v28;
	v34 =	vcvt.s32.f32 v32;
	v37 =	vmul.f32 v37, v4  }
0x239: {  	v33 =	vmul.f32 v33, v4;
	v43 =	vsel vm1, $0x1, v0;
	v45 =	vtrunc.f32 v36  }
0x23a: {  	v34 =	vsub.f32 v38, v34;
	[tilespmem:s28+$0x13110] =	vst v28;
	v28 =	vadd.s32 v42, v43;
	v37 =	vadd.f32 $1.000000000e+00, v37  }
0x23b: {  	v43 =	vsub.f32 $1.000000000e+00, v39;
	v38 =	vld.idx.msk [tilespmem:v44+s6+$0x0], $0xffff;
	v44 =	vcvt.f32.s32 v45;
	v45 =	vsub.f32 $1.000000000e+00, v31  }
0x23c: {  	v33 =	vadd.f32 $1.000000000e+00, v33;
	vm1 =	vgt.f32 v34, $0.0e+00;
	v26 =	vld.idx.msk [tilespmem:v26+s6+$0x0], $0xffff;
	v37 =	vmul.f32 $1.275000000e+02, v37  }
0x23d: {  	v31 =	vmul.f32 v31, v35;
	v35 =	vmul.f32 v45, v40;
	v40 =	vsel vm1, $0x1, v0;
	v45 =	vld [tilespmem:s28+$0xC1D0]  }
0x23e: {  	v33 =	vmul.f32 $1.275000000e+02, v33;
	v46 =	vcvt.s32.f32 v44;
	v40 =	vadd.s32 v32, v40  }
0x23f: {  	v29 =	vmin.f32 v29, v3;
	v31 =	vadd.f32 v35, v31;
	v35 =	vadd.f32 v37, v1  }
0x240: {  	v33 =	vadd.f32 v33, v1;
	v29 =	vmul.f32 v29, v4;
	v36 =	vsub.f32 v36, v46  }
0x241: {  	v30 =	vmax.f32 v30, v5;
	v37 =	vmul.f32 v41, v38;
	[tilespmem:s28+$0x131A0] =	vst v31;
	v31 =	vtrunc.f32 v35  }
0x242: {  	v26 =	vmul.f32 v47, v26;
	v32 =	vld.idx.msk [tilespmem:v32+s6+$0x0], $0xffff;
	v31 =	vcvt.f32.s32 v31;
	v38 =	vmax.f32 v45, v5  }
0x243: {  	v41 =	vtrunc.f32 v33;
	vm1 =	vgt.f32 v36, $0.0e+00;
	v40 =	vld.idx.msk [tilespmem:v40+s6+$0x0], $0xffff;
	v38 =	vmin.f32 v38, v3  }
0x244: {  	v26 =	vadd.f32 v26, v37;
	v37 =	vcvt.s32.f32 v31;
	v38 =	vmul.f32 v38, v4  }
0x245: {  	v46 =	vsub.f32 $1.000000000e+00, v36;
	v41 =	vcvt.f32.s32 v41;
	v45 =	vsel vm1, $0x1, v0  }
0x246: {  	[tilespmem:s28+$0x13120] =	vst v26;
	v26 =	vadd.s32 v44, v45;
	v35 =	vsub.f32 v35, v37;
	v37 =	vadd.f32 $1.000000000e+00, v38  }
0x247: {  	v29 =	vadd.f32 $1.000000000e+00, v29;
	v45 =	vsub.f32 $1.000000000e+00, v34;
	v38 =	vld.idx.msk [tilespmem:v42+s6+$0x0], $0xffff;
	v42 =	vcvt.s32.f32 v41  }
0x248: {  	v30 =	vmin.f32 v30, v3;
	v28 =	vld.idx.msk [tilespmem:v28+s6+$0x0], $0xffff;
	vm1 =	vgt.f32 v35, $0.0e+00;
	v37 =	vmul.f32 $1.275000000e+02, v37  }
0x249: {  	v32 =	vmul.f32 v34, v32;
	v34 =	vmul.f32 v45, v40;
	v40 =	vsel vm1, $0x1, v0;
	v45 =	vld [tilespmem:s28+$0xC1E0]  }
0x24a: {  	v29 =	vmul.f32 $1.275000000e+02, v29;
	v33 =	vsub.f32 v33, v42;
	v40 =	vadd.s32 v31, v40  }
0x24b: {  	v30 =	vmul.f32 v30, v4;
	v32 =	vadd.f32 v34, v32;
	v34 =	vadd.f32 v37, v1  }
0x24c: {  	v29 =	vadd.f32 v29, v1;
	vm1 =	vgt.f32 v33, $0.0e+00;
	v37 =	vsub.f32 $1.000000000e+00, v33  }
0x24d: {  	v38 =	vmul.f32 v39, v38;
	v39 =	vsel vm1, $0x1, v0;
	[tilespmem:s28+$0x131B0] =	vst v32;
	v32 =	vtrunc.f32 v34  }
0x24e: {  	v28 =	vmul.f32 v43, v28;
	v31 =	vld.idx.msk [tilespmem:v31+s6+$0x0], $0xffff;
	v32 =	vcvt.f32.s32 v32;
	v42 =	vmax.f32 v45, v5  }
0x24f: {  	v39 =	vadd.s32 v41, v39;
	v43 =	vtrunc.f32 v29;
	v40 =	vld.idx.msk [tilespmem:v40+s6+$0x0], $0xffff;
	v42 =	vmin.f32 v42, v3  }
0x250: {  	v28 =	vadd.f32 v28, v38;
	v38 =	vcvt.s32.f32 v32;
	v42 =	vmul.f32 v42, v4  }
0x251: {  	v27 =	vmax.f32 v27, v5;
	v30 =	vadd.f32 $1.000000000e+00, v30;
	v43 =	vcvt.f32.s32 v43  }
0x252: {  	v27 =	vmin.f32 v27, v3;
	[tilespmem:s28+$0x13130] =	vst v28;
	v28 =	vsub.f32 v34, v38;
	v34 =	vadd.f32 $1.000000000e+00, v42  }
0x253: {  	v30 =	vmul.f32 $1.275000000e+02, v30;
	v42 =	vcvt.s32.f32 v43;
	v38 =	vld.idx.msk [tilespmem:v44+s6+$0x0], $0xffff;
	v44 =	vsub.f32 $1.000000000e+00, v35  }
0x254: {  	v27 =	vmul.f32 v27, v4;
	v26 =	vld.idx.msk [tilespmem:v26+s6+$0x0], $0xffff;
	vm1 =	vgt.f32 v28, $0.0e+00;
	v34 =	vmul.f32 $1.275000000e+02, v34  }
0x255: {  	v31 =	vmul.f32 v35, v31;
	v35 =	vmul.f32 v44, v40;
	v40 =	vsel vm1, $0x1, v0;
	v44 =	vld [tilespmem:s28+$0xC1F0]  }
0x256: {  	v30 =	vadd.f32 v30, v1;
	v29 =	vsub.f32 v29, v42;
	v40 =	vadd.s32 v32, v40  }
0x257: {  	v25 =	vmax.f32 v25, v5;
	v34 =	vadd.f32 v34, v1;
	v31 =	vadd.f32 v35, v31  }
0x258: {  	v42 =	vtrunc.f32 v30;
	vm1 =	vgt.f32 v29, $0.0e+00;
	v35 =	vsub.f32 $1.000000000e+00, v29  }
0x259: {  	v36 =	vmul.f32 v36, v38;
	v38 =	vsel vm1, $0x1, v0;
	[tilespmem:s28+$0x131C0] =	vst v31;
	v31 =	vtrunc.f32 v34  }
0x25a: {  	v26 =	vmul.f32 v46, v26;
	v32 =	vld.idx.msk [tilespmem:v32+s6+$0x0], $0xffff;
	v31 =	vcvt.f32.s32 v31;
	v44 =	vmax.f32 v44, v5  }
0x25b: {  	v42 =	vcvt.f32.s32 v42;
	v38 =	vadd.s32 v43, v38;
	v40 =	vld.idx.msk [tilespmem:v40+s6+$0x0], $0xffff;
	v44 =	vmin.f32 v44, v3  }
0x25c: {  	v26 =	vadd.f32 v26, v36;
	v36 =	vcvt.s32.f32 v31;
	v44 =	vmul.f32 v44, v4  }
0x25d: {  	v25 =	vmin.f32 v25, v3;
	v27 =	vadd.f32 $1.000000000e+00, v27;
	v45 =	vcvt.s32.f32 v42  }
0x25e: {  	v25 =	vmul.f32 v25, v4;
	[tilespmem:s28+$0x13140] =	vst v26;
	v34 =	vsub.f32 v34, v36;
	v36 =	vadd.f32 $1.000000000e+00, v44  }
0x25f: {  	v27 =	vmul.f32 $1.275000000e+02, v27;
	v26 =	vsub.f32 v30, v45;
	v30 =	vsub.f32 $1.000000000e+00, v28;
	v41 =	vld.idx.msk [tilespmem:v41+s6+$0x0], $0xffff  }
0x260: {  	v25 =	vadd.f32 $1.000000000e+00, v25;
	v39 =	vld.idx.msk [tilespmem:v39+s6+$0x0], $0xffff;
	vm1 =	vgt.f32 v34, $0.0e+00;
	v36 =	vmul.f32 $1.275000000e+02, v36  }
0x261: {  	v28 =	vmul.f32 v28, v32;
	v30 =	vmul.f32 v30, v40;
	v32 =	vsel vm1, $0x1, v0;
	v40 =	vld [tilespmem:s28+$0xC580]  }
0x262: {  	v27 =	vadd.f32 v27, v1;
	vm1 =	vgt.f32 v26, $0.0e+00;
	v32 =	vadd.s32 v31, v32  }
0x263: {  	v44 =	vsel vm1, $0x1, v0;
	v28 =	vadd.f32 v30, v28;
	v30 =	vadd.f32 v36, v1  }
0x264: {  	v45 =	vtrunc.f32 v27;
	v36 =	vadd.s32 v42, v44;
	v44 =	vsub.f32 $1.000000000e+00, v26  }
0x265: {  	v24 =	vmax.f32 v24, v5;
	v33 =	vmul.f32 v33, v41;
	[tilespmem:s28+$0x131D0] =	vst v28;
	v28 =	vtrunc.f32 v30  }
0x266: {  	v37 =	vmul.f32 v37, v39;
	v31 =	vld.idx.msk [tilespmem:v31+s6+$0x0], $0xffff;
	v39 =	vcvt.f32.s32 v28;
	v28 =	vmax.f32 v40, v5  }
0x267: {  	v25 =	vmul.f32 $1.275000000e+02, v25;
	v40 =	vcvt.f32.s32 v45;
	v32 =	vld.idx.msk [tilespmem:v32+s6+$0x0], $0xffff;
	v28 =	vmin.f32 v28, v3  }
0x268: {  	v33 =	vadd.f32 v37, v33;
	v37 =	vcvt.s32.f32 v39;
	v28 =	vmul.f32 v28, v4  }
0x269: {  	v24 =	vmin.f32 v24, v3;
	v25 =	vadd.f32 v25, v1;
	v41 =	vcvt.s32.f32 v40  }
0x26a: {  	[tilespmem:s28+$0x13150] =	vst v33;
	v33 =	vmul.f32 v24, v4;
	v30 =	vsub.f32 v30, v37;
	v37 =	vadd.f32 $1.000000000e+00, v28  }
0x26b: {  	v28 =	vsub.f32 v27, v41;
	v24 =	vtrunc.f32 v25;
	v27 =	vsub.f32 $1.000000000e+00, v34;
	v43 =	vld.idx.msk [tilespmem:v43+s6+$0x0], $0xffff  }
0x26c: {  	v24 =	vcvt.f32.s32 v24;
	v38 =	vld.idx.msk [tilespmem:v38+s6+$0x0], $0xffff;
	vm1 =	vgt.f32 v30, $0.0e+00;
	v37 =	vmul.f32 $1.275000000e+02, v37  }
0x26d: {  	v31 =	vmul.f32 v34, v31;
	v27 =	vmul.f32 v27, v32;
	v32 =	vsel vm1, $0x1, v0;
	v34 =	vld [tilespmem:s28+$0xC590]  }
0x26e: {  	v41 =	vsub.f32 $1.000000000e+00, v28;
	vm1 =	vgt.f32 v28, $0.0e+00;
	v32 =	vadd.s32 v39, v32  }
0x26f: {  	v45 =	vsel vm1, $0x1, v0;
	v27 =	vadd.f32 v27, v31;
	v31 =	vadd.f32 v37, v1  }
0x270: {  	v33 =	vadd.f32 $1.000000000e+00, v33;
	v37 =	vadd.s32 v40, v45;
	v45 =	vcvt.s32.f32 v24  }
0x271: {  	v23 =	vmax.f32 v23, v5;
	v29 =	vmul.f32 v29, v43;
	[tilespmem:s28+$0x131E0] =	vst v27;
	v27 =	vtrunc.f32 v31  }
0x272: {  	v35 =	vmul.f32 v35, v38;
	v38 =	vld.idx.msk [tilespmem:v39+s6+$0x0], $0xffff;
	v39 =	vcvt.f32.s32 v27;
	v27 =	vmax.f32 v34, v5  }
0x273: {  	v33 =	vmul.f32 $1.275000000e+02, v33;
	v25 =	vsub.f32 v25, v45;
	v32 =	vld.idx.msk [tilespmem:v32+s6+$0x0], $0xffff;
	v27 =	vmin.f32 v27, v3  }
0x274: {  	v29 =	vadd.f32 v35, v29;
	v34 =	vcvt.s32.f32 v39;
	v27 =	vmul.f32 v27, v4  }
0x275: {  	v33 =	vadd.f32 v33, v1;
	vm1 =	vgt.f32 v25, $0.0e+00;
	v35 =	vmin.f32 v23, v3  }
0x276: {  	v23 =	vsel vm1, $0x1, v0;
	[tilespmem:s28+$0x13160] =	vst v29;
	v29 =	vsub.f32 v31, v34;
	v27 =	vadd.f32 $1.000000000e+00, v27  }
0x277: {  	v31 =	vsub.f32 $1.000000000e+00, v30;
	v34 =	vld.idx.msk [tilespmem:v42+s6+$0x0], $0xffff;
	v42 =	vadd.s32 v24, v23;
	v23 =	vtrunc.f32 v33  }
0x278: {  	v36 =	vld.idx.msk [tilespmem:v36+s6+$0x0], $0xffff;
	v23 =	vcvt.f32.s32 v23;
	vm1 =	vgt.f32 v29, $0.0e+00;
	v27 =	vmul.f32 $1.275000000e+02, v27  }
0x279: {  	v30 =	vmul.f32 v30, v38;
	v32 =	vmul.f32 v31, v32;
	v38 =	vsel vm1, $0x1, v0;
	v43 =	vld [tilespmem:s28+$0xC5A0]  }
0x27a: {  	v35 =	vmul.f32 v35, v4;
	v31 =	vsub.f32 $1.000000000e+00, v25;
	v38 =	vadd.s32 v39, v38  }
0x27b: {  	v45 =	vcvt.s32.f32 v23;
	v30 =	vadd.f32 v32, v30;
	v32 =	vadd.f32 v27, v1  }
0x27c: {  	v21 =	vmax.f32 v21, v5;
	v22 =	vmax.f32 v22, v5;
	v35 =	vadd.f32 $1.000000000e+00, v35  }
0x27d: {  	v26 =	vmul.f32 v26, v34;
	v27 =	vsub.f32 v33, v45;
	[tilespmem:s28+$0x131F0] =	vst v30;
	v30 =	vtrunc.f32 v32  }
0x27e: {  	v33 =	vmul.f32 v44, v36;
	v34 =	vld.idx.msk [tilespmem:v39+s6+$0x0], $0xffff;
	v36 =	vcvt.f32.s32 v30;
	v30 =	vmax.f32 v43, v5  }
0x27f: {  	v35 =	vmul.f32 $1.275000000e+02, v35;
	vm1 =	vgt.f32 v27, $0.0e+00;
	v38 =	vld.idx.msk [tilespmem:v38+s6+$0x0], $0xffff;
	v30 =	vmin.f32 v30, v3  }
0x280: {  	v26 =	vadd.f32 v33, v26;
	v33 =	vcvt.s32.f32 v36;
	v30 =	vmul.f32 v30, v4  }
0x281: {  	v21 =	vmin.f32 v21, v3;
	v35 =	vadd.f32 v35, v1;
	v39 =	vsel vm1, $0x1, v0  }
0x282: {  	v39 =	vadd.s32 v23, v39;
	[tilespmem:s28+$0x13170] =	vst v26;
	v33 =	vsub.f32 v32, v33;
	v30 =	vadd.f32 $1.000000000e+00, v30  }
0x283: {  	v21 =	vmul.f32 v21, v4;
	v26 =	vtrunc.f32 v35;
	v32 =	vld.idx.msk [tilespmem:v40+s6+$0x0], $0xffff;
	v40 =	vsub.f32 $1.000000000e+00, v29  }
0x284: {  	v26 =	vcvt.f32.s32 v26;
	v37 =	vld.idx.msk [tilespmem:v37+s6+$0x0], $0xffff;
	vm1 =	vgt.f32 v33, $0.0e+00;
	v43 =	vmul.f32 $1.275000000e+02, v30  }
0x285: {  	v29 =	vmul.f32 v29, v34;
	v34 =	vmul.f32 v40, v38;
	v38 =	vsel vm1, $0x1, v0;
	v40 =	vld [tilespmem:s28+$0xC5B0]  }
0x286: {  	v30 =	vsub.f32 $1.000000000e+00, v27;
	v44 =	vcvt.s32.f32 v26;
	v38 =	vadd.s32 v36, v38  }
0x287: {  	v22 =	vmin.f32 v22, v3;
	v29 =	vadd.f32 v34, v29;
	v34 =	vadd.f32 v43, v1  }
0x288: {  	v22 =	vmul.f32 v22, v4;
	v21 =	vadd.f32 $1.000000000e+00, v21;
	v35 =	vsub.f32 v35, v44  }
0x289: {  	v43 =	vsel vm0, $0x1, v0;
	v28 =	vmul.f32 v28, v32;
	[tilespmem:s28+$0x13580] =	vst v29;
	v29 =	vtrunc.f32 v34  }
0x28a: {  	v32 =	vmul.f32 v41, v37;
	v36 =	vld.idx.msk [tilespmem:v36+s6+$0x0], $0xffff;
	v37 =	vcvt.f32.s32 v29;
	v29 =	vmax.f32 v40, v5  }
0x28b: {  	v21 =	vmul.f32 $1.275000000e+02, v21;
	vm0 =	vgt.f32 v35, $0.0e+00;
	v38 =	vld.idx.msk [tilespmem:v38+s6+$0x0], $0xffff;
	v29 =	vmin.f32 v29, v3  }
0x28c: {  	v28 =	vadd.f32 v32, v28;
	v32 =	vcvt.s32.f32 v37;
	v29 =	vmul.f32 v29, v4  }
0x28d: {  	v21 =	vadd.f32 v21, v1;
	v41 =	vsub.f32 $1.000000000e+00, v35;
	v40 =	vsel vm0, $0x1, v0  }
0x28e: {  	[tilespmem:s28+$0x13500] =	vst v28;
	v28 =	vadd.s32 v26, v40;
	v32 =	vsub.f32 v34, v32;
	v29 =	vadd.f32 $1.000000000e+00, v29  }
0x28f: {  	v22 =	vadd.f32 $1.000000000e+00, v22;
	v34 =	vtrunc.f32 v21;
	v40 =	vsub.f32 $1.000000000e+00, v33;
	v24 =	vld.idx.msk [tilespmem:v24+s6+$0x0], $0xffff  }
0x290: {  	v44 =	vcvt.f32.s32 v34;
	v42 =	vld.idx.msk [tilespmem:v42+s6+$0x0], $0xffff;
	vm0 =	vgt.f32 v32, $0.0e+00;
	v29 =	vmul.f32 $1.275000000e+02, v29  }
0x291: {  	v33 =	vmul.f32 v33, v36;
	v34 =	vmul.f32 v40, v38;
	v36 =	vsel vm0, $0x1, v0;
	v38 =	vld [tilespmem:s28+$0xC5C0]  }
0x292: {  	v19 =	vmul.f32 v15, v19;
	v15 =	vmovc v35;
	v40 =	vcvt.s32.f32 v44;
	v36 =	vadd.s32 v37, v36  }
0x293: {  	v33 =	vadd.f32 v34, v33;
	v45 =	vadd.f32 v29, v1;
	v34 =	vmul.f32 v16, v20;
	v16 =	vmovc v41  }
0x294: {  	v29 =	vadd.s32 v7, v43;
	v20 =	vsub.f32 v21, v40;
	v21 =	vmul.f32 $1.275000000e+02, v22  }
0x295: {  	v22 =	vmul.f32 v25, v24;
	v24 =	vtrunc.f32 v45;
	v19 =	vadd.f32 v34, v19;
	[tilespmem:s28+$0x13590] =	vst v33  }
0x296: {  	v25 =	vmul.f32 v31, v42;
	v33 =	vcvt.f32.s32 v24;
	v35 =	vld.idx.msk [tilespmem:v37+s6+$0x0], $0xffff;
	v24 =	vmax.f32 v38, v5  }
0x297: {  	vm0 =	vgt.f32 v20, $0.0e+00;
	v21 =	vadd.f32 v21, v1;
	v36 =	vld.idx.msk [tilespmem:v36+s6+$0x0], $0xffff;
	v24 =	vmin.f32 v24, v3;
	[tilespmem:s26+$0x13530] =	vst v19  }
.Ltmp2:
0x298: {  	v19 =	vadd.f32 v25, v22;
	v25 =	vcvt.s32.f32 v33;
	v31 =	vmul.f32 v24, v4;
	v34 =	vld.idx.msk [tilespmem:v17+s6+$0x0], $0xffff;
	v17 =	vmovc v44;
	(pc) =	sbr.rel @p1 .LBB2_3-.Ltmp2, $4  }
0x299: {  	v37 =	vsel vm0, $0x1, v0;
	v38 =	vtrunc.f32 v21;
	v24 =	vsub.f32 $1.000000000e+00, v20;
	v22 =	vld.idx.msk [tilespmem:v13+s6+$0x0], $0xffff  }
0x29a: {  	v13 =	vadd.s32 v17, v37;
	[tilespmem:s28+$0x13510] =	vst v19;
	v19 =	vsub.f32 v45, v25;
	v40 =	vadd.f32 $1.000000000e+00, v31  }
0x29b: {  	v18 =	vmul.f32 v8, v18;
	v8 =	vmovc v11;
	v37 =	vsub.f32 $1.000000000e+00, v32;
	v31 =	vcvt.f32.s32 v38;
	v23 =	vld.idx.msk [tilespmem:v23+s6+$0x0], $0xffff  }
0x29c: {  	s31 =	sadd.s32 $0x100, s31;
	s3 =	sadd.s32 $0x200, s3;
	v14 =	vmul.f32 v10, v14;
	v10 =	vmovc v12;
	v25 =	vld.idx.msk [tilespmem:v39+s6+$0x0], $0xffff;
	vm0 =	vgt.f32 v19, $0.0e+00;
	v11 =	vmul.f32 $1.275000000e+02, v40  }
0x29d: {  	_ = 	snop  }
0x29e: {  	v12 =	vld [tilespmem:s28+$0xC5D0]  }
0x29f: {  	v32 =	vmul.f32 v32, v35;
	v62 =	vmul.f32 v37, v36;
	v63 =	vsel vm0, $0x1, v0  }
0x2a0: {  	v36 =	vadd.s32 v33, v63;
	v11 =	vadd.f32 v11, v1  }
0x2a1: {  	v32 =	vadd.f32 v62, v32;
	v23 =	vmul.f32 v27, v23;
	v25 =	vmul.f32 v30, v25  }
0x2a2: {  	v37 =	vtrunc.f32 v11  }
0x2a3: {  	[tilespmem:s28+$0x135A0] =	vst v32;
	v27 =	vcvt.f32.s32 v37;
	v5 =	vmax.f32 v12, v5;
	v39 =	vadd.f32 v25, v23  }
0x2a4: {  	v38 =	vld.idx.msk [tilespmem:v33+s6+$0x0], $0xffff;
	v3 =	vmin.f32 v5, v3  }
0x2a5: {  	v40 =	vld.idx.msk [tilespmem:v36+s6+$0x0], $0xffff;
	v41 =	vcvt.s32.f32 v27;
	v3 =	vmul.f32 v3, v4;
	[tilespmem:s28+$0x13520] =	vst v39  }
0x2a6: {  	v5 =	vld.idx.msk [tilespmem:v26+s6+$0x0], $0xffff  }
0x2a7: {  	v42 =	vsub.f32 v11, v41;
	v3 =	vadd.f32 $1.000000000e+00, v3;
	v44 =	vld.idx.msk [tilespmem:v28+s6+$0x0], $0xffff  }
0x2a8: {  	v43 =	vsub.f32 $1.000000000e+00, v19  }
0x2a9: {  	vm13 =	vgt.f32 v42, $0.0e+00;
	v3 =	vmul.f32 $1.275000000e+02, v3  }
0x2aa: {  	v12 =	vmul.f32 v19, v38;
	v11 =	vmul.f32 v43, v40;
	v45 =	vsel vm13, $0x1, v0  }
0x2ab: {  	v19 =	vadd.s32 v27, v45;
	v3 =	vadd.f32 v3, v1  }
0x2ac: {  	v11 =	vadd.f32 v11, v12;
	v5 =	vmul.f32 v15, v5;
	v46 =	vmul.f32 v16, v44  }
0x2ad: {  	v47 =	vtrunc.f32 v3  }
0x2ae: {  	[tilespmem:s28+$0x135B0] =	vst v11;
	v11 =	vcvt.f32.s32 v47;
	v5 =	vadd.f32 v46, v5  }
0x2af: {  	v48 =	vld.idx.msk [tilespmem:v27+s6+$0x0], $0xffff  }
0x2b0: {  	v51 =	vcvt.s32.f32 v31;
	v49 =	vld.idx.msk [tilespmem:v19+s6+$0x0], $0xffff;
	v50 =	vcvt.s32.f32 v11;
	[tilespmem:s28+$0x13530] =	vst v5  }
0x2b1: {  	v6 =	vmul.f32 v6, v34;
	v17 =	vld.idx.msk [tilespmem:v17+s6+$0x0], $0xffff  }
0x2b2: {  	v9 =	vmul.f32 v9, v22;
	v5 =	vsub.f32 v21, v51;
	v13 =	vld.idx.msk [tilespmem:v13+s6+$0x0], $0xffff;
	v3 =	vsub.f32 v3, v50  }
0x2b3: {  	v52 =	vsub.f32 $1.000000000e+00, v42  }
0x2b4: {  	v6 =	vadd.f32 v9, v6;
	vm15 =	vgt.f32 v5, $0.0e+00;
	vm14 =	vgt.f32 v3, $0.0e+00  }
0x2b5: {  	v4 =	vmul.f32 v42, v48;
	v12 =	vmul.f32 v52, v49;
	v53 =	vsel vm14, $0x1, v0  }
0x2b6: {  	v54 =	vsel vm15, $0x1, v0;
	v9 =	vadd.s32 v11, v53  }
0x2b7: {  	[tilespmem:s26+$0x13540] =	vst v6;
	v4 =	vadd.f32 v12, v4;
	v55 =	vmul.f32 v20, v17;
	v13 =	vmul.f32 v24, v13  }
0x2b8: {  	v7 =	vld.idx.msk [tilespmem:v7+s6+$0x0], $0xffff;
	v6 =	vadd.s32 v31, v54  }
0x2b9: {  	v56 =	vld.idx.msk [tilespmem:v29+s6+$0x0], $0xffff;
	[tilespmem:s28+$0x135C0] =	vst v4;
	v57 =	vadd.f32 v13, v55  }
0x2ba: {  	v11 =	vld.idx.msk [tilespmem:v11+s6+$0x0], $0xffff  }
0x2bb: {  	[tilespmem:s28+$0x13540] =	vst v57;
	v9 =	vld.idx.msk [tilespmem:v9+s6+$0x0], $0xffff  }
0x2bc: {  	v4 =	vld.idx.msk [tilespmem:v31+s6+$0x0], $0xffff  }
0x2bd: {  	v6 =	vld.idx.msk [tilespmem:v6+s6+$0x0], $0xffff  }
0x2be: {  	v58 =	vsub.f32 $1.000000000e+00, v3;
	_ =	sdelay $0x1  }
0x2bf: {  	v59 =	vsub.f32 $1.000000000e+00, v5;
	v3 =	vmul.f32 v3, v11;
	v9 =	vmul.f32 v58, v9  }
0x2c0: {  	s0 =	smul.u32 $0xE000, s24;
	v60 =	vadd.f32 v14, v18;
	v7 =	vmul.f32 v8, v7;
	v61 =	vmul.f32 v10, v56  }
0x2c1: {  	s2 =	smul.u32 $0x3800, s29;
	p1 =	sne.s32 s22, $0x2F;
	v4 =	vmul.f32 v5, v4;
	v62 =	vmul.f32 v59, v6;
	v3 =	vadd.f32 v9, v3  }
.Ltmp3:
0x2c2: {  	[tilespmem:s25+$0x13550] =	vst v60;
	v63 =	vadd.f32 v61, v7;
	(pc) =	sbr.rel @p1 .LBB2_6-.Ltmp3, $4  }
0x2c3: {  	s0 =	sadd.s32 s2, s0;
	[tilespmem:s28+$0x135D0] =	vst v3;
	v3 =	vadd.f32 v62, v4  }
0x2c4: {  	s0 =	sshrl.u32 s0, $0x3;
	[tilespmem:s26+$0x13550] =	vst v63  }
0x2c5: {  	s24 =	sadd.s32 s5, s0;
	[tilespmem:s28+$0x13550] =	vst v3  }
0x2c6: {  	[hbm4b:s24+s6] =	stream.linear.scatter [tilespmem:s16], [sflag:$0x3], $0x3800, $0x38;
	[tilespmem:$0x1A100] =	vst v63  }
.Ltmp4:
0x2c7: {  	(pc) =	sbr.rel .LBB2_7-.Ltmp4, $4  }
0x2c8: {  	_ = 	snop  }
0x2c9: {  	_ =	swait.ge [sflag:s17], $0x3800  }
0x2ca: {  	[sflag:s17] =	ssyncset.done $0x0  }
0x2cb: {  	[sflag:s17] =	ssyncadd.s32 $0xFFFFC800  }
.LBB2_6:
0x2cc: {  	s0 =	sadd.s32 $0x2, s23  }
0x2cd: {  	s2 =	sshrl.u32 s0, $0x2;
	s0 =	sand.u32 $0x2, s0  }
0x2ce: {  	s2 =	sadd.s32 s8, s2;
	s0 =	smul.u32 $0x3800, s0  }
0x2cf: {  	s2 =	smul.u32 $0xE000, s2;
	_ =	sdelay $0x1  }
0x2d0: {  	s0 =	sadd.s32 s0, s2  }
0x2d1: {  	s0 =	sshrl.u32 s0, $0x3  }
.Ltmp5:
0x2d2: {  	s0 =	sadd.s32 s1, s0;
	(pc) =	sbr.rel @p0 .LBB2_8-.Ltmp5, $4  }
0x2d3: {  	[tilespmem:s13], [sflag:$0x1] =	stream.linear.gather [hbm4b:s0+s6], $0x3800, $0x38;
	[tilespmem:$0x1A100] =	vst v63  }
0x2d4: {  	_ =	swait.ge [sflag:s17], $0x3800  }
0x2d5: {  	[sflag:s17] =	ssyncset.done $0x0  }
0x2d6: {  	[sflag:s17] =	ssyncadd.s32 $0xFFFFC800  }
.LBB2_7:
0x2d7: {  	_ =	swait.ge [sflag:s18], $0x3800  }
0x2d8: {  	[sflag:s18] =	ssyncset.done $0x0  }
0x2d9: {  	[sflag:s18] =	ssyncadd.s32 $0xFFFFC800  }
.LBB2_8:
0x2da: {  	_ =	sdelay $0x3  }
0x2db: {  	v2 =	vld.idx.msk [tilespmem:v2+s12+$0x0], $0xffff;
	_ =	sdelay $0x4  }
0x2dc: {  	v2 =	vmax.f32 v2, $2.500000000e+00  }
0x2dd: {  	v2 =	vmin.f32 v2, $3.500000000e+00  }
0x2de: {  	s0 =	simm.s32 $0x0;
	(erf) = vrcp.f32 v2  }
0x2df: {  	s2 =	sand.u32 $0x3800, s0;
	s0 =	sand.u32 $0x300, s0  }
0x2e0: {  	s25 =	sor.u32 s0, s2  }
0x2e1: {  	v3 =	vld [tilespmem:s25+$0xF980];
	_ =	sdelay $0x1  }
0x2e2: {  	v5 =	vld [tilespmem:s25+$0xF900]  }
0x2e3: {  	v7 =	vld [tilespmem:s25+$0xF910];
	v4 =	vsub.f32 $0.0e+00, v2  }
0x2e4: {  	v8 =	vld [tilespmem:s25+$0xF990]  }
0x2e5: {  	v9 =	vld [tilespmem:s25+$0xF920];
	v6 =	vmax.f32 v3, v4  }
0x2e6: {  	v6 =	vmin.f32 v6, v2;
	v3 =	vpop (erf)  }
0x2e7: {  	v11 =	vld [tilespmem:s25+$0xF930];
	v6 =	vmul.f32 v6, v3;
	_ =	sdelay $0x1  }
0x2e8: {  	v22 =	vld [tilespmem:s25+$0xF960];
	v5 =	vmax.f32 v5, v4;
	v7 =	vmax.f32 v7, v4;
	v6 =	vadd.f32 $1.000000000e+00, v6  }
0x2e9: {  	v8 =	vmax.f32 v8, v4;
	v9 =	vmax.f32 v9, v4;
	v5 =	vmin.f32 v5, v2  }
0x2ea: {  	v7 =	vmin.f32 v7, v2;
	v5 =	vmul.f32 v5, v3;
	v6 =	vmul.f32 $1.275000000e+02, v6  }
0x2eb: {  	v11 =	vmax.f32 v11, v4;
	v8 =	vmin.f32 v8, v2;
	v7 =	vmul.f32 v7, v3  }
0x2ec: {  	v8 =	vmul.f32 v8, v3;
	v5 =	vadd.f32 $1.000000000e+00, v5;
	v6 =	vadd.f32 v6, v1  }
0x2ed: {  	v22 =	vmax.f32 v22, v4;
	v9 =	vmin.f32 v9, v2;
	v7 =	vadd.f32 $1.000000000e+00, v7  }
0x2ee: {  	v8 =	vadd.f32 $1.000000000e+00, v8;
	v5 =	vmul.f32 $1.275000000e+02, v5;
	v10 =	vtrunc.f32 v6  }
0x2ef: {  	v22 =	vmin.f32 v22, v2;
	v9 =	vmul.f32 v9, v3;
	v10 =	vcvt.f32.s32 v10  }
0x2f0: {  	v7 =	vmul.f32 $1.275000000e+02, v7;
	v8 =	vmul.f32 $1.275000000e+02, v8;
	v5 =	vadd.f32 v5, v1  }
0x2f1: {  	v11 =	vmin.f32 v11, v2;
	v22 =	vmul.f32 v22, v3;
	v12 =	vcvt.s32.f32 v10  }
0x2f2: {  	v7 =	vadd.f32 v7, v1;
	v8 =	vadd.f32 v8, v1;
	v13 =	vtrunc.f32 v5  }
0x2f3: {  	v9 =	vadd.f32 $1.000000000e+00, v9;
	v6 =	vsub.f32 v6, v12;
	v12 =	vcvt.f32.s32 v13;
	v13 =	vld [tilespmem:s25+$0xF9A0]  }
0x2f4: {  	v22 =	vadd.f32 $1.000000000e+00, v22;
	v16 =	vtrunc.f32 v7;
	v18 =	vtrunc.f32 v8  }
0x2f5: {  	v18 =	vcvt.f32.s32 v18;
	vm0 =	vgt.f32 v6, $0.0e+00;
	v14 =	vcvt.s32.f32 v12  }
0x2f6: {  	v9 =	vmul.f32 $1.275000000e+02, v9;
	v16 =	vcvt.f32.s32 v16;
	v15 =	vsel vm0, $0x1, v0  }
0x2f7: {  	v21 =	vcvt.s32.f32 v18;
	v15 =	vadd.s32 v10, v15;
	v5 =	vsub.f32 v5, v14;
	v14 =	vld [tilespmem:s25+$0xF940]  }
0x2f8: {  	v22 =	vmul.f32 $1.275000000e+02, v22;
	v23 =	vcvt.s32.f32 v16;
	v10 =	vld.idx.msk [tilespmem:v10+s6+$0x0], $0xffff;
	v13 =	vmax.f32 v13, v4  }
0x2f9: {  	v21 =	vsub.f32 v8, v21;
	vm0 =	vgt.f32 v5, $0.0e+00;
	v17 =	vld.idx.msk [tilespmem:v12+s6+$0x0], $0xffff;
	v13 =	vmin.f32 v13, v2  }
0x2fa: {  	v23 =	vsub.f32 v7, v23;
	v19 =	vsel vm0, $0x1, v0;
	v13 =	vmul.f32 v13, v3  }
0x2fb: {  	v12 =	vadd.s32 v12, v19;
	v19 =	vadd.f32 v9, v1;
	v9 =	vmul.f32 v11, v3  }
0x2fc: {  	v8 =	vsub.f32 $1.000000000e+00, v6;
	v30 =	vsub.f32 $1.000000000e+00, v23;
	v11 =	vld.idx.msk [tilespmem:v15+s6+$0x0], $0xffff;
	v14 =	vmax.f32 v14, v4  }
0x2fd: {  	v6 =	vmul.f32 v6, v10;
	v24 =	vadd.f32 $1.000000000e+00, v9;
	v9 =	vadd.f32 $1.000000000e+00, v13  }
0x2fe: {  	v15 =	vld [tilespmem:s25+$0xF950];
	v25 =	vtrunc.f32 v19;
	v14 =	vmin.f32 v14, v2;
	v17 =	vmul.f32 v5, v17  }
0x2ff: {  	v20 =	vsub.f32 $1.000000000e+00, v5;
	v10 =	vld [tilespmem:s25+$0xFD00];
	v25 =	vcvt.f32.s32 v25;
	v14 =	vmul.f32 v14, v3  }
0x300: {  	vm0 =	vgt.f32 v21, $0.0e+00;
	v5 =	vmul.f32 $1.275000000e+02, v9;
	v24 =	vmul.f32 $1.275000000e+02, v24;
	v12 =	vld.idx.msk [tilespmem:v12+s6+$0x0], $0xffff  }
0x301: {  	v29 =	vcvt.s32.f32 v25;
	v7 =	vmul.f32 v8, v11;
	v11 =	vld [tilespmem:s25+$0xF9B0];
	v8 =	vsel vm0, $0x1, v0  }
0x302: {  	v14 =	vadd.f32 $1.000000000e+00, v14;
	v28 =	vadd.f32 v5, v1;
	v26 =	vadd.s32 v18, v8  }
0x303: {  	vm0 =	vgt.f32 v23, $0.0e+00;
	v15 =	vmax.f32 v15, v4;
	v6 =	vadd.f32 v7, v6  }
0x304: {  	v10 =	vmax.f32 v10, v4;
	v27 =	vsel vm0, $0x1, v0;
	v31 =	vtrunc.f32 v28  }
0x305: {  	s26 =	simm.s32 $0x100;
	s31 =	simm.s32 $0x200;
	v19 =	vsub.f32 v19, v29;
	[tilespmem:s25+$0x16980] =	vst v6;
	v6 =	vmul.f32 v20, v12;
	v12 =	vcvt.f32.s32 v31  }
0x306: {  	s2 =	sand.u32 $0x3800, s31;
	s0 =	sand.u32 $0x300, s26;
	v27 =	vadd.s32 v16, v27;
	v20 =	vadd.f32 v24, v1;
	v11 =	vmax.f32 v11, v4;
	v18 =	vld.idx.msk [tilespmem:v18+s6+$0x0], $0xffff  }
0x307: {  	s26 =	sor.u32 s0, s2;
	v11 =	vmin.f32 v11, v2;
	v24 =	vld.idx.msk [tilespmem:v26+s6+$0x0], $0xffff;
	v17 =	vadd.f32 v6, v17;
	v26 =	vcvt.s32.f32 v12  }
0x308: {  	v37 =	vld [tilespmem:s26+$0xF950];
	v14 =	vmul.f32 $1.275000000e+02, v14;
	v15 =	vmin.f32 v15, v2;
	v11 =	vmul.f32 v11, v3  }
0x309: {  	v13 =	vld [tilespmem:s25+$0xF970];
	v10 =	vmin.f32 v10, v2;
	v15 =	vmul.f32 v15, v3;
	[tilespmem:s25+$0x16900] =	vst v17;
	v26 =	vsub.f32 v28, v26  }
0x30a: {  	vm0 =	vgt.f32 v19, $0.0e+00;
	v28 =	vsub.f32 $1.000000000e+00, v21;
	v11 =	vadd.f32 $1.000000000e+00, v11;
	v16 =	vld.idx.msk [tilespmem:v16+s6+$0x0], $0xffff  }
0x30b: {  	v29 =	vtrunc.f32 v20;
	v17 =	vsel vm0, $0x1, v0;
	v27 =	vld.idx.msk [tilespmem:v27+s6+$0x0], $0xffff;
	v18 =	vmul.f32 v21, v18  }
0x30c: {  	vm0 =	vgt.f32 v26, $0.0e+00;
	v11 =	vmul.f32 $1.275000000e+02, v11;
	v21 =	vmul.f32 v28, v24;
	v24 =	vld [tilespmem:s25+$0xF9C0]  }
0x30d: {  	v10 =	vmul.f32 v10, v3;
	v29 =	vcvt.f32.s32 v29;
	v28 =	vsel vm0, $0x1, v0  }
0x30e: {  	v28 =	vadd.s32 v12, v28;
	v11 =	vadd.f32 v11, v1;
	v18 =	vadd.f32 v21, v18  }
0x30f: {  	v37 =	vmax.f32 v37, v4;
	v32 =	vcvt.s32.f32 v29;
	v16 =	vmul.f32 v23, v16  }
0x310: {  	v13 =	vmax.f32 v13, v4;
	v21 =	vtrunc.f32 v11;
	[tilespmem:s25+$0x16990] =	vst v18;
	v18 =	vmul.f32 v30, v27  }
0x311: {  	v17 =	vadd.s32 v25, v17;
	v21 =	vcvt.f32.s32 v21;
	v23 =	vmax.f32 v24, v4  }
0x312: {  	v20 =	vsub.f32 v20, v32;
	v12 =	vld.idx.msk [tilespmem:v12+s6+$0x0], $0xffff;
	v23 =	vmin.f32 v23, v2;
	v16 =	vadd.f32 v18, v16  }
0x313: {  	v13 =	vmin.f32 v13, v2;
	v24 =	vld.idx.msk [tilespmem:v28+s6+$0x0], $0xffff;
	v18 =	vcvt.s32.f32 v21;
	v23 =	vmul.f32 v23, v3  }
0x314: {  	v14 =	vadd.f32 v14, v1;
	v13 =	vmul.f32 v13, v3;
	vm0 =	vgt.f32 v20, $0.0e+00;
	[tilespmem:s25+$0x16910] =	vst v16  }
0x315: {  	v27 =	vsel vm0, $0x1, v0;
	v11 =	vsub.f32 v11, v18;
	v16 =	vadd.f32 $1.000000000e+00, v23;
	v23 =	vld.idx.msk [tilespmem:v25+s6+$0x0], $0xffff  }
0x316: {  	v15 =	vadd.f32 $1.000000000e+00, v15;
	v18 =	vadd.s32 v29, v27;
	v27 =	vsub.f32 $1.000000000e+00, v26;
	v17 =	vld.idx.msk [tilespmem:v17+s6+$0x0], $0xffff  }
0x317: {  	v28 =	vtrunc.f32 v14;
	v12 =	vmul.f32 v26, v12;
	v26 =	vld [tilespmem:s25+$0xF9D0];
	vm0 =	vgt.f32 v11, $0.0e+00  }
0x318: {  	v16 =	vmul.f32 $1.275000000e+02, v16;
	v24 =	vmul.f32 v27, v24;
	v27 =	vsel vm0, $0x1, v0  }
0x319: {  	v31 =	vsub.f32 $1.000000000e+00, v19;
	v28 =	vcvt.f32.s32 v28;
	v27 =	vadd.s32 v21, v27  }
0x31a: {  	v15 =	vmul.f32 $1.275000000e+02, v15;
	v12 =	vadd.f32 v24, v12;
	v16 =	vadd.f32 v16, v1  }
0x31b: {  	v61 =	vmin.f32 v37, v2;
	v30 =	vcvt.s32.f32 v28;
	v19 =	vmul.f32 v19, v23  }
0x31c: {  	v17 =	vmul.f32 v31, v17;
	[tilespmem:s25+$0x169A0] =	vst v12;
	v12 =	vtrunc.f32 v16;
	v23 =	vmax.f32 v26, v4  }
0x31d: {  	v15 =	vadd.f32 v15, v1;
	v21 =	vld.idx.msk [tilespmem:v21+s6+$0x0], $0xffff;
	v12 =	vcvt.f32.s32 v12;
	v23 =	vmin.f32 v23, v2  }
0x31e: {  	v14 =	vsub.f32 v14, v30;
	v17 =	vadd.f32 v17, v19;
	v19 =	vmul.f32 v23, v3;
	v26 =	vld.idx.msk [tilespmem:v27+s6+$0x0], $0xffff  }
0x31f: {  	v22 =	vadd.f32 v22, v1;
	v9 =	vld [tilespmem:s25+$0xFD10];
	v24 =	vtrunc.f32 v15;
	v23 =	vcvt.s32.f32 v12  }
0x320: {  	vm0 =	vgt.f32 v14, $0.0e+00;
	v24 =	vcvt.f32.s32 v24;
	[tilespmem:s25+$0x16920] =	vst v17;
	v19 =	vadd.f32 $1.000000000e+00, v19  }
0x321: {  	v27 =	vsel vm0, $0x1, v0;
	v16 =	vsub.f32 v16, v23;
	v23 =	vld.idx.msk [tilespmem:v29+s6+$0x0], $0xffff;
	v29 =	vsub.f32 $1.000000000e+00, v11  }
0x322: {  	v17 =	vadd.s32 v28, v27;
	v27 =	vcvt.s32.f32 v24;
	v18 =	vld.idx.msk [tilespmem:v18+s6+$0x0], $0xffff;
	v19 =	vmul.f32 $1.275000000e+02, v19  }
0x323: {  	v11 =	vmul.f32 v11, v21;
	vm0 =	vgt.f32 v16, $0.0e+00;
	v21 =	vmul.f32 v29, v26;
	v26 =	vld [tilespmem:s25+$0xF9E0]  }
0x324: {  	v5 =	vld [tilespmem:s25+$0xFD40];
	v9 =	vmax.f32 v9, v4;
	v10 =	vadd.f32 $1.000000000e+00, v10;
	v29 =	vsel vm0, $0x1, v0  }
0x325: {  	v15 =	vsub.f32 v15, v27;
	v19 =	vadd.f32 v19, v1;
	v27 =	vadd.s32 v12, v29  }
0x326: {  	v9 =	vmin.f32 v9, v2;
	v25 =	vsub.f32 $1.000000000e+00, v20;
	v11 =	vadd.f32 v21, v11  }
0x327: {  	v13 =	vadd.f32 $1.000000000e+00, v13;
	v20 =	vmul.f32 v20, v23;
	v23 =	vtrunc.f32 v19  }
0x328: {  	v8 =	vld [tilespmem:s25+$0xFD20];
	[tilespmem:s25+$0x169B0] =	vst v11;
	v11 =	vmul.f32 v25, v18;
	v18 =	vcvt.f32.s32 v23;
	v23 =	vmax.f32 v26, v4  }
0x329: {  	v9 =	vmul.f32 v9, v3;
	v5 =	vmax.f32 v5, v4;
	v12 =	vld.idx.msk [tilespmem:v12+s6+$0x0], $0xffff;
	v23 =	vmin.f32 v23, v2  }
0x32a: {  	v27 =	vld.idx.msk [tilespmem:v27+s6+$0x0], $0xffff;
	v11 =	vadd.f32 v11, v20;
	v20 =	vcvt.s32.f32 v18;
	v23 =	vmul.f32 v23, v3  }
0x32b: {  	v10 =	vmul.f32 $1.275000000e+02, v10;
	vm0 =	vgt.f32 v15, $0.0e+00;
	v26 =	vtrunc.f32 v22  }
0x32c: {  	v7 =	vld [tilespmem:s25+$0xFD30];
	v26 =	vcvt.f32.s32 v26;
	[tilespmem:s25+$0x16930] =	vst v11;
	v11 =	vsub.f32 v19, v20;
	v19 =	vadd.f32 $1.000000000e+00, v23  }
0x32d: {  	v8 =	vmax.f32 v8, v4;
	v25 =	vsel vm0, $0x1, v0;
	v20 =	vld.idx.msk [tilespmem:v28+s6+$0x0], $0xffff;
	v28 =	vsub.f32 $1.000000000e+00, v16  }
0x32e: {  	v23 =	vcvt.s32.f32 v26;
	v17 =	vld.idx.msk [tilespmem:v17+s6+$0x0], $0xffff;
	vm0 =	vgt.f32 v11, $0.0e+00;
	v19 =	vmul.f32 $1.275000000e+02, v19  }
0x32f: {  	v12 =	vmul.f32 v16, v12;
	v16 =	vmul.f32 v28, v27;
	v27 =	vld [tilespmem:s25+$0xF9F0];
	v28 =	vsel vm0, $0x1, v0  }
0x330: {  	v22 =	vsub.f32 v22, v23;
	v23 =	vadd.s32 v18, v28;
	v19 =	vadd.f32 v19, v1  }
0x331: {  	v13 =	vmul.f32 $1.275000000e+02, v13;
	v30 =	vsub.f32 $1.000000000e+00, v14;
	v12 =	vadd.f32 v16, v12  }
0x332: {  	v9 =	vadd.f32 $1.000000000e+00, v9;
	v14 =	vmul.f32 v14, v20;
	v20 =	vtrunc.f32 v19  }
0x333: {  	v8 =	vmin.f32 v8, v2;
	[tilespmem:s25+$0x169C0] =	vst v12;
	v12 =	vmul.f32 v30, v17;
	v17 =	vcvt.f32.s32 v20  }
0x334: {  	v7 =	vmax.f32 v7, v4;
	v25 =	vadd.s32 v24, v25;
	v20 =	vmax.f32 v27, v4;
	v18 =	vld.idx.msk [tilespmem:v18+s6+$0x0], $0xffff  }
0x335: {  	v20 =	vmin.f32 v20, v2;
	v23 =	vld.idx.msk [tilespmem:v23+s6+$0x0], $0xffff;
	v12 =	vadd.f32 v12, v14;
	v14 =	vcvt.s32.f32 v17  }
0x336: {  	v10 =	vadd.f32 v10, v1;
	v8 =	vmul.f32 v8, v3;
	v20 =	vmul.f32 v20, v3  }
0x337: {  	v7 =	vmin.f32 v7, v2;
	v13 =	vadd.f32 v13, v1;
	[tilespmem:s25+$0x16940] =	vst v12;
	v12 =	vsub.f32 v19, v14  }
0x338: {  	vm0 =	vgt.f32 v22, $0.0e+00;
	v14 =	vadd.f32 $1.000000000e+00, v20;
	v20 =	vld.idx.msk [tilespmem:v24+s6+$0x0], $0xffff;
	v24 =	vsub.f32 $1.000000000e+00, v11  }
0x339: {  	v9 =	vmul.f32 $1.275000000e+02, v9;
	v7 =	vmul.f32 v7, v3;
	v27 =	vsel vm0, $0x1, v0;
	v25 =	vld.idx.msk [tilespmem:v25+s6+$0x0], $0xffff  }
0x33a: {  	v11 =	vmul.f32 v11, v18;
	vm0 =	vgt.f32 v12, $0.0e+00;
	v18 =	vmul.f32 v24, v23;
	v23 =	vld [tilespmem:s25+$0xFD80]  }
0x33b: {  	v8 =	vadd.f32 $1.000000000e+00, v8;
	v14 =	vmul.f32 $1.275000000e+02, v14;
	v24 =	vsel vm0, $0x1, v0  }
0x33c: {  	v21 =	vsub.f32 $1.000000000e+00, v15;
	v16 =	vtrunc.f32 v13;
	v24 =	vadd.s32 v17, v24  }
0x33d: {  	v16 =	vcvt.f32.s32 v16;
	v11 =	vadd.f32 v18, v11;
	v14 =	vadd.f32 v14, v1  }
0x33e: {  	v19 =	vadd.s32 v26, v27;
	v15 =	vmul.f32 v15, v20;
	v20 =	vmul.f32 v21, v25  }
0x33f: {  	v29 =	vcvt.s32.f32 v16;
	[tilespmem:s25+$0x169D0] =	vst v11;
	v11 =	vtrunc.f32 v14;
	v21 =	vmax.f32 v23, v4  }
0x340: {  	v17 =	vld.idx.msk [tilespmem:v17+s6+$0x0], $0xffff;
	v11 =	vcvt.f32.s32 v11;
	v15 =	vadd.f32 v20, v15;
	v21 =	vmin.f32 v21, v2  }
0x341: {  	v13 =	vsub.f32 v13, v29;
	v29 =	vtrunc.f32 v10;
	v24 =	vld.idx.msk [tilespmem:v24+s6+$0x0], $0xffff;
	v20 =	vmul.f32 v21, v3  }
0x342: {  	v9 =	vadd.f32 v9, v1;
	v23 =	vcvt.f32.s32 v29;
	v21 =	vcvt.s32.f32 v11;
	[tilespmem:s25+$0x16950] =	vst v15  }
0x343: {  	v28 =	vsub.f32 $1.000000000e+00, v22;
	vm0 =	vgt.f32 v13, $0.0e+00;
	v19 =	vld.idx.msk [tilespmem:v19+s6+$0x0], $0xffff;
	v15 =	vadd.f32 $1.000000000e+00, v20  }
0x344: {  	v25 =	vcvt.s32.f32 v23;
	v14 =	vsub.f32 v14, v21;
	v20 =	vld.idx.msk [tilespmem:v26+s6+$0x0], $0xffff;
	v26 =	vsub.f32 $1.000000000e+00, v12  }
0x345: {  	v27 =	vsel vm0, $0x1, v0;
	v21 =	vtrunc.f32 v9;
	v12 =	vmul.f32 v12, v17  }
0x346: {  	v15 =	vmul.f32 $1.275000000e+02, v15;
	vm0 =	vgt.f32 v14, $0.0e+00;
	v17 =	vmul.f32 v26, v24;
	v24 =	vld [tilespmem:s25+$0xFD90]  }
0x347: {  	v10 =	vsub.f32 v10, v25;
	v21 =	vcvt.f32.s32 v21;
	v25 =	vsel vm0, $0x1, v0  }
0x348: {  	v8 =	vmul.f32 $1.275000000e+02, v8;
	v25 =	vadd.s32 v11, v25;
	v15 =	vadd.f32 v15, v1  }
0x349: {  	v19 =	vmul.f32 v28, v19;
	v12 =	vadd.f32 v17, v12;
	v17 =	vcvt.s32.f32 v21  }
0x34a: {  	v5 =	vmin.f32 v5, v2;
	v20 =	vmul.f32 v22, v20;
	v22 =	vtrunc.f32 v15  }
0x34b: {  	v18 =	vadd.s32 v16, v27;
	[tilespmem:s25+$0x169E0] =	vst v12;
	v12 =	vcvt.f32.s32 v22;
	v22 =	vmax.f32 v24, v4  }
0x34c: {  	v9 =	vsub.f32 v9, v17;
	v19 =	vadd.f32 v19, v20;
	v11 =	vld.idx.msk [tilespmem:v11+s6+$0x0], $0xffff;
	v17 =	vmin.f32 v22, v2  }
0x34d: {  	v7 =	vadd.f32 $1.000000000e+00, v7;
	v22 =	vld.idx.msk [tilespmem:v25+s6+$0x0], $0xffff;
	v24 =	vcvt.s32.f32 v12;
	v17 =	vmul.f32 v17, v3  }
0x34e: {  	v6 =	vld [tilespmem:s25+$0xFD50];
	v5 =	vmul.f32 v5, v3;
	v8 =	vadd.f32 v8, v1;
	v27 =	vsub.f32 $1.000000000e+00, v13;
	[tilespmem:s25+$0x16960] =	vst v19  }
0x34f: {  	vm0 =	vgt.f32 v10, $0.0e+00;
	v16 =	vld.idx.msk [tilespmem:v16+s6+$0x0], $0xffff;
	v15 =	vsub.f32 v15, v24;
	v17 =	vadd.f32 $1.000000000e+00, v17  }
0x350: {  	v29 =	vsel vm0, $0x1, v0;
	vm0 =	vgt.f32 v9, $0.0e+00;
	v18 =	vld.idx.msk [tilespmem:v18+s6+$0x0], $0xffff;
	v24 =	vsub.f32 $1.000000000e+00, v14  }
0x351: {  	v28 =	vld [tilespmem:s25+$0xFDA0];
	v19 =	vsel vm0, $0x1, v0;
	vm0 =	vgt.f32 v15, $0.0e+00;
	v17 =	vmul.f32 $1.275000000e+02, v17  }
0x352: {  	v11 =	vmul.f32 v14, v11;
	v14 =	vmul.f32 v24, v22;
	v22 =	vsel vm0, $0x1, v0  }
0x353: {  	v25 =	vtrunc.f32 v8;
	v22 =	vadd.s32 v12, v22;
	v17 =	vadd.f32 v17, v1  }
0x354: {  	v24 =	vcvt.f32.s32 v25;
	v13 =	vmul.f32 v13, v16;
	v11 =	vadd.f32 v14, v11  }
0x355: {  	v20 =	vadd.s32 v23, v29;
	v18 =	vmul.f32 v27, v18;
	v16 =	vtrunc.f32 v17  }
0x356: {  	v25 =	vcvt.s32.f32 v24;
	[tilespmem:s25+$0x169F0] =	vst v11;
	v11 =	vcvt.f32.s32 v16;
	v16 =	vmax.f32 v28, v4  }
0x357: {  	v7 =	vmul.f32 $1.275000000e+02, v7;
	v13 =	vadd.f32 v18, v13;
	v12 =	vld.idx.msk [tilespmem:v12+s6+$0x0], $0xffff;
	v16 =	vmin.f32 v16, v2  }
0x358: {  	v18 =	vsub.f32 v8, v25;
	v8 =	vld.idx.msk [tilespmem:v22+s6+$0x0], $0xffff;
	v22 =	vcvt.s32.f32 v11;
	v16 =	vmul.f32 v16, v3  }
0x359: {  	v6 =	vmax.f32 v6, v4;
	v7 =	vadd.f32 v7, v1;
	v26 =	vsub.f32 $1.000000000e+00, v10;
	[tilespmem:s25+$0x16970] =	vst v13  }
0x35a: {  	v6 =	vmin.f32 v6, v2;
	v20 =	vld.idx.msk [tilespmem:v20+s6+$0x0], $0xffff;
	v13 =	vsub.f32 v17, v22;
	v16 =	vadd.f32 $1.000000000e+00, v16  }
0x35b: {  	v19 =	vadd.s32 v21, v19;
	vm0 =	vgt.f32 v18, $0.0e+00;
	v17 =	vld.idx.msk [tilespmem:v23+s6+$0x0], $0xffff;
	v23 =	vsub.f32 $1.000000000e+00, v15  }
0x35c: {  	v25 =	vld [tilespmem:s25+$0xFDB0];
	v22 =	vsel vm0, $0x1, v0;
	vm0 =	vgt.f32 v13, $0.0e+00;
	v16 =	vmul.f32 $1.275000000e+02, v16  }
0x35d: {  	v12 =	vmul.f32 v15, v12;
	v15 =	vmul.f32 v23, v8;
	v8 =	vsel vm0, $0x1, v0  }
0x35e: {  	v23 =	vtrunc.f32 v7;
	v27 =	vadd.s32 v11, v8;
	v16 =	vadd.f32 v16, v1  }
0x35f: {  	v20 =	vmul.f32 v26, v20;
	v8 =	vcvt.f32.s32 v23;
	v12 =	vadd.f32 v15, v12  }
0x360: {  	v28 =	vld [tilespmem:s26+$0xF900];
	v15 =	vadd.s32 v24, v22;
	v10 =	vmul.f32 v10, v17;
	v17 =	vtrunc.f32 v16  }
0x361: {  	[tilespmem:s25+$0x16D80] =	vst v12;
	v22 =	vcvt.s32.f32 v8;
	v12 =	vcvt.f32.s32 v17;
	v17 =	vmax.f32 v25, v4  }
0x362: {  	v11 =	vld.idx.msk [tilespmem:v11+s6+$0x0], $0xffff;
	v10 =	vadd.f32 v20, v10;
	v20 =	vadd.f32 $1.000000000e+00, v5;
	v17 =	vmin.f32 v17, v2  }
0x363: {  	v14 =	vsub.f32 $1.000000000e+00, v9;
	v23 =	vld.idx.msk [tilespmem:v27+s6+$0x0], $0xffff;
	v25 =	vcvt.s32.f32 v12;
	v17 =	vmul.f32 v17, v3  }
0x364: {  	v26 =	vsub.f32 $1.000000000e+00, v18;
	v5 =	vsub.f32 v7, v22;
	[tilespmem:s25+$0x16D00] =	vst v10;
	v7 =	vmul.f32 $1.275000000e+02, v20  }
0x365: {  	v28 =	vmax.f32 v28, v4;
	v19 =	vld.idx.msk [tilespmem:v19+s6+$0x0], $0xffff;
	v10 =	vsub.f32 v16, v25;
	v16 =	vadd.f32 $1.000000000e+00, v17  }
0x366: {  	v20 =	vmul.f32 v6, v3;
	v6 =	vsub.f32 $1.000000000e+00, v13;
	v17 =	vld.idx.msk [tilespmem:v21+s6+$0x0], $0xffff;
	v7 =	vadd.f32 v7, v1  }
0x367: {  	v21 =	vld [tilespmem:s25+$0xFDC0];
	v11 =	vmul.f32 v13, v11;
	vm1 =	vgt.f32 v10, $0.0e+00;
	v16 =	vmul.f32 $1.275000000e+02, v16  }
0x368: {  	v22 =	vtrunc.f32 v7;
	v13 =	vmul.f32 v6, v23;
	v6 =	vsel vm1, $0x1, v0  }
0x369: {  	v23 =	vadd.s32 v12, v6;
	v25 =	vadd.f32 v16, v1;
	v6 =	vcvt.f32.s32 v22  }
0x36a: {  	v14 =	vmul.f32 v14, v19;
	v11 =	vadd.f32 v13, v11;
	v13 =	vadd.f32 $1.000000000e+00, v20  }
0x36b: {  	vm0 =	vgt.f32 v5, $0.0e+00;
	v9 =	vmul.f32 v9, v17;
	v16 =	vtrunc.f32 v25  }
0x36c: {  	[tilespmem:s25+$0x16D90] =	vst v11;
	v11 =	vcvt.f32.s32 v16;
	v16 =	vmax.f32 v21, v4;
	v13 =	vmul.f32 $1.275000000e+02, v13  }
0x36d: {  	v17 =	vcvt.s32.f32 v6;
	v9 =	vadd.f32 v14, v9;
	v19 =	vld.idx.msk [tilespmem:v12+s6+$0x0], $0xffff;
	v12 =	vmin.f32 v16, v2  }
0x36e: {  	v20 =	vld.idx.msk [tilespmem:v23+s6+$0x0], $0xffff;
	v21 =	vcvt.s32.f32 v11;
	v12 =	vmul.f32 v12, v3;
	v13 =	vadd.f32 v13, v1  }
0x36f: {  	v14 =	vsub.f32 $1.000000000e+00, v5;
	v16 =	vsel vm0, $0x1, v0;
	v7 =	vsub.f32 v7, v17;
	[tilespmem:s25+$0x16D10] =	vst v9  }
0x370: {  	v22 =	vld.idx.msk [tilespmem:v24+s6+$0x0], $0xffff;
	v17 =	vsub.f32 v25, v21;
	v9 =	vadd.f32 $1.000000000e+00, v12;
	v12 =	vtrunc.f32 v13  }
0x371: {  	v16 =	vadd.s32 v8, v16;
	v21 =	vsub.f32 $1.000000000e+00, v10;
	v12 =	vcvt.f32.s32 v12  }
0x372: {  	v24 =	vld [tilespmem:s25+$0xFDD0];
	vm1 =	vgt.f32 v17, $0.0e+00;
	v23 =	vmul.f32 $1.275000000e+02, v9;
	v10 =	vmul.f32 v10, v19  }
0x373: {  	v15 =	vld.idx.msk [tilespmem:v15+s6+$0x0], $0xffff;
	v19 =	vmul.f32 v21, v20;
	v20 =	vsel vm1, $0x1, v0;
	v25 =	vcvt.s32.f32 v12  }
0x374: {  	v27 =	vld [tilespmem:s26+$0xF980];
	vm0 =	vgt.f32 v7, $0.0e+00;
	v20 =	vadd.s32 v11, v20;
	v23 =	vadd.f32 v23, v1  }
0x375: {  	v19 =	vadd.f32 v19, v10;
	v10 =	vsub.f32 v13, v25;
	v13 =	vmul.f32 v18, v22;
	v22 =	vld [tilespmem:s26+$0xF910]  }
0x376: {  	v9 =	vsub.f32 $1.000000000e+00, v7;
	v21 =	vsel vm0, $0x1, v0;
	v18 =	vtrunc.f32 v23  }
0x377: {  	v21 =	vadd.s32 v6, v21;
	[tilespmem:s25+$0x16DA0] =	vst v19;
	v19 =	vmax.f32 v24, v4;
	v25 =	vcvt.f32.s32 v18  }
0x378: {  	v15 =	vmul.f32 v26, v15;
	vm0 =	vgt.f32 v10, $0.0e+00;
	v24 =	vld.idx.msk [tilespmem:v11+s6+$0x0], $0xffff;
	v18 =	vmin.f32 v19, v2  }
0x379: {  	v19 =	vld.idx.msk [tilespmem:v20+s6+$0x0], $0xffff;
	v20 =	vmax.f32 v27, v4;
	v26 =	vmul.f32 v18, v3;
	v27 =	vcvt.s32.f32 v25  }
0x37a: {  	v18 =	vadd.f32 v15, v13;
	v20 =	vmin.f32 v20, v2;
	v22 =	vmax.f32 v22, v4  }
0x37b: {  	v13 =	vmul.f32 v20, v3;
	v15 =	vadd.f32 $1.000000000e+00, v26;
	v20 =	vsub.f32 v23, v27  }
0x37c: {  	v23 =	vmin.f32 v28, v2;
	v26 =	vsub.f32 $1.000000000e+00, v17;
	v27 =	vld [tilespmem:s26+$0xF920];
	v22 =	vmin.f32 v22, v2  }
0x37d: {  	[tilespmem:s25+$0x16D20] =	vst v18;
	v23 =	vmul.f32 v23, v3;
	v22 =	vmul.f32 v22, v3;
	v13 =	vadd.f32 $1.000000000e+00, v13  }
0x37e: {  	v8 =	vld.idx.msk [tilespmem:v8+s6+$0x0], $0xffff;
	v15 =	vmul.f32 $1.275000000e+02, v15;
	vm1 =	vgt.f32 v20, $0.0e+00;
	v17 =	vmul.f32 v17, v24  }
0x37f: {  	v19 =	vmul.f32 v26, v19;
	v24 =	vsel vm1, $0x1, v0;
	v22 =	vadd.f32 $1.000000000e+00, v22  }
0x380: {  	v26 =	vld [tilespmem:s26+$0xF930];
	v24 =	vadd.s32 v25, v24;
	v13 =	vmul.f32 $1.275000000e+02, v13;
	v15 =	vadd.f32 v15, v1  }
0x381: {  	v17 =	vadd.f32 v19, v17;
	v19 =	vadd.f32 $1.000000000e+00, v23;
	v23 =	vmax.f32 v27, v4  }
0x382: {  	v22 =	vmul.f32 $1.275000000e+02, v22;
	v13 =	vadd.f32 v13, v1;
	v28 =	vtrunc.f32 v15  }
0x383: {  	v27 =	vld [tilespmem:s26+$0xF990];
	v23 =	vmin.f32 v23, v2;
	v5 =	vmul.f32 v5, v8;
	[tilespmem:s25+$0x16DB0] =	vst v17;
	v17 =	vmul.f32 $1.275000000e+02, v19  }
0x384: {  	v11 =	vsub.f32 $1.000000000e+00, v10;
	v19 =	vcvt.f32.s32 v28;
	v23 =	vmul.f32 v23, v3  }
0x385: {  	v22 =	vadd.f32 v22, v1;
	v28 =	vtrunc.f32 v13;
	v26 =	vmax.f32 v26, v4  }
0x386: {  	v25 =	vld.idx.msk [tilespmem:v25+s6+$0x0], $0xffff;
	v17 =	vadd.f32 v17, v1;
	v28 =	vcvt.f32.s32 v28;
	v29 =	vcvt.s32.f32 v19  }
0x387: {  	v24 =	vld.idx.msk [tilespmem:v24+s6+$0x0], $0xffff;
	v23 =	vadd.f32 $1.000000000e+00, v23;
	v26 =	vmin.f32 v26, v2;
	v33 =	vtrunc.f32 v22  }
0x388: {  	v27 =	vmax.f32 v27, v4;
	v30 =	vcvt.s32.f32 v28;
	v15 =	vsub.f32 v15, v29  }
0x389: {  	v27 =	vmin.f32 v27, v2;
	v29 =	vsub.f32 $1.000000000e+00, v20;
	v31 =	vtrunc.f32 v17  }
0x38a: {  	v23 =	vmul.f32 $1.275000000e+02, v23;
	v30 =	vsub.f32 v13, v30;
	v13 =	vmul.f32 v27, v3  }
0x38b: {  	vm1 =	vgt.f32 v15, $0.0e+00;
	v20 =	vmul.f32 v20, v25;
	v27 =	vcvt.f32.s32 v31  }
0x38c: {  	v31 =	vld [tilespmem:s26+$0xF940];
	v49 =	vadd.f32 v23, v1;
	v24 =	vmul.f32 v29, v24;
	v25 =	vsel vm1, $0x1, v0  }
0x38d: {  	v38 =	vsub.f32 $1.000000000e+00, v15;
	v29 =	vld [tilespmem:s26+$0xF9A0];
	v13 =	vadd.f32 $1.000000000e+00, v13;
	v25 =	vadd.s32 v19, v25  }
0x38e: {  	vm1 =	vgt.f32 v30, $0.0e+00;
	v20 =	vadd.f32 v24, v20;
	v24 =	vcvt.s32.f32 v27  }
0x38f: {  	v39 =	vtrunc.f32 v49;
	v48 =	vsel vm1, $0x1, v0;
	v13 =	vmul.f32 $1.275000000e+02, v13  }
0x390: {  	v32 =	vadd.s32 v28, v48;
	v17 =	vsub.f32 v17, v24;
	v24 =	vcvt.f32.s32 v33  }
0x391: {  	[tilespmem:s25+$0x16DC0] =	vst v20;
	v20 =	vmul.f32 v26, v3;
	v31 =	vmax.f32 v31, v4;
	v13 =	vadd.f32 v13, v1  }
0x392: {  	v26 =	vmax.f32 v29, v4;
	v31 =	vmin.f32 v31, v2;
	vm1 =	vgt.f32 v17, $0.0e+00  }
0x393: {  	v29 =	vld.idx.msk [tilespmem:v27+s6+$0x0], $0xffff;
	v26 =	vmin.f32 v26, v2;
	v50 =	vsub.f32 $1.000000000e+00, v17;
	v35 =	vcvt.s32.f32 v24  }
0x394: {  	v23 =	vld.idx.msk [tilespmem:v25+s6+$0x0], $0xffff;
	v40 =	vadd.f32 $1.000000000e+00, v20;
	v31 =	vmul.f32 v31, v3;
	v25 =	vtrunc.f32 v13  }
0x395: {  	v19 =	vld.idx.msk [tilespmem:v19+s6+$0x0], $0xffff;
	v34 =	vsel vm1, $0x1, v0;
	v26 =	vmul.f32 v26, v3;
	v25 =	vcvt.f32.s32 v25  }
0x396: {  	v27 =	vadd.s32 v27, v34;
	v35 =	vsub.f32 v22, v35;
	v40 =	vmul.f32 $1.275000000e+02, v40  }
0x397: {  	v32 =	vld.idx.msk [tilespmem:v32+s6+$0x0], $0xffff;
	v31 =	vadd.f32 $1.000000000e+00, v31;
	v34 =	vmul.f32 v61, v3;
	v20 =	vadd.f32 $1.000000000e+00, v26  }
0x398: {  	v22 =	vld [tilespmem:s26+$0xFD10];
	v36 =	vcvt.s32.f32 v25;
	v29 =	vmul.f32 v17, v29;
	v17 =	vsub.f32 $1.000000000e+00, v30  }
0x399: {  	v28 =	vld.idx.msk [tilespmem:v28+s6+$0x0], $0xffff;
	v54 =	vadd.f32 v40, v1;
	v31 =	vmul.f32 $1.275000000e+02, v31;
	v34 =	vadd.f32 $1.000000000e+00, v34  }
0x39a: {  	v26 =	vsub.f32 v13, v36;
	v13 =	vmul.f32 v15, v19;
	v15 =	vmul.f32 v38, v23  }
0x39b: {  	v43 =	vsub.f32 $1.000000000e+00, v35;
	v19 =	vmul.f32 $1.275000000e+02, v20;
	v56 =	vtrunc.f32 v54  }
0x39c: {  	v31 =	vadd.f32 v31, v1;
	v34 =	vmul.f32 $1.275000000e+02, v34;
	v17 =	vmul.f32 v17, v32  }
0x39d: {  	v27 =	vld.idx.msk [tilespmem:v27+s6+$0x0], $0xffff;
	v22 =	vmax.f32 v22, v4;
	vm1 =	vgt.f32 v26, $0.0e+00;
	v13 =	vadd.f32 v15, v13  }
0x39e: {  	v15 =	vmul.f32 v30, v28;
	v28 =	vld [tilespmem:s26+$0xF9B0];
	v30 =	vcvt.f32.s32 v39;
	v53 =	vadd.f32 v19, v1  }
0x39f: {  	v23 =	vld [tilespmem:s26+$0xFD00];
	v57 =	vsub.f32 $1.000000000e+00, v26;
	v47 =	vtrunc.f32 v31;
	v20 =	vsel vm1, $0x1, v0  }
0x3a0: {  	v34 =	vadd.f32 v34, v1;
	v22 =	vmin.f32 v22, v2;
	v51 =	vadd.s32 v25, v20  }
0x3a1: {  	vm1 =	vgt.f32 v35, $0.0e+00;
	v22 =	vmul.f32 v22, v3;
	v15 =	vadd.f32 v17, v15  }
0x3a2: {  	v52 =	vsel vm1, $0x1, v0;
	v42 =	vcvt.s32.f32 v30;
	v44 =	vtrunc.f32 v53  }
0x3a3: {  	[tilespmem:s26+$0x16980] =	vst v15;
	v15 =	vmul.f32 v50, v27;
	v27 =	vcvt.f32.s32 v44;
	v28 =	vmax.f32 v28, v4  }
0x3a4: {  	v38 =	vadd.s32 v24, v52;
	v23 =	vmax.f32 v23, v4;
	v25 =	vld.idx.msk [tilespmem:v25+s6+$0x0], $0xffff;
	v28 =	vmin.f32 v28, v2  }
0x3a5: {  	v29 =	vadd.f32 v15, v29;
	v55 =	vcvt.s32.f32 v27;
	v32 =	vld.idx.msk [tilespmem:v51+s6+$0x0], $0xffff;
	v28 =	vmul.f32 v28, v3  }
0x3a6: {  	v19 =	vld [tilespmem:s26+$0xFD30];
	v22 =	vadd.f32 $1.000000000e+00, v22;
	v33 =	vsub.f32 v49, v42;
	v42 =	vcvt.f32.s32 v56  }
0x3a7: {  	v59 =	vld [tilespmem:s26+$0xF9C0];
	v23 =	vmin.f32 v23, v2;
	[tilespmem:s26+$0x16900] =	vst v29;
	v39 =	vsub.f32 v53, v55;
	v28 =	vadd.f32 $1.000000000e+00, v28  }
0x3a8: {  	v23 =	vmul.f32 v23, v3;
	v22 =	vmul.f32 $1.275000000e+02, v22;
	vm1 =	vgt.f32 v33, $0.0e+00;
	v24 =	vld.idx.msk [tilespmem:v24+s6+$0x0], $0xffff  }
0x3a9: {  	v29 =	vsel vm1, $0x1, v0;
	v38 =	vld.idx.msk [tilespmem:v38+s6+$0x0], $0xffff;
	vm1 =	vgt.f32 v39, $0.0e+00;
	v28 =	vmul.f32 $1.275000000e+02, v28  }
0x3aa: {  	v25 =	vmul.f32 v26, v25;
	v60 =	vsel vm1, $0x1, v0;
	v26 =	vmul.f32 v57, v32  }
0x3ab: {  	v19 =	vmax.f32 v19, v4;
	v40 =	vadd.s32 v27, v60;
	v28 =	vadd.f32 v28, v1  }
0x3ac: {  	v20 =	vld [tilespmem:s26+$0xFD20];
	v58 =	vsub.f32 $1.000000000e+00, v33;
	v45 =	vcvt.s32.f32 v42;
	v25 =	vadd.f32 v26, v25  }
0x3ad: {  	v36 =	vld [tilespmem:s26+$0xF970];
	v19 =	vmin.f32 v19, v2;
	v24 =	vmul.f32 v35, v24;
	v62 =	vtrunc.f32 v28  }
0x3ae: {  	v17 =	vld [tilespmem:s26+$0xFD40];
	v32 =	vmax.f32 v59, v4;
	[tilespmem:s26+$0x16990] =	vst v25;
	v25 =	vmul.f32 v43, v38;
	v35 =	vcvt.f32.s32 v62  }
0x3af: {  	v23 =	vadd.f32 $1.000000000e+00, v23;
	v29 =	vadd.s32 v30, v29;
	v32 =	vmin.f32 v32, v2;
	v27 =	vld.idx.msk [tilespmem:v27+s6+$0x0], $0xffff  }
0x3b0: {  	v32 =	vmul.f32 v32, v3;
	v63 =	vld.idx.msk [tilespmem:v40+s6+$0x0], $0xffff;
	v24 =	vadd.f32 v25, v24;
	v25 =	vcvt.s32.f32 v35  }
0x3b1: {  	v20 =	vmax.f32 v20, v4;
	v22 =	vadd.f32 v22, v1;
	v26 =	vsub.f32 v54, v45  }
0x3b2: {  	v41 =	vld [tilespmem:s26+$0xF960];
	v19 =	vmul.f32 v19, v3;
	[tilespmem:s26+$0x16910] =	vst v24;
	v24 =	vsub.f32 v28, v25;
	v25 =	vadd.f32 $1.000000000e+00, v32  }
0x3b3: {  	v49 =	vld [tilespmem:s26+$0xF9D0];
	v17 =	vmax.f32 v17, v4;
	v48 =	vsub.f32 $1.000000000e+00, v39;
	vm1 =	vgt.f32 v26, $0.0e+00  }
0x3b4: {  	v53 =	vmax.f32 v36, v4;
	v46 =	vsel vm1, $0x1, v0;
	v30 =	vld.idx.msk [tilespmem:v30+s6+$0x0], $0xffff;
	v25 =	vmul.f32 $1.275000000e+02, v25  }
0x3b5: {  	v29 =	vld.idx.msk [tilespmem:v29+s6+$0x0], $0xffff;
	vm1 =	vgt.f32 v24, $0.0e+00;
	v27 =	vmul.f32 v39, v27;
	v37 =	vmul.f32 v48, v63  }
0x3b6: {  	v55 =	vtrunc.f32 v34;
	v20 =	vmin.f32 v20, v2;
	v50 =	vsel vm1, $0x1, v0  }
0x3b7: {  	v40 =	vadd.s32 v35, v50;
	v27 =	vadd.f32 v37, v27;
	v25 =	vadd.f32 v25, v1  }
0x3b8: {  	v23 =	vmul.f32 $1.275000000e+02, v23;
	v45 =	vmax.f32 v41, v4;
	v41 =	vcvt.f32.s32 v47  }
0x3b9: {  	v19 =	vadd.f32 $1.000000000e+00, v19;
	v30 =	vmul.f32 v33, v30;
	[tilespmem:s26+$0x169A0] =	vst v27;
	v27 =	vtrunc.f32 v25  }
0x3ba: {  	v54 =	vmax.f32 v49, v4;
	v29 =	vmul.f32 v58, v29;
	v27 =	vcvt.f32.s32 v27  }
0x3bb: {  	v36 =	vmin.f32 v54, v2;
	v51 =	vcvt.s32.f32 v41;
	v28 =	vadd.s32 v42, v46;
	v35 =	vld.idx.msk [tilespmem:v35+s6+$0x0], $0xffff  }
0x3bc: {  	v29 =	vadd.f32 v29, v30;
	v30 =	vmul.f32 v36, v3;
	v56 =	vld.idx.msk [tilespmem:v40+s6+$0x0], $0xffff;
	v57 =	vcvt.s32.f32 v27  }
0x3bd: {  	v23 =	vadd.f32 v23, v1;
	v52 =	vmin.f32 v45, v2;
	v31 =	vsub.f32 v31, v51  }
0x3be: {  	v38 =	vcvt.f32.s32 v55;
	v63 =	vld [tilespmem:s26+$0xF9E0];
	[tilespmem:s26+$0x16920] =	vst v29;
	v30 =	vadd.f32 $1.000000000e+00, v30;
	v25 =	vsub.f32 v25, v57  }
0x3bf: {  	v32 =	vsub.f32 $1.000000000e+00, v26;
	v61 =	vsub.f32 $1.000000000e+00, v24;
	vm1 =	vgt.f32 v31, $0.0e+00;
	v59 =	vld.idx.msk [tilespmem:v42+s6+$0x0], $0xffff  }
0x3c0: {  	v58 =	vsel vm1, $0x1, v0;
	v28 =	vld.idx.msk [tilespmem:v28+s6+$0x0], $0xffff;
	v30 =	vmul.f32 $1.275000000e+02, v30;
	vm1 =	vgt.f32 v25, $0.0e+00  }
0x3c1: {  	v24 =	vmul.f32 v24, v35;
	v62 =	vmul.f32 v61, v56;
	v45 =	vsel vm1, $0x1, v0  }
0x3c2: {  	v37 =	vmul.f32 v52, v3;
	v30 =	vadd.f32 v30, v1;
	v46 =	vadd.s32 v27, v45  }
0x3c3: {  	v60 =	vcvt.s32.f32 v38;
	v43 =	vsub.f32 $1.000000000e+00, v31;
	v24 =	vadd.f32 v62, v24  }
0x3c4: {  	v37 =	vadd.f32 $1.000000000e+00, v37;
	v26 =	vmul.f32 v26, v59;
	v48 =	vtrunc.f32 v30  }
0x3c5: {  	v49 =	vmax.f32 v63, v4;
	[tilespmem:s26+$0x169B0] =	vst v24;
	v24 =	vmul.f32 v32, v28;
	v28 =	vcvt.f32.s32 v48  }
0x3c6: {  	v37 =	vmul.f32 $1.275000000e+02, v37;
	v29 =	vadd.s32 v41, v58;
	v32 =	vmin.f32 v49, v2;
	v27 =	vld.idx.msk [tilespmem:v27+s6+$0x0], $0xffff  }
0x3c7: {  	v32 =	vmul.f32 v32, v3;
	v40 =	vld.idx.msk [tilespmem:v46+s6+$0x0], $0xffff;
	v24 =	vadd.f32 v24, v26;
	v26 =	vcvt.s32.f32 v28  }
0x3c8: {  	v17 =	vmin.f32 v17, v2;
	v34 =	vsub.f32 v34, v60;
	v37 =	vadd.f32 v37, v1  }
0x3c9: {  	v20 =	vmul.f32 v20, v3;
	[tilespmem:s26+$0x16930] =	vst v24;
	v24 =	vsub.f32 v30, v26;
	v26 =	vadd.f32 $1.000000000e+00, v32  }
0x3ca: {  	v33 =	vmin.f32 v53, v2;
	v53 =	vsub.f32 $1.000000000e+00, v25;
	vm1 =	vgt.f32 v34, $0.0e+00;
	v30 =	vld.idx.msk [tilespmem:v41+s6+$0x0], $0xffff  }
0x3cb: {  	v51 =	vtrunc.f32 v37;
	v50 =	vsel vm1, $0x1, v0;
	v29 =	vld.idx.msk [tilespmem:v29+s6+$0x0], $0xffff;
	v26 =	vmul.f32 $1.275000000e+02, v26  }
0x3cc: {  	v54 =	vld [tilespmem:s26+$0xF9F0];
	vm1 =	vgt.f32 v24, $0.0e+00;
	v25 =	vmul.f32 v25, v27;
	v27 =	vmul.f32 v53, v40  }
0x3cd: {  	v33 =	vmul.f32 v33, v3;
	v39 =	vcvt.f32.s32 v51;
	v55 =	vsel vm1, $0x1, v0  }
0x3ce: {  	v56 =	vadd.s32 v28, v55;
	v26 =	vadd.f32 v26, v1;
	v25 =	vadd.f32 v27, v25  }
0x3cf: {  	v20 =	vadd.f32 $1.000000000e+00, v20;
	v52 =	vcvt.s32.f32 v39;
	v30 =	vmul.f32 v31, v30  }
0x3d0: {  	v33 =	vadd.f32 $1.000000000e+00, v33;
	v31 =	vtrunc.f32 v26;
	[tilespmem:s26+$0x169C0] =	vst v25;
	v25 =	vmul.f32 v43, v29  }
0x3d1: {  	v60 =	vld [tilespmem:s26+$0xFD80];
	v36 =	vadd.s32 v38, v50;
	v29 =	vcvt.f32.s32 v31;
	v31 =	vmax.f32 v54, v4  }
0x3d2: {  	v33 =	vmul.f32 $1.275000000e+02, v33;
	v28 =	vld.idx.msk [tilespmem:v28+s6+$0x0], $0xffff;
	v31 =	vmin.f32 v31, v2;
	v25 =	vadd.f32 v25, v30  }
0x3d3: {  	v32 =	vsub.f32 v37, v52;
	v37 =	vld.idx.msk [tilespmem:v56+s6+$0x0], $0xffff;
	v30 =	vcvt.s32.f32 v29;
	v31 =	vmul.f32 v31, v3  }
0x3d4: {  	v19 =	vmul.f32 $1.275000000e+02, v19;
	v47 =	vsub.f32 $1.000000000e+00, v34;
	v33 =	vadd.f32 v33, v1;
	[tilespmem:s26+$0x16940] =	vst v25  }
0x3d5: {  	v20 =	vmul.f32 $1.275000000e+02, v20;
	v25 =	vsub.f32 v26, v30;
	v26 =	vadd.f32 $1.000000000e+00, v31;
	v31 =	vld.idx.msk [tilespmem:v38+s6+$0x0], $0xffff  }
0x3d6: {  	v44 =	vmax.f32 v60, v4;
	v59 =	vsub.f32 $1.000000000e+00, v24;
	vm1 =	vgt.f32 v32, $0.0e+00;
	v36 =	vld.idx.msk [tilespmem:v36+s6+$0x0], $0xffff  }
0x3d7: {  	v57 =	vsel vm1, $0x1, v0;
	v27 =	vtrunc.f32 v33;
	v26 =	vmul.f32 $1.275000000e+02, v26  }
0x3d8: {  	vm1 =	vgt.f32 v25, $0.0e+00;
	v24 =	vmul.f32 v24, v28;
	v28 =	vmul.f32 v59, v37  }
0x3d9: {  	v63 =	vtrunc.f32 v23;
	v27 =	vcvt.f32.s32 v27;
	v61 =	vsel vm1, $0x1, v0  }
0x3da: {  	v38 =	vadd.s32 v29, v61;
	v26 =	vadd.f32 v26, v1;
	v24 =	vadd.f32 v28, v24  }
0x3db: {  	v35 =	vmin.f32 v44, v2;
	v52 =	vld [tilespmem:s26+$0xFD90];
	v31 =	vmul.f32 v34, v31;
	v43 =	vmul.f32 v47, v36  }
0x3dc: {  	v58 =	vcvt.s32.f32 v27;
	v30 =	vadd.s32 v39, v57;
	[tilespmem:s26+$0x169D0] =	vst v24;
	v24 =	vtrunc.f32 v26  }
0x3dd: {  	v36 =	vcvt.f32.s32 v63;
	v24 =	vcvt.f32.s32 v24;
	v31 =	vadd.f32 v43, v31  }
0x3de: {  	v50 =	vtrunc.f32 v22;
	v46 =	vmul.f32 v35, v3;
	v33 =	vsub.f32 v33, v58;
	v29 =	vld.idx.msk [tilespmem:v29+s6+$0x0], $0xffff  }
0x3df: {  	v41 =	vsub.f32 $1.000000000e+00, v32;
	v48 =	vcvt.s32.f32 v36;
	v45 =	vld.idx.msk [tilespmem:v38+s6+$0x0], $0xffff;
	v47 =	vcvt.s32.f32 v24;
	[tilespmem:s26+$0x16950] =	vst v31  }
0x3e0: {  	v57 =	vmax.f32 v52, v4;
	vm1 =	vgt.f32 v33, $0.0e+00;
	v31 =	vadd.f32 $1.000000000e+00, v46;
	v49 =	vld.idx.msk [tilespmem:v39+s6+$0x0], $0xffff  }
0x3e1: {  	v38 =	vsub.f32 v23, v48;
	v23 =	vld.idx.msk [tilespmem:v30+s6+$0x0], $0xffff;
	v30 =	vcvt.f32.s32 v50;
	v26 =	vsub.f32 v26, v47  }
0x3e2: {  	v51 =	vsub.f32 $1.000000000e+00, v25;
	v62 =	vsel vm1, $0x1, v0;
	v31 =	vmul.f32 $1.275000000e+02, v31  }
0x3e3: {  	v25 =	vmul.f32 v25, v29;
	v55 =	vcvt.s32.f32 v30;
	vm1 =	vgt.f32 v26, $0.0e+00  }
0x3e4: {  	v29 =	vmul.f32 v51, v45;
	v31 =	vadd.f32 v31, v1;
	v53 =	vsel vm1, $0x1, v0  }
0x3e5: {  	v35 =	vsub.f32 v22, v55;
	v22 =	vmin.f32 v57, v2;
	v37 =	vadd.s32 v24, v53  }
0x3e6: {  	v25 =	vadd.f32 v29, v25;
	v32 =	vmul.f32 v32, v49;
	v56 =	vtrunc.f32 v31  }
0x3e7: {  	v19 =	vadd.f32 v19, v1;
	v23 =	vmul.f32 v41, v23;
	v22 =	vmul.f32 v22, v3  }
0x3e8: {  	v15 =	vld [tilespmem:s26+$0xFD50];
	v20 =	vadd.f32 v20, v1;
	v28 =	vadd.s32 v27, v62;
	[tilespmem:s26+$0x169E0] =	vst v25;
	v25 =	vcvt.f32.s32 v56  }
0x3e9: {  	vm1 =	vgt.f32 v38, $0.0e+00;
	v23 =	vadd.f32 v23, v32;
	v22 =	vadd.f32 $1.000000000e+00, v22;
	v24 =	vld.idx.msk [tilespmem:v24+s6+$0x0], $0xffff  }
0x3ea: {  	v54 =	vsel vm1, $0x1, v0;
	vm1 =	vgt.f32 v35, $0.0e+00;
	v59 =	vcvt.s32.f32 v25;
	v58 =	vld.idx.msk [tilespmem:v37+s6+$0x0], $0xffff  }
0x3eb: {  	v60 =	vtrunc.f32 v20;
	[tilespmem:s26+$0x16960] =	vst v23;
	v23 =	vsel vm1, $0x1, v0;
	v22 =	vmul.f32 $1.275000000e+02, v22  }
0x3ec: {  	v63 =	vld [tilespmem:s26+$0xFDA0];
	v62 =	vadd.s32 v30, v23;
	v23 =	vcvt.f32.s32 v60;
	v31 =	vsub.f32 v31, v59  }
0x3ed: {  	v40 =	vsub.f32 $1.000000000e+00, v33;
	v48 =	vmax.f32 v15, v4;
	v61 =	vsub.f32 $1.000000000e+00, v26;
	v27 =	vld.idx.msk [tilespmem:v27+s6+$0x0], $0xffff  }
0x3ee: {  	v28 =	vld.idx.msk [tilespmem:v28+s6+$0x0], $0xffff;
	v47 =	vadd.f32 v22, v1;
	v46 =	vcvt.s32.f32 v23;
	vm1 =	vgt.f32 v31, $0.0e+00  }
0x3ef: {  	v24 =	vmul.f32 v26, v24;
	v44 =	vsel vm1, $0x1, v0;
	v26 =	vmul.f32 v61, v58  }
0x3f0: {  	v50 =	vmul.f32 v17, v3;
	v39 =	vsub.f32 $1.000000000e+00, v38;
	v34 =	vadd.s32 v25, v44  }
0x3f1: {  	v57 =	vld.idx.msk [tilespmem:v16+s6+$0x0], $0xffff;
	v22 =	vsub.f32 v20, v46;
	v20 =	vtrunc.f32 v47;
	v24 =	vadd.f32 v26, v24  }
0x3f2: {  	v55 =	vsel vm0, $0x1, v0;
	v49 =	vtrunc.f32 v19;
	v20 =	vcvt.f32.s32 v20  }
0x3f3: {  	s3 =	simm.s32 $0x200;
	s31 =	simm.s32 $0x400;
	v26 =	vmul.f32 v33, v27;
	v27 =	vmax.f32 v63, v4;
	[tilespmem:s26+$0x169F0] =	vst v24;
	v24 =	vmul.f32 v40, v28  }
0x3f4: {  	s2 =	sand.u32 $0x3800, s31;
	s0 =	sand.u32 $0x300, s3;
	v29 =	vadd.s32 v36, v54;
	v32 =	vmin.f32 v48, v2;
	v27 =	vmin.f32 v27, v2;
	v25 =	vld.idx.msk [tilespmem:v25+s6+$0x0], $0xffff  }
0x3f5: {  	s28 =	sor.u32 s0, s2;
	v27 =	vmul.f32 v27, v3;
	v28 =	vld.idx.msk [tilespmem:v34+s6+$0x0], $0xffff;
	v24 =	vadd.f32 v24, v26;
	v26 =	vcvt.s32.f32 v20  }
0x3f6: {  	v41 =	vld [tilespmem:s28+$0xF930];
	v45 =	vsub.f32 $1.000000000e+00, v35;
	v32 =	vmul.f32 v32, v3;
	v14 =	vmul.f32 v14, v57  }
0x3f7: {  	vm1 =	vgt.f32 v22, $0.0e+00;
	[tilespmem:s26+$0x16970] =	vst v24;
	v24 =	vsub.f32 v47, v26;
	v26 =	vadd.f32 $1.000000000e+00, v27  }
0x3f8: {  	v17 =	vsub.f32 $1.000000000e+00, v31;
	v52 =	vsub.f32 $1.000000000e+00, v22;
	v15 =	vsel vm1, $0x1, v0;
	v63 =	vld [tilespmem:s28+$0xF980]  }
0x3f9: {  	v51 =	vadd.s32 v23, v15;
	v15 =	vcvt.f32.s32 v49;
	v27 =	vld.idx.msk [tilespmem:v36+s6+$0x0], $0xffff;
	v26 =	vmul.f32 $1.275000000e+02, v26  }
0x3fa: {  	v29 =	vld.idx.msk [tilespmem:v29+s6+$0x0], $0xffff;
	vm1 =	vgt.f32 v24, $0.0e+00;
	v25 =	vmul.f32 v31, v25;
	v17 =	vmul.f32 v17, v28  }
0x3fb: {  	v33 =	vmax.f32 v41, v4;
	v53 =	vcvt.s32.f32 v15;
	v28 =	vld [tilespmem:s26+$0xFDB0];
	v31 =	vsel vm1, $0x1, v0  }
0x3fc: {  	v31 =	vadd.s32 v20, v31;
	v26 =	vadd.f32 v26, v1;
	v25 =	vadd.f32 v17, v25  }
0x3fd: {  	v33 =	vmin.f32 v33, v2;
	v17 =	vsub.f32 v19, v53;
	v19 =	vadd.f32 $1.000000000e+00, v50;
	v50 =	vld [tilespmem:s28+$0xF9A0]  }
0x3fe: {  	v37 =	vmax.f32 v63, v4;
	v27 =	vmul.f32 v38, v27;
	v54 =	vtrunc.f32 v26  }
0x3ff: {  	[tilespmem:s26+$0x16D80] =	vst v25;
	v25 =	vmul.f32 v39, v29;
	vm0 =	vgt.f32 v17, $0.0e+00;
	v29 =	vcvt.f32.s32 v54  }
0x400: {  	v56 =	vmul.f32 $1.275000000e+02, v19;
	v28 =	vmax.f32 v28, v4;
	v20 =	vld.idx.msk [tilespmem:v20+s6+$0x0], $0xffff;
	v16 =	vsel vm0, $0x1, v0  }
0x401: {  	v19 =	vmin.f32 v28, v2;
	v18 =	vadd.f32 v25, v27;
	v28 =	vld.idx.msk [tilespmem:v31+s6+$0x0], $0xffff;
	v25 =	vcvt.s32.f32 v29  }
0x402: {  	v27 =	vmul.f32 v19, v3;
	v31 =	vadd.f32 v56, v1;
	v54 =	vmax.f32 v50, v4  }
0x403: {  	v16 =	vadd.s32 v15, v16;
	[tilespmem:s26+$0x16D00] =	vst v18;
	v36 =	vmin.f32 v54, v2;
	v25 =	vsub.f32 v26, v25  }
0x404: {  	v26 =	vadd.f32 $1.000000000e+00, v27;
	v27 =	vld.idx.msk [tilespmem:v30+s6+$0x0], $0xffff;
	v18 =	vtrunc.f32 v31;
	v30 =	vsub.f32 $1.000000000e+00, v24  }
0x405: {  	v19 =	vsub.f32 $1.000000000e+00, v17;
	v58 =	vld.idx.msk [tilespmem:v62+s6+$0x0], $0xffff;
	v36 =	vmul.f32 v36, v3;
	v20 =	vmul.f32 v24, v20  }
0x406: {  	vm0 =	vgt.f32 v25, $0.0e+00;
	v26 =	vmul.f32 $1.275000000e+02, v26;
	v24 =	vmul.f32 v30, v28;
	v30 =	vld [tilespmem:s26+$0xFDC0]  }
0x407: {  	v18 =	vcvt.f32.s32 v18;
	v36 =	vadd.f32 $1.000000000e+00, v36;
	v28 =	vsel vm0, $0x1, v0  }
0x408: {  	v28 =	vadd.s32 v29, v28;
	v26 =	vadd.f32 v26, v1;
	v8 =	vadd.f32 v24, v20  }
0x409: {  	v59 =	vcvt.s32.f32 v18;
	v20 =	vadd.f32 $1.000000000e+00, v32;
	v24 =	vmul.f32 v35, v27  }
0x40a: {  	v27 =	vtrunc.f32 v26;
	[tilespmem:s26+$0x16D90] =	vst v8;
	v8 =	vadd.f32 v14, v5;
	v14 =	vmul.f32 v45, v58  }
0x40b: {  	v27 =	vcvt.f32.s32 v27;
	v20 =	vmul.f32 $1.275000000e+02, v20;
	v30 =	vmax.f32 v30, v4  }
0x40c: {  	v32 =	vmin.f32 v37, v2;
	v5 =	vsub.f32 v31, v59;
	v29 =	vld.idx.msk [tilespmem:v29+s6+$0x0], $0xffff;
	v30 =	vmin.f32 v30, v2  }
0x40d: {  	v28 =	vld.idx.msk [tilespmem:v28+s6+$0x0], $0xffff;
	[tilespmem:s25+$0x16D30] =	vst v8;
	v8 =	vadd.f32 v14, v24;
	v14 =	vcvt.s32.f32 v27;
	v24 =	vadd.f32 v20, v1  }
0x40e: {  	vm0 =	vgt.f32 v5, $0.0e+00;
	v20 =	vadd.s32 v12, v55;
	v30 =	vmul.f32 v30, v3;
	v31 =	vld.idx.msk [tilespmem:v6+s6+$0x0], $0xffff  }
0x40f: {  	v60 =	vsel vm0, $0x1, v0;
	v21 =	vld.idx.msk [tilespmem:v21+s6+$0x0], $0xffff;
	v14 =	vsub.f32 v26, v14;
	v6 =	vtrunc.f32 v24  }
0x410: {  	v62 =	vld [tilespmem:s26+$0xFDD0];
	[tilespmem:s26+$0x16D10] =	vst v8;
	v8 =	vsub.f32 $1.000000000e+00, v5;
	v26 =	vadd.f32 $1.000000000e+00, v30;
	v6 =	vcvt.f32.s32 v6  }
0x411: {  	v23 =	vld.idx.msk [tilespmem:v23+s6+$0x0], $0xffff;
	v30 =	vsub.f32 $1.000000000e+00, v25;
	vm0 =	vgt.f32 v14, $0.0e+00;
	v25 =	vmul.f32 v25, v29  }
0x412: {  	v61 =	vld.idx.msk [tilespmem:v51+s6+$0x0], $0xffff;
	v40 =	vsub.f32 $1.000000000e+00, v14;
	v26 =	vmul.f32 $1.275000000e+02, v26;
	v29 =	vsel vm0, $0x1, v0  }
0x413: {  	v28 =	vmul.f32 v30, v28;
	v30 =	vcvt.s32.f32 v6;
	v29 =	vadd.s32 v27, v29  }
0x414: {  	v42 =	vld [tilespmem:s28+$0xF990];
	v31 =	vmul.f32 v7, v31;
	v9 =	vmul.f32 v9, v21;
	v26 =	vadd.f32 v26, v1  }
0x415: {  	v21 =	vadd.s32 v18, v60;
	v25 =	vadd.f32 v28, v25;
	v28 =	vld [tilespmem:s28+$0xF900];
	v7 =	vsub.f32 v24, v30  }
0x416: {  	v30 =	vld [tilespmem:s28+$0xF910];
	v23 =	vmul.f32 v22, v23;
	v22 =	vadd.f32 v9, v31;
	v31 =	vmax.f32 v62, v4  }
0x417: {  	v24 =	vtrunc.f32 v26;
	[tilespmem:s26+$0x16DA0] =	vst v25;
	v25 =	vmul.f32 v52, v61;
	vm0 =	vgt.f32 v7, $0.0e+00  }
0x418: {  	v9 =	vsub.f32 $1.000000000e+00, v7;
	v31 =	vmin.f32 v31, v2;
	v24 =	vcvt.f32.s32 v24  }
0x419: {  	v27 =	vld.idx.msk [tilespmem:v27+s6+$0x0], $0xffff;
	v31 =	vmul.f32 v31, v3;
	v23 =	vadd.f32 v25, v23;
	v25 =	vmul.f32 v32, v3  }
0x41a: {  	v29 =	vld.idx.msk [tilespmem:v29+s6+$0x0], $0xffff;
	v32 =	vmax.f32 v42, v4;
	v38 =	vcvt.s32.f32 v24;
	v28 =	vmax.f32 v28, v4  }
0x41b: {  	v31 =	vadd.f32 $1.000000000e+00, v31;
	v30 =	vmax.f32 v30, v4;
	v32 =	vmin.f32 v32, v2  }
0x41c: {  	v39 =	vld [tilespmem:s28+$0xF920];
	v28 =	vmin.f32 v28, v2;
	v25 =	vadd.f32 $1.000000000e+00, v25;
	v26 =	vsub.f32 v26, v38  }
0x41d: {  	v30 =	vmin.f32 v30, v2;
	v31 =	vmul.f32 $1.275000000e+02, v31;
	v28 =	vmul.f32 v28, v3  }
0x41e: {  	v30 =	vmul.f32 v30, v3;
	v25 =	vmul.f32 $1.275000000e+02, v25;
	vm1 =	vgt.f32 v26, $0.0e+00  }
0x41f: {  	v14 =	vmul.f32 v14, v27;
	v27 =	vmul.f32 v40, v29;
	v29 =	vsel vm1, $0x1, v0  }
0x420: {  	v28 =	vadd.f32 $1.000000000e+00, v28;
	v25 =	vadd.f32 v25, v1;
	v29 =	vadd.s32 v24, v29  }
0x421: {  	v14 =	vadd.f32 v27, v14;
	v27 =	vadd.f32 v31, v1;
	v31 =	vmax.f32 v39, v4  }
0x422: {  	v32 =	vmul.f32 v32, v3;
	v31 =	vmin.f32 v31, v2;
	v44 =	vtrunc.f32 v25  }
0x423: {  	v43 =	vtrunc.f32 v27;
	[tilespmem:s26+$0x16DB0] =	vst v14;
	v14 =	vmul.f32 $1.275000000e+02, v28;
	v28 =	vadd.f32 $1.000000000e+00, v30  }
0x424: {  	v32 =	vadd.f32 $1.000000000e+00, v32;
	v31 =	vmul.f32 v31, v3;
	v30 =	vcvt.f32.s32 v43  }
0x425: {  	v34 =	vcvt.f32.s32 v44;
	v24 =	vld.idx.msk [tilespmem:v24+s6+$0x0], $0xffff;
	v14 =	vadd.f32 v14, v1;
	v28 =	vmul.f32 $1.275000000e+02, v28  }
0x426: {  	v48 =	vsub.f32 $1.000000000e+00, v26;
	v31 =	vadd.f32 $1.000000000e+00, v31;
	v29 =	vld.idx.msk [tilespmem:v29+s6+$0x0], $0xffff;
	v45 =	vcvt.s32.f32 v30  }
0x427: {  	v44 =	vld [tilespmem:s28+$0xF950];
	v46 =	vcvt.s32.f32 v34;
	v47 =	vtrunc.f32 v14;
	v28 =	vadd.f32 v28, v1  }
0x428: {  	v32 =	vmul.f32 $1.275000000e+02, v32;
	v27 =	vsub.f32 v27, v45;
	v35 =	vcvt.f32.s32 v47  }
0x429: {  	v25 =	vsub.f32 v25, v46;
	v31 =	vmul.f32 $1.275000000e+02, v31;
	v52 =	vtrunc.f32 v28  }
0x42a: {  	v49 =	vld [tilespmem:s28+$0xF940];
	v24 =	vmul.f32 v26, v24;
	vm1 =	vgt.f32 v27, $0.0e+00;
	v39 =	vcvt.f32.s32 v52  }
0x42b: {  	v26 =	vmul.f32 v48, v29;
	v29 =	vsel vm1, $0x1, v0;
	vm1 =	vgt.f32 v25, $0.0e+00  }
0x42c: {  	v44 =	vmax.f32 v44, v4;
	v51 =	vsel vm1, $0x1, v0;
	v58 =	vcvt.s32.f32 v39  }
0x42d: {  	v24 =	vadd.f32 v26, v24;
	v26 =	vcvt.s32.f32 v35;
	v38 =	vadd.s32 v34, v51;
	v34 =	vld.idx.msk [tilespmem:v34+s6+$0x0], $0xffff  }
0x42e: {  	v60 =	vsub.f32 $1.000000000e+00, v27;
	v29 =	vadd.s32 v30, v29;
	v55 =	vld.idx.msk [tilespmem:v35+s6+$0x0], $0xffff;
	v41 =	vsub.f32 v28, v58  }
0x42f: {  	v28 =	vld [tilespmem:s28+$0xFD10];
	[tilespmem:s26+$0x16DC0] =	vst v24;
	v14 =	vsub.f32 v14, v26;
	v24 =	vadd.f32 v32, v1;
	v32 =	vmax.f32 v49, v4  }
0x430: {  	v26 =	vld.idx.msk [tilespmem:v30+s6+$0x0], $0xffff;
	v30 =	vadd.f32 v31, v1;
	v31 =	vmul.f32 v33, v3;
	v48 =	vsub.f32 $1.000000000e+00, v41  }
0x431: {  	v32 =	vmin.f32 v32, v2;
	vm1 =	vgt.f32 v14, $0.0e+00;
	v53 =	vtrunc.f32 v24  }
0x432: {  	v57 =	vsub.f32 $1.000000000e+00, v14;
	v32 =	vmul.f32 v32, v3;
	v56 =	vsel vm1, $0x1, v0  }
0x433: {  	v29 =	vld.idx.msk [tilespmem:v29+s6+$0x0], $0xffff;
	v33 =	vcvt.f32.s32 v53;
	v61 =	vtrunc.f32 v30;
	v31 =	vadd.f32 $1.000000000e+00, v31  }
0x434: {  	v37 =	vmul.f32 v14, v55;
	v14 =	vsub.f32 $1.000000000e+00, v25;
	v32 =	vadd.f32 $1.000000000e+00, v32  }
0x435: {  	v38 =	vld.idx.msk [tilespmem:v38+s6+$0x0], $0xffff;
	v25 =	vmul.f32 v25, v34;
	v28 =	vmax.f32 v28, v4;
	v59 =	vcvt.s32.f32 v33  }
0x436: {  	v31 =	vmul.f32 $1.275000000e+02, v31;
	v28 =	vmin.f32 v28, v2;
	v32 =	vmul.f32 $1.275000000e+02, v32  }
0x437: {  	v28 =	vmul.f32 v28, v3;
	v42 =	vsub.f32 v24, v59;
	v24 =	vmul.f32 v27, v26  }
0x438: {  	v35 =	vadd.s32 v35, v56;
	v26 =	vmul.f32 v60, v29;
	v27 =	vmul.f32 $1.275000000e+02, v36  }
0x439: {  	v36 =	vcvt.f32.s32 v61;
	v31 =	vadd.f32 v31, v1;
	v61 =	vmin.f32 v44, v2  }
0x43a: {  	v62 =	vld [tilespmem:s28+$0xF9B0];
	v14 =	vmul.f32 v14, v38;
	v32 =	vadd.f32 v32, v1;
	v28 =	vadd.f32 $1.000000000e+00, v28  }
0x43b: {  	v29 =	vld [tilespmem:s28+$0xFD00];
	vm1 =	vgt.f32 v42, $0.0e+00;
	v24 =	vadd.f32 v26, v24;
	v52 =	vadd.f32 v27, v1  }
0x43c: {  	v46 =	vld [tilespmem:s28+$0xF960];
	v49 =	vtrunc.f32 v31;
	v58 =	vsub.f32 $1.000000000e+00, v42;
	v26 =	vsel vm1, $0x1, v0  }
0x43d: {  	v35 =	vld.idx.msk [tilespmem:v35+s6+$0x0], $0xffff;
	vm1 =	vgt.f32 v41, $0.0e+00;
	v14 =	vadd.f32 v14, v25;
	v25 =	vcvt.s32.f32 v36  }
0x43e: {  	v49 =	vcvt.f32.s32 v49;
	v63 =	vadd.s32 v33, v26;
	v26 =	vsel vm1, $0x1, v0  }
0x43f: {  	v27 =	vld [tilespmem:s28+$0xFD20];
	v28 =	vmul.f32 $1.275000000e+02, v28;
	v47 =	vadd.s32 v39, v26;
	[tilespmem:s28+$0x16980] =	vst v14;
	v14 =	vtrunc.f32 v52  }
0x440: {  	v30 =	vsub.f32 v30, v25;
	v60 =	vcvt.s32.f32 v49;
	v29 =	vmax.f32 v29, v4  }
0x441: {  	v28 =	vadd.f32 v28, v1;
	v53 =	vcvt.f32.s32 v14;
	v14 =	vmax.f32 v62, v4  }
0x442: {  	v50 =	vld [tilespmem:s28+$0xF9C0];
	v62 =	vmax.f32 v46, v4;
	v29 =	vmin.f32 v29, v2;
	v35 =	vmul.f32 v57, v35  }
0x443: {  	v26 =	vld [tilespmem:s28+$0xFD30];
	v25 =	vmin.f32 v14, v2;
	vm1 =	vgt.f32 v30, $0.0e+00;
	v31 =	vsub.f32 v31, v60  }
0x444: {  	v33 =	vld.idx.msk [tilespmem:v33+s6+$0x0], $0xffff;
	v29 =	vmul.f32 v29, v3;
	v27 =	vmax.f32 v27, v4;
	v55 =	vcvt.s32.f32 v53  }
0x445: {  	v56 =	vmul.f32 v25, v3;
	v57 =	vsel vm1, $0x1, v0;
	v27 =	vmin.f32 v27, v2  }
0x446: {  	v54 =	vld.idx.msk [tilespmem:v63+s6+$0x0], $0xffff;
	v35 =	vadd.f32 v35, v37;
	v29 =	vadd.f32 $1.000000000e+00, v29;
	v27 =	vmul.f32 v27, v3  }
0x447: {  	v37 =	vsub.f32 v52, v55;
	v38 =	vadd.f32 $1.000000000e+00, v56;
	v52 =	vmax.f32 v50, v4  }
0x448: {  	v55 =	vtrunc.f32 v32;
	v26 =	vmax.f32 v26, v4;
	[tilespmem:s28+$0x16900] =	vst v35;
	v35 =	vadd.s32 v36, v57  }
0x449: {  	v33 =	vmul.f32 v42, v33;
	v42 =	vsub.f32 $1.000000000e+00, v30;
	v46 =	vmin.f32 v52, v2;
	v39 =	vld.idx.msk [tilespmem:v39+s6+$0x0], $0xffff  }
0x44a: {  	v29 =	vmul.f32 $1.275000000e+02, v29;
	v47 =	vld.idx.msk [tilespmem:v47+s6+$0x0], $0xffff;
	vm1 =	vgt.f32 v37, $0.0e+00;
	v38 =	vmul.f32 $1.275000000e+02, v38  }
0x44b: {  	v14 =	vld [tilespmem:s28+$0xFD40];
	v27 =	vadd.f32 $1.000000000e+00, v27;
	v59 =	vsel vm1, $0x1, v0;
	v34 =	vmul.f32 v58, v54  }
0x44c: {  	v26 =	vmin.f32 v26, v2;
	v45 =	vadd.s32 v53, v59;
	v38 =	vadd.f32 v38, v1  }
0x44d: {  	v46 =	vmul.f32 v46, v3;
	v26 =	vmul.f32 v26, v3;
	v33 =	vadd.f32 v34, v33  }
0x44e: {  	v43 =	vld [tilespmem:s28+$0xF970];
	v57 =	vsub.f32 $1.000000000e+00, v37;
	v63 =	vtrunc.f32 v38;
	v39 =	vmul.f32 v41, v39  }
0x44f: {  	v60 =	vld [tilespmem:s28+$0xF9D0];
	vm1 =	vgt.f32 v31, $0.0e+00;
	v51 =	vmul.f32 v48, v47;
	v44 =	vcvt.f32.s32 v63;
	[tilespmem:s28+$0x16990] =	vst v33  }
0x450: {  	v14 =	vmax.f32 v14, v4;
	v27 =	vmul.f32 $1.275000000e+02, v27;
	v54 =	vsel vm1, $0x1, v0;
	v40 =	vld.idx.msk [tilespmem:v53+s6+$0x0], $0xffff  }
0x451: {  	v56 =	vadd.f32 $1.000000000e+00, v46;
	v45 =	vld.idx.msk [tilespmem:v45+s6+$0x0], $0xffff;
	v33 =	vadd.f32 v51, v39;
	v53 =	vcvt.s32.f32 v44  }
0x452: {  	v46 =	vsub.f32 $1.000000000e+00, v31;
	v34 =	vmul.f32 v61, v3;
	v47 =	vcvt.f32.s32 v55  }
0x453: {  	v41 =	vmin.f32 v62, v2;
	v63 =	vmax.f32 v43, v4;
	[tilespmem:s28+$0x16910] =	vst v33;
	v38 =	vsub.f32 v38, v53  }
0x454: {  	v34 =	vadd.f32 $1.000000000e+00, v34;
	v62 =	vmul.f32 v41, v3;
	v39 =	vmul.f32 $1.275000000e+02, v56;
	v36 =	vld.idx.msk [tilespmem:v36+s6+$0x0], $0xffff  }
0x455: {  	v61 =	vcvt.s32.f32 v47;
	v51 =	vmax.f32 v60, v4;
	v35 =	vld.idx.msk [tilespmem:v35+s6+$0x0], $0xffff;
	vm1 =	vgt.f32 v38, $0.0e+00  }
0x456: {  	v37 =	vmul.f32 v37, v40;
	v58 =	vmul.f32 v57, v45;
	v59 =	vsel vm1, $0x1, v0  }
0x457: {  	v34 =	vmul.f32 $1.275000000e+02, v34;
	v39 =	vadd.f32 v39, v1;
	v45 =	vadd.s32 v44, v59  }
0x458: {  	v41 =	vmin.f32 v51, v2;
	v33 =	vadd.s32 v49, v54;
	v37 =	vadd.f32 v58, v37  }
0x459: {  	v32 =	vsub.f32 v32, v61;
	v50 =	vtrunc.f32 v39;
	v30 =	vmul.f32 v30, v36  }
0x45a: {  	v34 =	vadd.f32 v34, v1;
	v35 =	vmul.f32 v42, v35;
	[tilespmem:s28+$0x169A0] =	vst v37;
	v37 =	vcvt.f32.s32 v50  }
0x45b: {  	v41 =	vmul.f32 v41, v3;
	v48 =	vsub.f32 $1.000000000e+00, v32;
	v60 =	vsub.f32 $1.000000000e+00, v38;
	v52 =	vld.idx.msk [tilespmem:v44+s6+$0x0], $0xffff  }
0x45c: {  	v53 =	vtrunc.f32 v34;
	v30 =	vadd.f32 v35, v30;
	v54 =	vld.idx.msk [tilespmem:v45+s6+$0x0], $0xffff;
	v55 =	vcvt.s32.f32 v37  }
0x45d: {  	v57 =	vadd.f32 $1.000000000e+00, v41;
	v40 =	vadd.f32 $1.000000000e+00, v62;
	v36 =	vmin.f32 v63, v2;
	v63 =	vld [tilespmem:s28+$0xF9E0]  }
0x45e: {  	vm1 =	vgt.f32 v32, $0.0e+00;
	v43 =	vcvt.f32.s32 v53;
	[tilespmem:s28+$0x16920] =	vst v30;
	v35 =	vsub.f32 v39, v55  }
0x45f: {  	v56 =	vsel vm1, $0x1, v0;
	v40 =	vmul.f32 $1.275000000e+02, v40;
	v58 =	vld.idx.msk [tilespmem:v49+s6+$0x0], $0xffff;
	v39 =	vmul.f32 $1.275000000e+02, v57  }
0x460: {  	v59 =	vcvt.s32.f32 v43;
	v33 =	vld.idx.msk [tilespmem:v33+s6+$0x0], $0xffff;
	vm1 =	vgt.f32 v35, $0.0e+00;
	v38 =	vmul.f32 v38, v52  }
0x461: {  	v39 =	vadd.f32 v39, v1;
	v61 =	vmul.f32 v60, v54;
	v62 =	vsel vm1, $0x1, v0  }
0x462: {  	v36 =	vmul.f32 v36, v3;
	v52 =	vmax.f32 v63, v4;
	v44 =	vadd.s32 v37, v62  }
0x463: {  	v45 =	vmin.f32 v52, v2;
	v51 =	vtrunc.f32 v39;
	v38 =	vadd.f32 v61, v38  }
0x464: {  	v36 =	vadd.f32 $1.000000000e+00, v36;
	v45 =	vmul.f32 v45, v3;
	v31 =	vmul.f32 v31, v58  }
0x465: {  	v40 =	vadd.f32 v40, v1;
	v33 =	vmul.f32 v46, v33;
	[tilespmem:s28+$0x169B0] =	vst v38;
	v38 =	vcvt.f32.s32 v51  }
0x466: {  	v34 =	vsub.f32 v34, v59;
	v30 =	vadd.s32 v47, v56;
	v36 =	vmul.f32 $1.275000000e+02, v36;
	v37 =	vld.idx.msk [tilespmem:v37+s6+$0x0], $0xffff  }
0x467: {  	v55 =	vadd.f32 $1.000000000e+00, v45;
	v31 =	vadd.f32 v33, v31;
	v44 =	vld.idx.msk [tilespmem:v44+s6+$0x0], $0xffff;
	v54 =	vcvt.s32.f32 v38  }
0x468: {  	v53 =	vtrunc.f32 v40;
	v36 =	vadd.f32 v36, v1;
	vm1 =	vgt.f32 v34, $0.0e+00;
	v61 =	vld [tilespmem:s28+$0xF9F0]  }
0x469: {  	v50 =	vsel vm1, $0x1, v0;
	v33 =	vmul.f32 $1.275000000e+02, v55;
	[tilespmem:s28+$0x16930] =	vst v31;
	v31 =	vsub.f32 v39, v54  }
0x46a: {  	v62 =	vtrunc.f32 v36;
	v46 =	vcvt.f32.s32 v53;
	v58 =	vsub.f32 $1.000000000e+00, v35;
	v56 =	vld.idx.msk [tilespmem:v47+s6+$0x0], $0xffff  }
0x46b: {  	v45 =	vcvt.f32.s32 v62;
	v30 =	vld.idx.msk [tilespmem:v30+s6+$0x0], $0xffff;
	v33 =	vadd.f32 v33, v1;
	vm1 =	vgt.f32 v31, $0.0e+00  }
0x46c: {  	v35 =	vmul.f32 v35, v37;
	v59 =	vmul.f32 v58, v44;
	v60 =	vsel vm1, $0x1, v0  }
0x46d: {  	v57 =	vcvt.s32.f32 v46;
	v47 =	vmax.f32 v61, v4;
	v44 =	vadd.s32 v38, v60  }
0x46e: {  	v47 =	vmin.f32 v47, v2;
	v52 =	vtrunc.f32 v33;
	v35 =	vadd.f32 v59, v35  }
0x46f: {  	v29 =	vadd.f32 v29, v1;
	v47 =	vmul.f32 v47, v3;
	v53 =	vcvt.f32.s32 v52  }
0x470: {  	v27 =	vadd.f32 v27, v1;
	v32 =	vmul.f32 v32, v56;
	v30 =	vmul.f32 v48, v30;
	[tilespmem:s28+$0x169C0] =	vst v35  }
0x471: {  	v41 =	vadd.s32 v43, v50;
	v55 =	vcvt.s32.f32 v45;
	v40 =	vsub.f32 v40, v57;
	v38 =	vld.idx.msk [tilespmem:v38+s6+$0x0], $0xffff  }
0x472: {  	v54 =	vcvt.s32.f32 v53;
	v56 =	vadd.f32 $1.000000000e+00, v47;
	v30 =	vadd.f32 v30, v32;
	v44 =	vld.idx.msk [tilespmem:v44+s6+$0x0], $0xffff  }
0x473: {  	v14 =	vmin.f32 v14, v2;
	v42 =	vsub.f32 $1.000000000e+00, v34;
	v36 =	vsub.f32 v36, v55;
	v61 =	vld [tilespmem:s28+$0xFD80]  }
0x474: {  	vm1 =	vgt.f32 v40, $0.0e+00;
	v32 =	vmul.f32 $1.275000000e+02, v56;
	[tilespmem:s28+$0x16940] =	vst v30;
	v30 =	vsub.f32 v33, v54  }
0x475: {  	v37 =	vsub.f32 $1.000000000e+00, v40;
	v58 =	vsub.f32 $1.000000000e+00, v31;
	v63 =	vsel vm1, $0x1, v0;
	v57 =	vld.idx.msk [tilespmem:v43+s6+$0x0], $0xffff  }
0x476: {  	v47 =	vsub.f32 $1.000000000e+00, v36;
	v32 =	vadd.f32 v32, v1;
	v41 =	vld.idx.msk [tilespmem:v41+s6+$0x0], $0xffff;
	vm1 =	vgt.f32 v30, $0.0e+00  }
0x477: {  	v60 =	vsel vm1, $0x1, v0;
	v31 =	vmul.f32 v31, v38;
	v59 =	vmul.f32 v58, v44  }
0x478: {  	v51 =	vmax.f32 v61, v4;
	v39 =	vadd.s32 v46, v63;
	v43 =	vadd.s32 v53, v60  }
0x479: {  	v63 =	vtrunc.f32 v29;
	v50 =	vtrunc.f32 v32;
	v31 =	vadd.f32 v59, v31  }
0x47a: {  	v25 =	vld [tilespmem:s28+$0xFD50];
	vm1 =	vgt.f32 v36, $0.0e+00;
	v33 =	vmul.f32 v34, v57;
	v34 =	vcvt.f32.s32 v50  }
0x47b: {  	v59 =	vld [tilespmem:s28+$0xFD90];
	[tilespmem:s28+$0x169D0] =	vst v31;
	v31 =	vmul.f32 v42, v41;
	v42 =	vcvt.f32.s32 v63;
	v41 =	vmin.f32 v51, v2  }
0x47c: {  	v48 =	vmul.f32 v14, v3;
	v62 =	vsel vm1, $0x1, v0;
	v35 =	vld.idx.msk [tilespmem:v53+s6+$0x0], $0xffff;
	v41 =	vmul.f32 v41, v3  }
0x47d: {  	v52 =	vcvt.s32.f32 v34;
	v43 =	vld.idx.msk [tilespmem:v43+s6+$0x0], $0xffff;
	v31 =	vadd.f32 v31, v33;
	v53 =	vcvt.s32.f32 v42  }
0x47e: {  	v56 =	vsub.f32 $1.000000000e+00, v30;
	v38 =	vadd.s32 v45, v62;
	v54 =	vadd.f32 $1.000000000e+00, v41  }
0x47f: {  	[tilespmem:s28+$0x16950] =	vst v31;
	v31 =	vsub.f32 v32, v52;
	v41 =	vsub.f32 v29, v53;
	v29 =	vtrunc.f32 v28  }
0x480: {  	v50 =	vmax.f32 v59, v4;
	v59 =	vmax.f32 v25, v4;
	v55 =	vld.idx.msk [tilespmem:v46+s6+$0x0], $0xffff;
	v46 =	vcvt.f32.s32 v29  }
0x481: {  	v39 =	vld.idx.msk [tilespmem:v39+s6+$0x0], $0xffff;
	v29 =	vmul.f32 $1.275000000e+02, v54;
	vm1 =	vgt.f32 v31, $0.0e+00;
	v30 =	vmul.f32 v30, v35  }
0x482: {  	v57 =	vmul.f32 v56, v43;
	v44 =	vsub.f32 $1.000000000e+00, v41;
	v58 =	vsel vm1, $0x1, v0  }
0x483: {  	v53 =	vsub.f32 $1.000000000e+00, v31;
	v29 =	vadd.f32 v29, v1;
	v35 =	vadd.s32 v34, v58  }
0x484: {  	v56 =	vld [tilespmem:s28+$0xFDA0];
	v43 =	vsel vm0, $0x1, v0;
	v61 =	vcvt.s32.f32 v46;
	v30 =	vadd.f32 v57, v30  }
0x485: {  	vm1 =	vgt.f32 v41, $0.0e+00;
	v62 =	vtrunc.f32 v29;
	v33 =	vmul.f32 v40, v55  }
0x486: {  	v60 =	vsel vm1, $0x1, v0;
	[tilespmem:s28+$0x169E0] =	vst v30;
	v30 =	vmul.f32 v37, v39;
	v63 =	vcvt.f32.s32 v62  }
0x487: {  	v58 =	vadd.f32 $1.000000000e+00, v26;
	v40 =	vsub.f32 v28, v61;
	v28 =	vmin.f32 v50, v2;
	v34 =	vld.idx.msk [tilespmem:v34+s6+$0x0], $0xffff  }
0x488: {  	v28 =	vmul.f32 v28, v3;
	v30 =	vadd.f32 v30, v33;
	v51 =	vcvt.s32.f32 v63;
	v35 =	vld.idx.msk [tilespmem:v35+s6+$0x0], $0xffff  }
0x489: {  	v32 =	vadd.s32 v42, v60;
	v60 =	vmax.f32 v56, v4;
	vm1 =	vgt.f32 v40, $0.0e+00  }
0x48a: {  	v28 =	vadd.f32 $1.000000000e+00, v28;
	[tilespmem:s28+$0x16960] =	vst v30;
	v30 =	vsel vm1, $0x1, v0;
	v29 =	vsub.f32 v29, v51  }
0x48b: {  	v33 =	vmin.f32 v60, v2;
	v52 =	vld.idx.msk [tilespmem:v45+s6+$0x0], $0xffff;
	v39 =	vadd.s32 v46, v30;
	v30 =	vtrunc.f32 v27  }
0x48c: {  	v38 =	vld.idx.msk [tilespmem:v38+s6+$0x0], $0xffff;
	v28 =	vmul.f32 $1.275000000e+02, v28;
	v30 =	vcvt.f32.s32 v30;
	vm1 =	vgt.f32 v29, $0.0e+00  }
0x48d: {  	v31 =	vmul.f32 v31, v34;
	v55 =	vsel vm1, $0x1, v0;
	v54 =	vmul.f32 v53, v35  }
0x48e: {  	v51 =	vld [tilespmem:s28+$0xFDB0];
	v28 =	vadd.f32 v28, v1;
	v35 =	vadd.s32 v63, v55;
	v57 =	vcvt.s32.f32 v30  }
0x48f: {  	v33 =	vmul.f32 v33, v3;
	v34 =	vmul.f32 $1.275000000e+02, v58;
	v31 =	vadd.f32 v54, v31  }
0x490: {  	v25 =	vmul.f32 v36, v52;
	v26 =	vsub.f32 v27, v57;
	v27 =	vtrunc.f32 v28  }
0x491: {  	v45 =	vsub.f32 $1.000000000e+00, v40;
	v27 =	vcvt.f32.s32 v27;
	[tilespmem:s28+$0x169F0] =	vst v31;
	v31 =	vmul.f32 v47, v38  }
0x492: {  	v14 =	vsub.f32 $1.000000000e+00, v29;
	v34 =	vadd.f32 v34, v1;
	v53 =	vmin.f32 v59, v2;
	v61 =	vld.idx.msk [tilespmem:v63+s6+$0x0], $0xffff  }
0x493: {  	v57 =	vmax.f32 v51, v4;
	v35 =	vld.idx.msk [tilespmem:v35+s6+$0x0], $0xffff;
	v25 =	vadd.f32 v31, v25;
	v31 =	vcvt.s32.f32 v27  }
0x494: {  	[tilespmem:s26+$0x16D20] =	vst v23;
	v55 =	vmul.f32 v53, v3;
	v54 =	vadd.f32 $1.000000000e+00, v48;
	v59 =	vmin.f32 v57, v2  }
0x495: {  	v48 =	vld.idx.msk [tilespmem:v16+s6+$0x0], $0xffff;
	vm1 =	vgt.f32 v26, $0.0e+00;
	[tilespmem:s28+$0x16970] =	vst v25;
	v28 =	vsub.f32 v28, v31;
	v31 =	vadd.f32 $1.000000000e+00, v33  }
0x496: {  	v51 =	vadd.f32 $1.000000000e+00, v55;
	v62 =	vsel vm1, $0x1, v0;
	v25 =	vtrunc.f32 v34;
	v63 =	vld.idx.msk [tilespmem:v42+s6+$0x0], $0xffff  }
0x497: {  	v32 =	vld.idx.msk [tilespmem:v32+s6+$0x0], $0xffff;
	v25 =	vcvt.f32.s32 v25;
	vm1 =	vgt.f32 v28, $0.0e+00;
	v31 =	vmul.f32 $1.275000000e+02, v31  }
0x498: {  	v36 =	vmul.f32 v29, v61;
	v14 =	vmul.f32 v14, v35;
	v50 =	vsel vm1, $0x1, v0  }
0x499: {  	[tilespmem:s25+$0x16D40] =	vst v22;
	v22 =	vmul.f32 $1.275000000e+02, v51;
	v35 =	vadd.s32 v27, v50;
	v31 =	vadd.f32 v31, v1  }
0x49a: {  	v57 =	vmul.f32 v19, v48;
	v61 =	vld.idx.msk [tilespmem:v15+s6+$0x0], $0xffff;
	v52 =	vcvt.s32.f32 v25;
	v36 =	vadd.f32 v14, v36  }
0x49b: {  	v37 =	vadd.s32 v30, v62;
	v33 =	vmul.f32 v41, v63;
	v56 =	vtrunc.f32 v31  }
0x49c: {  	v14 =	vsub.f32 v34, v52;
	[tilespmem:s28+$0x16D80] =	vst v36;
	v32 =	vmul.f32 v44, v32;
	v36 =	vcvt.f32.s32 v56  }
0x49d: {  	v29 =	vsub.f32 $1.000000000e+00, v26;
	v34 =	vmul.f32 v59, v3;
	v58 =	vld.idx.msk [tilespmem:v27+s6+$0x0], $0xffff;
	v27 =	vmul.f32 $1.275000000e+02, v54  }
0x49e: {  	vm0 =	vgt.f32 v14, $0.0e+00;
	v32 =	vadd.f32 v32, v33;
	v23 =	vld.idx.msk [tilespmem:v35+s6+$0x0], $0xffff;
	v60 =	vcvt.s32.f32 v36  }
0x49f: {  	v49 =	vadd.f32 $1.000000000e+00, v34;
	v54 =	vld [tilespmem:s28+$0xFDC0];
	v17 =	vmul.f32 v17, v61;
	v63 =	vadd.f32 v27, v1  }
0x4a0: {  	v52 =	vsub.f32 $1.000000000e+00, v28;
	v62 =	vsel vm0, $0x1, v0;
	[tilespmem:s28+$0x16D00] =	vst v32;
	v31 =	vsub.f32 v31, v60  }
0x4a1: {  	v17 =	vadd.f32 v57, v17;
	v32 =	vmul.f32 $1.275000000e+02, v49;
	v50 =	vld.idx.msk [tilespmem:v46+s6+$0x0], $0xffff;
	v16 =	vtrunc.f32 v63  }
0x4a2: {  	v39 =	vld.idx.msk [tilespmem:v39+s6+$0x0], $0xffff;
	v16 =	vcvt.f32.s32 v16;
	v28 =	vmul.f32 v28, v58;
	vm0 =	vgt.f32 v31, $0.0e+00  }
0x4a3: {  	v56 =	vadd.f32 v32, v1;
	v23 =	vmul.f32 v52, v23;
	v53 =	vsel vm0, $0x1, v0  }
0x4a4: {  	v15 =	vsub.f32 $1.000000000e+00, v14;
	v60 =	vld.idx.msk [tilespmem:v20+s6+$0x0], $0xffff;
	v61 =	vmax.f32 v54, v4;
	v38 =	vadd.s32 v36, v53  }
0x4a5: {  	[tilespmem:s26+$0x16D30] =	vst v17;
	v58 =	vld.idx.msk [tilespmem:v12+s6+$0x0], $0xffff;
	v55 =	vcvt.s32.f32 v16;
	v59 =	vtrunc.f32 v56;
	v23 =	vadd.f32 v23, v28  }
0x4a6: {  	v20 =	vadd.f32 v22, v1;
	v33 =	vld.idx.msk [tilespmem:v18+s6+$0x0], $0xffff;
	v22 =	vmin.f32 v61, v2;
	v32 =	vcvt.f32.s32 v59  }
0x4a7: {  	v19 =	vsub.f32 v63, v55;
	v12 =	vmul.f32 v40, v50;
	[tilespmem:s28+$0x16D90] =	vst v23;
	v23 =	vmul.f32 v45, v39  }
0x4a8: {  	v27 =	vadd.s32 v25, v62;
	v62 =	vtrunc.f32 v20;
	v22 =	vmul.f32 v22, v3;
	v34 =	vld.idx.msk [tilespmem:v36+s6+$0x0], $0xffff  }
0x4a9: {  	v17 =	vcvt.s32.f32 v32;
	vm0 =	vgt.f32 v19, $0.0e+00;
	v35 =	vld.idx.msk [tilespmem:v38+s6+$0x0], $0xffff;
	v12 =	vadd.f32 v23, v12  }
0x4aa: {  	[tilespmem:s25+$0x16DD0] =	vst v13;
	v21 =	vld.idx.msk [tilespmem:v21+s6+$0x0], $0xffff;
	v28 =	vadd.s32 v6, v43;
	v63 =	vadd.f32 $1.000000000e+00, v22;
	v18 =	vsel vm0, $0x1, v0  }
0x4ab: {  	v13 =	vmul.f32 v11, v60;
	[tilespmem:s28+$0x16D10] =	vst v12;
	v12 =	vadd.s32 v16, v18;
	v18 =	vsub.f32 v56, v17  }
0x4ac: {  	v36 =	vsub.f32 $1.000000000e+00, v31;
	v23 =	vsub.f32 $1.000000000e+00, v19;
	v17 =	vmul.f32 v10, v58;
	v22 =	vld.idx.msk [tilespmem:v30+s6+$0x0], $0xffff  }
0x4ad: {  	s29 =	simm.s32 $0x4;
	s30 =	simm.s32 $0x300;
	s3 =	simm.s32 $0x600;
	[tilespmem:s26+$0x16DD0] =	vst v24;
	v10 =	vmul.f32 $1.275000000e+02, v63;
	v30 =	vcvt.f32.s32 v62;
	v24 =	vld.idx.msk [tilespmem:v37+s6+$0x0], $0xffff;
	vm0 =	vgt.f32 v18, $0.0e+00  }
.LBB2_9:
0x4ae: {  	s0 =	sand.u32 $0x3800, s3;
	s2 =	sand.u32 $0x300, s30;
	v11 =	vmul.f32 v31, v34;
	v31 =	vmul.f32 v36, v35;
	v34 =	vsel vm0, $0x1, v0;
	v35 =	vld [tilespmem:s28+$0xFDD0]  }
0x4af: {  	v36 =	vcvt.s32.f32 v30;
	v33 =	vmul.f32 v5, v33;
	v5 =	vmovc v19;
	s0 =	sor.u32 s2, s0;
	v34 =	vadd.s32 v32, v34  }
0x4b0: {  	v21 =	vmul.f32 v8, v21;
	v8 =	vmovc v23;
	v19 =	vld [tilespmem:s0+$0xF980];
	v11 =	vadd.f32 v31, v11;
	v31 =	vadd.f32 v10, v1  }
0x4b1: {  	v13 =	vadd.f32 v13, v17;
	v10 =	vsub.f32 v20, v36;
	v23 =	vld [tilespmem:s0+$0xF900]  }
0x4b2: {  	v20 =	vmul.f32 v26, v22;
	v21 =	vadd.f32 v21, v33;
	v17 =	vld [tilespmem:s0+$0xF910];
	[tilespmem:s28+$0x16DA0] =	vst v11;
	v11 =	vtrunc.f32 v31  }
0x4b3: {  	v22 =	vmul.f32 v29, v24;
	v24 =	vld.idx.msk [tilespmem:v32+s6+$0x0], $0xffff;
	v33 =	vcvt.f32.s32 v11;
	v26 =	vmax.f32 v35, v4;
	[tilespmem:s25+$0x16D50] =	vst v13;
	s25 =	smov.u32 s26;
	s26 =	smov.u32 s28;
	s28 =	smov.u32 s0  }
0x4b4: {  	vm0 =	vgt.f32 v10, $0.0e+00;
	v11 =	vsub.f32 $1.000000000e+00, v10;
	v13 =	vld.idx.msk [tilespmem:v34+s6+$0x0], $0xffff;
	v26 =	vmin.f32 v26, v2;
	[tilespmem:s25+$0x16D40] =	vst v21  }
0x4b5: {  	v21 =	vld [tilespmem:s28+$0xF920];
	v19 =	vmax.f32 v19, v4;
	v29 =	vcvt.s32.f32 v33;
	v26 =	vmul.f32 v26, v3  }
0x4b6: {  	v20 =	vadd.f32 v22, v20;
	v23 =	vmax.f32 v23, v4;
	v34 =	vld [tilespmem:s28+$0xF930];
	v19 =	vmin.f32 v19, v2  }
0x4b7: {  	v35 =	vld [tilespmem:s28+$0xF940];
	v19 =	vmul.f32 v19, v3;
	v36 =	vsub.f32 v31, v29;
	v22 =	vadd.f32 $1.000000000e+00, v26  }
0x4b8: {  	v23 =	vmin.f32 v23, v2;
	v17 =	vmax.f32 v17, v4;
	v32 =	vld [tilespmem:s28+$0xF950];
	[tilespmem:s26+$0x16D20] =	vst v20;
	v20 =	vsub.f32 $1.000000000e+00, v18  }
0x4b9: {  	v31 =	vld [tilespmem:s28+$0xF960];
	v19 =	vadd.f32 $1.000000000e+00, v19;
	vm1 =	vgt.f32 v36, $0.0e+00;
	v22 =	vmul.f32 $1.275000000e+02, v22  }
0x4ba: {  	v18 =	vmul.f32 v18, v24;
	v29 =	vld [tilespmem:s28+$0xF970];
	v13 =	vmul.f32 v20, v13;
	v20 =	vsel vm1, $0x1, v0  }
0x4bb: {  	v23 =	vmul.f32 v23, v3;
	v17 =	vmin.f32 v17, v2;
	v26 =	vld [tilespmem:s28+$0xFD00];
	v20 =	vadd.s32 v33, v20  }
0x4bc: {  	v19 =	vmul.f32 $1.275000000e+02, v19;
	v24 =	vld [tilespmem:s28+$0xFD10];
	v13 =	vadd.f32 v13, v18;
	v18 =	vadd.f32 v22, v1  }
0x4bd: {  	s29 =	sadd.s32 $0x2, s29;
	v17 =	vmul.f32 v17, v3;
	v21 =	vmax.f32 v21, v4;
	v22 =	vadd.f32 $1.000000000e+00, v23;
	v23 =	vld [tilespmem:s28+$0xFD20]  }
0x4be: {  	p0 =	slt.u32 s29, $0x36;
	v21 =	vmin.f32 v21, v2;
	v19 =	vadd.f32 v19, v1;
	v37 =	vld [tilespmem:s28+$0xF990];
	[tilespmem:s26+$0x16DB0] =	vst v13;
	v13 =	vtrunc.f32 v18  }
0x4bf: {  	v17 =	vadd.f32 $1.000000000e+00, v17;
	v22 =	vmul.f32 $1.275000000e+02, v22;
	v33 =	vld.idx.msk [tilespmem:v33+s6+$0x0], $0xffff;
	v38 =	vcvt.f32.s32 v13  }
0x4c0: {  	v13 =	vmul.f32 v21, v3;
	v21 =	vmax.f32 v34, v4;
	v34 =	vtrunc.f32 v19;
	v39 =	vld.idx.msk [tilespmem:v20+s6+$0x0], $0xffff  }
0x4c1: {  	v40 =	vadd.f32 v22, v1;
	v34 =	vcvt.f32.s32 v34;
	v22 =	vld [tilespmem:s28+$0xFD30];
	v41 =	vcvt.s32.f32 v38  }
0x4c2: {  	v42 =	vmul.f32 $1.275000000e+02, v17;
	v44 =	vmin.f32 v21, v2;
	v43 =	vadd.f32 $1.000000000e+00, v13;
	v20 =	vld [tilespmem:s28+$0xFD40]  }
0x4c3: {  	v13 =	vcvt.s32.f32 v34;
	v21 =	vld [tilespmem:s28+$0xFD50];
	v17 =	vmax.f32 v37, v4;
	v37 =	vsub.f32 v18, v41  }
0x4c4: {  	v41 =	vtrunc.f32 v40;
	v17 =	vmin.f32 v17, v2;
	v18 =	vld.idx.msk [tilespmem:v25+s6+$0x0], $0xffff;
	v25 =	vsub.f32 $1.000000000e+00, v36  }
0x4c5: {  	v45 =	vsub.f32 v19, v13;
	v13 =	vmul.f32 v17, v3;
	v19 =	vld.idx.msk [tilespmem:v27+s6+$0x0], $0xffff;
	vm1 =	vgt.f32 v37, $0.0e+00  }
0x4c6: {  	v27 =	vmul.f32 v36, v33;
	v25 =	vmul.f32 v25, v39;
	v33 =	vsel vm1, $0x1, v0;
	v17 =	vld.idx.msk [tilespmem:v6+s6+$0x0], $0xffff;
	v6 =	vmovc v30  }
0x4c7: {  	v30 =	vcvt.f32.s32 v41;
	v36 =	vadd.f32 $1.000000000e+00, v13;
	v33 =	vadd.s32 v38, v33;
	v13 =	vld.idx.msk [tilespmem:v28+s6+$0x0], $0xffff  }
0x4c8: {  	vm1 =	vgt.f32 v45, $0.0e+00;
	v28 =	vadd.f32 v42, v1;
	v39 =	vld [tilespmem:s28+$0xF9A0];
	v25 =	vadd.f32 v25, v27  }
0x4c9: {  	v41 =	vsel vm1, $0x1, v0;
	v27 =	vcvt.s32.f32 v30;
	v36 =	vmul.f32 $1.275000000e+02, v36  }
0x4ca: {  	v43 =	vmul.f32 $1.275000000e+02, v43;
	v41 =	vadd.s32 v34, v41;
	v42 =	vtrunc.f32 v28;
	[tilespmem:s26+$0x16DC0] =	vst v25  }
0x4cb: {  	v25 =	vsub.f32 v40, v27;
	v27 =	vcvt.f32.s32 v42;
	v36 =	vadd.f32 v36, v1;
	v38 =	vld.idx.msk [tilespmem:v38+s6+$0x0], $0xffff  }
0x4cc: {  	v35 =	vmax.f32 v35, v4;
	v40 =	vadd.f32 v43, v1;
	v42 =	vmul.f32 v44, v3;
	v33 =	vld.idx.msk [tilespmem:v33+s6+$0x0], $0xffff  }
0x4cd: {  	vm1 =	vgt.f32 v25, $0.0e+00;
	v43 =	vld.idx.msk [tilespmem:v30+s6+$0x0], $0xffff;
	v44 =	vtrunc.f32 v36;
	v39 =	vmax.f32 v39, v4  }
0x4ce: {  	v46 =	vsel vm1, $0x1, v0;
	v34 =	vld.idx.msk [tilespmem:v34+s6+$0x0], $0xffff;
	v44 =	vcvt.f32.s32 v44;
	v39 =	vmin.f32 v39, v2  }
0x4cf: {  	v30 =	vadd.s32 v30, v46;
	v46 =	vsub.f32 $1.000000000e+00, v25;
	v41 =	vld.idx.msk [tilespmem:v41+s6+$0x0], $0xffff;
	v39 =	vmul.f32 v39, v3  }
0x4d0: {  	v49 =	vsub.f32 $1.000000000e+00, v37;
	v47 =	vcvt.s32.f32 v27;
	v48 =	vcvt.s32.f32 v44  }
0x4d1: {  	v50 =	vtrunc.f32 v40;
	v42 =	vadd.f32 $1.000000000e+00, v42;
	v39 =	vadd.f32 $1.000000000e+00, v39  }
0x4d2: {  	v37 =	vmul.f32 v37, v38;
	v33 =	vmul.f32 v49, v33;
	v36 =	vsub.f32 v36, v48  }
0x4d3: {  	v28 =	vsub.f32 v28, v47;
	v38 =	vsub.f32 $1.000000000e+00, v45;
	v25 =	vmul.f32 v25, v43  }
0x4d4: {  	v39 =	vmul.f32 $1.275000000e+02, v39;
	v33 =	vadd.f32 v33, v37;
	v30 =	vld.idx.msk [tilespmem:v30+s6+$0x0], $0xffff;
	vm1 =	vgt.f32 v36, $0.0e+00  }
0x4d5: {  	v34 =	vmul.f32 v45, v34;
	v37 =	vmul.f32 v38, v41;
	v38 =	vsel vm1, $0x1, v0;
	v41 =	vld [tilespmem:s28+$0xF9B0]  }
0x4d6: {  	v43 =	vcvt.f32.s32 v50;
	vm1 =	vgt.f32 v28, $0.0e+00;
	v38 =	vadd.s32 v44, v38;
	[tilespmem:s26+$0x16DD0] =	vst v33  }
0x4d7: {  	v33 =	vsel vm1, $0x1, v0;
	v34 =	vadd.f32 v37, v34;
	v37 =	vadd.f32 v39, v1  }
0x4d8: {  	v45 =	vcvt.s32.f32 v43;
	v39 =	vsub.f32 $1.000000000e+00, v28;
	v33 =	vadd.s32 v27, v33  }
0x4d9: {  	v35 =	vmin.f32 v35, v2;
	v42 =	vmul.f32 $1.275000000e+02, v42;
	[tilespmem:s28+$0x16980] =	vst v34;
	v34 =	vtrunc.f32 v37  }
0x4da: {  	v30 =	vmul.f32 v46, v30;
	v44 =	vld.idx.msk [tilespmem:v44+s6+$0x0], $0xffff;
	v34 =	vcvt.f32.s32 v34;
	v41 =	vmax.f32 v41, v4  }
0x4db: {  	v42 =	vadd.f32 v42, v1;
	v40 =	vsub.f32 v40, v45;
	v38 =	vld.idx.msk [tilespmem:v38+s6+$0x0], $0xffff;
	v41 =	vmin.f32 v41, v2  }
0x4dc: {  	v25 =	vadd.f32 v30, v25;
	v30 =	vcvt.s32.f32 v34;
	v41 =	vmul.f32 v41, v3  }
0x4dd: {  	v35 =	vmul.f32 v35, v3;
	v45 =	vtrunc.f32 v42;
	vm1 =	vgt.f32 v40, $0.0e+00  }
0x4de: {  	[tilespmem:s28+$0x16900] =	vst v25;
	v25 =	vsel vm1, $0x1, v0;
	v30 =	vsub.f32 v37, v30;
	v37 =	vadd.f32 $1.000000000e+00, v41  }
0x4df: {  	v41 =	vcvt.f32.s32 v45;
	v45 =	vsub.f32 $1.000000000e+00, v36;
	v27 =	vld.idx.msk [tilespmem:v27+s6+$0x0], $0xffff;
	v25 =	vadd.s32 v43, v25  }
0x4e0: {  	v46 =	vsub.f32 $1.000000000e+00, v40;
	v33 =	vld.idx.msk [tilespmem:v33+s6+$0x0], $0xffff;
	vm1 =	vgt.f32 v30, $0.0e+00;
	v37 =	vmul.f32 $1.275000000e+02, v37  }
0x4e1: {  	v36 =	vmul.f32 v36, v44;
	v38 =	vmul.f32 v45, v38;
	v44 =	vsel vm1, $0x1, v0;
	v45 =	vld [tilespmem:s28+$0xF9C0]  }
0x4e2: {  	v35 =	vadd.f32 $1.000000000e+00, v35;
	v47 =	vcvt.s32.f32 v41;
	v44 =	vadd.s32 v34, v44  }
0x4e3: {  	v32 =	vmax.f32 v32, v4;
	v36 =	vadd.f32 v38, v36;
	v37 =	vadd.f32 v37, v1  }
0x4e4: {  	v32 =	vmin.f32 v32, v2;
	v35 =	vmul.f32 $1.275000000e+02, v35;
	v38 =	vsub.f32 v42, v47  }
0x4e5: {  	v27 =	vmul.f32 v28, v27;
	v28 =	vmax.f32 v31, v4;
	v31 =	vtrunc.f32 v37;
	[tilespmem:s28+$0x16990] =	vst v36  }
0x4e6: {  	v33 =	vmul.f32 v39, v33;
	v31 =	vcvt.f32.s32 v31;
	v34 =	vld.idx.msk [tilespmem:v34+s6+$0x0], $0xffff;
	v36 =	vmax.f32 v45, v4  }
0x4e7: {  	v35 =	vadd.f32 v35, v1;
	vm1 =	vgt.f32 v38, $0.0e+00;
	v39 =	vld.idx.msk [tilespmem:v44+s6+$0x0], $0xffff;
	v36 =	vmin.f32 v36, v2  }
0x4e8: {  	v27 =	vadd.f32 v33, v27;
	v33 =	vcvt.s32.f32 v31;
	v36 =	vmul.f32 v36, v3  }
0x4e9: {  	v32 =	vmul.f32 v32, v3;
	v42 =	vsel vm1, $0x1, v0;
	v44 =	vtrunc.f32 v35  }
0x4ea: {  	v33 =	vsub.f32 v37, v33;
	[tilespmem:s28+$0x16910] =	vst v27;
	v27 =	vadd.s32 v41, v42;
	v36 =	vadd.f32 $1.000000000e+00, v36  }
0x4eb: {  	v42 =	vsub.f32 $1.000000000e+00, v38;
	v37 =	vld.idx.msk [tilespmem:v43+s6+$0x0], $0xffff;
	v43 =	vcvt.f32.s32 v44;
	v44 =	vsub.f32 $1.000000000e+00, v30  }
0x4ec: {  	v32 =	vadd.f32 $1.000000000e+00, v32;
	vm1 =	vgt.f32 v33, $0.0e+00;
	v25 =	vld.idx.msk [tilespmem:v25+s6+$0x0], $0xffff;
	v36 =	vmul.f32 $1.275000000e+02, v36  }
0x4ed: {  	v30 =	vmul.f32 v30, v34;
	v34 =	vmul.f32 v44, v39;
	v39 =	vsel vm1, $0x1, v0;
	v44 =	vld [tilespmem:s28+$0xF9D0]  }
0x4ee: {  	v32 =	vmul.f32 $1.275000000e+02, v32;
	v45 =	vcvt.s32.f32 v43;
	v39 =	vadd.s32 v31, v39  }
0x4ef: {  	v28 =	vmin.f32 v28, v2;
	v30 =	vadd.f32 v34, v30;
	v34 =	vadd.f32 v36, v1  }
0x4f0: {  	v32 =	vadd.f32 v32, v1;
	v28 =	vmul.f32 v28, v3;
	v35 =	vsub.f32 v35, v45  }
0x4f1: {  	v29 =	vmax.f32 v29, v4;
	v36 =	vmul.f32 v40, v37;
	[tilespmem:s28+$0x169A0] =	vst v30;
	v30 =	vtrunc.f32 v34  }
0x4f2: {  	v25 =	vmul.f32 v46, v25;
	v31 =	vld.idx.msk [tilespmem:v31+s6+$0x0], $0xffff;
	v30 =	vcvt.f32.s32 v30;
	v37 =	vmax.f32 v44, v4  }
0x4f3: {  	v40 =	vtrunc.f32 v32;
	vm1 =	vgt.f32 v35, $0.0e+00;
	v39 =	vld.idx.msk [tilespmem:v39+s6+$0x0], $0xffff;
	v37 =	vmin.f32 v37, v2  }
0x4f4: {  	v25 =	vadd.f32 v25, v36;
	v36 =	vcvt.s32.f32 v30;
	v37 =	vmul.f32 v37, v3  }
0x4f5: {  	v45 =	vsub.f32 $1.000000000e+00, v35;
	v40 =	vcvt.f32.s32 v40;
	v44 =	vsel vm1, $0x1, v0  }
0x4f6: {  	[tilespmem:s28+$0x16920] =	vst v25;
	v25 =	vadd.s32 v43, v44;
	v34 =	vsub.f32 v34, v36;
	v36 =	vadd.f32 $1.000000000e+00, v37  }
0x4f7: {  	v28 =	vadd.f32 $1.000000000e+00, v28;
	v44 =	vsub.f32 $1.000000000e+00, v33;
	v37 =	vld.idx.msk [tilespmem:v41+s6+$0x0], $0xffff;
	v41 =	vcvt.s32.f32 v40  }
0x4f8: {  	v29 =	vmin.f32 v29, v2;
	v27 =	vld.idx.msk [tilespmem:v27+s6+$0x0], $0xffff;
	vm1 =	vgt.f32 v34, $0.0e+00;
	v36 =	vmul.f32 $1.275000000e+02, v36  }
0x4f9: {  	v31 =	vmul.f32 v33, v31;
	v33 =	vmul.f32 v44, v39;
	v39 =	vsel vm1, $0x1, v0;
	v44 =	vld [tilespmem:s28+$0xF9E0]  }
0x4fa: {  	v28 =	vmul.f32 $1.275000000e+02, v28;
	v32 =	vsub.f32 v32, v41;
	v39 =	vadd.s32 v30, v39  }
0x4fb: {  	v29 =	vmul.f32 v29, v3;
	v31 =	vadd.f32 v33, v31;
	v33 =	vadd.f32 v36, v1  }
0x4fc: {  	v28 =	vadd.f32 v28, v1;
	vm1 =	vgt.f32 v32, $0.0e+00;
	v36 =	vsub.f32 $1.000000000e+00, v32  }
0x4fd: {  	v37 =	vmul.f32 v38, v37;
	v38 =	vsel vm1, $0x1, v0;
	[tilespmem:s28+$0x169B0] =	vst v31;
	v31 =	vtrunc.f32 v33  }
0x4fe: {  	v27 =	vmul.f32 v42, v27;
	v30 =	vld.idx.msk [tilespmem:v30+s6+$0x0], $0xffff;
	v31 =	vcvt.f32.s32 v31;
	v41 =	vmax.f32 v44, v4  }
0x4ff: {  	v38 =	vadd.s32 v40, v38;
	v42 =	vtrunc.f32 v28;
	v39 =	vld.idx.msk [tilespmem:v39+s6+$0x0], $0xffff;
	v41 =	vmin.f32 v41, v2  }
0x500: {  	v27 =	vadd.f32 v27, v37;
	v37 =	vcvt.s32.f32 v31;
	v41 =	vmul.f32 v41, v3  }
0x501: {  	v26 =	vmax.f32 v26, v4;
	v29 =	vadd.f32 $1.000000000e+00, v29;
	v42 =	vcvt.f32.s32 v42  }
0x502: {  	v26 =	vmin.f32 v26, v2;
	[tilespmem:s28+$0x16930] =	vst v27;
	v27 =	vsub.f32 v33, v37;
	v33 =	vadd.f32 $1.000000000e+00, v41  }
0x503: {  	v29 =	vmul.f32 $1.275000000e+02, v29;
	v41 =	vcvt.s32.f32 v42;
	v37 =	vld.idx.msk [tilespmem:v43+s6+$0x0], $0xffff;
	v43 =	vsub.f32 $1.000000000e+00, v34  }
0x504: {  	v26 =	vmul.f32 v26, v3;
	v25 =	vld.idx.msk [tilespmem:v25+s6+$0x0], $0xffff;
	vm1 =	vgt.f32 v27, $0.0e+00;
	v33 =	vmul.f32 $1.275000000e+02, v33  }
0x505: {  	v30 =	vmul.f32 v34, v30;
	v34 =	vmul.f32 v43, v39;
	v39 =	vsel vm1, $0x1, v0;
	v43 =	vld [tilespmem:s28+$0xF9F0]  }
0x506: {  	v29 =	vadd.f32 v29, v1;
	v28 =	vsub.f32 v28, v41;
	v39 =	vadd.s32 v31, v39  }
0x507: {  	v24 =	vmax.f32 v24, v4;
	v33 =	vadd.f32 v33, v1;
	v30 =	vadd.f32 v34, v30  }
0x508: {  	v41 =	vtrunc.f32 v29;
	vm1 =	vgt.f32 v28, $0.0e+00;
	v34 =	vsub.f32 $1.000000000e+00, v28  }
0x509: {  	v35 =	vmul.f32 v35, v37;
	v37 =	vsel vm1, $0x1, v0;
	[tilespmem:s28+$0x169C0] =	vst v30;
	v30 =	vtrunc.f32 v33  }
0x50a: {  	v25 =	vmul.f32 v45, v25;
	v31 =	vld.idx.msk [tilespmem:v31+s6+$0x0], $0xffff;
	v30 =	vcvt.f32.s32 v30;
	v43 =	vmax.f32 v43, v4  }
0x50b: {  	v41 =	vcvt.f32.s32 v41;
	v37 =	vadd.s32 v42, v37;
	v39 =	vld.idx.msk [tilespmem:v39+s6+$0x0], $0xffff;
	v43 =	vmin.f32 v43, v2  }
0x50c: {  	v25 =	vadd.f32 v25, v35;
	v35 =	vcvt.s32.f32 v30;
	v43 =	vmul.f32 v43, v3  }
0x50d: {  	v24 =	vmin.f32 v24, v2;
	v26 =	vadd.f32 $1.000000000e+00, v26;
	v44 =	vcvt.s32.f32 v41  }
0x50e: {  	v24 =	vmul.f32 v24, v3;
	[tilespmem:s28+$0x16940] =	vst v25;
	v33 =	vsub.f32 v33, v35;
	v35 =	vadd.f32 $1.000000000e+00, v43  }
0x50f: {  	v26 =	vmul.f32 $1.275000000e+02, v26;
	v25 =	vsub.f32 v29, v44;
	v29 =	vsub.f32 $1.000000000e+00, v27;
	v40 =	vld.idx.msk [tilespmem:v40+s6+$0x0], $0xffff  }
0x510: {  	v24 =	vadd.f32 $1.000000000e+00, v24;
	v38 =	vld.idx.msk [tilespmem:v38+s6+$0x0], $0xffff;
	vm1 =	vgt.f32 v33, $0.0e+00;
	v35 =	vmul.f32 $1.275000000e+02, v35  }
0x511: {  	v27 =	vmul.f32 v27, v31;
	v29 =	vmul.f32 v29, v39;
	v31 =	vsel vm1, $0x1, v0;
	v39 =	vld [tilespmem:s28+$0xFD80]  }
0x512: {  	v26 =	vadd.f32 v26, v1;
	vm1 =	vgt.f32 v25, $0.0e+00;
	v31 =	vadd.s32 v30, v31  }
0x513: {  	v43 =	vsel vm1, $0x1, v0;
	v27 =	vadd.f32 v29, v27;
	v29 =	vadd.f32 v35, v1  }
0x514: {  	v44 =	vtrunc.f32 v26;
	v35 =	vadd.s32 v41, v43;
	v43 =	vsub.f32 $1.000000000e+00, v25  }
0x515: {  	v23 =	vmax.f32 v23, v4;
	v32 =	vmul.f32 v32, v40;
	[tilespmem:s28+$0x169D0] =	vst v27;
	v27 =	vtrunc.f32 v29  }
0x516: {  	v36 =	vmul.f32 v36, v38;
	v30 =	vld.idx.msk [tilespmem:v30+s6+$0x0], $0xffff;
	v38 =	vcvt.f32.s32 v27;
	v27 =	vmax.f32 v39, v4  }
0x517: {  	v24 =	vmul.f32 $1.275000000e+02, v24;
	v39 =	vcvt.f32.s32 v44;
	v31 =	vld.idx.msk [tilespmem:v31+s6+$0x0], $0xffff;
	v27 =	vmin.f32 v27, v2  }
0x518: {  	v32 =	vadd.f32 v36, v32;
	v36 =	vcvt.s32.f32 v38;
	v27 =	vmul.f32 v27, v3  }
0x519: {  	v23 =	vmin.f32 v23, v2;
	v24 =	vadd.f32 v24, v1;
	v40 =	vcvt.s32.f32 v39  }
0x51a: {  	[tilespmem:s28+$0x16950] =	vst v32;
	v32 =	vmul.f32 v23, v3;
	v29 =	vsub.f32 v29, v36;
	v36 =	vadd.f32 $1.000000000e+00, v27  }
0x51b: {  	v27 =	vsub.f32 v26, v40;
	v23 =	vtrunc.f32 v24;
	v26 =	vsub.f32 $1.000000000e+00, v33;
	v42 =	vld.idx.msk [tilespmem:v42+s6+$0x0], $0xffff  }
0x51c: {  	v23 =	vcvt.f32.s32 v23;
	v37 =	vld.idx.msk [tilespmem:v37+s6+$0x0], $0xffff;
	vm1 =	vgt.f32 v29, $0.0e+00;
	v36 =	vmul.f32 $1.275000000e+02, v36  }
0x51d: {  	v30 =	vmul.f32 v33, v30;
	v26 =	vmul.f32 v26, v31;
	v31 =	vsel vm1, $0x1, v0;
	v33 =	vld [tilespmem:s28+$0xFD90]  }
0x51e: {  	v40 =	vsub.f32 $1.000000000e+00, v27;
	vm1 =	vgt.f32 v27, $0.0e+00;
	v31 =	vadd.s32 v38, v31  }
0x51f: {  	v44 =	vsel vm1, $0x1, v0;
	v26 =	vadd.f32 v26, v30;
	v30 =	vadd.f32 v36, v1  }
0x520: {  	v32 =	vadd.f32 $1.000000000e+00, v32;
	v36 =	vadd.s32 v39, v44;
	v44 =	vcvt.s32.f32 v23  }
0x521: {  	v22 =	vmax.f32 v22, v4;
	v28 =	vmul.f32 v28, v42;
	[tilespmem:s28+$0x169E0] =	vst v26;
	v26 =	vtrunc.f32 v30  }
0x522: {  	v34 =	vmul.f32 v34, v37;
	v37 =	vld.idx.msk [tilespmem:v38+s6+$0x0], $0xffff;
	v38 =	vcvt.f32.s32 v26;
	v26 =	vmax.f32 v33, v4  }
0x523: {  	v32 =	vmul.f32 $1.275000000e+02, v32;
	v24 =	vsub.f32 v24, v44;
	v31 =	vld.idx.msk [tilespmem:v31+s6+$0x0], $0xffff;
	v26 =	vmin.f32 v26, v2  }
0x524: {  	v28 =	vadd.f32 v34, v28;
	v33 =	vcvt.s32.f32 v38;
	v26 =	vmul.f32 v26, v3  }
0x525: {  	v32 =	vadd.f32 v32, v1;
	vm1 =	vgt.f32 v24, $0.0e+00;
	v34 =	vmin.f32 v22, v2  }
0x526: {  	v22 =	vsel vm1, $0x1, v0;
	[tilespmem:s28+$0x16960] =	vst v28;
	v28 =	vsub.f32 v30, v33;
	v26 =	vadd.f32 $1.000000000e+00, v26  }
0x527: {  	v30 =	vsub.f32 $1.000000000e+00, v29;
	v33 =	vld.idx.msk [tilespmem:v41+s6+$0x0], $0xffff;
	v41 =	vadd.s32 v23, v22;
	v22 =	vtrunc.f32 v32  }
0x528: {  	v35 =	vld.idx.msk [tilespmem:v35+s6+$0x0], $0xffff;
	v22 =	vcvt.f32.s32 v22;
	vm1 =	vgt.f32 v28, $0.0e+00;
	v26 =	vmul.f32 $1.275000000e+02, v26  }
0x529: {  	v29 =	vmul.f32 v29, v37;
	v31 =	vmul.f32 v30, v31;
	v37 =	vsel vm1, $0x1, v0;
	v42 =	vld [tilespmem:s28+$0xFDA0]  }
0x52a: {  	v34 =	vmul.f32 v34, v3;
	v30 =	vsub.f32 $1.000000000e+00, v24;
	v37 =	vadd.s32 v38, v37  }
0x52b: {  	v44 =	vcvt.s32.f32 v22;
	v29 =	vadd.f32 v31, v29;
	v31 =	vadd.f32 v26, v1  }
0x52c: {  	v20 =	vmax.f32 v20, v4;
	v21 =	vmax.f32 v21, v4;
	v34 =	vadd.f32 $1.000000000e+00, v34  }
0x52d: {  	v25 =	vmul.f32 v25, v33;
	v26 =	vsub.f32 v32, v44;
	[tilespmem:s28+$0x169F0] =	vst v29;
	v29 =	vtrunc.f32 v31  }
0x52e: {  	v32 =	vmul.f32 v43, v35;
	v33 =	vld.idx.msk [tilespmem:v38+s6+$0x0], $0xffff;
	v35 =	vcvt.f32.s32 v29;
	v29 =	vmax.f32 v42, v4  }
0x52f: {  	v34 =	vmul.f32 $1.275000000e+02, v34;
	vm1 =	vgt.f32 v26, $0.0e+00;
	v37 =	vld.idx.msk [tilespmem:v37+s6+$0x0], $0xffff;
	v29 =	vmin.f32 v29, v2  }
0x530: {  	v25 =	vadd.f32 v32, v25;
	v32 =	vcvt.s32.f32 v35;
	v29 =	vmul.f32 v29, v3  }
0x531: {  	v20 =	vmin.f32 v20, v2;
	v34 =	vadd.f32 v34, v1;
	v38 =	vsel vm1, $0x1, v0  }
0x532: {  	v38 =	vadd.s32 v22, v38;
	[tilespmem:s28+$0x16970] =	vst v25;
	v32 =	vsub.f32 v31, v32;
	v29 =	vadd.f32 $1.000000000e+00, v29  }
0x533: {  	v20 =	vmul.f32 v20, v3;
	v25 =	vtrunc.f32 v34;
	v31 =	vld.idx.msk [tilespmem:v39+s6+$0x0], $0xffff;
	v39 =	vsub.f32 $1.000000000e+00, v28  }
0x534: {  	v25 =	vcvt.f32.s32 v25;
	v36 =	vld.idx.msk [tilespmem:v36+s6+$0x0], $0xffff;
	vm1 =	vgt.f32 v32, $0.0e+00;
	v42 =	vmul.f32 $1.275000000e+02, v29  }
0x535: {  	v28 =	vmul.f32 v28, v33;
	v33 =	vmul.f32 v39, v37;
	v37 =	vsel vm1, $0x1, v0;
	v39 =	vld [tilespmem:s28+$0xFDB0]  }
0x536: {  	v29 =	vsub.f32 $1.000000000e+00, v26;
	v43 =	vcvt.s32.f32 v25;
	v37 =	vadd.s32 v35, v37  }
0x537: {  	v21 =	vmin.f32 v21, v2;
	v28 =	vadd.f32 v33, v28;
	v33 =	vadd.f32 v42, v1  }
0x538: {  	v21 =	vmul.f32 v21, v3;
	v20 =	vadd.f32 $1.000000000e+00, v20;
	v34 =	vsub.f32 v34, v43  }
0x539: {  	v42 =	vsel vm0, $0x1, v0;
	v27 =	vmul.f32 v27, v31;
	[tilespmem:s28+$0x16D80] =	vst v28;
	v28 =	vtrunc.f32 v33  }
0x53a: {  	v31 =	vmul.f32 v40, v36;
	v35 =	vld.idx.msk [tilespmem:v35+s6+$0x0], $0xffff;
	v36 =	vcvt.f32.s32 v28;
	v28 =	vmax.f32 v39, v4  }
0x53b: {  	v20 =	vmul.f32 $1.275000000e+02, v20;
	vm0 =	vgt.f32 v34, $0.0e+00;
	v37 =	vld.idx.msk [tilespmem:v37+s6+$0x0], $0xffff;
	v28 =	vmin.f32 v28, v2  }
0x53c: {  	v27 =	vadd.f32 v31, v27;
	v31 =	vcvt.s32.f32 v36;
	v28 =	vmul.f32 v28, v3  }
0x53d: {  	v20 =	vadd.f32 v20, v1;
	v40 =	vsub.f32 $1.000000000e+00, v34;
	v39 =	vsel vm0, $0x1, v0  }
0x53e: {  	[tilespmem:s28+$0x16D00] =	vst v27;
	v27 =	vadd.s32 v25, v39;
	v31 =	vsub.f32 v33, v31;
	v28 =	vadd.f32 $1.000000000e+00, v28  }
0x53f: {  	v21 =	vadd.f32 $1.000000000e+00, v21;
	v33 =	vtrunc.f32 v20;
	v39 =	vsub.f32 $1.000000000e+00, v32;
	v23 =	vld.idx.msk [tilespmem:v23+s6+$0x0], $0xffff  }
0x540: {  	v43 =	vcvt.f32.s32 v33;
	v41 =	vld.idx.msk [tilespmem:v41+s6+$0x0], $0xffff;
	vm0 =	vgt.f32 v31, $0.0e+00;
	v28 =	vmul.f32 $1.275000000e+02, v28  }
0x541: {  	v32 =	vmul.f32 v32, v35;
	v33 =	vmul.f32 v39, v37;
	v35 =	vsel vm0, $0x1, v0;
	v37 =	vld [tilespmem:s28+$0xFDC0]  }
0x542: {  	v18 =	vmul.f32 v14, v18;
	v14 =	vmovc v34;
	v39 =	vcvt.s32.f32 v43;
	v35 =	vadd.s32 v36, v35  }
0x543: {  	v32 =	vadd.f32 v33, v32;
	v44 =	vadd.f32 v28, v1;
	v33 =	vmul.f32 v15, v19;
	v15 =	vmovc v40  }
0x544: {  	v28 =	vadd.s32 v6, v42;
	v19 =	vsub.f32 v20, v39;
	v20 =	vmul.f32 $1.275000000e+02, v21  }
0x545: {  	v21 =	vmul.f32 v24, v23;
	v23 =	vtrunc.f32 v44;
	v18 =	vadd.f32 v33, v18;
	[tilespmem:s28+$0x16D90] =	vst v32  }
0x546: {  	v24 =	vmul.f32 v30, v41;
	v32 =	vcvt.f32.s32 v23;
	v34 =	vld.idx.msk [tilespmem:v36+s6+$0x0], $0xffff;
	v23 =	vmax.f32 v37, v4  }
0x547: {  	vm0 =	vgt.f32 v19, $0.0e+00;
	v20 =	vadd.f32 v20, v1;
	v35 =	vld.idx.msk [tilespmem:v35+s6+$0x0], $0xffff;
	v23 =	vmin.f32 v23, v2;
	[tilespmem:s26+$0x16D30] =	vst v18  }
.Ltmp6:
0x548: {  	v18 =	vadd.f32 v24, v21;
	v24 =	vcvt.s32.f32 v32;
	v30 =	vmul.f32 v23, v3;
	v33 =	vld.idx.msk [tilespmem:v16+s6+$0x0], $0xffff;
	v16 =	vmovc v43;
	(pc) =	sbr.rel @p0 .LBB2_9-.Ltmp6, $4  }
0x549: {  	v36 =	vsel vm0, $0x1, v0;
	v37 =	vtrunc.f32 v20;
	v23 =	vsub.f32 $1.000000000e+00, v19;
	v21 =	vld.idx.msk [tilespmem:v12+s6+$0x0], $0xffff  }
0x54a: {  	v12 =	vadd.s32 v16, v36;
	[tilespmem:s28+$0x16D10] =	vst v18;
	v18 =	vsub.f32 v44, v24;
	v39 =	vadd.f32 $1.000000000e+00, v30  }
0x54b: {  	v17 =	vmul.f32 v7, v17;
	v7 =	vmovc v10;
	v36 =	vsub.f32 $1.000000000e+00, v31;
	v30 =	vcvt.f32.s32 v37;
	v22 =	vld.idx.msk [tilespmem:v22+s6+$0x0], $0xffff  }
0x54c: {  	s30 =	sadd.s32 $0x100, s30;
	s3 =	sadd.s32 $0x200, s3;
	v13 =	vmul.f32 v9, v13;
	v9 =	vmovc v11;
	v24 =	vld.idx.msk [tilespmem:v38+s6+$0x0], $0xffff;
	vm0 =	vgt.f32 v18, $0.0e+00;
	v10 =	vmul.f32 $1.275000000e+02, v39  }
0x54d: {  	_ = 	snop  }
0x54e: {  	v11 =	vld [tilespmem:s28+$0xFDD0]  }
0x54f: {  	v31 =	vmul.f32 v31, v34;
	v63 =	vmul.f32 v36, v35;
	v36 =	vsel vm0, $0x1, v0  }
0x550: {  	v35 =	vadd.s32 v32, v36;
	v10 =	vadd.f32 v10, v1  }
0x551: {  	v31 =	vadd.f32 v63, v31;
	v22 =	vmul.f32 v26, v22;
	v24 =	vmul.f32 v29, v24  }
0x552: {  	v37 =	vtrunc.f32 v10  }
0x553: {  	[tilespmem:s28+$0x16DA0] =	vst v31;
	v26 =	vcvt.f32.s32 v37;
	v4 =	vmax.f32 v11, v4;
	v39 =	vadd.f32 v24, v22  }
0x554: {  	v38 =	vld.idx.msk [tilespmem:v32+s6+$0x0], $0xffff;
	v2 =	vmin.f32 v4, v2  }
0x555: {  	v40 =	vld.idx.msk [tilespmem:v35+s6+$0x0], $0xffff;
	v41 =	vcvt.s32.f32 v26;
	v2 =	vmul.f32 v2, v3;
	[tilespmem:s28+$0x16D20] =	vst v39  }
0x556: {  	v4 =	vld.idx.msk [tilespmem:v25+s6+$0x0], $0xffff  }
0x557: {  	v3 =	vsub.f32 v10, v41;
	v2 =	vadd.f32 $1.000000000e+00, v2;
	v43 =	vld.idx.msk [tilespmem:v27+s6+$0x0], $0xffff  }
0x558: {  	v42 =	vsub.f32 $1.000000000e+00, v18  }
0x559: {  	vm13 =	vgt.f32 v3, $0.0e+00;
	v2 =	vmul.f32 $1.275000000e+02, v2  }
0x55a: {  	v11 =	vmul.f32 v18, v38;
	v10 =	vmul.f32 v42, v40;
	v44 =	vsel vm13, $0x1, v0  }
0x55b: {  	v18 =	vadd.s32 v26, v44;
	v1 =	vadd.f32 v2, v1  }
0x55c: {  	v10 =	vadd.f32 v10, v11;
	v2 =	vmul.f32 v14, v4;
	v45 =	vmul.f32 v15, v43  }
0x55d: {  	v46 =	vtrunc.f32 v1  }
0x55e: {  	[tilespmem:s28+$0x16DB0] =	vst v10;
	v10 =	vcvt.f32.s32 v46;
	v2 =	vadd.f32 v45, v2  }
0x55f: {  	v47 =	vld.idx.msk [tilespmem:v26+s6+$0x0], $0xffff  }
0x560: {  	v48 =	vld.idx.msk [tilespmem:v18+s6+$0x0], $0xffff;
	v49 =	vcvt.s32.f32 v10;
	[tilespmem:s28+$0x16D30] =	vst v2  }
0x561: {  	v2 =	vcvt.s32.f32 v30;
	v50 =	vld.idx.msk [tilespmem:v16+s6+$0x0], $0xffff  }
0x562: {  	v5 =	vmul.f32 v5, v33;
	v8 =	vmul.f32 v8, v21;
	v12 =	vld.idx.msk [tilespmem:v12+s6+$0x0], $0xffff;
	v1 =	vsub.f32 v1, v49  }
0x563: {  	v51 =	vsub.f32 $1.000000000e+00, v3;
	v2 =	vsub.f32 v20, v2  }
0x564: {  	v5 =	vadd.f32 v8, v5;
	v3 =	vmul.f32 v3, v47;
	vm14 =	vgt.f32 v1, $0.0e+00  }
0x565: {  	v4 =	vmul.f32 v51, v48;
	vm15 =	vgt.f32 v2, $0.0e+00;
	v52 =	vsel vm14, $0x1, v0  }
0x566: {  	v53 =	vsel vm15, $0x1, v0;
	v8 =	vadd.s32 v10, v52  }
0x567: {  	[tilespmem:s26+$0x16D40] =	vst v5;
	v3 =	vadd.f32 v4, v3;
	v54 =	vmul.f32 v19, v50;
	v55 =	vmul.f32 v23, v12  }
0x568: {  	v6 =	vld.idx.msk [tilespmem:v6+s6+$0x0], $0xffff;
	v4 =	vadd.s32 v30, v53  }
0x569: {  	v56 =	vld.idx.msk [tilespmem:v28+s6+$0x0], $0xffff;
	[tilespmem:s28+$0x16DC0] =	vst v3;
	v3 =	vadd.f32 v55, v54  }
0x56a: {  	v57 =	vld.idx.msk [tilespmem:v10+s6+$0x0], $0xffff  }
0x56b: {  	[tilespmem:s28+$0x16D40] =	vst v3;
	v8 =	vld.idx.msk [tilespmem:v8+s6+$0x0], $0xffff  }
0x56c: {  	v3 =	vld.idx.msk [tilespmem:v30+s6+$0x0], $0xffff  }
0x56d: {  	v4 =	vld.idx.msk [tilespmem:v4+s6+$0x0], $0xffff  }
0x56e: {  	v58 =	vsub.f32 $1.000000000e+00, v1;
	_ =	sdelay $0x1  }
0x56f: {  	v59 =	vsub.f32 $1.000000000e+00, v2;
	v1 =	vmul.f32 v1, v57;
	v60 =	vmul.f32 v58, v8  }
0x570: {  	v61 =	vadd.f32 v13, v17;
	v6 =	vmul.f32 v7, v6;
	v62 =	vmul.f32 v9, v56  }
0x571: {  	p0 =	seq.s32 s22, $0x2F;
	v2 =	vmul.f32 v2, v3;
	v3 =	vmul.f32 v59, v4;
	v1 =	vadd.f32 v60, v1  }
.Ltmp7:
0x572: {  	[tilespmem:s25+$0x16D50] =	vst v61;
	v63 =	vadd.f32 v62, v6;
	(pc) =	sbr.rel @p0 .LBB2_12-.Ltmp7, $4  }
0x573: {  	[tilespmem:s28+$0x16DD0] =	vst v1;
	v1 =	vadd.f32 v3, v2  }
0x574: {  	[tilespmem:s26+$0x16D50] =	vst v63  }
0x575: {  	s0 =	sadd.s32 $0x700, s24;
	[tilespmem:s28+$0x16D50] =	vst v1  }
0x576: {  	[hbm4b:s0+s6] =	stream.linear.scatter [tilespmem:s19], [sflag:$0x4], $0x3800, $0x38;
	[tilespmem:$0x1A100] =	vst v63  }
0x577: {  	s0 =	sadd.s32 $0x3, s23  }
0x578: {  	s2 =	sshrl.u32 s0, $0x2;
	s0 =	sand.u32 $0x3, s0  }
0x579: {  	s2 =	sadd.s32 s8, s2;
	s0 =	smul.u32 $0x3800, s0  }
0x57a: {  	s2 =	smul.u32 $0xE000, s2  }
.Ltmp8:
0x57b: {  	_ = 	snop;
	(pc) =	sbr.rel .LBB2_2-.Ltmp8, $4  }
0x57c: {  	s0 =	sadd.s32 s0, s2  }
0x57d: {  	s0 =	sshrl.u32 s0, $0x3  }
0x57e: {  	s22 =	sadd.s32 $0x1, s22;
	s0 =	sadd.s32 s1, s0  }
0x57f: {  	[tilespmem:s14], [sflag:$0x2] =	stream.linear.gather [hbm4b:s0+s6], $0x3800, $0x38;
	[tilespmem:$0x1A100] =	vst v63  }
.LBB2_13:
0x580: {  	_ =	sfence.sel $0x180000  }
0x581: {  	[bflag:$0x0] =	sbarrier.arrive $0xFFFF  }
0x582: {  	_ =	strace $0x90000047  }
0x583: {  	s0 =	stileid.u32;
	[bflag:$0x2] =	sbarrier.arrive $0xFFFF  }
0x584: {  	p0 =	sne.s32 s0, $0x0;
	s0 =	rddreg [dreg:$0x4]  }
0x585: {  	s0 =	sadd.s32 @!p0 $0x100000, s0  }
0x586: {  	[sflag:s0] =	ssyncadd.tile.s32 @!p0 $0x1;
	_ =	shalt  }
.Lfunc_end2:
_tile_overlayer_lowered:
.L_overlay_start_2:
0x587: {  	(tag) =	ssettag $0x2  }
0x588: {  	s0 =	rddreg [dreg:$0x0];
	s2 =	stileid.u32  }
0x589: {  	s1 =	rddreg [dreg:$0x1];
	p0 =	sne.s32 s2, $0x0  }
0x58a: {  	s3 =	rddreg [dreg:$0x2];
	[bflag:$0x3] =	sbarrier.arrive $0xFFFF;
	s2 =	simm.s32 @!p0 $0x1C05  }
0x58b: {  	[timem:s3], [sflag:s2] =	dma.local @!p0 [hbm:s0], s1  }
0x58c: {  	s0 =	simm.s32 @!p0 $0x5  }
0x58d: {  	_ =	swait.ge @!p0 [sflag:s0], s1  }
0x58e: {  	s1 =	ssub.s32 @!p0 $0x0, s1;
	[sflag:s0] =	ssyncset.done @!p0 $0x0  }
0x58f: {  	[sflag:s0] =	ssyncadd.s32 @!p0 s1  }
0x590: {  	[bflag:$0x3] =	sbarrier.arrive $0xFFFF  }
0x591: {  	_ =	shalt  }

</sc_bundles>
